<compile_context>
chip_gen: v7x
topology: tpu7x:2x2x1
jax: 0.10.2.dev20260603
libtpu: 0.0.44.dev20260713+nightly
codegen_flags: <defaults>
</compile_context>

<pallas_src>
import functools

import jax
import jax.numpy as jnp
from jax import lax
from jax.experimental import pallas as pl
from jax.experimental.pallas import tpu as pltpu
from jax.experimental.pallas import tpu_sc as plsc

_NUM_CORES = 2
_NUM_SUBCORES = 16
_NUM_WORKERS = _NUM_CORES * _NUM_SUBCORES
_LANES = 16


def _build(V, D, B):
    n_groups = _NUM_WORKERS // 2
    b_per_g = B // n_groups
    half = D // 2
    chunk = _LANES
    n_chunks = b_per_g // chunk
    mesh = plsc.VectorSubcoreMesh(core_axis_name="c", subcore_axis_name="s")

    @functools.partial(
        pl.kernel,
        mesh=mesh,
        out_type=jax.ShapeDtypeStruct((D, B), jnp.float32),
        scratch_types=[
            pltpu.VMEM((b_per_g,), jnp.int32),
            pltpu.VMEM((2, chunk, half, 128), jnp.float32),
            pltpu.VMEM((half, b_per_g), jnp.float32),
            pltpu.SemaphoreType.DMA,
        ],
        compiler_params=pltpu.CompilerParams(needs_layout_passes=False),
    )
    def gather_kernel(tableT_hbm, idx_hbm, outT_hbm, idx_v, panel_v, colsT_v,
                      sem):
        wid = lax.axis_index("s") * _NUM_CORES + lax.axis_index("c")
        h = lax.rem(wid, 2)
        grp = lax.div(wid, 2)
        row0 = pl.multiple_of(h * half, half)
        base = grp * b_per_g
        pltpu.sync_copy(idx_hbm.at[pl.ds(base, b_per_g)], idx_v)

        slot = lax.iota(jnp.int32, _LANES)

        def _fire(c, b):
            iv = idx_v[pl.ds(c * chunk, chunk)]
            for l in range(chunk):
                col0 = pl.multiple_of(
                    lax.shift_left(lax.shift_right_logical(iv[l], 7), 7), 128
                )
                pltpu.async_copy(
                    tableT_hbm.at[pl.ds(row0, half), pl.ds(col0, 128)],
                    panel_v.at[b, l],
                    sem,
                )

        def _drain_extract(c, b):
            for l in range(chunk):
                pltpu.make_async_copy(
                    tableT_hbm.at[pl.ds(0, half), pl.ds(0, 128)],
                    panel_v.at[b, l],
                    sem,
                ).wait()
            iv = idx_v[pl.ds(c * chunk, chunk)]
            lanes = jnp.bitwise_and(iv, 127)
            for q in range(half):
                qv = jnp.full((_LANES,), q, jnp.int32)
                vals = plsc.load_gather(panel_v.at[b], [slot, qv, lanes])
                colsT_v[q, pl.ds(c * chunk, chunk)] = vals

        _fire(0, 0)
        _fire(1, 1)

        def _step(go, _):
            for b in range(2):
                c = go * 2 + b
                _drain_extract(c - 2, b)
                _fire(c, b)
            return _

        lax.fori_loop(1, n_chunks // 2, _step, 0)
        _drain_extract(n_chunks - 2, 0)
        _drain_extract(n_chunks - 1, 1)

        out_base = pl.multiple_of(base, 128)
        pltpu.sync_copy(
            colsT_v,
            outT_hbm.at[pl.ds(row0, half), pl.ds(out_base, b_per_g)],
        )

    return gather_kernel


_GATHER = _build(1000000, 32, 16384)


@jax.jit
def kernel(table, indices):
    outT = _GATHER(table.T, indices.astype(jnp.int32))
    return outT.T

# --- scband reference (transcript-rebuilt; emitter-appended) ---
"""Pipeline reference for scband-masked-tensor-42210938585406 (READ-ONLY COPY).

The authoritative reference and input builder live on the scoring server;
editing this copy changes nothing except your own understanding.
"""

import jax, jax.numpy as jnp
import numpy as np


def setup_inputs(seed: int = 0) -> dict:
    key = jax.random.key(seed)
    k1, k2 = jax.random.split(key)
    # MaskedTensor wraps this as its learned parameter `data` (the embedding table)
    table = jax.random.normal(k1, (1000000, 32), dtype=jnp.float32)
    indices = jax.random.randint(k2, (16384,), 0, 1000000, dtype=jnp.int32)
    return {"table": table, "indices": indices}


def reference(table, indices):
    # MaskedTensor.__getitem__ with a tensor index -> IndexingFunction.apply(data, index)
    # Forward: index cast to long (IndexConverter), then gather rows: input[index]
    idx = indices.astype(jnp.int32)
    return jnp.take(table, idx, axis=0)

if __name__ == "__main__":
    import jax
    _d = setup_inputs()
    print(jax.jit(kernel)(*tuple(_d.values())))

</pallas_src>

<mosaic_0001>
#map = affine_map<(d0, d1) -> (0, 0)>
#map1 = affine_map<(d0, d1) -> (0)>
module attributes {stable_mosaic.version = 14 : i64} {
  func.func @gather_kernel(%arg0: i32, %arg1: i32, %arg2: memref<32x1000000xf32, #tpu.memory_space<hbm>>, %arg3: memref<16384xi32, #tpu.memory_space<hbm>>, %arg4: memref<32x16384xf32, #tpu.memory_space<hbm>>, %arg5: memref<1024xi32, #tpu.memory_space<vmem>>, %arg6: memref<2x16x16x128xf32, #tpu.memory_space<vmem>>, %arg7: memref<16x1024xf32, #tpu.memory_space<vmem>>, %arg8: memref<!tpu.dma_semaphore, #tpu.memory_space<semaphore_mem>>) attributes {dimension_semantics = [#tpu.dimension_semantics<core_parallel>, #tpu.dimension_semantics<subcore_parallel>], iteration_bounds = array<i64: 2, 16>, scalar_prefetch = 0 : i64, scratch_operands = 4 : i64, tpu.core_type = #tpu.core_type<sc_vector_subcore>, window_params = [{transform_indices = #map}, {transform_indices = #map1}, {transform_indices = #map}]} {
    %mul3A = arith.constant 2 : i32
    %mul3A_0 = arith.muli %arg1, %mul3A : i32
    %add3A = arith.addi %mul3A_0, %arg0 : i32
    %rem3A = arith.constant 2 : i32
    %rem3A_1 = arith.remsi %add3A, %rem3A : i32
    %div3A = arith.constant 2 : i32
    %div3A_2 = arith.divsi %add3A, %div3A : i32
    %mul3A_3 = arith.constant 16 : i32
    %mul3A_4 = arith.muli %rem3A_1, %mul3A_3 : i32
    %multiple_of3A = tpu.assume_multiple %mul3A_4, 16 : i32
    %mul3A_5 = arith.constant 1024 : i32
    %mul3A_6 = arith.muli %div3A_2, %mul3A_5 : i32
    "tpu.region"() ({
      %run_scoped3A = tpu.sem_alloc : memref<!tpu.dma_semaphore, #tpu.memory_space<semaphore_mem>>
      %dma_start3A_1552 = tpu.memref_slice %arg3[%mul3A_6] : memref<16384xi32, #tpu.memory_space<hbm>> -> memref<1024xi32, #tpu.memory_space<hbm>>
      %dma_start3A_1553 = tpu.memref_slice %arg3[%mul3A_6] : memref<16384xi32, #tpu.memory_space<hbm>> -> memref<1024xi32, #tpu.memory_space<hbm>>
      tpu.enqueue_dma source(%dma_start3A_1553 : memref<1024xi32, #tpu.memory_space<hbm>>) target(%arg5 : memref<1024xi32, #tpu.memory_space<vmem>>) target_semaphore(%run_scoped3A : memref<!tpu.dma_semaphore, #tpu.memory_space<semaphore_mem>>)
      %dma_wait3A_1554 = tpu.memref_slice %arg3[%mul3A_6] : memref<16384xi32, #tpu.memory_space<hbm>> -> memref<1024xi32, #tpu.memory_space<hbm>>
      %dma_wait3A_1555 = tpu.memref_slice %arg3[%mul3A_6] : memref<16384xi32, #tpu.memory_space<hbm>> -> memref<1024xi32, #tpu.memory_space<hbm>>
      tpu.wait_dma2 semaphore(%run_scoped3A : memref<!tpu.dma_semaphore, #tpu.memory_space<semaphore_mem>>) src(%dma_wait3A_1555 : memref<1024xi32, #tpu.memory_space<hbm>>) dst(%arg5 : memref<1024xi32, #tpu.memory_space<vmem>>)
      tpu.yield
    }) : () -> ()
    %iota3A = tpu.iota {dimensions = array<i32: 0>} : vector<16xi32>
    %get3A = arith.constant 0 : index
    %get3A_7 = tpu.vector_load %arg5[%get3A] {strides = array<i32>} : memref<1024xi32, #tpu.memory_space<vmem>>, vector<16xi32>,
    %slice3A = vector.extract_strided_slice %get3A_7 {offsets = [0], sizes = [1], strides = [1]} : vector<16xi32> to vector<1xi32>
    %squeeze3A = vector.extract %slice3A[0] : i32 from vector<1xi32>
    %shift_right_logical3A = arith.constant 7 : i32
    %shift_right_logical3A_8 = arith.shrui %squeeze3A, %shift_right_logical3A : i32
    %shift_left3A = arith.constant 7 : i32
    %shift_left3A_9 = arith.shli %shift_right_logical3A_8, %shift_left3A : i32
    %multiple_of3A_10 = tpu.assume_multiple %shift_left3A_9, 128 : i32
    %dma_start3A = arith.constant 0 : i32
    %dma_start3A_11 = arith.constant 0 : i32
    %dma_start3A_12 = arith.constant 0 : i32
    %dma_start3A_13 = arith.constant 0 : i32
    %dma_start3A_14 = tpu.memref_slice %arg6[%dma_start3A, %dma_start3A_11, %dma_start3A_12, %dma_start3A_13] : memref<2x16x16x128xf32, #tpu.memory_space<vmem>> -> memref<1x1x16x128xf32, #tpu.memory_space<vmem>>
    %dma_start3A_15 = tpu.memref_squeeze %dma_start3A_14 : memref<1x1x16x128xf32, #tpu.memory_space<vmem>> -> memref<16x128xf32, #tpu.memory_space<vmem>>
    %dma_start3A_16 = tpu.memref_slice %arg2[%multiple_of3A, %multiple_of3A_10] : memref<32x1000000xf32, #tpu.memory_space<hbm>> -> memref<16x128xf32, #tpu.memory_space<hbm>>
    %dma_start3A_17 = arith.constant 0 : i32
    %dma_start3A_18 = arith.constant 0 : i32
    %dma_start3A_19 = tpu.memref_slice %arg6[%dma_start3A, %dma_start3A_11, %dma_start3A_17, %dma_start3A_18] : memref<2x16x16x128xf32, #tpu.memory_space<vmem>> -> memref<1x1x16x128xf32, #tpu.memory_space<vmem>>
    %dma_start3A_20 = tpu.memref_squeeze %dma_start3A_19 : memref<1x1x16x128xf32, #tpu.memory_space<vmem>> -> memref<16x128xf32, #tpu.memory_space<vmem>>
    %dma_start3A_21 = tpu.memref_slice %arg2[%multiple_of3A, %multiple_of3A_10] : memref<32x1000000xf32, #tpu.memory_space<hbm>> -> memref<16x128xf32, #tpu.memory_space<hbm>>
    tpu.enqueue_dma source(%dma_start3A_21 : memref<16x128xf32, #tpu.memory_space<hbm>>) target(%dma_start3A_20 : memref<16x128xf32, #tpu.memory_space<vmem>>) target_semaphore(%arg8 : memref<!tpu.dma_semaphore, #tpu.memory_space<semaphore_mem>>)
    %slice3A_22 = vector.extract_strided_slice %get3A_7 {offsets = [1], sizes = [1], strides = [1]} : vector<16xi32> to vector<1xi32>
    %squeeze3A_23 = vector.extract %slice3A_22[0] : i32 from vector<1xi32>
    %shift_right_logical3A_24 = arith.constant 7 : i32
    %shift_right_logical3A_25 = arith.shrui %squeeze3A_23, %shift_right_logical3A_24 : i32
    %shift_left3A_26 = arith.constant 7 : i32
    %shift_left3A_27 = arith.shli %shift_right_logical3A_25, %shift_left3A_26 : i32
    %multiple_of3A_28 = tpu.assume_multiple %shift_left3A_27, 128 : i32
    %dma_start3A_29 = arith.constant 0 : i32
    %dma_start3A_30 = arith.constant 1 : i32
    %dma_start3A_31 = arith.constant 0 : i32
    %dma_start3A_32 = arith.constant 0 : i32
    %dma_start3A_33 = tpu.memref_slice %arg6[%dma_start3A_29, %dma_start3A_30, %dma_start3A_31, %dma_start3A_32] : memref<2x16x16x128xf32, #tpu.memory_space<vmem>> -> memref<1x1x16x128xf32, #tpu.memory_space<vmem>>
    %dma_start3A_34 = tpu.memref_squeeze %dma_start3A_33 : memref<1x1x16x128xf32, #tpu.memory_space<vmem>> -> memref<16x128xf32, #tpu.memory_space<vmem>>
    %dma_start3A_35 = tpu.memref_slice %arg2[%multiple_of3A, %multiple_of3A_28] : memref<32x1000000xf32, #tpu.memory_space<hbm>> -> memref<16x128xf32, #tpu.memory_space<hbm>>
    %dma_start3A_36 = arith.constant 0 : i32
    %dma_start3A_37 = arith.constant 0 : i32
    %dma_start3A_38 = tpu.memref_slice %arg6[%dma_start3A_29, %dma_start3A_30, %dma_start3A_36, %dma_start3A_37] : memref<2x16x16x128xf32, #tpu.memory_space<vmem>> -> memref<1x1x16x128xf32, #tpu.memory_space<vmem>>
    %dma_start3A_39 = tpu.memref_squeeze %dma_start3A_38 : memref<1x1x16x128xf32, #tpu.memory_space<vmem>> -> memref<16x128xf32, #tpu.memory_space<vmem>>
    %dma_start3A_40 = tpu.memref_slice %arg2[%multiple_of3A, %multiple_of3A_28] : memref<32x1000000xf32, #tpu.memory_space<hbm>> -> memref<16x128xf32, #tpu.memory_space<hbm>>
    tpu.enqueue_dma source(%dma_start3A_40 : memref<16x128xf32, #tpu.memory_space<hbm>>) target(%dma_start3A_39 : memref<16x128xf32, #tpu.memory_space<vmem>>) target_semaphore(%arg8 : memref<!tpu.dma_semaphore, #tpu.memory_space<semaphore_mem>>)
    %slice3A_41 = vector.extract_strided_slice %get3A_7 {offsets = [2], sizes = [1], strides = [1]} : vector<16xi32> to vector<1xi32>
    %squeeze3A_42 = vector.extract %slice3A_41[0] : i32 from vector<1xi32>
    %shift_right_logical3A_43 = arith.constant 7 : i32
    %shift_right_logical3A_44 = arith.shrui %squeeze3A_42, %shift_right_logical3A_43 : i32
    %shift_left3A_45 = arith.constant 7 : i32
    %shift_left3A_46 = arith.shli %shift_right_logical3A_44, %shift_left3A_45 : i32
    %multiple_of3A_47 = tpu.assume_multiple %shift_left3A_46, 128 : i32
    %dma_start3A_48 = arith.constant 0 : i32
    %dma_start3A_49 = arith.constant 2 : i32
    %dma_start3A_50 = arith.constant 0 : i32
    %dma_start3A_51 = arith.constant 0 : i32
    %dma_start3A_52 = tpu.memref_slice %arg6[%dma_start3A_48, %dma_start3A_49, %dma_start3A_50, %dma_start3A_51] : memref<2x16x16x128xf32, #tpu.memory_space<vmem>> -> memref<1x1x16x128xf32, #tpu.memory_space<vmem>>
    %dma_start3A_53 = tpu.memref_squeeze %dma_start3A_52 : memref<1x1x16x128xf32, #tpu.memory_space<vmem>> -> memref<16x128xf32, #tpu.memory_space<vmem>>
    %dma_start3A_54 = tpu.memref_slice %arg2[%multiple_of3A, %multiple_of3A_47] : memref<32x1000000xf32, #tpu.memory_space<hbm>> -> memref<16x128xf32, #tpu.memory_space<hbm>>
    %dma_start3A_55 = arith.constant 0 : i32
    %dma_start3A_56 = arith.constant 0 : i32
    %dma_start3A_57 = tpu.memref_slice %arg6[%dma_start3A_48, %dma_start3A_49, %dma_start3A_55, %dma_start3A_56] : memref<2x16x16x128xf32, #tpu.memory_space<vmem>> -> memref<1x1x16x128xf32, #tpu.memory_space<vmem>>
    %dma_start3A_58 = tpu.memref_squeeze %dma_start3A_57 : memref<1x1x16x128xf32, #tpu.memory_space<vmem>> -> memref<16x128xf32, #tpu.memory_space<vmem>>
    %dma_start3A_59 = tpu.memref_slice %arg2[%multiple_of3A, %multiple_of3A_47] : memref<32x1000000xf32, #tpu.memory_space<hbm>> -> memref<16x128xf32, #tpu.memory_space<hbm>>
    tpu.enqueue_dma source(%dma_start3A_59 : memref<16x128xf32, #tpu.memory_space<hbm>>) target(%dma_start3A_58 : memref<16x128xf32, #tpu.memory_space<vmem>>) target_semaphore(%arg8 : memref<!tpu.dma_semaphore, #tpu.memory_space<semaphore_mem>>)
    %slice3A_60 = vector.extract_strided_slice %get3A_7 {offsets = [3], sizes = [1], strides = [1]} : vector<16xi32> to vector<1xi32>
    %squeeze3A_61 = vector.extract %slice3A_60[0] : i32 from vector<1xi32>
    %shift_right_logical3A_62 = arith.constant 7 : i32
    %shift_right_logical3A_63 = arith.shrui %squeeze3A_61, %shift_right_logical3A_62 : i32
    %shift_left3A_64 = arith.constant 7 : i32
    %shift_left3A_65 = arith.shli %shift_right_logical3A_63, %shift_left3A_64 : i32
    %multiple_of3A_66 = tpu.assume_multiple %shift_left3A_65, 128 : i32
    %dma_start3A_67 = arith.constant 0 : i32
    %dma_start3A_68 = arith.constant 3 : i32
    %dma_start3A_69 = arith.constant 0 : i32
    %dma_start3A_70 = arith.constant 0 : i32
    %dma_start3A_71 = tpu.memref_slice %arg6[%dma_start3A_67, %dma_start3A_68, %dma_start3A_69, %dma_start3A_70] : memref<2x16x16x128xf32, #tpu.memory_space<vmem>> -> memref<1x1x16x128xf32, #tpu.memory_space<vmem>>
    %dma_start3A_72 = tpu.memref_squeeze %dma_start3A_71 : memref<1x1x16x128xf32, #tpu.memory_space<vmem>> -> memref<16x128xf32, #tpu.memory_space<vmem>>
    %dma_start3A_73 = tpu.memref_slice %arg2[%multiple_of3A, %multiple_of3A_66] : memref<32x1000000xf32, #tpu.memory_space<hbm>> -> memref<16x128xf32, #tpu.memory_space<hbm>>
    %dma_start3A_74 = arith.constant 0 : i32
    %dma_start3A_75 = arith.constant 0 : i32
    %dma_start3A_76 = tpu.memref_slice %arg6[%dma_start3A_67, %dma_start3A_68, %dma_start3A_74, %dma_start3A_75] : memref<2x16x16x128xf32, #tpu.memory_space<vmem>> -> memref<1x1x16x128xf32, #tpu.memory_space<vmem>>
    %dma_start3A_77 = tpu.memref_squeeze %dma_start3A_76 : memref<1x1x16x128xf32, #tpu.memory_space<vmem>> -> memref<16x128xf32, #tpu.memory_space<vmem>>
    %dma_start3A_78 = tpu.memref_slice %arg2[%multiple_of3A, %multiple_of3A_66] : memref<32x1000000xf32, #tpu.memory_space<hbm>> -> memref<16x128xf32, #tpu.memory_space<hbm>>
    tpu.enqueue_dma source(%dma_start3A_78 : memref<16x128xf32, #tpu.memory_space<hbm>>) target(%dma_start3A_77 : memref<16x128xf32, #tpu.memory_space<vmem>>) target_semaphore(%arg8 : memref<!tpu.dma_semaphore, #tpu.memory_space<semaphore_mem>>)
    %slice3A_79 = vector.extract_strided_slice %get3A_7 {offsets = [4], sizes = [1], strides = [1]} : vector<16xi32> to vector<1xi32>
    %squeeze3A_80 = vector.extract %slice3A_79[0] : i32 from vector<1xi32>
    %shift_right_logical3A_81 = arith.constant 7 : i32
    %shift_right_logical3A_82 = arith.shrui %squeeze3A_80, %shift_right_logical3A_81 : i32
    %shift_left3A_83 = arith.constant 7 : i32
    %shift_left3A_84 = arith.shli %shift_right_logical3A_82, %shift_left3A_83 : i32
    %multiple_of3A_85 = tpu.assume_multiple %shift_left3A_84, 128 : i32
    %dma_start3A_86 = arith.constant 0 : i32
    %dma_start3A_87 = arith.constant 4 : i32
    %dma_start3A_88 = arith.constant 0 : i32
    %dma_start3A_89 = arith.constant 0 : i32
    %dma_start3A_90 = tpu.memref_slice %arg6[%dma_start3A_86, %dma_start3A_87, %dma_start3A_88, %dma_start3A_89] : memref<2x16x16x128xf32, #tpu.memory_space<vmem>> -> memref<1x1x16x128xf32, #tpu.memory_space<vmem>>
    %dma_start3A_91 = tpu.memref_squeeze %dma_start3A_90 : memref<1x1x16x128xf32, #tpu.memory_space<vmem>> -> memref<16x128xf32, #tpu.memory_space<vmem>>
    %dma_start3A_92 = tpu.memref_slice %arg2[%multiple_of3A, %multiple_of3A_85] : memref<32x1000000xf32, #tpu.memory_space<hbm>> -> memref<16x128xf32, #tpu.memory_space<hbm>>
    %dma_start3A_93 = arith.constant 0 : i32
    %dma_start3A_94 = arith.constant 0 : i32
    %dma_start3A_95 = tpu.memref_slice %arg6[%dma_start3A_86, %dma_start3A_87, %dma_start3A_93, %dma_start3A_94] : memref<2x16x16x128xf32, #tpu.memory_space<vmem>> -> memref<1x1x16x128xf32, #tpu.memory_space<vmem>>
    %dma_start3A_96 = tpu.memref_squeeze %dma_start3A_95 : memref<1x1x16x128xf32, #tpu.memory_space<vmem>> -> memref<16x128xf32, #tpu.memory_space<vmem>>
    %dma_start3A_97 = tpu.memref_slice %arg2[%multiple_of3A, %multiple_of3A_85] : memref<32x1000000xf32, #tpu.memory_space<hbm>> -> memref<16x128xf32, #tpu.memory_space<hbm>>
    tpu.enqueue_dma source(%dma_start3A_97 : memref<16x128xf32, #tpu.memory_space<hbm>>) target(%dma_start3A_96 : memref<16x128xf32, #tpu.memory_space<vmem>>) target_semaphore(%arg8 : memref<!tpu.dma_semaphore, #tpu.memory_space<semaphore_mem>>)
    %slice3A_98 = vector.extract_strided_slice %get3A_7 {offsets = [5], sizes = [1], strides = [1]} : vector<16xi32> to vector<1xi32>
    %squeeze3A_99 = vector.extract %slice3A_98[0] : i32 from vector<1xi32>
    %shift_right_logical3A_100 = arith.constant 7 : i32
    %shift_right_logical3A_101 = arith.shrui %squeeze3A_99, %shift_right_logical3A_100 : i32
    %shift_left3A_102 = arith.constant 7 : i32
    %shift_left3A_103 = arith.shli %shift_right_logical3A_101, %shift_left3A_102 : i32
    %multiple_of3A_104 = tpu.assume_multiple %shift_left3A_103, 128 : i32
    %dma_start3A_105 = arith.constant 0 : i32
    %dma_start3A_106 = arith.constant 5 : i32
    %dma_start3A_107 = arith.constant 0 : i32
    %dma_start3A_108 = arith.constant 0 : i32
    %dma_start3A_109 = tpu.memref_slice %arg6[%dma_start3A_105, %dma_start3A_106, %dma_start3A_107, %dma_start3A_108] : memref<2x16x16x128xf32, #tpu.memory_space<vmem>> -> memref<1x1x16x128xf32, #tpu.memory_space<vmem>>
    %dma_start3A_110 = tpu.memref_squeeze %dma_start3A_109 : memref<1x1x16x128xf32, #tpu.memory_space<vmem>> -> memref<16x128xf32, #tpu.memory_space<vmem>>
    %dma_start3A_111 = tpu.memref_slice %arg2[%multiple_of3A, %multiple_of3A_104] : memref<32x1000000xf32, #tpu.memory_space<hbm>> -> memref<16x128xf32, #tpu.memory_space<hbm>>
    %dma_start3A_112 = arith.constant 0 : i32
    %dma_start3A_113 = arith.constant 0 : i32
    %dma_start3A_114 = tpu.memref_slice %arg6[%dma_start3A_105, %dma_start3A_106, %dma_start3A_112, %dma_start3A_113] : memref<2x16x16x128xf32, #tpu.memory_space<vmem>> -> memref<1x1x16x128xf32, #tpu.memory_space<vmem>>
    %dma_start3A_115 = tpu.memref_squeeze %dma_start3A_114 : memref<1x1x16x128xf32, #tpu.memory_space<vmem>> -> memref<16x128xf32, #tpu.memory_space<vmem>>
    %dma_start3A_116 = tpu.memref_slice %arg2[%multiple_of3A, %multiple_of3A_104] : memref<32x1000000xf32, #tpu.memory_space<hbm>> -> memref<16x128xf32, #tpu.memory_space<hbm>>
    tpu.enqueue_dma source(%dma_start3A_116 : memref<16x128xf32, #tpu.memory_space<hbm>>) target(%dma_start3A_115 : memref<16x128xf32, #tpu.memory_space<vmem>>) target_semaphore(%arg8 : memref<!tpu.dma_semaphore, #tpu.memory_space<semaphore_mem>>)
    %slice3A_117 = vector.extract_strided_slice %get3A_7 {offsets = [6], sizes = [1], strides = [1]} : vector<16xi32> to vector<1xi32>
    %squeeze3A_118 = vector.extract %slice3A_117[0] : i32 from vector<1xi32>
    %shift_right_logical3A_119 = arith.constant 7 : i32
    %shift_right_logical3A_120 = arith.shrui %squeeze3A_118, %shift_right_logical3A_119 : i32
    %shift_left3A_121 = arith.constant 7 : i32
    %shift_left3A_122 = arith.shli %shift_right_logical3A_120, %shift_left3A_121 : i32
    %multiple_of3A_123 = tpu.assume_multiple %shift_left3A_122, 128 : i32
    %dma_start3A_124 = arith.constant 0 : i32
    %dma_start3A_125 = arith.constant 6 : i32
    %dma_start3A_126 = arith.constant 0 : i32
    %dma_start3A_127 = arith.constant 0 : i32
    %dma_start3A_128 = tpu.memref_slice %arg6[%dma_start3A_124, %dma_start3A_125, %dma_start3A_126, %dma_start3A_127] : memref<2x16x16x128xf32, #tpu.memory_space<vmem>> -> memref<1x1x16x128xf32, #tpu.memory_space<vmem>>
    %dma_start3A_129 = tpu.memref_squeeze %dma_start3A_128 : memref<1x1x16x128xf32, #tpu.memory_space<vmem>> -> memref<16x128xf32, #tpu.memory_space<vmem>>
    %dma_start3A_130 = tpu.memref_slice %arg2[%multiple_of3A, %multiple_of3A_123] : memref<32x1000000xf32, #tpu.memory_space<hbm>> -> memref<16x128xf32, #tpu.memory_space<hbm>>
    %dma_start3A_131 = arith.constant 0 : i32
    %dma_start3A_132 = arith.constant 0 : i32
    %dma_start3A_133 = tpu.memref_slice %arg6[%dma_start3A_124, %dma_start3A_125, %dma_start3A_131, %dma_start3A_132] : memref<2x16x16x128xf32, #tpu.memory_space<vmem>> -> memref<1x1x16x128xf32, #tpu.memory_space<vmem>>
    %dma_start3A_134 = tpu.memref_squeeze %dma_start3A_133 : memref<1x1x16x128xf32, #tpu.memory_space<vmem>> -> memref<16x128xf32, #tpu.memory_space<vmem>>
    %dma_start3A_135 = tpu.memref_slice %arg2[%multiple_of3A, %multiple_of3A_123] : memref<32x1000000xf32, #tpu.memory_space<hbm>> -> memref<16x128xf32, #tpu.memory_space<hbm>>
    tpu.enqueue_dma source(%dma_start3A_135 : memref<16x128xf32, #tpu.memory_space<hbm>>) target(%dma_start3A_134 : memref<16x128xf32, #tpu.memory_space<vmem>>) target_semaphore(%arg8 : memref<!tpu.dma_semaphore, #tpu.memory_space<semaphore_mem>>)
    %slice3A_136 = vector.extract_strided_slice %get3A_7 {offsets = [7], sizes = [1], strides = [1]} : vector<16xi32> to vector<1xi32>
    %squeeze3A_137 = vector.extract %slice3A_136[0] : i32 from vector<1xi32>
    %shift_right_logical3A_138 = arith.constant 7 : i32
    %shift_right_logical3A_139 = arith.shrui %squeeze3A_137, %shift_right_logical3A_138 : i32
    %shift_left3A_140 = arith.constant 7 : i32
    %shift_left3A_141 = arith.shli %shift_right_logical3A_139, %shift_left3A_140 : i32
    %multiple_of3A_142 = tpu.assume_multiple %shift_left3A_141, 128 : i32
    %dma_start3A_143 = arith.constant 0 : i32
    %dma_start3A_144 = arith.constant 7 : i32
    %dma_start3A_145 = arith.constant 0 : i32
    %dma_start3A_146 = arith.constant 0 : i32
    %dma_start3A_147 = tpu.memref_slice %arg6[%dma_start3A_143, %dma_start3A_144, %dma_start3A_145, %dma_start3A_146] : memref<2x16x16x128xf32, #tpu.memory_space<vmem>> -> memref<1x1x16x128xf32, #tpu.memory_space<vmem>>
    %dma_start3A_148 = tpu.memref_squeeze %dma_start3A_147 : memref<1x1x16x128xf32, #tpu.memory_space<vmem>> -> memref<16x128xf32, #tpu.memory_space<vmem>>
    %dma_start3A_149 = tpu.memref_slice %arg2[%multiple_of3A, %multiple_of3A_142] : memref<32x1000000xf32, #tpu.memory_space<hbm>> -> memref<16x128xf32, #tpu.memory_space<hbm>>
    %dma_start3A_150 = arith.constant 0 : i32
    %dma_start3A_151 = arith.constant 0 : i32
    %dma_start3A_152 = tpu.memref_slice %arg6[%dma_start3A_143, %dma_start3A_144, %dma_start3A_150, %dma_start3A_151] : memref<2x16x16x128xf32, #tpu.memory_space<vmem>> -> memref<1x1x16x128xf32, #tpu.memory_space<vmem>>
    %dma_start3A_153 = tpu.memref_squeeze %dma_start3A_152 : memref<1x1x16x128xf32, #tpu.memory_space<vmem>> -> memref<16x128xf32, #tpu.memory_space<vmem>>
    %dma_start3A_154 = tpu.memref_slice %arg2[%multiple_of3A, %multiple_of3A_142] : memref<32x1000000xf32, #tpu.memory_space<hbm>> -> memref<16x128xf32, #tpu.memory_space<hbm>>
    tpu.enqueue_dma source(%dma_start3A_154 : memref<16x128xf32, #tpu.memory_space<hbm>>) target(%dma_start3A_153 : memref<16x128xf32, #tpu.memory_space<vmem>>) target_semaphore(%arg8 : memref<!tpu.dma_semaphore, #tpu.memory_space<semaphore_mem>>)
    %slice3A_155 = vector.extract_strided_slice %get3A_7 {offsets = [8], sizes = [1], strides = [1]} : vector<16xi32> to vector<1xi32>
    %squeeze3A_156 = vector.extract %slice3A_155[0] : i32 from vector<1xi32>
    %shift_right_logical3A_157 = arith.constant 7 : i32
    %shift_right_logical3A_158 = arith.shrui %squeeze3A_156, %shift_right_logical3A_157 : i32
    %shift_left3A_159 = arith.constant 7 : i32
    %shift_left3A_160 = arith.shli %shift_right_logical3A_158, %shift_left3A_159 : i32
    %multiple_of3A_161 = tpu.assume_multiple %shift_left3A_160, 128 : i32
    %dma_start3A_162 = arith.constant 0 : i32
    %dma_start3A_163 = arith.constant 8 : i32
    %dma_start3A_164 = arith.constant 0 : i32
    %dma_start3A_165 = arith.constant 0 : i32
    %dma_start3A_166 = tpu.memref_slice %arg6[%dma_start3A_162, %dma_start3A_163, %dma_start3A_164, %dma_start3A_165] : memref<2x16x16x128xf32, #tpu.memory_space<vmem>> -> memref<1x1x16x128xf32, #tpu.memory_space<vmem>>
    %dma_start3A_167 = tpu.memref_squeeze %dma_start3A_166 : memref<1x1x16x128xf32, #tpu.memory_space<vmem>> -> memref<16x128xf32, #tpu.memory_space<vmem>>
    %dma_start3A_168 = tpu.memref_slice %arg2[%multiple_of3A, %multiple_of3A_161] : memref<32x1000000xf32, #tpu.memory_space<hbm>> -> memref<16x128xf32, #tpu.memory_space<hbm>>
    %dma_start3A_169 = arith.constant 0 : i32
    %dma_start3A_170 = arith.constant 0 : i32
    %dma_start3A_171 = tpu.memref_slice %arg6[%dma_start3A_162, %dma_start3A_163, %dma_start3A_169, %dma_start3A_170] : memref<2x16x16x128xf32, #tpu.memory_space<vmem>> -> memref<1x1x16x128xf32, #tpu.memory_space<vmem>>
    %dma_start3A_172 = tpu.memref_squeeze %dma_start3A_171 : memref<1x1x16x128xf32, #tpu.memory_space<vmem>> -> memref<16x128xf32, #tpu.memory_space<vmem>>
    %dma_start3A_173 = tpu.memref_slice %arg2[%multiple_of3A, %multiple_of3A_161] : memref<32x1000000xf32, #tpu.memory_space<hbm>> -> memref<16x128xf32, #tpu.memory_space<hbm>>
    tpu.enqueue_dma source(%dma_start3A_173 : memref<16x128xf32, #tpu.memory_space<hbm>>) target(%dma_start3A_172 : memref<16x128xf32, #tpu.memory_space<vmem>>) target_semaphore(%arg8 : memref<!tpu.dma_semaphore, #tpu.memory_space<semaphore_mem>>)
    %slice3A_174 = vector.extract_strided_slice %get3A_7 {offsets = [9], sizes = [1], strides = [1]} : vector<16xi32> to vector<1xi32>
    %squeeze3A_175 = vector.extract %slice3A_174[0] : i32 from vector<1xi32>
    %shift_right_logical3A_176 = arith.constant 7 : i32
    %shift_right_logical3A_177 = arith.shrui %squeeze3A_175, %shift_right_logical3A_176 : i32
    %shift_left3A_178 = arith.constant 7 : i32
    %shift_left3A_179 = arith.shli %shift_right_logical3A_177, %shift_left3A_178 : i32
    %multiple_of3A_180 = tpu.assume_multiple %shift_left3A_179, 128 : i32
    %dma_start3A_181 = arith.constant 0 : i32
    %dma_start3A_182 = arith.constant 9 : i32
    %dma_start3A_183 = arith.constant 0 : i32
    %dma_start3A_184 = arith.constant 0 : i32
    %dma_start3A_185 = tpu.memref_slice %arg6[%dma_start3A_181, %dma_start3A_182, %dma_start3A_183, %dma_start3A_184] : memref<2x16x16x128xf32, #tpu.memory_space<vmem>> -> memref<1x1x16x128xf32, #tpu.memory_space<vmem>>
    %dma_start3A_186 = tpu.memref_squeeze %dma_start3A_185 : memref<1x1x16x128xf32, #tpu.memory_space<vmem>> -> memref<16x128xf32, #tpu.memory_space<vmem>>
    %dma_start3A_187 = tpu.memref_slice %arg2[%multiple_of3A, %multiple_of3A_180] : memref<32x1000000xf32, #tpu.memory_space<hbm>> -> memref<16x128xf32, #tpu.memory_space<hbm>>
    %dma_start3A_188 = arith.constant 0 : i32
    %dma_start3A_189 = arith.constant 0 : i32
    %dma_start3A_190 = tpu.memref_slice %arg6[%dma_start3A_181, %dma_start3A_182, %dma_start3A_188, %dma_start3A_189] : memref<2x16x16x128xf32, #tpu.memory_space<vmem>> -> memref<1x1x16x128xf32, #tpu.memory_space<vmem>>
    %dma_start3A_191 = tpu.memref_squeeze %dma_start3A_190 : memref<1x1x16x128xf32, #tpu.memory_space<vmem>> -> memref<16x128xf32, #tpu.memory_space<vmem>>
    %dma_start3A_192 = tpu.memref_slice %arg2[%multiple_of3A, %multiple_of3A_180] : memref<32x1000000xf32, #tpu.memory_space<hbm>> -> memref<16x128xf32, #tpu.memory_space<hbm>>
    tpu.enqueue_dma source(%dma_start3A_192 : memref<16x128xf32, #tpu.memory_space<hbm>>) target(%dma_start3A_191 : memref<16x128xf32, #tpu.memory_space<vmem>>) target_semaphore(%arg8 : memref<!tpu.dma_semaphore, #tpu.memory_space<semaphore_mem>>)
    %slice3A_193 = vector.extract_strided_slice %get3A_7 {offsets = [10], sizes = [1], strides = [1]} : vector<16xi32> to vector<1xi32>
    %squeeze3A_194 = vector.extract %slice3A_193[0] : i32 from vector<1xi32>
    %shift_right_logical3A_195 = arith.constant 7 : i32
    %shift_right_logical3A_196 = arith.shrui %squeeze3A_194, %shift_right_logical3A_195 : i32
    %shift_left3A_197 = arith.constant 7 : i32
    %shift_left3A_198 = arith.shli %shift_right_logical3A_196, %shift_left3A_197 : i32
    %multiple_of3A_199 = tpu.assume_multiple %shift_left3A_198, 128 : i32
    %dma_start3A_200 = arith.constant 0 : i32
    %dma_start3A_201 = arith.constant 10 : i32
    %dma_start3A_202 = arith.constant 0 : i32
    %dma_start3A_203 = arith.constant 0 : i32
    %dma_start3A_204 = tpu.memref_slice %arg6[%dma_start3A_200, %dma_start3A_201, %dma_start3A_202, %dma_start3A_203] : memref<2x16x16x128xf32, #tpu.memory_space<vmem>> -> memref<1x1x16x128xf32, #tpu.memory_space<vmem>>
    %dma_start3A_205 = tpu.memref_squeeze %dma_start3A_204 : memref<1x1x16x128xf32, #tpu.memory_space<vmem>> -> memref<16x128xf32, #tpu.memory_space<vmem>>
    %dma_start3A_206 = tpu.memref_slice %arg2[%multiple_of3A, %multiple_of3A_199] : memref<32x1000000xf32, #tpu.memory_space<hbm>> -> memref<16x128xf32, #tpu.memory_space<hbm>>
    %dma_start3A_207 = arith.constant 0 : i32
    %dma_start3A_208 = arith.constant 0 : i32
    %dma_start3A_209 = tpu.memref_slice %arg6[%dma_start3A_200, %dma_start3A_201, %dma_start3A_207, %dma_start3A_208] : memref<2x16x16x128xf32, #tpu.memory_space<vmem>> -> memref<1x1x16x128xf32, #tpu.memory_space<vmem>>
    %dma_start3A_210 = tpu.memref_squeeze %dma_start3A_209 : memref<1x1x16x128xf32, #tpu.memory_space<vmem>> -> memref<16x128xf32, #tpu.memory_space<vmem>>
    %dma_start3A_211 = tpu.memref_slice %arg2[%multiple_of3A, %multiple_of3A_199] : memref<32x1000000xf32, #tpu.memory_space<hbm>> -> memref<16x128xf32, #tpu.memory_space<hbm>>
    tpu.enqueue_dma source(%dma_start3A_211 : memref<16x128xf32, #tpu.memory_space<hbm>>) target(%dma_start3A_210 : memref<16x128xf32, #tpu.memory_space<vmem>>) target_semaphore(%arg8 : memref<!tpu.dma_semaphore, #tpu.memory_space<semaphore_mem>>)
    %slice3A_212 = vector.extract_strided_slice %get3A_7 {offsets = [11], sizes = [1], strides = [1]} : vector<16xi32> to vector<1xi32>
    %squeeze3A_213 = vector.extract %slice3A_212[0] : i32 from vector<1xi32>
    %shift_right_logical3A_214 = arith.constant 7 : i32
    %shift_right_logical3A_215 = arith.shrui %squeeze3A_213, %shift_right_logical3A_214 : i32
    %shift_left3A_216 = arith.constant 7 : i32
    %shift_left3A_217 = arith.shli %shift_right_logical3A_215, %shift_left3A_216 : i32
    %multiple_of3A_218 = tpu.assume_multiple %shift_left3A_217, 128 : i32
    %dma_start3A_219 = arith.constant 0 : i32
    %dma_start3A_220 = arith.constant 11 : i32
    %dma_start3A_221 = arith.constant 0 : i32
    %dma_start3A_222 = arith.constant 0 : i32
    %dma_start3A_223 = tpu.memref_slice %arg6[%dma_start3A_219, %dma_start3A_220, %dma_start3A_221, %dma_start3A_222] : memref<2x16x16x128xf32, #tpu.memory_space<vmem>> -> memref<1x1x16x128xf32, #tpu.memory_space<vmem>>
    %dma_start3A_224 = tpu.memref_squeeze %dma_start3A_223 : memref<1x1x16x128xf32, #tpu.memory_space<vmem>> -> memref<16x128xf32, #tpu.memory_space<vmem>>
    %dma_start3A_225 = tpu.memref_slice %arg2[%multiple_of3A, %multiple_of3A_218] : memref<32x1000000xf32, #tpu.memory_space<hbm>> -> memref<16x128xf32, #tpu.memory_space<hbm>>
    %dma_start3A_226 = arith.constant 0 : i32
    %dma_start3A_227 = arith.constant 0 : i32
    %dma_start3A_228 = tpu.memref_slice %arg6[%dma_start3A_219, %dma_start3A_220, %dma_start3A_226, %dma_start3A_227] : memref<2x16x16x128xf32, #tpu.memory_space<vmem>> -> memref<1x1x16x128xf32, #tpu.memory_space<vmem>>
    %dma_start3A_229 = tpu.memref_squeeze %dma_start3A_228 : memref<1x1x16x128xf32, #tpu.memory_space<vmem>> -> memref<16x128xf32, #tpu.memory_space<vmem>>
    %dma_start3A_230 = tpu.memref_slice %arg2[%multiple_of3A, %multiple_of3A_218] : memref<32x1000000xf32, #tpu.memory_space<hbm>> -> memref<16x128xf32, #tpu.memory_space<hbm>>
    tpu.enqueue_dma source(%dma_start3A_230 : memref<16x128xf32, #tpu.memory_space<hbm>>) target(%dma_start3A_229 : memref<16x128xf32, #tpu.memory_space<vmem>>) target_semaphore(%arg8 : memref<!tpu.dma_semaphore, #tpu.memory_space<semaphore_mem>>)
    %slice3A_231 = vector.extract_strided_slice %get3A_7 {offsets = [12], sizes = [1], strides = [1]} : vector<16xi32> to vector<1xi32>
    %squeeze3A_232 = vector.extract %slice3A_231[0] : i32 from vector<1xi32>
    %shift_right_logical3A_233 = arith.constant 7 : i32
    %shift_right_logical3A_234 = arith.shrui %squeeze3A_232, %shift_right_logical3A_233 : i32
    %shift_left3A_235 = arith.constant 7 : i32
    %shift_left3A_236 = arith.shli %shift_right_logical3A_234, %shift_left3A_235 : i32
    %multiple_of3A_237 = tpu.assume_multiple %shift_left3A_236, 128 : i32
    %dma_start3A_238 = arith.constant 0 : i32
    %dma_start3A_239 = arith.constant 12 : i32
    %dma_start3A_240 = arith.constant 0 : i32
    %dma_start3A_241 = arith.constant 0 : i32
    %dma_start3A_242 = tpu.memref_slice %arg6[%dma_start3A_238, %dma_start3A_239, %dma_start3A_240, %dma_start3A_241] : memref<2x16x16x128xf32, #tpu.memory_space<vmem>> -> memref<1x1x16x128xf32, #tpu.memory_space<vmem>>
    %dma_start3A_243 = tpu.memref_squeeze %dma_start3A_242 : memref<1x1x16x128xf32, #tpu.memory_space<vmem>> -> memref<16x128xf32, #tpu.memory_space<vmem>>
    %dma_start3A_244 = tpu.memref_slice %arg2[%multiple_of3A, %multiple_of3A_237] : memref<32x1000000xf32, #tpu.memory_space<hbm>> -> memref<16x128xf32, #tpu.memory_space<hbm>>
    %dma_start3A_245 = arith.constant 0 : i32
    %dma_start3A_246 = arith.constant 0 : i32
    %dma_start3A_247 = tpu.memref_slice %arg6[%dma_start3A_238, %dma_start3A_239, %dma_start3A_245, %dma_start3A_246] : memref<2x16x16x128xf32, #tpu.memory_space<vmem>> -> memref<1x1x16x128xf32, #tpu.memory_space<vmem>>
    %dma_start3A_248 = tpu.memref_squeeze %dma_start3A_247 : memref<1x1x16x128xf32, #tpu.memory_space<vmem>> -> memref<16x128xf32, #tpu.memory_space<vmem>>
    %dma_start3A_249 = tpu.memref_slice %arg2[%multiple_of3A, %multiple_of3A_237] : memref<32x1000000xf32, #tpu.memory_space<hbm>> -> memref<16x128xf32, #tpu.memory_space<hbm>>
    tpu.enqueue_dma source(%dma_start3A_249 : memref<16x128xf32, #tpu.memory_space<hbm>>) target(%dma_start3A_248 : memref<16x128xf32, #tpu.memory_space<vmem>>) target_semaphore(%arg8 : memref<!tpu.dma_semaphore, #tpu.memory_space<semaphore_mem>>)
    %slice3A_250 = vector.extract_strided_slice %get3A_7 {offsets = [13], sizes = [1], strides = [1]} : vector<16xi32> to vector<1xi32>
    %squeeze3A_251 = vector.extract %slice3A_250[0] : i32 from vector<1xi32>
    %shift_right_logical3A_252 = arith.constant 7 : i32
    %shift_right_logical3A_253 = arith.shrui %squeeze3A_251, %shift_right_logical3A_252 : i32
    %shift_left3A_254 = arith.constant 7 : i32
    %shift_left3A_255 = arith.shli %shift_right_logical3A_253, %shift_left3A_254 : i32
    %multiple_of3A_256 = tpu.assume_multiple %shift_left3A_255, 128 : i32
    %dma_start3A_257 = arith.constant 0 : i32
    %dma_start3A_258 = arith.constant 13 : i32
    %dma_start3A_259 = arith.constant 0 : i32
    %dma_start3A_260 = arith.constant 0 : i32
    %dma_start3A_261 = tpu.memref_slice %arg6[%dma_start3A_257, %dma_start3A_258, %dma_start3A_259, %dma_start3A_260] : memref<2x16x16x128xf32, #tpu.memory_space<vmem>> -> memref<1x1x16x128xf32, #tpu.memory_space<vmem>>
    %dma_start3A_262 = tpu.memref_squeeze %dma_start3A_261 : memref<1x1x16x128xf32, #tpu.memory_space<vmem>> -> memref<16x128xf32, #tpu.memory_space<vmem>>
    %dma_start3A_263 = tpu.memref_slice %arg2[%multiple_of3A, %multiple_of3A_256] : memref<32x1000000xf32, #tpu.memory_space<hbm>> -> memref<16x128xf32, #tpu.memory_space<hbm>>
    %dma_start3A_264 = arith.constant 0 : i32
    %dma_start3A_265 = arith.constant 0 : i32
    %dma_start3A_266 = tpu.memref_slice %arg6[%dma_start3A_257, %dma_start3A_258, %dma_start3A_264, %dma_start3A_265] : memref<2x16x16x128xf32, #tpu.memory_space<vmem>> -> memref<1x1x16x128xf32, #tpu.memory_space<vmem>>
    %dma_start3A_267 = tpu.memref_squeeze %dma_start3A_266 : memref<1x1x16x128xf32, #tpu.memory_space<vmem>> -> memref<16x128xf32, #tpu.memory_space<vmem>>
    %dma_start3A_268 = tpu.memref_slice %arg2[%multiple_of3A, %multiple_of3A_256] : memref<32x1000000xf32, #tpu.memory_space<hbm>> -> memref<16x128xf32, #tpu.memory_space<hbm>>
    tpu.enqueue_dma source(%dma_start3A_268 : memref<16x128xf32, #tpu.memory_space<hbm>>) target(%dma_start3A_267 : memref<16x128xf32, #tpu.memory_space<vmem>>) target_semaphore(%arg8 : memref<!tpu.dma_semaphore, #tpu.memory_space<semaphore_mem>>)
    %slice3A_269 = vector.extract_strided_slice %get3A_7 {offsets = [14], sizes = [1], strides = [1]} : vector<16xi32> to vector<1xi32>
    %squeeze3A_270 = vector.extract %slice3A_269[0] : i32 from vector<1xi32>
    %shift_right_logical3A_271 = arith.constant 7 : i32
    %shift_right_logical3A_272 = arith.shrui %squeeze3A_270, %shift_right_logical3A_271 : i32
    %shift_left3A_273 = arith.constant 7 : i32
    %shift_left3A_274 = arith.shli %shift_right_logical3A_272, %shift_left3A_273 : i32
    %multiple_of3A_275 = tpu.assume_multiple %shift_left3A_274, 128 : i32
    %dma_start3A_276 = arith.constant 0 : i32
    %dma_start3A_277 = arith.constant 14 : i32
    %dma_start3A_278 = arith.constant 0 : i32
    %dma_start3A_279 = arith.constant 0 : i32
    %dma_start3A_280 = tpu.memref_slice %arg6[%dma_start3A_276, %dma_start3A_277, %dma_start3A_278, %dma_start3A_279] : memref<2x16x16x128xf32, #tpu.memory_space<vmem>> -> memref<1x1x16x128xf32, #tpu.memory_space<vmem>>
    %dma_start3A_281 = tpu.memref_squeeze %dma_start3A_280 : memref<1x1x16x128xf32, #tpu.memory_space<vmem>> -> memref<16x128xf32, #tpu.memory_space<vmem>>
    %dma_start3A_282 = tpu.memref_slice %arg2[%multiple_of3A, %multiple_of3A_275] : memref<32x1000000xf32, #tpu.memory_space<hbm>> -> memref<16x128xf32, #tpu.memory_space<hbm>>
    %dma_start3A_283 = arith.constant 0 : i32
    %dma_start3A_284 = arith.constant 0 : i32
    %dma_start3A_285 = tpu.memref_slice %arg6[%dma_start3A_276, %dma_start3A_277, %dma_start3A_283, %dma_start3A_284] : memref<2x16x16x128xf32, #tpu.memory_space<vmem>> -> memref<1x1x16x128xf32, #tpu.memory_space<vmem>>
    %dma_start3A_286 = tpu.memref_squeeze %dma_start3A_285 : memref<1x1x16x128xf32, #tpu.memory_space<vmem>> -> memref<16x128xf32, #tpu.memory_space<vmem>>
    %dma_start3A_287 = tpu.memref_slice %arg2[%multiple_of3A, %multiple_of3A_275] : memref<32x1000000xf32, #tpu.memory_space<hbm>> -> memref<16x128xf32, #tpu.memory_space<hbm>>
    tpu.enqueue_dma source(%dma_start3A_287 : memref<16x128xf32, #tpu.memory_space<hbm>>) target(%dma_start3A_286 : memref<16x128xf32, #tpu.memory_space<vmem>>) target_semaphore(%arg8 : memref<!tpu.dma_semaphore, #tpu.memory_space<semaphore_mem>>)
    %slice3A_288 = vector.extract_strided_slice %get3A_7 {offsets = [15], sizes = [1], strides = [1]} : vector<16xi32> to vector<1xi32>
    %squeeze3A_289 = vector.extract %slice3A_288[0] : i32 from vector<1xi32>
    %shift_right_logical3A_290 = arith.constant 7 : i32
    %shift_right_logical3A_291 = arith.shrui %squeeze3A_289, %shift_right_logical3A_290 : i32
    %shift_left3A_292 = arith.constant 7 : i32
    %shift_left3A_293 = arith.shli %shift_right_logical3A_291, %shift_left3A_292 : i32
    %multiple_of3A_294 = tpu.assume_multiple %shift_left3A_293, 128 : i32
    %dma_start3A_295 = arith.constant 0 : i32
    %dma_start3A_296 = arith.constant 15 : i32
    %dma_start3A_297 = arith.constant 0 : i32
    %dma_start3A_298 = arith.constant 0 : i32
    %dma_start3A_299 = tpu.memref_slice %arg6[%dma_start3A_295, %dma_start3A_296, %dma_start3A_297, %dma_start3A_298] : memref<2x16x16x128xf32, #tpu.memory_space<vmem>> -> memref<1x1x16x128xf32, #tpu.memory_space<vmem>>
    %dma_start3A_300 = tpu.memref_squeeze %dma_start3A_299 : memref<1x1x16x128xf32, #tpu.memory_space<vmem>> -> memref<16x128xf32, #tpu.memory_space<vmem>>
    %dma_start3A_301 = tpu.memref_slice %arg2[%multiple_of3A, %multiple_of3A_294] : memref<32x1000000xf32, #tpu.memory_space<hbm>> -> memref<16x128xf32, #tpu.memory_space<hbm>>
    %dma_start3A_302 = arith.constant 0 : i32
    %dma_start3A_303 = arith.constant 0 : i32
    %dma_start3A_304 = tpu.memref_slice %arg6[%dma_start3A_295, %dma_start3A_296, %dma_start3A_302, %dma_start3A_303] : memref<2x16x16x128xf32, #tpu.memory_space<vmem>> -> memref<1x1x16x128xf32, #tpu.memory_space<vmem>>
    %dma_start3A_305 = tpu.memref_squeeze %dma_start3A_304 : memref<1x1x16x128xf32, #tpu.memory_space<vmem>> -> memref<16x128xf32, #tpu.memory_space<vmem>>
    %dma_start3A_306 = tpu.memref_slice %arg2[%multiple_of3A, %multiple_of3A_294] : memref<32x1000000xf32, #tpu.memory_space<hbm>> -> memref<16x128xf32, #tpu.memory_space<hbm>>
    tpu.enqueue_dma source(%dma_start3A_306 : memref<16x128xf32, #tpu.memory_space<hbm>>) target(%dma_start3A_305 : memref<16x128xf32, #tpu.memory_space<vmem>>) target_semaphore(%arg8 : memref<!tpu.dma_semaphore, #tpu.memory_space<semaphore_mem>>)
    %get3A_307 = arith.constant 16 : index
    %get3A_308 = tpu.vector_load %arg5[%get3A_307] {strides = array<i32>} : memref<1024xi32, #tpu.memory_space<vmem>>, vector<16xi32>,
    %slice3A_309 = vector.extract_strided_slice %get3A_308 {offsets = [0], sizes = [1], strides = [1]} : vector<16xi32> to vector<1xi32>
    %squeeze3A_310 = vector.extract %slice3A_309[0] : i32 from vector<1xi32>
    %shift_right_logical3A_311 = arith.constant 7 : i32
    %shift_right_logical3A_312 = arith.shrui %squeeze3A_310, %shift_right_logical3A_311 : i32
    %shift_left3A_313 = arith.constant 7 : i32
    %shift_left3A_314 = arith.shli %shift_right_logical3A_312, %shift_left3A_313 : i32
    %multiple_of3A_315 = tpu.assume_multiple %shift_left3A_314, 128 : i32
    %dma_start3A_316 = arith.constant 1 : i32
    %dma_start3A_317 = arith.constant 0 : i32
    %dma_start3A_318 = arith.constant 0 : i32
    %dma_start3A_319 = arith.constant 0 : i32
    %dma_start3A_320 = tpu.memref_slice %arg6[%dma_start3A_316, %dma_start3A_317, %dma_start3A_318, %dma_start3A_319] : memref<2x16x16x128xf32, #tpu.memory_space<vmem>> -> memref<1x1x16x128xf32, #tpu.memory_space<vmem>>
    %dma_start3A_321 = tpu.memref_squeeze %dma_start3A_320 : memref<1x1x16x128xf32, #tpu.memory_space<vmem>> -> memref<16x128xf32, #tpu.memory_space<vmem>>
    %dma_start3A_322 = tpu.memref_slice %arg2[%multiple_of3A, %multiple_of3A_315] : memref<32x1000000xf32, #tpu.memory_space<hbm>> -> memref<16x128xf32, #tpu.memory_space<hbm>>
    %dma_start3A_323 = arith.constant 0 : i32
    %dma_start3A_324 = arith.constant 0 : i32
    %dma_start3A_325 = tpu.memref_slice %arg6[%dma_start3A_316, %dma_start3A_317, %dma_start3A_323, %dma_start3A_324] : memref<2x16x16x128xf32, #tpu.memory_space<vmem>> -> memref<1x1x16x128xf32, #tpu.memory_space<vmem>>
    %dma_start3A_326 = tpu.memref_squeeze %dma_start3A_325 : memref<1x1x16x128xf32, #tpu.memory_space<vmem>> -> memref<16x128xf32, #tpu.memory_space<vmem>>
    %dma_start3A_327 = tpu.memref_slice %arg2[%multiple_of3A, %multiple_of3A_315] : memref<32x1000000xf32, #tpu.memory_space<hbm>> -> memref<16x128xf32, #tpu.memory_space<hbm>>
    tpu.enqueue_dma source(%dma_start3A_327 : memref<16x128xf32, #tpu.memory_space<hbm>>) target(%dma_start3A_326 : memref<16x128xf32, #tpu.memory_space<vmem>>) target_semaphore(%arg8 : memref<!tpu.dma_semaphore, #tpu.memory_space<semaphore_mem>>)
    %slice3A_328 = vector.extract_strided_slice %get3A_308 {offsets = [1], sizes = [1], strides = [1]} : vector<16xi32> to vector<1xi32>
    %squeeze3A_329 = vector.extract %slice3A_328[0] : i32 from vector<1xi32>
    %shift_right_logical3A_330 = arith.constant 7 : i32
    %shift_right_logical3A_331 = arith.shrui %squeeze3A_329, %shift_right_logical3A_330 : i32
    %shift_left3A_332 = arith.constant 7 : i32
    %shift_left3A_333 = arith.shli %shift_right_logical3A_331, %shift_left3A_332 : i32
    %multiple_of3A_334 = tpu.assume_multiple %shift_left3A_333, 128 : i32
    %dma_start3A_335 = arith.constant 1 : i32
    %dma_start3A_336 = arith.constant 1 : i32
    %dma_start3A_337 = arith.constant 0 : i32
    %dma_start3A_338 = arith.constant 0 : i32
    %dma_start3A_339 = tpu.memref_slice %arg6[%dma_start3A_335, %dma_start3A_336, %dma_start3A_337, %dma_start3A_338] : memref<2x16x16x128xf32, #tpu.memory_space<vmem>> -> memref<1x1x16x128xf32, #tpu.memory_space<vmem>>
    %dma_start3A_340 = tpu.memref_squeeze %dma_start3A_339 : memref<1x1x16x128xf32, #tpu.memory_space<vmem>> -> memref<16x128xf32, #tpu.memory_space<vmem>>
    %dma_start3A_341 = tpu.memref_slice %arg2[%multiple_of3A, %multiple_of3A_334] : memref<32x1000000xf32, #tpu.memory_space<hbm>> -> memref<16x128xf32, #tpu.memory_space<hbm>>
    %dma_start3A_342 = arith.constant 0 : i32
    %dma_start3A_343 = arith.constant 0 : i32
    %dma_start3A_344 = tpu.memref_slice %arg6[%dma_start3A_335, %dma_start3A_336, %dma_start3A_342, %dma_start3A_343] : memref<2x16x16x128xf32, #tpu.memory_space<vmem>> -> memref<1x1x16x128xf32, #tpu.memory_space<vmem>>
    %dma_start3A_345 = tpu.memref_squeeze %dma_start3A_344 : memref<1x1x16x128xf32, #tpu.memory_space<vmem>> -> memref<16x128xf32, #tpu.memory_space<vmem>>
    %dma_start3A_346 = tpu.memref_slice %arg2[%multiple_of3A, %multiple_of3A_334] : memref<32x1000000xf32, #tpu.memory_space<hbm>> -> memref<16x128xf32, #tpu.memory_space<hbm>>
    tpu.enqueue_dma source(%dma_start3A_346 : memref<16x128xf32, #tpu.memory_space<hbm>>) target(%dma_start3A_345 : memref<16x128xf32, #tpu.memory_space<vmem>>) target_semaphore(%arg8 : memref<!tpu.dma_semaphore, #tpu.memory_space<semaphore_mem>>)
    %slice3A_347 = vector.extract_strided_slice %get3A_308 {offsets = [2], sizes = [1], strides = [1]} : vector<16xi32> to vector<1xi32>
    %squeeze3A_348 = vector.extract %slice3A_347[0] : i32 from vector<1xi32>
    %shift_right_logical3A_349 = arith.constant 7 : i32
    %shift_right_logical3A_350 = arith.shrui %squeeze3A_348, %shift_right_logical3A_349 : i32
    %shift_left3A_351 = arith.constant 7 : i32
    %shift_left3A_352 = arith.shli %shift_right_logical3A_350, %shift_left3A_351 : i32
    %multiple_of3A_353 = tpu.assume_multiple %shift_left3A_352, 128 : i32
    %dma_start3A_354 = arith.constant 1 : i32
    %dma_start3A_355 = arith.constant 2 : i32
    %dma_start3A_356 = arith.constant 0 : i32
    %dma_start3A_357 = arith.constant 0 : i32
    %dma_start3A_358 = tpu.memref_slice %arg6[%dma_start3A_354, %dma_start3A_355, %dma_start3A_356, %dma_start3A_357] : memref<2x16x16x128xf32, #tpu.memory_space<vmem>> -> memref<1x1x16x128xf32, #tpu.memory_space<vmem>>
    %dma_start3A_359 = tpu.memref_squeeze %dma_start3A_358 : memref<1x1x16x128xf32, #tpu.memory_space<vmem>> -> memref<16x128xf32, #tpu.memory_space<vmem>>
    %dma_start3A_360 = tpu.memref_slice %arg2[%multiple_of3A, %multiple_of3A_353] : memref<32x1000000xf32, #tpu.memory_space<hbm>> -> memref<16x128xf32, #tpu.memory_space<hbm>>
    %dma_start3A_361 = arith.constant 0 : i32
    %dma_start3A_362 = arith.constant 0 : i32
    %dma_start3A_363 = tpu.memref_slice %arg6[%dma_start3A_354, %dma_start3A_355, %dma_start3A_361, %dma_start3A_362] : memref<2x16x16x128xf32, #tpu.memory_space<vmem>> -> memref<1x1x16x128xf32, #tpu.memory_space<vmem>>
    %dma_start3A_364 = tpu.memref_squeeze %dma_start3A_363 : memref<1x1x16x128xf32, #tpu.memory_space<vmem>> -> memref<16x128xf32, #tpu.memory_space<vmem>>
    %dma_start3A_365 = tpu.memref_slice %arg2[%multiple_of3A, %multiple_of3A_353] : memref<32x1000000xf32, #tpu.memory_space<hbm>> -> memref<16x128xf32, #tpu.memory_space<hbm>>
    tpu.enqueue_dma source(%dma_start3A_365 : memref<16x128xf32, #tpu.memory_space<hbm>>) target(%dma_start3A_364 : memref<16x128xf32, #tpu.memory_space<vmem>>) target_semaphore(%arg8 : memref<!tpu.dma_semaphore, #tpu.memory_space<semaphore_mem>>)
    %slice3A_366 = vector.extract_strided_slice %get3A_308 {offsets = [3], sizes = [1], strides = [1]} : vector<16xi32> to vector<1xi32>
    %squeeze3A_367 = vector.extract %slice3A_366[0] : i32 from vector<1xi32>
    %shift_right_logical3A_368 = arith.constant 7 : i32
    %shift_right_logical3A_369 = arith.shrui %squeeze3A_367, %shift_right_logical3A_368 : i32
    %shift_left3A_370 = arith.constant 7 : i32
    %shift_left3A_371 = arith.shli %shift_right_logical3A_369, %shift_left3A_370 : i32
    %multiple_of3A_372 = tpu.assume_multiple %shift_left3A_371, 128 : i32
    %dma_start3A_373 = arith.constant 1 : i32
    %dma_start3A_374 = arith.constant 3 : i32
    %dma_start3A_375 = arith.constant 0 : i32
    %dma_start3A_376 = arith.constant 0 : i32
    %dma_start3A_377 = tpu.memref_slice %arg6[%dma_start3A_373, %dma_start3A_374, %dma_start3A_375, %dma_start3A_376] : memref<2x16x16x128xf32, #tpu.memory_space<vmem>> -> memref<1x1x16x128xf32, #tpu.memory_space<vmem>>
    %dma_start3A_378 = tpu.memref_squeeze %dma_start3A_377 : memref<1x1x16x128xf32, #tpu.memory_space<vmem>> -> memref<16x128xf32, #tpu.memory_space<vmem>>
    %dma_start3A_379 = tpu.memref_slice %arg2[%multiple_of3A, %multiple_of3A_372] : memref<32x1000000xf32, #tpu.memory_space<hbm>> -> memref<16x128xf32, #tpu.memory_space<hbm>>
    %dma_start3A_380 = arith.constant 0 : i32
    %dma_start3A_381 = arith.constant 0 : i32
    %dma_start3A_382 = tpu.memref_slice %arg6[%dma_start3A_373, %dma_start3A_374, %dma_start3A_380, %dma_start3A_381] : memref<2x16x16x128xf32, #tpu.memory_space<vmem>> -> memref<1x1x16x128xf32, #tpu.memory_space<vmem>>
    %dma_start3A_383 = tpu.memref_squeeze %dma_start3A_382 : memref<1x1x16x128xf32, #tpu.memory_space<vmem>> -> memref<16x128xf32, #tpu.memory_space<vmem>>
    %dma_start3A_384 = tpu.memref_slice %arg2[%multiple_of3A, %multiple_of3A_372] : memref<32x1000000xf32, #tpu.memory_space<hbm>> -> memref<16x128xf32, #tpu.memory_space<hbm>>
    tpu.enqueue_dma source(%dma_start3A_384 : memref<16x128xf32, #tpu.memory_space<hbm>>) target(%dma_start3A_383 : memref<16x128xf32, #tpu.memory_space<vmem>>) target_semaphore(%arg8 : memref<!tpu.dma_semaphore, #tpu.memory_space<semaphore_mem>>)
    %slice3A_385 = vector.extract_strided_slice %get3A_308 {offsets = [4], sizes = [1], strides = [1]} : vector<16xi32> to vector<1xi32>
    %squeeze3A_386 = vector.extract %slice3A_385[0] : i32 from vector<1xi32>
    %shift_right_logical3A_387 = arith.constant 7 : i32
    %shift_right_logical3A_388 = arith.shrui %squeeze3A_386, %shift_right_logical3A_387 : i32
    %shift_left3A_389 = arith.constant 7 : i32
    %shift_left3A_390 = arith.shli %shift_right_logical3A_388, %shift_left3A_389 : i32
    %multiple_of3A_391 = tpu.assume_multiple %shift_left3A_390, 128 : i32
    %dma_start3A_392 = arith.constant 1 : i32
    %dma_start3A_393 = arith.constant 4 : i32
    %dma_start3A_394 = arith.constant 0 : i32
    %dma_start3A_395 = arith.constant 0 : i32
    %dma_start3A_396 = tpu.memref_slice %arg6[%dma_start3A_392, %dma_start3A_393, %dma_start3A_394, %dma_start3A_395] : memref<2x16x16x128xf32, #tpu.memory_space<vmem>> -> memref<1x1x16x128xf32, #tpu.memory_space<vmem>>
    %dma_start3A_397 = tpu.memref_squeeze %dma_start3A_396 : memref<1x1x16x128xf32, #tpu.memory_space<vmem>> -> memref<16x128xf32, #tpu.memory_space<vmem>>
    %dma_start3A_398 = tpu.memref_slice %arg2[%multiple_of3A, %multiple_of3A_391] : memref<32x1000000xf32, #tpu.memory_space<hbm>> -> memref<16x128xf32, #tpu.memory_space<hbm>>
    %dma_start3A_399 = arith.constant 0 : i32
    %dma_start3A_400 = arith.constant 0 : i32
    %dma_start3A_401 = tpu.memref_slice %arg6[%dma_start3A_392, %dma_start3A_393, %dma_start3A_399, %dma_start3A_400] : memref<2x16x16x128xf32, #tpu.memory_space<vmem>> -> memref<1x1x16x128xf32, #tpu.memory_space<vmem>>
    %dma_start3A_402 = tpu.memref_squeeze %dma_start3A_401 : memref<1x1x16x128xf32, #tpu.memory_space<vmem>> -> memref<16x128xf32, #tpu.memory_space<vmem>>
    %dma_start3A_403 = tpu.memref_slice %arg2[%multiple_of3A, %multiple_of3A_391] : memref<32x1000000xf32, #tpu.memory_space<hbm>> -> memref<16x128xf32, #tpu.memory_space<hbm>>
    tpu.enqueue_dma source(%dma_start3A_403 : memref<16x128xf32, #tpu.memory_space<hbm>>) target(%dma_start3A_402 : memref<16x128xf32, #tpu.memory_space<vmem>>) target_semaphore(%arg8 : memref<!tpu.dma_semaphore, #tpu.memory_space<semaphore_mem>>)
    %slice3A_404 = vector.extract_strided_slice %get3A_308 {offsets = [5], sizes = [1], strides = [1]} : vector<16xi32> to vector<1xi32>
    %squeeze3A_405 = vector.extract %slice3A_404[0] : i32 from vector<1xi32>
    %shift_right_logical3A_406 = arith.constant 7 : i32
    %shift_right_logical3A_407 = arith.shrui %squeeze3A_405, %shift_right_logical3A_406 : i32
    %shift_left3A_408 = arith.constant 7 : i32
    %shift_left3A_409 = arith.shli %shift_right_logical3A_407, %shift_left3A_408 : i32
    %multiple_of3A_410 = tpu.assume_multiple %shift_left3A_409, 128 : i32
    %dma_start3A_411 = arith.constant 1 : i32
    %dma_start3A_412 = arith.constant 5 : i32
    %dma_start3A_413 = arith.constant 0 : i32
    %dma_start3A_414 = arith.constant 0 : i32
    %dma_start3A_415 = tpu.memref_slice %arg6[%dma_start3A_411, %dma_start3A_412, %dma_start3A_413, %dma_start3A_414] : memref<2x16x16x128xf32, #tpu.memory_space<vmem>> -> memref<1x1x16x128xf32, #tpu.memory_space<vmem>>
    %dma_start3A_416 = tpu.memref_squeeze %dma_start3A_415 : memref<1x1x16x128xf32, #tpu.memory_space<vmem>> -> memref<16x128xf32, #tpu.memory_space<vmem>>
    %dma_start3A_417 = tpu.memref_slice %arg2[%multiple_of3A, %multiple_of3A_410] : memref<32x1000000xf32, #tpu.memory_space<hbm>> -> memref<16x128xf32, #tpu.memory_space<hbm>>
    %dma_start3A_418 = arith.constant 0 : i32
    %dma_start3A_419 = arith.constant 0 : i32
    %dma_start3A_420 = tpu.memref_slice %arg6[%dma_start3A_411, %dma_start3A_412, %dma_start3A_418, %dma_start3A_419] : memref<2x16x16x128xf32, #tpu.memory_space<vmem>> -> memref<1x1x16x128xf32, #tpu.memory_space<vmem>>
    %dma_start3A_421 = tpu.memref_squeeze %dma_start3A_420 : memref<1x1x16x128xf32, #tpu.memory_space<vmem>> -> memref<16x128xf32, #tpu.memory_space<vmem>>
    %dma_start3A_422 = tpu.memref_slice %arg2[%multiple_of3A, %multiple_of3A_410] : memref<32x1000000xf32, #tpu.memory_space<hbm>> -> memref<16x128xf32, #tpu.memory_space<hbm>>
    tpu.enqueue_dma source(%dma_start3A_422 : memref<16x128xf32, #tpu.memory_space<hbm>>) target(%dma_start3A_421 : memref<16x128xf32, #tpu.memory_space<vmem>>) target_semaphore(%arg8 : memref<!tpu.dma_semaphore, #tpu.memory_space<semaphore_mem>>)
    %slice3A_423 = vector.extract_strided_slice %get3A_308 {offsets = [6], sizes = [1], strides = [1]} : vector<16xi32> to vector<1xi32>
    %squeeze3A_424 = vector.extract %slice3A_423[0] : i32 from vector<1xi32>
    %shift_right_logical3A_425 = arith.constant 7 : i32
    %shift_right_logical3A_426 = arith.shrui %squeeze3A_424, %shift_right_logical3A_425 : i32
    %shift_left3A_427 = arith.constant 7 : i32
    %shift_left3A_428 = arith.shli %shift_right_logical3A_426, %shift_left3A_427 : i32
    %multiple_of3A_429 = tpu.assume_multiple %shift_left3A_428, 128 : i32
    %dma_start3A_430 = arith.constant 1 : i32
    %dma_start3A_431 = arith.constant 6 : i32
    %dma_start3A_432 = arith.constant 0 : i32
    %dma_start3A_433 = arith.constant 0 : i32
    %dma_start3A_434 = tpu.memref_slice %arg6[%dma_start3A_430, %dma_start3A_431, %dma_start3A_432, %dma_start3A_433] : memref<2x16x16x128xf32, #tpu.memory_space<vmem>> -> memref<1x1x16x128xf32, #tpu.memory_space<vmem>>
    %dma_start3A_435 = tpu.memref_squeeze %dma_start3A_434 : memref<1x1x16x128xf32, #tpu.memory_space<vmem>> -> memref<16x128xf32, #tpu.memory_space<vmem>>
    %dma_start3A_436 = tpu.memref_slice %arg2[%multiple_of3A, %multiple_of3A_429] : memref<32x1000000xf32, #tpu.memory_space<hbm>> -> memref<16x128xf32, #tpu.memory_space<hbm>>
    %dma_start3A_437 = arith.constant 0 : i32
    %dma_start3A_438 = arith.constant 0 : i32
    %dma_start3A_439 = tpu.memref_slice %arg6[%dma_start3A_430, %dma_start3A_431, %dma_start3A_437, %dma_start3A_438] : memref<2x16x16x128xf32, #tpu.memory_space<vmem>> -> memref<1x1x16x128xf32, #tpu.memory_space<vmem>>
    %dma_start3A_440 = tpu.memref_squeeze %dma_start3A_439 : memref<1x1x16x128xf32, #tpu.memory_space<vmem>> -> memref<16x128xf32, #tpu.memory_space<vmem>>
    %dma_start3A_441 = tpu.memref_slice %arg2[%multiple_of3A, %multiple_of3A_429] : memref<32x1000000xf32, #tpu.memory_space<hbm>> -> memref<16x128xf32, #tpu.memory_space<hbm>>
    tpu.enqueue_dma source(%dma_start3A_441 : memref<16x128xf32, #tpu.memory_space<hbm>>) target(%dma_start3A_440 : memref<16x128xf32, #tpu.memory_space<vmem>>) target_semaphore(%arg8 : memref<!tpu.dma_semaphore, #tpu.memory_space<semaphore_mem>>)
    %slice3A_442 = vector.extract_strided_slice %get3A_308 {offsets = [7], sizes = [1], strides = [1]} : vector<16xi32> to vector<1xi32>
    %squeeze3A_443 = vector.extract %slice3A_442[0] : i32 from vector<1xi32>
    %shift_right_logical3A_444 = arith.constant 7 : i32
    %shift_right_logical3A_445 = arith.shrui %squeeze3A_443, %shift_right_logical3A_444 : i32
    %shift_left3A_446 = arith.constant 7 : i32
    %shift_left3A_447 = arith.shli %shift_right_logical3A_445, %shift_left3A_446 : i32
    %multiple_of3A_448 = tpu.assume_multiple %shift_left3A_447, 128 : i32
    %dma_start3A_449 = arith.constant 1 : i32
    %dma_start3A_450 = arith.constant 7 : i32
    %dma_start3A_451 = arith.constant 0 : i32
    %dma_start3A_452 = arith.constant 0 : i32
    %dma_start3A_453 = tpu.memref_slice %arg6[%dma_start3A_449, %dma_start3A_450, %dma_start3A_451, %dma_start3A_452] : memref<2x16x16x128xf32, #tpu.memory_space<vmem>> -> memref<1x1x16x128xf32, #tpu.memory_space<vmem>>
    %dma_start3A_454 = tpu.memref_squeeze %dma_start3A_453 : memref<1x1x16x128xf32, #tpu.memory_space<vmem>> -> memref<16x128xf32, #tpu.memory_space<vmem>>
    %dma_start3A_455 = tpu.memref_slice %arg2[%multiple_of3A, %multiple_of3A_448] : memref<32x1000000xf32, #tpu.memory_space<hbm>> -> memref<16x128xf32, #tpu.memory_space<hbm>>
    %dma_start3A_456 = arith.constant 0 : i32
    %dma_start3A_457 = arith.constant 0 : i32
    %dma_start3A_458 = tpu.memref_slice %arg6[%dma_start3A_449, %dma_start3A_450, %dma_start3A_456, %dma_start3A_457] : memref<2x16x16x128xf32, #tpu.memory_space<vmem>> -> memref<1x1x16x128xf32, #tpu.memory_space<vmem>>
    %dma_start3A_459 = tpu.memref_squeeze %dma_start3A_458 : memref<1x1x16x128xf32, #tpu.memory_space<vmem>> -> memref<16x128xf32, #tpu.memory_space<vmem>>
    %dma_start3A_460 = tpu.memref_slice %arg2[%multiple_of3A, %multiple_of3A_448] : memref<32x1000000xf32, #tpu.memory_space<hbm>> -> memref<16x128xf32, #tpu.memory_space<hbm>>
    tpu.enqueue_dma source(%dma_start3A_460 : memref<16x128xf32, #tpu.memory_space<hbm>>) target(%dma_start3A_459 : memref<16x128xf32, #tpu.memory_space<vmem>>) target_semaphore(%arg8 : memref<!tpu.dma_semaphore, #tpu.memory_space<semaphore_mem>>)
    %slice3A_461 = vector.extract_strided_slice %get3A_308 {offsets = [8], sizes = [1], strides = [1]} : vector<16xi32> to vector<1xi32>
    %squeeze3A_462 = vector.extract %slice3A_461[0] : i32 from vector<1xi32>
    %shift_right_logical3A_463 = arith.constant 7 : i32
    %shift_right_logical3A_464 = arith.shrui %squeeze3A_462, %shift_right_logical3A_463 : i32
    %shift_left3A_465 = arith.constant 7 : i32
    %shift_left3A_466 = arith.shli %shift_right_logical3A_464, %shift_left3A_465 : i32
    %multiple_of3A_467 = tpu.assume_multiple %shift_left3A_466, 128 : i32
    %dma_start3A_468 = arith.constant 1 : i32
    %dma_start3A_469 = arith.constant 8 : i32
    %dma_start3A_470 = arith.constant 0 : i32
    %dma_start3A_471 = arith.constant 0 : i32
    %dma_start3A_472 = tpu.memref_slice %arg6[%dma_start3A_468, %dma_start3A_469, %dma_start3A_470, %dma_start3A_471] : memref<2x16x16x128xf32, #tpu.memory_space<vmem>> -> memref<1x1x16x128xf32, #tpu.memory_space<vmem>>
    %dma_start3A_473 = tpu.memref_squeeze %dma_start3A_472 : memref<1x1x16x128xf32, #tpu.memory_space<vmem>> -> memref<16x128xf32, #tpu.memory_space<vmem>>
    %dma_start3A_474 = tpu.memref_slice %arg2[%multiple_of3A, %multiple_of3A_467] : memref<32x1000000xf32, #tpu.memory_space<hbm>> -> memref<16x128xf32, #tpu.memory_space<hbm>>
    %dma_start3A_475 = arith.constant 0 : i32
    %dma_start3A_476 = arith.constant 0 : i32
    %dma_start3A_477 = tpu.memref_slice %arg6[%dma_start3A_468, %dma_start3A_469, %dma_start3A_475, %dma_start3A_476] : memref<2x16x16x128xf32, #tpu.memory_space<vmem>> -> memref<1x1x16x128xf32, #tpu.memory_space<vmem>>
    %dma_start3A_478 = tpu.memref_squeeze %dma_start3A_477 : memref<1x1x16x128xf32, #tpu.memory_space<vmem>> -> memref<16x128xf32, #tpu.memory_space<vmem>>
    %dma_start3A_479 = tpu.memref_slice %arg2[%multiple_of3A, %multiple_of3A_467] : memref<32x1000000xf32, #tpu.memory_space<hbm>> -> memref<16x128xf32, #tpu.memory_space<hbm>>
    tpu.enqueue_dma source(%dma_start3A_479 : memref<16x128xf32, #tpu.memory_space<hbm>>) target(%dma_start3A_478 : memref<16x128xf32, #tpu.memory_space<vmem>>) target_semaphore(%arg8 : memref<!tpu.dma_semaphore, #tpu.memory_space<semaphore_mem>>)
    %slice3A_480 = vector.extract_strided_slice %get3A_308 {offsets = [9], sizes = [1], strides = [1]} : vector<16xi32> to vector<1xi32>
    %squeeze3A_481 = vector.extract %slice3A_480[0] : i32 from vector<1xi32>
    %shift_right_logical3A_482 = arith.constant 7 : i32
    %shift_right_logical3A_483 = arith.shrui %squeeze3A_481, %shift_right_logical3A_482 : i32
    %shift_left3A_484 = arith.constant 7 : i32
    %shift_left3A_485 = arith.shli %shift_right_logical3A_483, %shift_left3A_484 : i32
    %multiple_of3A_486 = tpu.assume_multiple %shift_left3A_485, 128 : i32
    %dma_start3A_487 = arith.constant 1 : i32
    %dma_start3A_488 = arith.constant 9 : i32
    %dma_start3A_489 = arith.constant 0 : i32
    %dma_start3A_490 = arith.constant 0 : i32
    %dma_start3A_491 = tpu.memref_slice %arg6[%dma_start3A_487, %dma_start3A_488, %dma_start3A_489, %dma_start3A_490] : memref<2x16x16x128xf32, #tpu.memory_space<vmem>> -> memref<1x1x16x128xf32, #tpu.memory_space<vmem>>
    %dma_start3A_492 = tpu.memref_squeeze %dma_start3A_491 : memref<1x1x16x128xf32, #tpu.memory_space<vmem>> -> memref<16x128xf32, #tpu.memory_space<vmem>>
    %dma_start3A_493 = tpu.memref_slice %arg2[%multiple_of3A, %multiple_of3A_486] : memref<32x1000000xf32, #tpu.memory_space<hbm>> -> memref<16x128xf32, #tpu.memory_space<hbm>>
    %dma_start3A_494 = arith.constant 0 : i32
    %dma_start3A_495 = arith.constant 0 : i32
    %dma_start3A_496 = tpu.memref_slice %arg6[%dma_start3A_487, %dma_start3A_488, %dma_start3A_494, %dma_start3A_495] : memref<2x16x16x128xf32, #tpu.memory_space<vmem>> -> memref<1x1x16x128xf32, #tpu.memory_space<vmem>>
    %dma_start3A_497 = tpu.memref_squeeze %dma_start3A_496 : memref<1x1x16x128xf32, #tpu.memory_space<vmem>> -> memref<16x128xf32, #tpu.memory_space<vmem>>
    %dma_start3A_498 = tpu.memref_slice %arg2[%multiple_of3A, %multiple_of3A_486] : memref<32x1000000xf32, #tpu.memory_space<hbm>> -> memref<16x128xf32, #tpu.memory_space<hbm>>
    tpu.enqueue_dma source(%dma_start3A_498 : memref<16x128xf32, #tpu.memory_space<hbm>>) target(%dma_start3A_497 : memref<16x128xf32, #tpu.memory_space<vmem>>) target_semaphore(%arg8 : memref<!tpu.dma_semaphore, #tpu.memory_space<semaphore_mem>>)
    %slice3A_499 = vector.extract_strided_slice %get3A_308 {offsets = [10], sizes = [1], strides = [1]} : vector<16xi32> to vector<1xi32>
    %squeeze3A_500 = vector.extract %slice3A_499[0] : i32 from vector<1xi32>
    %shift_right_logical3A_501 = arith.constant 7 : i32
    %shift_right_logical3A_502 = arith.shrui %squeeze3A_500, %shift_right_logical3A_501 : i32
    %shift_left3A_503 = arith.constant 7 : i32
    %shift_left3A_504 = arith.shli %shift_right_logical3A_502, %shift_left3A_503 : i32
    %multiple_of3A_505 = tpu.assume_multiple %shift_left3A_504, 128 : i32
    %dma_start3A_506 = arith.constant 1 : i32
    %dma_start3A_507 = arith.constant 10 : i32
    %dma_start3A_508 = arith.constant 0 : i32
    %dma_start3A_509 = arith.constant 0 : i32
    %dma_start3A_510 = tpu.memref_slice %arg6[%dma_start3A_506, %dma_start3A_507, %dma_start3A_508, %dma_start3A_509] : memref<2x16x16x128xf32, #tpu.memory_space<vmem>> -> memref<1x1x16x128xf32, #tpu.memory_space<vmem>>
    %dma_start3A_511 = tpu.memref_squeeze %dma_start3A_510 : memref<1x1x16x128xf32, #tpu.memory_space<vmem>> -> memref<16x128xf32, #tpu.memory_space<vmem>>
    %dma_start3A_512 = tpu.memref_slice %arg2[%multiple_of3A, %multiple_of3A_505] : memref<32x1000000xf32, #tpu.memory_space<hbm>> -> memref<16x128xf32, #tpu.memory_space<hbm>>
    %dma_start3A_513 = arith.constant 0 : i32
    %dma_start3A_514 = arith.constant 0 : i32
    %dma_start3A_515 = tpu.memref_slice %arg6[%dma_start3A_506, %dma_start3A_507, %dma_start3A_513, %dma_start3A_514] : memref<2x16x16x128xf32, #tpu.memory_space<vmem>> -> memref<1x1x16x128xf32, #tpu.memory_space<vmem>>
    %dma_start3A_516 = tpu.memref_squeeze %dma_start3A_515 : memref<1x1x16x128xf32, #tpu.memory_space<vmem>> -> memref<16x128xf32, #tpu.memory_space<vmem>>
    %dma_start3A_517 = tpu.memref_slice %arg2[%multiple_of3A, %multiple_of3A_505] : memref<32x1000000xf32, #tpu.memory_space<hbm>> -> memref<16x128xf32, #tpu.memory_space<hbm>>
    tpu.enqueue_dma source(%dma_start3A_517 : memref<16x128xf32, #tpu.memory_space<hbm>>) target(%dma_start3A_516 : memref<16x128xf32, #tpu.memory_space<vmem>>) target_semaphore(%arg8 : memref<!tpu.dma_semaphore, #tpu.memory_space<semaphore_mem>>)
    %slice3A_518 = vector.extract_strided_slice %get3A_308 {offsets = [11], sizes = [1], strides = [1]} : vector<16xi32> to vector<1xi32>
    %squeeze3A_519 = vector.extract %slice3A_518[0] : i32 from vector<1xi32>
    %shift_right_logical3A_520 = arith.constant 7 : i32
    %shift_right_logical3A_521 = arith.shrui %squeeze3A_519, %shift_right_logical3A_520 : i32
    %shift_left3A_522 = arith.constant 7 : i32
    %shift_left3A_523 = arith.shli %shift_right_logical3A_521, %shift_left3A_522 : i32
    %multiple_of3A_524 = tpu.assume_multiple %shift_left3A_523, 128 : i32
    %dma_start3A_525 = arith.constant 1 : i32
    %dma_start3A_526 = arith.constant 11 : i32
    %dma_start3A_527 = arith.constant 0 : i32
    %dma_start3A_528 = arith.constant 0 : i32
    %dma_start3A_529 = tpu.memref_slice %arg6[%dma_start3A_525, %dma_start3A_526, %dma_start3A_527, %dma_start3A_528] : memref<2x16x16x128xf32, #tpu.memory_space<vmem>> -> memref<1x1x16x128xf32, #tpu.memory_space<vmem>>
    %dma_start3A_530 = tpu.memref_squeeze %dma_start3A_529 : memref<1x1x16x128xf32, #tpu.memory_space<vmem>> -> memref<16x128xf32, #tpu.memory_space<vmem>>
    %dma_start3A_531 = tpu.memref_slice %arg2[%multiple_of3A, %multiple_of3A_524] : memref<32x1000000xf32, #tpu.memory_space<hbm>> -> memref<16x128xf32, #tpu.memory_space<hbm>>
    %dma_start3A_532 = arith.constant 0 : i32
    %dma_start3A_533 = arith.constant 0 : i32
    %dma_start3A_534 = tpu.memref_slice %arg6[%dma_start3A_525, %dma_start3A_526, %dma_start3A_532, %dma_start3A_533] : memref<2x16x16x128xf32, #tpu.memory_space<vmem>> -> memref<1x1x16x128xf32, #tpu.memory_space<vmem>>
    %dma_start3A_535 = tpu.memref_squeeze %dma_start3A_534 : memref<1x1x16x128xf32, #tpu.memory_space<vmem>> -> memref<16x128xf32, #tpu.memory_space<vmem>>
    %dma_start3A_536 = tpu.memref_slice %arg2[%multiple_of3A, %multiple_of3A_524] : memref<32x1000000xf32, #tpu.memory_space<hbm>> -> memref<16x128xf32, #tpu.memory_space<hbm>>
    tpu.enqueue_dma source(%dma_start3A_536 : memref<16x128xf32, #tpu.memory_space<hbm>>) target(%dma_start3A_535 : memref<16x128xf32, #tpu.memory_space<vmem>>) target_semaphore(%arg8 : memref<!tpu.dma_semaphore, #tpu.memory_space<semaphore_mem>>)
    %slice3A_537 = vector.extract_strided_slice %get3A_308 {offsets = [12], sizes = [1], strides = [1]} : vector<16xi32> to vector<1xi32>
    %squeeze3A_538 = vector.extract %slice3A_537[0] : i32 from vector<1xi32>
    %shift_right_logical3A_539 = arith.constant 7 : i32
    %shift_right_logical3A_540 = arith.shrui %squeeze3A_538, %shift_right_logical3A_539 : i32
    %shift_left3A_541 = arith.constant 7 : i32
    %shift_left3A_542 = arith.shli %shift_right_logical3A_540, %shift_left3A_541 : i32
    %multiple_of3A_543 = tpu.assume_multiple %shift_left3A_542, 128 : i32
    %dma_start3A_544 = arith.constant 1 : i32
    %dma_start3A_545 = arith.constant 12 : i32
    %dma_start3A_546 = arith.constant 0 : i32
    %dma_start3A_547 = arith.constant 0 : i32
    %dma_start3A_548 = tpu.memref_slice %arg6[%dma_start3A_544, %dma_start3A_545, %dma_start3A_546, %dma_start3A_547] : memref<2x16x16x128xf32, #tpu.memory_space<vmem>> -> memref<1x1x16x128xf32, #tpu.memory_space<vmem>>
    %dma_start3A_549 = tpu.memref_squeeze %dma_start3A_548 : memref<1x1x16x128xf32, #tpu.memory_space<vmem>> -> memref<16x128xf32, #tpu.memory_space<vmem>>
    %dma_start3A_550 = tpu.memref_slice %arg2[%multiple_of3A, %multiple_of3A_543] : memref<32x1000000xf32, #tpu.memory_space<hbm>> -> memref<16x128xf32, #tpu.memory_space<hbm>>
    %dma_start3A_551 = arith.constant 0 : i32
    %dma_start3A_552 = arith.constant 0 : i32
    %dma_start3A_553 = tpu.memref_slice %arg6[%dma_start3A_544, %dma_start3A_545, %dma_start3A_551, %dma_start3A_552] : memref<2x16x16x128xf32, #tpu.memory_space<vmem>> -> memref<1x1x16x128xf32, #tpu.memory_space<vmem>>
    %dma_start3A_554 = tpu.memref_squeeze %dma_start3A_553 : memref<1x1x16x128xf32, #tpu.memory_space<vmem>> -> memref<16x128xf32, #tpu.memory_space<vmem>>
    %dma_start3A_555 = tpu.memref_slice %arg2[%multiple_of3A, %multiple_of3A_543] : memref<32x1000000xf32, #tpu.memory_space<hbm>> -> memref<16x128xf32, #tpu.memory_space<hbm>>
    tpu.enqueue_dma source(%dma_start3A_555 : memref<16x128xf32, #tpu.memory_space<hbm>>) target(%dma_start3A_554 : memref<16x128xf32, #tpu.memory_space<vmem>>) target_semaphore(%arg8 : memref<!tpu.dma_semaphore, #tpu.memory_space<semaphore_mem>>)
    %slice3A_556 = vector.extract_strided_slice %get3A_308 {offsets = [13], sizes = [1], strides = [1]} : vector<16xi32> to vector<1xi32>
    %squeeze3A_557 = vector.extract %slice3A_556[0] : i32 from vector<1xi32>
    %shift_right_logical3A_558 = arith.constant 7 : i32
    %shift_right_logical3A_559 = arith.shrui %squeeze3A_557, %shift_right_logical3A_558 : i32
    %shift_left3A_560 = arith.constant 7 : i32
    %shift_left3A_561 = arith.shli %shift_right_logical3A_559, %shift_left3A_560 : i32
    %multiple_of3A_562 = tpu.assume_multiple %shift_left3A_561, 128 : i32
    %dma_start3A_563 = arith.constant 1 : i32
    %dma_start3A_564 = arith.constant 13 : i32
    %dma_start3A_565 = arith.constant 0 : i32
    %dma_start3A_566 = arith.constant 0 : i32
    %dma_start3A_567 = tpu.memref_slice %arg6[%dma_start3A_563, %dma_start3A_564, %dma_start3A_565, %dma_start3A_566] : memref<2x16x16x128xf32, #tpu.memory_space<vmem>> -> memref<1x1x16x128xf32, #tpu.memory_space<vmem>>
    %dma_start3A_568 = tpu.memref_squeeze %dma_start3A_567 : memref<1x1x16x128xf32, #tpu.memory_space<vmem>> -> memref<16x128xf32, #tpu.memory_space<vmem>>
    %dma_start3A_569 = tpu.memref_slice %arg2[%multiple_of3A, %multiple_of3A_562] : memref<32x1000000xf32, #tpu.memory_space<hbm>> -> memref<16x128xf32, #tpu.memory_space<hbm>>
    %dma_start3A_570 = arith.constant 0 : i32
    %dma_start3A_571 = arith.constant 0 : i32
    %dma_start3A_572 = tpu.memref_slice %arg6[%dma_start3A_563, %dma_start3A_564, %dma_start3A_570, %dma_start3A_571] : memref<2x16x16x128xf32, #tpu.memory_space<vmem>> -> memref<1x1x16x128xf32, #tpu.memory_space<vmem>>
    %dma_start3A_573 = tpu.memref_squeeze %dma_start3A_572 : memref<1x1x16x128xf32, #tpu.memory_space<vmem>> -> memref<16x128xf32, #tpu.memory_space<vmem>>
    %dma_start3A_574 = tpu.memref_slice %arg2[%multiple_of3A, %multiple_of3A_562] : memref<32x1000000xf32, #tpu.memory_space<hbm>> -> memref<16x128xf32, #tpu.memory_space<hbm>>
    tpu.enqueue_dma source(%dma_start3A_574 : memref<16x128xf32, #tpu.memory_space<hbm>>) target(%dma_start3A_573 : memref<16x128xf32, #tpu.memory_space<vmem>>) target_semaphore(%arg8 : memref<!tpu.dma_semaphore, #tpu.memory_space<semaphore_mem>>)
    %slice3A_575 = vector.extract_strided_slice %get3A_308 {offsets = [14], sizes = [1], strides = [1]} : vector<16xi32> to vector<1xi32>
    %squeeze3A_576 = vector.extract %slice3A_575[0] : i32 from vector<1xi32>
    %shift_right_logical3A_577 = arith.constant 7 : i32
    %shift_right_logical3A_578 = arith.shrui %squeeze3A_576, %shift_right_logical3A_577 : i32
    %shift_left3A_579 = arith.constant 7 : i32
    %shift_left3A_580 = arith.shli %shift_right_logical3A_578, %shift_left3A_579 : i32
    %multiple_of3A_581 = tpu.assume_multiple %shift_left3A_580, 128 : i32
    %dma_start3A_582 = arith.constant 1 : i32
    %dma_start3A_583 = arith.constant 14 : i32
    %dma_start3A_584 = arith.constant 0 : i32
    %dma_start3A_585 = arith.constant 0 : i32
    %dma_start3A_586 = tpu.memref_slice %arg6[%dma_start3A_582, %dma_start3A_583, %dma_start3A_584, %dma_start3A_585] : memref<2x16x16x128xf32, #tpu.memory_space<vmem>> -> memref<1x1x16x128xf32, #tpu.memory_space<vmem>>
    %dma_start3A_587 = tpu.memref_squeeze %dma_start3A_586 : memref<1x1x16x128xf32, #tpu.memory_space<vmem>> -> memref<16x128xf32, #tpu.memory_space<vmem>>
    %dma_start3A_588 = tpu.memref_slice %arg2[%multiple_of3A, %multiple_of3A_581] : memref<32x1000000xf32, #tpu.memory_space<hbm>> -> memref<16x128xf32, #tpu.memory_space<hbm>>
    %dma_start3A_589 = arith.constant 0 : i32
    %dma_start3A_590 = arith.constant 0 : i32
    %dma_start3A_591 = tpu.memref_slice %arg6[%dma_start3A_582, %dma_start3A_583, %dma_start3A_589, %dma_start3A_590] : memref<2x16x16x128xf32, #tpu.memory_space<vmem>> -> memref<1x1x16x128xf32, #tpu.memory_space<vmem>>
    %dma_start3A_592 = tpu.memref_squeeze %dma_start3A_591 : memref<1x1x16x128xf32, #tpu.memory_space<vmem>> -> memref<16x128xf32, #tpu.memory_space<vmem>>
    %dma_start3A_593 = tpu.memref_slice %arg2[%multiple_of3A, %multiple_of3A_581] : memref<32x1000000xf32, #tpu.memory_space<hbm>> -> memref<16x128xf32, #tpu.memory_space<hbm>>
    tpu.enqueue_dma source(%dma_start3A_593 : memref<16x128xf32, #tpu.memory_space<hbm>>) target(%dma_start3A_592 : memref<16x128xf32, #tpu.memory_space<vmem>>) target_semaphore(%arg8 : memref<!tpu.dma_semaphore, #tpu.memory_space<semaphore_mem>>)
    %slice3A_594 = vector.extract_strided_slice %get3A_308 {offsets = [15], sizes = [1], strides = [1]} : vector<16xi32> to vector<1xi32>
    %squeeze3A_595 = vector.extract %slice3A_594[0] : i32 from vector<1xi32>
    %shift_right_logical3A_596 = arith.constant 7 : i32
    %shift_right_logical3A_597 = arith.shrui %squeeze3A_595, %shift_right_logical3A_596 : i32
    %shift_left3A_598 = arith.constant 7 : i32
    %shift_left3A_599 = arith.shli %shift_right_logical3A_597, %shift_left3A_598 : i32
    %multiple_of3A_600 = tpu.assume_multiple %shift_left3A_599, 128 : i32
    %dma_start3A_601 = arith.constant 1 : i32
    %dma_start3A_602 = arith.constant 15 : i32
    %dma_start3A_603 = arith.constant 0 : i32
    %dma_start3A_604 = arith.constant 0 : i32
    %dma_start3A_605 = tpu.memref_slice %arg6[%dma_start3A_601, %dma_start3A_602, %dma_start3A_603, %dma_start3A_604] : memref<2x16x16x128xf32, #tpu.memory_space<vmem>> -> memref<1x1x16x128xf32, #tpu.memory_space<vmem>>
    %dma_start3A_606 = tpu.memref_squeeze %dma_start3A_605 : memref<1x1x16x128xf32, #tpu.memory_space<vmem>> -> memref<16x128xf32, #tpu.memory_space<vmem>>
    %dma_start3A_607 = tpu.memref_slice %arg2[%multiple_of3A, %multiple_of3A_600] : memref<32x1000000xf32, #tpu.memory_space<hbm>> -> memref<16x128xf32, #tpu.memory_space<hbm>>
    %dma_start3A_608 = arith.constant 0 : i32
    %dma_start3A_609 = arith.constant 0 : i32
    %dma_start3A_610 = tpu.memref_slice %arg6[%dma_start3A_601, %dma_start3A_602, %dma_start3A_608, %dma_start3A_609] : memref<2x16x16x128xf32, #tpu.memory_space<vmem>> -> memref<1x1x16x128xf32, #tpu.memory_space<vmem>>
    %dma_start3A_611 = tpu.memref_squeeze %dma_start3A_610 : memref<1x1x16x128xf32, #tpu.memory_space<vmem>> -> memref<16x128xf32, #tpu.memory_space<vmem>>
    %dma_start3A_612 = tpu.memref_slice %arg2[%multiple_of3A, %multiple_of3A_600] : memref<32x1000000xf32, #tpu.memory_space<hbm>> -> memref<16x128xf32, #tpu.memory_space<hbm>>
    tpu.enqueue_dma source(%dma_start3A_612 : memref<16x128xf32, #tpu.memory_space<hbm>>) target(%dma_start3A_611 : memref<16x128xf32, #tpu.memory_space<vmem>>) target_semaphore(%arg8 : memref<!tpu.dma_semaphore, #tpu.memory_space<semaphore_mem>>)
    %scan3A = arith.constant 0 : i32
    %scan3A_613 = arith.constant 1 : i32
    %scan3A_614 = arith.constant 31 : i32
    %scan3A_615 = arith.addi %scan3A_613, %scan3A_614 : i32
    %scan3A_616 = arith.constant 1 : i32
    scf.for %scan3A_1552 = %scan3A_613 to %scan3A_615 step %scan3A_616  : i32 {
      %mul3A_1553 = arith.constant 2 : i32
      %mul3A_1554 = arith.muli %scan3A_1552, %mul3A_1553 : i32
      %add3A_1555 = arith.constant 0 : i32
      %add3A_1556 = arith.addi %mul3A_1554, %add3A_1555 : i32
      %sub3A = arith.constant 2 : i32
      %sub3A_1557 = arith.subi %add3A_1556, %sub3A : i32
      %dma_wait3A_1558 = arith.constant 0 : i32
      %dma_wait3A_1559 = arith.constant 0 : i32
      %dma_wait3A_1560 = arith.constant 0 : i32
      %dma_wait3A_1561 = arith.constant 0 : i32
      %dma_wait3A_1562 = tpu.memref_slice %arg6[%dma_wait3A_1558, %dma_wait3A_1559, %dma_wait3A_1560, %dma_wait3A_1561] : memref<2x16x16x128xf32, #tpu.memory_space<vmem>> -> memref<1x1x16x128xf32, #tpu.memory_space<vmem>>
      %dma_wait3A_1563 = tpu.memref_squeeze %dma_wait3A_1562 : memref<1x1x16x128xf32, #tpu.memory_space<vmem>> -> memref<16x128xf32, #tpu.memory_space<vmem>>
      %dma_wait3A_1564 = arith.constant 0 : i32
      %dma_wait3A_1565 = arith.constant 0 : i32
      %dma_wait3A_1566 = tpu.memref_slice %arg2[%dma_wait3A_1564, %dma_wait3A_1565] : memref<32x1000000xf32, #tpu.memory_space<hbm>> -> memref<16x128xf32, #tpu.memory_space<hbm>>
      %dma_wait3A_1567 = arith.constant 0 : i32
      %dma_wait3A_1568 = arith.constant 0 : i32
      %dma_wait3A_1569 = tpu.memref_slice %arg6[%dma_wait3A_1558, %dma_wait3A_1559, %dma_wait3A_1567, %dma_wait3A_1568] : memref<2x16x16x128xf32, #tpu.memory_space<vmem>> -> memref<1x1x16x128xf32, #tpu.memory_space<vmem>>
      %dma_wait3A_1570 = tpu.memref_squeeze %dma_wait3A_1569 : memref<1x1x16x128xf32, #tpu.memory_space<vmem>> -> memref<16x128xf32, #tpu.memory_space<vmem>>
      %dma_wait3A_1571 = arith.constant 0 : i32
      %dma_wait3A_1572 = arith.constant 0 : i32
      %dma_wait3A_1573 = tpu.memref_slice %arg2[%dma_wait3A_1571, %dma_wait3A_1572] : memref<32x1000000xf32, #tpu.memory_space<hbm>> -> memref<16x128xf32, #tpu.memory_space<hbm>>
      tpu.wait_dma2 semaphore(%arg8 : memref<!tpu.dma_semaphore, #tpu.memory_space<semaphore_mem>>) src(%dma_wait3A_1573 : memref<16x128xf32, #tpu.memory_space<hbm>>) dst(%dma_wait3A_1570 : memref<16x128xf32, #tpu.memory_space<vmem>>)
      %dma_wait3A_1574 = arith.constant 0 : i32
      %dma_wait3A_1575 = arith.constant 1 : i32
      %dma_wait3A_1576 = arith.constant 0 : i32
      %dma_wait3A_1577 = arith.constant 0 : i32
      %dma_wait3A_1578 = tpu.memref_slice %arg6[%dma_wait3A_1574, %dma_wait3A_1575, %dma_wait3A_1576, %dma_wait3A_1577] : memref<2x16x16x128xf32, #tpu.memory_space<vmem>> -> memref<1x1x16x128xf32, #tpu.memory_space<vmem>>
      %dma_wait3A_1579 = tpu.memref_squeeze %dma_wait3A_1578 : memref<1x1x16x128xf32, #tpu.memory_space<vmem>> -> memref<16x128xf32, #tpu.memory_space<vmem>>
      %dma_wait3A_1580 = arith.constant 0 : i32
      %dma_wait3A_1581 = arith.constant 0 : i32
      %dma_wait3A_1582 = tpu.memref_slice %arg2[%dma_wait3A_1580, %dma_wait3A_1581] : memref<32x1000000xf32, #tpu.memory_space<hbm>> -> memref<16x128xf32, #tpu.memory_space<hbm>>
      %dma_wait3A_1583 = arith.constant 0 : i32
      %dma_wait3A_1584 = arith.constant 0 : i32
      %dma_wait3A_1585 = tpu.memref_slice %arg6[%dma_wait3A_1574, %dma_wait3A_1575, %dma_wait3A_1583, %dma_wait3A_1584] : memref<2x16x16x128xf32, #tpu.memory_space<vmem>> -> memref<1x1x16x128xf32, #tpu.memory_space<vmem>>
      %dma_wait3A_1586 = tpu.memref_squeeze %dma_wait3A_1585 : memref<1x1x16x128xf32, #tpu.memory_space<vmem>> -> memref<16x128xf32, #tpu.memory_space<vmem>>
      %dma_wait3A_1587 = arith.constant 0 : i32
      %dma_wait3A_1588 = arith.constant 0 : i32
      %dma_wait3A_1589 = tpu.memref_slice %arg2[%dma_wait3A_1587, %dma_wait3A_1588] : memref<32x1000000xf32, #tpu.memory_space<hbm>> -> memref<16x128xf32, #tpu.memory_space<hbm>>
      tpu.wait_dma2 semaphore(%arg8 : memref<!tpu.dma_semaphore, #tpu.memory_space<semaphore_mem>>) src(%dma_wait3A_1589 : memref<16x128xf32, #tpu.memory_space<hbm>>) dst(%dma_wait3A_1586 : memref<16x128xf32, #tpu.memory_space<vmem>>)
      %dma_wait3A_1590 = arith.constant 0 : i32
      %dma_wait3A_1591 = arith.constant 2 : i32
      %dma_wait3A_1592 = arith.constant 0 : i32
      %dma_wait3A_1593 = arith.constant 0 : i32
      %dma_wait3A_1594 = tpu.memref_slice %arg6[%dma_wait3A_1590, %dma_wait3A_1591, %dma_wait3A_1592, %dma_wait3A_1593] : memref<2x16x16x128xf32, #tpu.memory_space<vmem>> -> memref<1x1x16x128xf32, #tpu.memory_space<vmem>>
      %dma_wait3A_1595 = tpu.memref_squeeze %dma_wait3A_1594 : memref<1x1x16x128xf32, #tpu.memory_space<vmem>> -> memref<16x128xf32, #tpu.memory_space<vmem>>
      %dma_wait3A_1596 = arith.constant 0 : i32
      %dma_wait3A_1597 = arith.constant 0 : i32
      %dma_wait3A_1598 = tpu.memref_slice %arg2[%dma_wait3A_1596, %dma_wait3A_1597] : memref<32x1000000xf32, #tpu.memory_space<hbm>> -> memref<16x128xf32, #tpu.memory_space<hbm>>
      %dma_wait3A_1599 = arith.constant 0 : i32
      %dma_wait3A_1600 = arith.constant 0 : i32
      %dma_wait3A_1601 = tpu.memref_slice %arg6[%dma_wait3A_1590, %dma_wait3A_1591, %dma_wait3A_1599, %dma_wait3A_1600] : memref<2x16x16x128xf32, #tpu.memory_space<vmem>> -> memref<1x1x16x128xf32, #tpu.memory_space<vmem>>
      %dma_wait3A_1602 = tpu.memref_squeeze %dma_wait3A_1601 : memref<1x1x16x128xf32, #tpu.memory_space<vmem>> -> memref<16x128xf32, #tpu.memory_space<vmem>>
      %dma_wait3A_1603 = arith.constant 0 : i32
      %dma_wait3A_1604 = arith.constant 0 : i32
      %dma_wait3A_1605 = tpu.memref_slice %arg2[%dma_wait3A_1603, %dma_wait3A_1604] : memref<32x1000000xf32, #tpu.memory_space<hbm>> -> memref<16x128xf32, #tpu.memory_space<hbm>>
      tpu.wait_dma2 semaphore(%arg8 : memref<!tpu.dma_semaphore, #tpu.memory_space<semaphore_mem>>) src(%dma_wait3A_1605 : memref<16x128xf32, #tpu.memory_space<hbm>>) dst(%dma_wait3A_1602 : memref<16x128xf32, #tpu.memory_space<vmem>>)
      %dma_wait3A_1606 = arith.constant 0 : i32
      %dma_wait3A_1607 = arith.constant 3 : i32
      %dma_wait3A_1608 = arith.constant 0 : i32
      %dma_wait3A_1609 = arith.constant 0 : i32
      %dma_wait3A_1610 = tpu.memref_slice %arg6[%dma_wait3A_1606, %dma_wait3A_1607, %dma_wait3A_1608, %dma_wait3A_1609] : memref<2x16x16x128xf32, #tpu.memory_space<vmem>> -> memref<1x1x16x128xf32, #tpu.memory_space<vmem>>
      %dma_wait3A_1611 = tpu.memref_squeeze %dma_wait3A_1610 : memref<1x1x16x128xf32, #tpu.memory_space<vmem>> -> memref<16x128xf32, #tpu.memory_space<vmem>>
      %dma_wait3A_1612 = arith.constant 0 : i32
      %dma_wait3A_1613 = arith.constant 0 : i32
      %dma_wait3A_1614 = tpu.memref_slice %arg2[%dma_wait3A_1612, %dma_wait3A_1613] : memref<32x1000000xf32, #tpu.memory_space<hbm>> -> memref<16x128xf32, #tpu.memory_space<hbm>>
      %dma_wait3A_1615 = arith.constant 0 : i32
      %dma_wait3A_1616 = arith.constant 0 : i32
      %dma_wait3A_1617 = tpu.memref_slice %arg6[%dma_wait3A_1606, %dma_wait3A_1607, %dma_wait3A_1615, %dma_wait3A_1616] : memref<2x16x16x128xf32, #tpu.memory_space<vmem>> -> memref<1x1x16x128xf32, #tpu.memory_space<vmem>>
      %dma_wait3A_1618 = tpu.memref_squeeze %dma_wait3A_1617 : memref<1x1x16x128xf32, #tpu.memory_space<vmem>> -> memref<16x128xf32, #tpu.memory_space<vmem>>
      %dma_wait3A_1619 = arith.constant 0 : i32
      %dma_wait3A_1620 = arith.constant 0 : i32
      %dma_wait3A_1621 = tpu.memref_slice %arg2[%dma_wait3A_1619, %dma_wait3A_1620] : memref<32x1000000xf32, #tpu.memory_space<hbm>> -> memref<16x128xf32, #tpu.memory_space<hbm>>
      tpu.wait_dma2 semaphore(%arg8 : memref<!tpu.dma_semaphore, #tpu.memory_space<semaphore_mem>>) src(%dma_wait3A_1621 : memref<16x128xf32, #tpu.memory_space<hbm>>) dst(%dma_wait3A_1618 : memref<16x128xf32, #tpu.memory_space<vmem>>)
      %dma_wait3A_1622 = arith.constant 0 : i32
      %dma_wait3A_1623 = arith.constant 4 : i32
      %dma_wait3A_1624 = arith.constant 0 : i32
      %dma_wait3A_1625 = arith.constant 0 : i32
      %dma_wait3A_1626 = tpu.memref_slice %arg6[%dma_wait3A_1622, %dma_wait3A_1623, %dma_wait3A_1624, %dma_wait3A_1625] : memref<2x16x16x128xf32, #tpu.memory_space<vmem>> -> memref<1x1x16x128xf32, #tpu.memory_space<vmem>>
      %dma_wait3A_1627 = tpu.memref_squeeze %dma_wait3A_1626 : memref<1x1x16x128xf32, #tpu.memory_space<vmem>> -> memref<16x128xf32, #tpu.memory_space<vmem>>
      %dma_wait3A_1628 = arith.constant 0 : i32
      %dma_wait3A_1629 = arith.constant 0 : i32
      %dma_wait3A_1630 = tpu.memref_slice %arg2[%dma_wait3A_1628, %dma_wait3A_1629] : memref<32x1000000xf32, #tpu.memory_space<hbm>> -> memref<16x128xf32, #tpu.memory_space<hbm>>
      %dma_wait3A_1631 = arith.constant 0 : i32
      %dma_wait3A_1632 = arith.constant 0 : i32
      %dma_wait3A_1633 = tpu.memref_slice %arg6[%dma_wait3A_1622, %dma_wait3A_1623, %dma_wait3A_1631, %dma_wait3A_1632] : memref<2x16x16x128xf32, #tpu.memory_space<vmem>> -> memref<1x1x16x128xf32, #tpu.memory_space<vmem>>
      %dma_wait3A_1634 = tpu.memref_squeeze %dma_wait3A_1633 : memref<1x1x16x128xf32, #tpu.memory_space<vmem>> -> memref<16x128xf32, #tpu.memory_space<vmem>>
      %dma_wait3A_1635 = arith.constant 0 : i32
      %dma_wait3A_1636 = arith.constant 0 : i32
      %dma_wait3A_1637 = tpu.memref_slice %arg2[%dma_wait3A_1635, %dma_wait3A_1636] : memref<32x1000000xf32, #tpu.memory_space<hbm>> -> memref<16x128xf32, #tpu.memory_space<hbm>>
      tpu.wait_dma2 semaphore(%arg8 : memref<!tpu.dma_semaphore, #tpu.memory_space<semaphore_mem>>) src(%dma_wait3A_1637 : memref<16x128xf32, #tpu.memory_space<hbm>>) dst(%dma_wait3A_1634 : memref<16x128xf32, #tpu.memory_space<vmem>>)
      %dma_wait3A_1638 = arith.constant 0 : i32
      %dma_wait3A_1639 = arith.constant 5 : i32
      %dma_wait3A_1640 = arith.constant 0 : i32
      %dma_wait3A_1641 = arith.constant 0 : i32
      %dma_wait3A_1642 = tpu.memref_slice %arg6[%dma_wait3A_1638, %dma_wait3A_1639, %dma_wait3A_1640, %dma_wait3A_1641] : memref<2x16x16x128xf32, #tpu.memory_space<vmem>> -> memref<1x1x16x128xf32, #tpu.memory_space<vmem>>
      %dma_wait3A_1643 = tpu.memref_squeeze %dma_wait3A_1642 : memref<1x1x16x128xf32, #tpu.memory_space<vmem>> -> memref<16x128xf32, #tpu.memory_space<vmem>>
      %dma_wait3A_1644 = arith.constant 0 : i32
      %dma_wait3A_1645 = arith.constant 0 : i32
      %dma_wait3A_1646 = tpu.memref_slice %arg2[%dma_wait3A_1644, %dma_wait3A_1645] : memref<32x1000000xf32, #tpu.memory_space<hbm>> -> memref<16x128xf32, #tpu.memory_space<hbm>>
      %dma_wait3A_1647 = arith.constant 0 : i32
      %dma_wait3A_1648 = arith.constant 0 : i32
      %dma_wait3A_1649 = tpu.memref_slice %arg6[%dma_wait3A_1638, %dma_wait3A_1639, %dma_wait3A_1647, %dma_wait3A_1648] : memref<2x16x16x128xf32, #tpu.memory_space<vmem>> -> memref<1x1x16x128xf32, #tpu.memory_space<vmem>>
      %dma_wait3A_1650 = tpu.memref_squeeze %dma_wait3A_1649 : memref<1x1x16x128xf32, #tpu.memory_space<vmem>> -> memref<16x128xf32, #tpu.memory_space<vmem>>
      %dma_wait3A_1651 = arith.constant 0 : i32
      %dma_wait3A_1652 = arith.constant 0 : i32
      %dma_wait3A_1653 = tpu.memref_slice %arg2[%dma_wait3A_1651, %dma_wait3A_1652] : memref<32x1000000xf32, #tpu.memory_space<hbm>> -> memref<16x128xf32, #tpu.memory_space<hbm>>
      tpu.wait_dma2 semaphore(%arg8 : memref<!tpu.dma_semaphore, #tpu.memory_space<semaphore_mem>>) src(%dma_wait3A_1653 : memref<16x128xf32, #tpu.memory_space<hbm>>) dst(%dma_wait3A_1650 : memref<16x128xf32, #tpu.memory_space<vmem>>)
      %dma_wait3A_1654 = arith.constant 0 : i32
      %dma_wait3A_1655 = arith.constant 6 : i32
      %dma_wait3A_1656 = arith.constant 0 : i32
      %dma_wait3A_1657 = arith.constant 0 : i32
      %dma_wait3A_1658 = tpu.memref_slice %arg6[%dma_wait3A_1654, %dma_wait3A_1655, %dma_wait3A_1656, %dma_wait3A_1657] : memref<2x16x16x128xf32, #tpu.memory_space<vmem>> -> memref<1x1x16x128xf32, #tpu.memory_space<vmem>>
      %dma_wait3A_1659 = tpu.memref_squeeze %dma_wait3A_1658 : memref<1x1x16x128xf32, #tpu.memory_space<vmem>> -> memref<16x128xf32, #tpu.memory_space<vmem>>
      %dma_wait3A_1660 = arith.constant 0 : i32
      %dma_wait3A_1661 = arith.constant 0 : i32
      %dma_wait3A_1662 = tpu.memref_slice %arg2[%dma_wait3A_1660, %dma_wait3A_1661] : memref<32x1000000xf32, #tpu.memory_space<hbm>> -> memref<16x128xf32, #tpu.memory_space<hbm>>
      %dma_wait3A_1663 = arith.constant 0 : i32
      %dma_wait3A_1664 = arith.constant 0 : i32
      %dma_wait3A_1665 = tpu.memref_slice %arg6[%dma_wait3A_1654, %dma_wait3A_1655, %dma_wait3A_1663, %dma_wait3A_1664] : memref<2x16x16x128xf32, #tpu.memory_space<vmem>> -> memref<1x1x16x128xf32, #tpu.memory_space<vmem>>
      %dma_wait3A_1666 = tpu.memref_squeeze %dma_wait3A_1665 : memref<1x1x16x128xf32, #tpu.memory_space<vmem>> -> memref<16x128xf32, #tpu.memory_space<vmem>>
      %dma_wait3A_1667 = arith.constant 0 : i32
      %dma_wait3A_1668 = arith.constant 0 : i32
      %dma_wait3A_1669 = tpu.memref_slice %arg2[%dma_wait3A_1667, %dma_wait3A_1668] : memref<32x1000000xf32, #tpu.memory_space<hbm>> -> memref<16x128xf32, #tpu.memory_space<hbm>>
      tpu.wait_dma2 semaphore(%arg8 : memref<!tpu.dma_semaphore, #tpu.memory_space<semaphore_mem>>) src(%dma_wait3A_1669 : memref<16x128xf32, #tpu.memory_space<hbm>>) dst(%dma_wait3A_1666 : memref<16x128xf32, #tpu.memory_space<vmem>>)
      %dma_wait3A_1670 = arith.constant 0 : i32
      %dma_wait3A_1671 = arith.constant 7 : i32
      %dma_wait3A_1672 = arith.constant 0 : i32
      %dma_wait3A_1673 = arith.constant 0 : i32
      %dma_wait3A_1674 = tpu.memref_slice %arg6[%dma_wait3A_1670, %dma_wait3A_1671, %dma_wait3A_1672, %dma_wait3A_1673] : memref<2x16x16x128xf32, #tpu.memory_space<vmem>> -> memref<1x1x16x128xf32, #tpu.memory_space<vmem>>
      %dma_wait3A_1675 = tpu.memref_squeeze %dma_wait3A_1674 : memref<1x1x16x128xf32, #tpu.memory_space<vmem>> -> memref<16x128xf32, #tpu.memory_space<vmem>>
      %dma_wait3A_1676 = arith.constant 0 : i32
      %dma_wait3A_1677 = arith.constant 0 : i32
      %dma_wait3A_1678 = tpu.memref_slice %arg2[%dma_wait3A_1676, %dma_wait3A_1677] : memref<32x1000000xf32, #tpu.memory_space<hbm>> -> memref<16x128xf32, #tpu.memory_space<hbm>>
      %dma_wait3A_1679 = arith.constant 0 : i32
      %dma_wait3A_1680 = arith.constant 0 : i32
      %dma_wait3A_1681 = tpu.memref_slice %arg6[%dma_wait3A_1670, %dma_wait3A_1671, %dma_wait3A_1679, %dma_wait3A_1680] : memref<2x16x16x128xf32, #tpu.memory_space<vmem>> -> memref<1x1x16x128xf32, #tpu.memory_space<vmem>>
      %dma_wait3A_1682 = tpu.memref_squeeze %dma_wait3A_1681 : memref<1x1x16x128xf32, #tpu.memory_space<vmem>> -> memref<16x128xf32, #tpu.memory_space<vmem>>
      %dma_wait3A_1683 = arith.constant 0 : i32
      %dma_wait3A_1684 = arith.constant 0 : i32
      %dma_wait3A_1685 = tpu.memref_slice %arg2[%dma_wait3A_1683, %dma_wait3A_1684] : memref<32x1000000xf32, #tpu.memory_space<hbm>> -> memref<16x128xf32, #tpu.memory_space<hbm>>
      tpu.wait_dma2 semaphore(%arg8 : memref<!tpu.dma_semaphore, #tpu.memory_space<semaphore_mem>>) src(%dma_wait3A_1685 : memref<16x128xf32, #tpu.memory_space<hbm>>) dst(%dma_wait3A_1682 : memref<16x128xf32, #tpu.memory_space<vmem>>)
      %dma_wait3A_1686 = arith.constant 0 : i32
      %dma_wait3A_1687 = arith.constant 8 : i32
      %dma_wait3A_1688 = arith.constant 0 : i32
      %dma_wait3A_1689 = arith.constant 0 : i32
      %dma_wait3A_1690 = tpu.memref_slice %arg6[%dma_wait3A_1686, %dma_wait3A_1687, %dma_wait3A_1688, %dma_wait3A_1689] : memref<2x16x16x128xf32, #tpu.memory_space<vmem>> -> memref<1x1x16x128xf32, #tpu.memory_space<vmem>>
      %dma_wait3A_1691 = tpu.memref_squeeze %dma_wait3A_1690 : memref<1x1x16x128xf32, #tpu.memory_space<vmem>> -> memref<16x128xf32, #tpu.memory_space<vmem>>
      %dma_wait3A_1692 = arith.constant 0 : i32
      %dma_wait3A_1693 = arith.constant 0 : i32
      %dma_wait3A_1694 = tpu.memref_slice %arg2[%dma_wait3A_1692, %dma_wait3A_1693] : memref<32x1000000xf32, #tpu.memory_space<hbm>> -> memref<16x128xf32, #tpu.memory_space<hbm>>
      %dma_wait3A_1695 = arith.constant 0 : i32
      %dma_wait3A_1696 = arith.constant 0 : i32
      %dma_wait3A_1697 = tpu.memref_slice %arg6[%dma_wait3A_1686, %dma_wait3A_1687, %dma_wait3A_1695, %dma_wait3A_1696] : memref<2x16x16x128xf32, #tpu.memory_space<vmem>> -> memref<1x1x16x128xf32, #tpu.memory_space<vmem>>
      %dma_wait3A_1698 = tpu.memref_squeeze %dma_wait3A_1697 : memref<1x1x16x128xf32, #tpu.memory_space<vmem>> -> memref<16x128xf32, #tpu.memory_space<vmem>>
      %dma_wait3A_1699 = arith.constant 0 : i32
      %dma_wait3A_1700 = arith.constant 0 : i32
      %dma_wait3A_1701 = tpu.memref_slice %arg2[%dma_wait3A_1699, %dma_wait3A_1700] : memref<32x1000000xf32, #tpu.memory_space<hbm>> -> memref<16x128xf32, #tpu.memory_space<hbm>>
      tpu.wait_dma2 semaphore(%arg8 : memref<!tpu.dma_semaphore, #tpu.memory_space<semaphore_mem>>) src(%dma_wait3A_1701 : memref<16x128xf32, #tpu.memory_space<hbm>>) dst(%dma_wait3A_1698 : memref<16x128xf32, #tpu.memory_space<vmem>>)
      %dma_wait3A_1702 = arith.constant 0 : i32
      %dma_wait3A_1703 = arith.constant 9 : i32
      %dma_wait3A_1704 = arith.constant 0 : i32
      %dma_wait3A_1705 = arith.constant 0 : i32
      %dma_wait3A_1706 = tpu.memref_slice %arg6[%dma_wait3A_1702, %dma_wait3A_1703, %dma_wait3A_1704, %dma_wait3A_1705] : memref<2x16x16x128xf32, #tpu.memory_space<vmem>> -> memref<1x1x16x128xf32, #tpu.memory_space<vmem>>
      %dma_wait3A_1707 = tpu.memref_squeeze %dma_wait3A_1706 : memref<1x1x16x128xf32, #tpu.memory_space<vmem>> -> memref<16x128xf32, #tpu.memory_space<vmem>>
      %dma_wait3A_1708 = arith.constant 0 : i32
      %dma_wait3A_1709 = arith.constant 0 : i32
      %dma_wait3A_1710 = tpu.memref_slice %arg2[%dma_wait3A_1708, %dma_wait3A_1709] : memref<32x1000000xf32, #tpu.memory_space<hbm>> -> memref<16x128xf32, #tpu.memory_space<hbm>>
      %dma_wait3A_1711 = arith.constant 0 : i32
      %dma_wait3A_1712 = arith.constant 0 : i32
      %dma_wait3A_1713 = tpu.memref_slice %arg6[%dma_wait3A_1702, %dma_wait3A_1703, %dma_wait3A_1711, %dma_wait3A_1712] : memref<2x16x16x128xf32, #tpu.memory_space<vmem>> -> memref<1x1x16x128xf32, #tpu.memory_space<vmem>>
      %dma_wait3A_1714 = tpu.memref_squeeze %dma_wait3A_1713 : memref<1x1x16x128xf32, #tpu.memory_space<vmem>> -> memref<16x128xf32, #tpu.memory_space<vmem>>
      %dma_wait3A_1715 = arith.constant 0 : i32
      %dma_wait3A_1716 = arith.constant 0 : i32
      %dma_wait3A_1717 = tpu.memref_slice %arg2[%dma_wait3A_1715, %dma_wait3A_1716] : memref<32x1000000xf32, #tpu.memory_space<hbm>> -> memref<16x128xf32, #tpu.memory_space<hbm>>
      tpu.wait_dma2 semaphore(%arg8 : memref<!tpu.dma_semaphore, #tpu.memory_space<semaphore_mem>>) src(%dma_wait3A_1717 : memref<16x128xf32, #tpu.memory_space<hbm>>) dst(%dma_wait3A_1714 : memref<16x128xf32, #tpu.memory_space<vmem>>)
      %dma_wait3A_1718 = arith.constant 0 : i32
      %dma_wait3A_1719 = arith.constant 10 : i32
      %dma_wait3A_1720 = arith.constant 0 : i32
      %dma_wait3A_1721 = arith.constant 0 : i32
      %dma_wait3A_1722 = tpu.memref_slice %arg6[%dma_wait3A_1718, %dma_wait3A_1719, %dma_wait3A_1720, %dma_wait3A_1721] : memref<2x16x16x128xf32, #tpu.memory_space<vmem>> -> memref<1x1x16x128xf32, #tpu.memory_space<vmem>>
      %dma_wait3A_1723 = tpu.memref_squeeze %dma_wait3A_1722 : memref<1x1x16x128xf32, #tpu.memory_space<vmem>> -> memref<16x128xf32, #tpu.memory_space<vmem>>
      %dma_wait3A_1724 = arith.constant 0 : i32
      %dma_wait3A_1725 = arith.constant 0 : i32
      %dma_wait3A_1726 = tpu.memref_slice %arg2[%dma_wait3A_1724, %dma_wait3A_1725] : memref<32x1000000xf32, #tpu.memory_space<hbm>> -> memref<16x128xf32, #tpu.memory_space<hbm>>
      %dma_wait3A_1727 = arith.constant 0 : i32
      %dma_wait3A_1728 = arith.constant 0 : i32
      %dma_wait3A_1729 = tpu.memref_slice %arg6[%dma_wait3A_1718, %dma_wait3A_1719, %dma_wait3A_1727, %dma_wait3A_1728] : memref<2x16x16x128xf32, #tpu.memory_space<vmem>> -> memref<1x1x16x128xf32, #tpu.memory_space<vmem>>
      %dma_wait3A_1730 = tpu.memref_squeeze %dma_wait3A_1729 : memref<1x1x16x128xf32, #tpu.memory_space<vmem>> -> memref<16x128xf32, #tpu.memory_space<vmem>>
      %dma_wait3A_1731 = arith.constant 0 : i32
      %dma_wait3A_1732 = arith.constant 0 : i32
      %dma_wait3A_1733 = tpu.memref_slice %arg2[%dma_wait3A_1731, %dma_wait3A_1732] : memref<32x1000000xf32, #tpu.memory_space<hbm>> -> memref<16x128xf32, #tpu.memory_space<hbm>>
      tpu.wait_dma2 semaphore(%arg8 : memref<!tpu.dma_semaphore, #tpu.memory_space<semaphore_mem>>) src(%dma_wait3A_1733 : memref<16x128xf32, #tpu.memory_space<hbm>>) dst(%dma_wait3A_1730 : memref<16x128xf32, #tpu.memory_space<vmem>>)
      %dma_wait3A_1734 = arith.constant 0 : i32
      %dma_wait3A_1735 = arith.constant 11 : i32
      %dma_wait3A_1736 = arith.constant 0 : i32
      %dma_wait3A_1737 = arith.constant 0 : i32
      %dma_wait3A_1738 = tpu.memref_slice %arg6[%dma_wait3A_1734, %dma_wait3A_1735, %dma_wait3A_1736, %dma_wait3A_1737] : memref<2x16x16x128xf32, #tpu.memory_space<vmem>> -> memref<1x1x16x128xf32, #tpu.memory_space<vmem>>
      %dma_wait3A_1739 = tpu.memref_squeeze %dma_wait3A_1738 : memref<1x1x16x128xf32, #tpu.memory_space<vmem>> -> memref<16x128xf32, #tpu.memory_space<vmem>>
      %dma_wait3A_1740 = arith.constant 0 : i32
      %dma_wait3A_1741 = arith.constant 0 : i32
      %dma_wait3A_1742 = tpu.memref_slice %arg2[%dma_wait3A_1740, %dma_wait3A_1741] : memref<32x1000000xf32, #tpu.memory_space<hbm>> -> memref<16x128xf32, #tpu.memory_space<hbm>>
      %dma_wait3A_1743 = arith.constant 0 : i32
      %dma_wait3A_1744 = arith.constant 0 : i32
      %dma_wait3A_1745 = tpu.memref_slice %arg6[%dma_wait3A_1734, %dma_wait3A_1735, %dma_wait3A_1743, %dma_wait3A_1744] : memref<2x16x16x128xf32, #tpu.memory_space<vmem>> -> memref<1x1x16x128xf32, #tpu.memory_space<vmem>>
      %dma_wait3A_1746 = tpu.memref_squeeze %dma_wait3A_1745 : memref<1x1x16x128xf32, #tpu.memory_space<vmem>> -> memref<16x128xf32, #tpu.memory_space<vmem>>
      %dma_wait3A_1747 = arith.constant 0 : i32
      %dma_wait3A_1748 = arith.constant 0 : i32
      %dma_wait3A_1749 = tpu.memref_slice %arg2[%dma_wait3A_1747, %dma_wait3A_1748] : memref<32x1000000xf32, #tpu.memory_space<hbm>> -> memref<16x128xf32, #tpu.memory_space<hbm>>
      tpu.wait_dma2 semaphore(%arg8 : memref<!tpu.dma_semaphore, #tpu.memory_space<semaphore_mem>>) src(%dma_wait3A_1749 : memref<16x128xf32, #tpu.memory_space<hbm>>) dst(%dma_wait3A_1746 : memref<16x128xf32, #tpu.memory_space<vmem>>)
      %dma_wait3A_1750 = arith.constant 0 : i32
      %dma_wait3A_1751 = arith.constant 12 : i32
      %dma_wait3A_1752 = arith.constant 0 : i32
      %dma_wait3A_1753 = arith.constant 0 : i32
      %dma_wait3A_1754 = tpu.memref_slice %arg6[%dma_wait3A_1750, %dma_wait3A_1751, %dma_wait3A_1752, %dma_wait3A_1753] : memref<2x16x16x128xf32, #tpu.memory_space<vmem>> -> memref<1x1x16x128xf32, #tpu.memory_space<vmem>>
      %dma_wait3A_1755 = tpu.memref_squeeze %dma_wait3A_1754 : memref<1x1x16x128xf32, #tpu.memory_space<vmem>> -> memref<16x128xf32, #tpu.memory_space<vmem>>
      %dma_wait3A_1756 = arith.constant 0 : i32
      %dma_wait3A_1757 = arith.constant 0 : i32
      %dma_wait3A_1758 = tpu.memref_slice %arg2[%dma_wait3A_1756, %dma_wait3A_1757] : memref<32x1000000xf32, #tpu.memory_space<hbm>> -> memref<16x128xf32, #tpu.memory_space<hbm>>
      %dma_wait3A_1759 = arith.constant 0 : i32
      %dma_wait3A_1760 = arith.constant 0 : i32
      %dma_wait3A_1761 = tpu.memref_slice %arg6[%dma_wait3A_1750, %dma_wait3A_1751, %dma_wait3A_1759, %dma_wait3A_1760] : memref<2x16x16x128xf32, #tpu.memory_space<vmem>> -> memref<1x1x16x128xf32, #tpu.memory_space<vmem>>
      %dma_wait3A_1762 = tpu.memref_squeeze %dma_wait3A_1761 : memref<1x1x16x128xf32, #tpu.memory_space<vmem>> -> memref<16x128xf32, #tpu.memory_space<vmem>>
      %dma_wait3A_1763 = arith.constant 0 : i32
      %dma_wait3A_1764 = arith.constant 0 : i32
      %dma_wait3A_1765 = tpu.memref_slice %arg2[%dma_wait3A_1763, %dma_wait3A_1764] : memref<32x1000000xf32, #tpu.memory_space<hbm>> -> memref<16x128xf32, #tpu.memory_space<hbm>>
      tpu.wait_dma2 semaphore(%arg8 : memref<!tpu.dma_semaphore, #tpu.memory_space<semaphore_mem>>) src(%dma_wait3A_1765 : memref<16x128xf32, #tpu.memory_space<hbm>>) dst(%dma_wait3A_1762 : memref<16x128xf32, #tpu.memory_space<vmem>>)
      %dma_wait3A_1766 = arith.constant 0 : i32
      %dma_wait3A_1767 = arith.constant 13 : i32
      %dma_wait3A_1768 = arith.constant 0 : i32
      %dma_wait3A_1769 = arith.constant 0 : i32
      %dma_wait3A_1770 = tpu.memref_slice %arg6[%dma_wait3A_1766, %dma_wait3A_1767, %dma_wait3A_1768, %dma_wait3A_1769] : memref<2x16x16x128xf32, #tpu.memory_space<vmem>> -> memref<1x1x16x128xf32, #tpu.memory_space<vmem>>
      %dma_wait3A_1771 = tpu.memref_squeeze %dma_wait3A_1770 : memref<1x1x16x128xf32, #tpu.memory_space<vmem>> -> memref<16x128xf32, #tpu.memory_space<vmem>>
      %dma_wait3A_1772 = arith.constant 0 : i32
      %dma_wait3A_1773 = arith.constant 0 : i32
      %dma_wait3A_1774 = tpu.memref_slice %arg2[%dma_wait3A_1772, %dma_wait3A_1773] : memref<32x1000000xf32, #tpu.memory_space<hbm>> -> memref<16x128xf32, #tpu.memory_space<hbm>>
      %dma_wait3A_1775 = arith.constant 0 : i32
      %dma_wait3A_1776 = arith.constant 0 : i32
      %dma_wait3A_1777 = tpu.memref_slice %arg6[%dma_wait3A_1766, %dma_wait3A_1767, %dma_wait3A_1775, %dma_wait3A_1776] : memref<2x16x16x128xf32, #tpu.memory_space<vmem>> -> memref<1x1x16x128xf32, #tpu.memory_space<vmem>>
      %dma_wait3A_1778 = tpu.memref_squeeze %dma_wait3A_1777 : memref<1x1x16x128xf32, #tpu.memory_space<vmem>> -> memref<16x128xf32, #tpu.memory_space<vmem>>
      %dma_wait3A_1779 = arith.constant 0 : i32
      %dma_wait3A_1780 = arith.constant 0 : i32
      %dma_wait3A_1781 = tpu.memref_slice %arg2[%dma_wait3A_1779, %dma_wait3A_1780] : memref<32x1000000xf32, #tpu.memory_space<hbm>> -> memref<16x128xf32, #tpu.memory_space<hbm>>
      tpu.wait_dma2 semaphore(%arg8 : memref<!tpu.dma_semaphore, #tpu.memory_space<semaphore_mem>>) src(%dma_wait3A_1781 : memref<16x128xf32, #tpu.memory_space<hbm>>) dst(%dma_wait3A_1778 : memref<16x128xf32, #tpu.memory_space<vmem>>)
      %dma_wait3A_1782 = arith.constant 0 : i32
      %dma_wait3A_1783 = arith.constant 14 : i32
      %dma_wait3A_1784 = arith.constant 0 : i32
      %dma_wait3A_1785 = arith.constant 0 : i32
      %dma_wait3A_1786 = tpu.memref_slice %arg6[%dma_wait3A_1782, %dma_wait3A_1783, %dma_wait3A_1784, %dma_wait3A_1785] : memref<2x16x16x128xf32, #tpu.memory_space<vmem>> -> memref<1x1x16x128xf32, #tpu.memory_space<vmem>>
      %dma_wait3A_1787 = tpu.memref_squeeze %dma_wait3A_1786 : memref<1x1x16x128xf32, #tpu.memory_space<vmem>> -> memref<16x128xf32, #tpu.memory_space<vmem>>
      %dma_wait3A_1788 = arith.constant 0 : i32
      %dma_wait3A_1789 = arith.constant 0 : i32
      %dma_wait3A_1790 = tpu.memref_slice %arg2[%dma_wait3A_1788, %dma_wait3A_1789] : memref<32x1000000xf32, #tpu.memory_space<hbm>> -> memref<16x128xf32, #tpu.memory_space<hbm>>
      %dma_wait3A_1791 = arith.constant 0 : i32
      %dma_wait3A_1792 = arith.constant 0 : i32
      %dma_wait3A_1793 = tpu.memref_slice %arg6[%dma_wait3A_1782, %dma_wait3A_1783, %dma_wait3A_1791, %dma_wait3A_1792] : memref<2x16x16x128xf32, #tpu.memory_space<vmem>> -> memref<1x1x16x128xf32, #tpu.memory_space<vmem>>
      %dma_wait3A_1794 = tpu.memref_squeeze %dma_wait3A_1793 : memref<1x1x16x128xf32, #tpu.memory_space<vmem>> -> memref<16x128xf32, #tpu.memory_space<vmem>>
      %dma_wait3A_1795 = arith.constant 0 : i32
      %dma_wait3A_1796 = arith.constant 0 : i32
      %dma_wait3A_1797 = tpu.memref_slice %arg2[%dma_wait3A_1795, %dma_wait3A_1796] : memref<32x1000000xf32, #tpu.memory_space<hbm>> -> memref<16x128xf32, #tpu.memory_space<hbm>>
      tpu.wait_dma2 semaphore(%arg8 : memref<!tpu.dma_semaphore, #tpu.memory_space<semaphore_mem>>) src(%dma_wait3A_1797 : memref<16x128xf32, #tpu.memory_space<hbm>>) dst(%dma_wait3A_1794 : memref<16x128xf32, #tpu.memory_space<vmem>>)
      %dma_wait3A_1798 = arith.constant 0 : i32
      %dma_wait3A_1799 = arith.constant 15 : i32
      %dma_wait3A_1800 = arith.constant 0 : i32
      %dma_wait3A_1801 = arith.constant 0 : i32
      %dma_wait3A_1802 = tpu.memref_slice %arg6[%dma_wait3A_1798, %dma_wait3A_1799, %dma_wait3A_1800, %dma_wait3A_1801] : memref<2x16x16x128xf32, #tpu.memory_space<vmem>> -> memref<1x1x16x128xf32, #tpu.memory_space<vmem>>
      %dma_wait3A_1803 = tpu.memref_squeeze %dma_wait3A_1802 : memref<1x1x16x128xf32, #tpu.memory_space<vmem>> -> memref<16x128xf32, #tpu.memory_space<vmem>>
      %dma_wait3A_1804 = arith.constant 0 : i32
      %dma_wait3A_1805 = arith.constant 0 : i32
      %dma_wait3A_1806 = tpu.memref_slice %arg2[%dma_wait3A_1804, %dma_wait3A_1805] : memref<32x1000000xf32, #tpu.memory_space<hbm>> -> memref<16x128xf32, #tpu.memory_space<hbm>>
      %dma_wait3A_1807 = arith.constant 0 : i32
      %dma_wait3A_1808 = arith.constant 0 : i32
      %dma_wait3A_1809 = tpu.memref_slice %arg6[%dma_wait3A_1798, %dma_wait3A_1799, %dma_wait3A_1807, %dma_wait3A_1808] : memref<2x16x16x128xf32, #tpu.memory_space<vmem>> -> memref<1x1x16x128xf32, #tpu.memory_space<vmem>>
      %dma_wait3A_1810 = tpu.memref_squeeze %dma_wait3A_1809 : memref<1x1x16x128xf32, #tpu.memory_space<vmem>> -> memref<16x128xf32, #tpu.memory_space<vmem>>
      %dma_wait3A_1811 = arith.constant 0 : i32
      %dma_wait3A_1812 = arith.constant 0 : i32
      %dma_wait3A_1813 = tpu.memref_slice %arg2[%dma_wait3A_1811, %dma_wait3A_1812] : memref<32x1000000xf32, #tpu.memory_space<hbm>> -> memref<16x128xf32, #tpu.memory_space<hbm>>
      tpu.wait_dma2 semaphore(%arg8 : memref<!tpu.dma_semaphore, #tpu.memory_space<semaphore_mem>>) src(%dma_wait3A_1813 : memref<16x128xf32, #tpu.memory_space<hbm>>) dst(%dma_wait3A_1810 : memref<16x128xf32, #tpu.memory_space<vmem>>)
      %mul3A_1814 = arith.constant 16 : i32
      %mul3A_1815 = arith.muli %sub3A_1557, %mul3A_1814 : i32
      %get3A_1816 = arith.index_cast %mul3A_1815 : i32 to index
      %get3A_1817 = tpu.vector_load %arg5[%get3A_1816] {strides = array<i32>} : memref<1024xi32, #tpu.memory_space<vmem>>, vector<16xi32>,
      %and3A_1818 = arith.constant 127 : i32
      %and3A_1819 = vector.broadcast %and3A_1818 : i32 to vector<16xi32>
      %and3A_1820 = arith.andi %get3A_1817, %and3A_1819 : vector<16xi32>
      %broadcast_in_dim3A_1821 = arith.constant 0 : i32
      %broadcast_in_dim3A_1822 = vector.broadcast %broadcast_in_dim3A_1821 : i32 to vector<16xi32>
      %gather3A_1823 = arith.constant 0 : i32
      %gather3A_1824 = arith.constant 0 : i32
      %gather3A_1825 = arith.constant 0 : i32
      %gather3A_1826 = arith.constant 0 : i32
      %gather3A_1827 = tpu.memref_slice %arg6[%gather3A_1823, %gather3A_1824, %gather3A_1825, %gather3A_1826] : memref<2x16x16x128xf32, #tpu.memory_space<vmem>> -> memref<1x16x16x128xf32, #tpu.memory_space<vmem>>
      %gather3A_1828 = tpu.memref_squeeze %gather3A_1827 : memref<1x16x16x128xf32, #tpu.memory_space<vmem>> -> memref<16x16x128xf32, #tpu.memory_space<vmem>>
      %gather3A_1829 = tpu.vector_load_idx %gather3A_1828[%iota3A, %broadcast_in_dim3A_1822, %and3A_1820] : memref<16x16x128xf32, #tpu.memory_space<vmem>>[vector<16xi32>, vector<16xi32>, vector<16xi32>], vector<16xf32>,
      %mul3A_1830 = arith.constant 16 : i32
      %mul3A_1831 = arith.muli %sub3A_1557, %mul3A_1830 : i32
      %swap3A_1832 = arith.constant 0 : i32
      %swap3A_1833 = arith.index_cast %swap3A_1832 : i32 to index
      %swap3A_1834 = arith.index_cast %mul3A_1831 : i32 to index
      %swap3A_1835 = tpu.vector_load %arg7[%swap3A_1833, %swap3A_1834] {strides = array<i32>} : memref<16x1024xf32, #tpu.memory_space<vmem>>, vector<16xf32>,
      tpu.vector_store %arg7[%swap3A_1833, %swap3A_1834], %gather3A_1829 {strides = array<i32>} : memref<16x1024xf32, #tpu.memory_space<vmem>>, vector<16xf32>,
      %broadcast_in_dim3A_1836 = arith.constant 1 : i32
      %broadcast_in_dim3A_1837 = vector.broadcast %broadcast_in_dim3A_1836 : i32 to vector<16xi32>
      %gather3A_1838 = arith.constant 0 : i32
      %gather3A_1839 = arith.constant 0 : i32
      %gather3A_1840 = arith.constant 0 : i32
      %gather3A_1841 = arith.constant 0 : i32
      %gather3A_1842 = tpu.memref_slice %arg6[%gather3A_1838, %gather3A_1839, %gather3A_1840, %gather3A_1841] : memref<2x16x16x128xf32, #tpu.memory_space<vmem>> -> memref<1x16x16x128xf32, #tpu.memory_space<vmem>>
      %gather3A_1843 = tpu.memref_squeeze %gather3A_1842 : memref<1x16x16x128xf32, #tpu.memory_space<vmem>> -> memref<16x16x128xf32, #tpu.memory_space<vmem>>
      %gather3A_1844 = tpu.vector_load_idx %gather3A_1843[%iota3A, %broadcast_in_dim3A_1837, %and3A_1820] : memref<16x16x128xf32, #tpu.memory_space<vmem>>[vector<16xi32>, vector<16xi32>, vector<16xi32>], vector<16xf32>,
      %mul3A_1845 = arith.constant 16 : i32
      %mul3A_1846 = arith.muli %sub3A_1557, %mul3A_1845 : i32
      %swap3A_1847 = arith.constant 1 : i32
      %swap3A_1848 = arith.index_cast %swap3A_1847 : i32 to index
      %swap3A_1849 = arith.index_cast %mul3A_1846 : i32 to index
      %swap3A_1850 = tpu.vector_load %arg7[%swap3A_1848, %swap3A_1849] {strides = array<i32>} : memref<16x1024xf32, #tpu.memory_space<vmem>>, vector<16xf32>,
      tpu.vector_store %arg7[%swap3A_1848, %swap3A_1849], %gather3A_1844 {strides = array<i32>} : memref<16x1024xf32, #tpu.memory_space<vmem>>, vector<16xf32>,
      %broadcast_in_dim3A_1851 = arith.constant 2 : i32
      %broadcast_in_dim3A_1852 = vector.broadcast %broadcast_in_dim3A_1851 : i32 to vector<16xi32>
      %gather3A_1853 = arith.constant 0 : i32
      %gather3A_1854 = arith.constant 0 : i32
      %gather3A_1855 = arith.constant 0 : i32
      %gather3A_1856 = arith.constant 0 : i32
      %gather3A_1857 = tpu.memref_slice %arg6[%gather3A_1853, %gather3A_1854, %gather3A_1855, %gather3A_1856] : memref<2x16x16x128xf32, #tpu.memory_space<vmem>> -> memref<1x16x16x128xf32, #tpu.memory_space<vmem>>
      %gather3A_1858 = tpu.memref_squeeze %gather3A_1857 : memref<1x16x16x128xf32, #tpu.memory_space<vmem>> -> memref<16x16x128xf32, #tpu.memory_space<vmem>>
      %gather3A_1859 = tpu.vector_load_idx %gather3A_1858[%iota3A, %broadcast_in_dim3A_1852, %and3A_1820] : memref<16x16x128xf32, #tpu.memory_space<vmem>>[vector<16xi32>, vector<16xi32>, vector<16xi32>], vector<16xf32>,
      %mul3A_1860 = arith.constant 16 : i32
      %mul3A_1861 = arith.muli %sub3A_1557, %mul3A_1860 : i32
      %swap3A_1862 = arith.constant 2 : i32
      %swap3A_1863 = arith.index_cast %swap3A_1862 : i32 to index
      %swap3A_1864 = arith.index_cast %mul3A_1861 : i32 to index
      %swap3A_1865 = tpu.vector_load %arg7[%swap3A_1863, %swap3A_1864] {strides = array<i32>} : memref<16x1024xf32, #tpu.memory_space<vmem>>, vector<16xf32>,
      tpu.vector_store %arg7[%swap3A_1863, %swap3A_1864], %gather3A_1859 {strides = array<i32>} : memref<16x1024xf32, #tpu.memory_space<vmem>>, vector<16xf32>,
      %broadcast_in_dim3A_1866 = arith.constant 3 : i32
      %broadcast_in_dim3A_1867 = vector.broadcast %broadcast_in_dim3A_1866 : i32 to vector<16xi32>
      %gather3A_1868 = arith.constant 0 : i32
      %gather3A_1869 = arith.constant 0 : i32
      %gather3A_1870 = arith.constant 0 : i32
      %gather3A_1871 = arith.constant 0 : i32
      %gather3A_1872 = tpu.memref_slice %arg6[%gather3A_1868, %gather3A_1869, %gather3A_1870, %gather3A_1871] : memref<2x16x16x128xf32, #tpu.memory_space<vmem>> -> memref<1x16x16x128xf32, #tpu.memory_space<vmem>>
      %gather3A_1873 = tpu.memref_squeeze %gather3A_1872 : memref<1x16x16x128xf32, #tpu.memory_space<vmem>> -> memref<16x16x128xf32, #tpu.memory_space<vmem>>
      %gather3A_1874 = tpu.vector_load_idx %gather3A_1873[%iota3A, %broadcast_in_dim3A_1867, %and3A_1820] : memref<16x16x128xf32, #tpu.memory_space<vmem>>[vector<16xi32>, vector<16xi32>, vector<16xi32>], vector<16xf32>,
      %mul3A_1875 = arith.constant 16 : i32
      %mul3A_1876 = arith.muli %sub3A_1557, %mul3A_1875 : i32
      %swap3A_1877 = arith.constant 3 : i32
      %swap3A_1878 = arith.index_cast %swap3A_1877 : i32 to index
      %swap3A_1879 = arith.index_cast %mul3A_1876 : i32 to index
      %swap3A_1880 = tpu.vector_load %arg7[%swap3A_1878, %swap3A_1879] {strides = array<i32>} : memref<16x1024xf32, #tpu.memory_space<vmem>>, vector<16xf32>,
      tpu.vector_store %arg7[%swap3A_1878, %swap3A_1879], %gather3A_1874 {strides = array<i32>} : memref<16x1024xf32, #tpu.memory_space<vmem>>, vector<16xf32>,
      %broadcast_in_dim3A_1881 = arith.constant 4 : i32
      %broadcast_in_dim3A_1882 = vector.broadcast %broadcast_in_dim3A_1881 : i32 to vector<16xi32>
      %gather3A_1883 = arith.constant 0 : i32
      %gather3A_1884 = arith.constant 0 : i32
      %gather3A_1885 = arith.constant 0 : i32
      %gather3A_1886 = arith.constant 0 : i32
      %gather3A_1887 = tpu.memref_slice %arg6[%gather3A_1883, %gather3A_1884, %gather3A_1885, %gather3A_1886] : memref<2x16x16x128xf32, #tpu.memory_space<vmem>> -> memref<1x16x16x128xf32, #tpu.memory_space<vmem>>
      %gather3A_1888 = tpu.memref_squeeze %gather3A_1887 : memref<1x16x16x128xf32, #tpu.memory_space<vmem>> -> memref<16x16x128xf32, #tpu.memory_space<vmem>>
      %gather3A_1889 = tpu.vector_load_idx %gather3A_1888[%iota3A, %broadcast_in_dim3A_1882, %and3A_1820] : memref<16x16x128xf32, #tpu.memory_space<vmem>>[vector<16xi32>, vector<16xi32>, vector<16xi32>], vector<16xf32>,
      %mul3A_1890 = arith.constant 16 : i32
      %mul3A_1891 = arith.muli %sub3A_1557, %mul3A_1890 : i32
      %swap3A_1892 = arith.constant 4 : i32
      %swap3A_1893 = arith.index_cast %swap3A_1892 : i32 to index
      %swap3A_1894 = arith.index_cast %mul3A_1891 : i32 to index
      %swap3A_1895 = tpu.vector_load %arg7[%swap3A_1893, %swap3A_1894] {strides = array<i32>} : memref<16x1024xf32, #tpu.memory_space<vmem>>, vector<16xf32>,
      tpu.vector_store %arg7[%swap3A_1893, %swap3A_1894], %gather3A_1889 {strides = array<i32>} : memref<16x1024xf32, #tpu.memory_space<vmem>>, vector<16xf32>,
      %broadcast_in_dim3A_1896 = arith.constant 5 : i32
      %broadcast_in_dim3A_1897 = vector.broadcast %broadcast_in_dim3A_1896 : i32 to vector<16xi32>
      %gather3A_1898 = arith.constant 0 : i32
      %gather3A_1899 = arith.constant 0 : i32
      %gather3A_1900 = arith.constant 0 : i32
      %gather3A_1901 = arith.constant 0 : i32
      %gather3A_1902 = tpu.memref_slice %arg6[%gather3A_1898, %gather3A_1899, %gather3A_1900, %gather3A_1901] : memref<2x16x16x128xf32, #tpu.memory_space<vmem>> -> memref<1x16x16x128xf32, #tpu.memory_space<vmem>>
      %gather3A_1903 = tpu.memref_squeeze %gather3A_1902 : memref<1x16x16x128xf32, #tpu.memory_space<vmem>> -> memref<16x16x128xf32, #tpu.memory_space<vmem>>
      %gather3A_1904 = tpu.vector_load_idx %gather3A_1903[%iota3A, %broadcast_in_dim3A_1897, %and3A_1820] : memref<16x16x128xf32, #tpu.memory_space<vmem>>[vector<16xi32>, vector<16xi32>, vector<16xi32>], vector<16xf32>,
      %mul3A_1905 = arith.constant 16 : i32
      %mul3A_1906 = arith.muli %sub3A_1557, %mul3A_1905 : i32
      %swap3A_1907 = arith.constant 5 : i32
      %swap3A_1908 = arith.index_cast %swap3A_1907 : i32 to index
      %swap3A_1909 = arith.index_cast %mul3A_1906 : i32 to index
      %swap3A_1910 = tpu.vector_load %arg7[%swap3A_1908, %swap3A_1909] {strides = array<i32>} : memref<16x1024xf32, #tpu.memory_space<vmem>>, vector<16xf32>,
      tpu.vector_store %arg7[%swap3A_1908, %swap3A_1909], %gather3A_1904 {strides = array<i32>} : memref<16x1024xf32, #tpu.memory_space<vmem>>, vector<16xf32>,
      %broadcast_in_dim3A_1911 = arith.constant 6 : i32
      %broadcast_in_dim3A_1912 = vector.broadcast %broadcast_in_dim3A_1911 : i32 to vector<16xi32>
      %gather3A_1913 = arith.constant 0 : i32
      %gather3A_1914 = arith.constant 0 : i32
      %gather3A_1915 = arith.constant 0 : i32
      %gather3A_1916 = arith.constant 0 : i32
      %gather3A_1917 = tpu.memref_slice %arg6[%gather3A_1913, %gather3A_1914, %gather3A_1915, %gather3A_1916] : memref<2x16x16x128xf32, #tpu.memory_space<vmem>> -> memref<1x16x16x128xf32, #tpu.memory_space<vmem>>
      %gather3A_1918 = tpu.memref_squeeze %gather3A_1917 : memref<1x16x16x128xf32, #tpu.memory_space<vmem>> -> memref<16x16x128xf32, #tpu.memory_space<vmem>>
      %gather3A_1919 = tpu.vector_load_idx %gather3A_1918[%iota3A, %broadcast_in_dim3A_1912, %and3A_1820] : memref<16x16x128xf32, #tpu.memory_space<vmem>>[vector<16xi32>, vector<16xi32>, vector<16xi32>], vector<16xf32>,
      %mul3A_1920 = arith.constant 16 : i32
      %mul3A_1921 = arith.muli %sub3A_1557, %mul3A_1920 : i32
      %swap3A_1922 = arith.constant 6 : i32
      %swap3A_1923 = arith.index_cast %swap3A_1922 : i32 to index
      %swap3A_1924 = arith.index_cast %mul3A_1921 : i32 to index
      %swap3A_1925 = tpu.vector_load %arg7[%swap3A_1923, %swap3A_1924] {strides = array<i32>} : memref<16x1024xf32, #tpu.memory_space<vmem>>, vector<16xf32>,
      tpu.vector_store %arg7[%swap3A_1923, %swap3A_1924], %gather3A_1919 {strides = array<i32>} : memref<16x1024xf32, #tpu.memory_space<vmem>>, vector<16xf32>,
      %broadcast_in_dim3A_1926 = arith.constant 7 : i32
      %broadcast_in_dim3A_1927 = vector.broadcast %broadcast_in_dim3A_1926 : i32 to vector<16xi32>
      %gather3A_1928 = arith.constant 0 : i32
      %gather3A_1929 = arith.constant 0 : i32
      %gather3A_1930 = arith.constant 0 : i32
      %gather3A_1931 = arith.constant 0 : i32
      %gather3A_1932 = tpu.memref_slice %arg6[%gather3A_1928, %gather3A_1929, %gather3A_1930, %gather3A_1931] : memref<2x16x16x128xf32, #tpu.memory_space<vmem>> -> memref<1x16x16x128xf32, #tpu.memory_space<vmem>>
      %gather3A_1933 = tpu.memref_squeeze %gather3A_1932 : memref<1x16x16x128xf32, #tpu.memory_space<vmem>> -> memref<16x16x128xf32, #tpu.memory_space<vmem>>
      %gather3A_1934 = tpu.vector_load_idx %gather3A_1933[%iota3A, %broadcast_in_dim3A_1927, %and3A_1820] : memref<16x16x128xf32, #tpu.memory_space<vmem>>[vector<16xi32>, vector<16xi32>, vector<16xi32>], vector<16xf32>,
      %mul3A_1935 = arith.constant 16 : i32
      %mul3A_1936 = arith.muli %sub3A_1557, %mul3A_1935 : i32
      %swap3A_1937 = arith.constant 7 : i32
      %swap3A_1938 = arith.index_cast %swap3A_1937 : i32 to index
      %swap3A_1939 = arith.index_cast %mul3A_1936 : i32 to index
      %swap3A_1940 = tpu.vector_load %arg7[%swap3A_1938, %swap3A_1939] {strides = array<i32>} : memref<16x1024xf32, #tpu.memory_space<vmem>>, vector<16xf32>,
      tpu.vector_store %arg7[%swap3A_1938, %swap3A_1939], %gather3A_1934 {strides = array<i32>} : memref<16x1024xf32, #tpu.memory_space<vmem>>, vector<16xf32>,
      %broadcast_in_dim3A_1941 = arith.constant 8 : i32
      %broadcast_in_dim3A_1942 = vector.broadcast %broadcast_in_dim3A_1941 : i32 to vector<16xi32>
      %gather3A_1943 = arith.constant 0 : i32
      %gather3A_1944 = arith.constant 0 : i32
      %gather3A_1945 = arith.constant 0 : i32
      %gather3A_1946 = arith.constant 0 : i32
      %gather3A_1947 = tpu.memref_slice %arg6[%gather3A_1943, %gather3A_1944, %gather3A_1945, %gather3A_1946] : memref<2x16x16x128xf32, #tpu.memory_space<vmem>> -> memref<1x16x16x128xf32, #tpu.memory_space<vmem>>
      %gather3A_1948 = tpu.memref_squeeze %gather3A_1947 : memref<1x16x16x128xf32, #tpu.memory_space<vmem>> -> memref<16x16x128xf32, #tpu.memory_space<vmem>>
      %gather3A_1949 = tpu.vector_load_idx %gather3A_1948[%iota3A, %broadcast_in_dim3A_1942, %and3A_1820] : memref<16x16x128xf32, #tpu.memory_space<vmem>>[vector<16xi32>, vector<16xi32>, vector<16xi32>], vector<16xf32>,
      %mul3A_1950 = arith.constant 16 : i32
      %mul3A_1951 = arith.muli %sub3A_1557, %mul3A_1950 : i32
      %swap3A_1952 = arith.constant 8 : i32
      %swap3A_1953 = arith.index_cast %swap3A_1952 : i32 to index
      %swap3A_1954 = arith.index_cast %mul3A_1951 : i32 to index
      %swap3A_1955 = tpu.vector_load %arg7[%swap3A_1953, %swap3A_1954] {strides = array<i32>} : memref<16x1024xf32, #tpu.memory_space<vmem>>, vector<16xf32>,
      tpu.vector_store %arg7[%swap3A_1953, %swap3A_1954], %gather3A_1949 {strides = array<i32>} : memref<16x1024xf32, #tpu.memory_space<vmem>>, vector<16xf32>,
      %broadcast_in_dim3A_1956 = arith.constant 9 : i32
      %broadcast_in_dim3A_1957 = vector.broadcast %broadcast_in_dim3A_1956 : i32 to vector<16xi32>
      %gather3A_1958 = arith.constant 0 : i32
      %gather3A_1959 = arith.constant 0 : i32
      %gather3A_1960 = arith.constant 0 : i32
      %gather3A_1961 = arith.constant 0 : i32
      %gather3A_1962 = tpu.memref_slice %arg6[%gather3A_1958, %gather3A_1959, %gather3A_1960, %gather3A_1961] : memref<2x16x16x128xf32, #tpu.memory_space<vmem>> -> memref<1x16x16x128xf32, #tpu.memory_space<vmem>>
      %gather3A_1963 = tpu.memref_squeeze %gather3A_1962 : memref<1x16x16x128xf32, #tpu.memory_space<vmem>> -> memref<16x16x128xf32, #tpu.memory_space<vmem>>
      %gather3A_1964 = tpu.vector_load_idx %gather3A_1963[%iota3A, %broadcast_in_dim3A_1957, %and3A_1820] : memref<16x16x128xf32, #tpu.memory_space<vmem>>[vector<16xi32>, vector<16xi32>, vector<16xi32>], vector<16xf32>,
      %mul3A_1965 = arith.constant 16 : i32
      %mul3A_1966 = arith.muli %sub3A_1557, %mul3A_1965 : i32
      %swap3A_1967 = arith.constant 9 : i32
      %swap3A_1968 = arith.index_cast %swap3A_1967 : i32 to index
      %swap3A_1969 = arith.index_cast %mul3A_1966 : i32 to index
      %swap3A_1970 = tpu.vector_load %arg7[%swap3A_1968, %swap3A_1969] {strides = array<i32>} : memref<16x1024xf32, #tpu.memory_space<vmem>>, vector<16xf32>,
      tpu.vector_store %arg7[%swap3A_1968, %swap3A_1969], %gather3A_1964 {strides = array<i32>} : memref<16x1024xf32, #tpu.memory_space<vmem>>, vector<16xf32>,
      %broadcast_in_dim3A_1971 = arith.constant 10 : i32
      %broadcast_in_dim3A_1972 = vector.broadcast %broadcast_in_dim3A_1971 : i32 to vector<16xi32>
      %gather3A_1973 = arith.constant 0 : i32
      %gather3A_1974 = arith.constant 0 : i32
      %gather3A_1975 = arith.constant 0 : i32
      %gather3A_1976 = arith.constant 0 : i32
      %gather3A_1977 = tpu.memref_slice %arg6[%gather3A_1973, %gather3A_1974, %gather3A_1975, %gather3A_1976] : memref<2x16x16x128xf32, #tpu.memory_space<vmem>> -> memref<1x16x16x128xf32, #tpu.memory_space<vmem>>
      %gather3A_1978 = tpu.memref_squeeze %gather3A_1977 : memref<1x16x16x128xf32, #tpu.memory_space<vmem>> -> memref<16x16x128xf32, #tpu.memory_space<vmem>>
      %gather3A_1979 = tpu.vector_load_idx %gather3A_1978[%iota3A, %broadcast_in_dim3A_1972, %and3A_1820] : memref<16x16x128xf32, #tpu.memory_space<vmem>>[vector<16xi32>, vector<16xi32>, vector<16xi32>], vector<16xf32>,
      %mul3A_1980 = arith.constant 16 : i32
      %mul3A_1981 = arith.muli %sub3A_1557, %mul3A_1980 : i32
      %swap3A_1982 = arith.constant 10 : i32
      %swap3A_1983 = arith.index_cast %swap3A_1982 : i32 to index
      %swap3A_1984 = arith.index_cast %mul3A_1981 : i32 to index
      %swap3A_1985 = tpu.vector_load %arg7[%swap3A_1983, %swap3A_1984] {strides = array<i32>} : memref<16x1024xf32, #tpu.memory_space<vmem>>, vector<16xf32>,
      tpu.vector_store %arg7[%swap3A_1983, %swap3A_1984], %gather3A_1979 {strides = array<i32>} : memref<16x1024xf32, #tpu.memory_space<vmem>>, vector<16xf32>,
      %broadcast_in_dim3A_1986 = arith.constant 11 : i32
      %broadcast_in_dim3A_1987 = vector.broadcast %broadcast_in_dim3A_1986 : i32 to vector<16xi32>
      %gather3A_1988 = arith.constant 0 : i32
      %gather3A_1989 = arith.constant 0 : i32
      %gather3A_1990 = arith.constant 0 : i32
      %gather3A_1991 = arith.constant 0 : i32
      %gather3A_1992 = tpu.memref_slice %arg6[%gather3A_1988, %gather3A_1989, %gather3A_1990, %gather3A_1991] : memref<2x16x16x128xf32, #tpu.memory_space<vmem>> -> memref<1x16x16x128xf32, #tpu.memory_space<vmem>>
      %gather3A_1993 = tpu.memref_squeeze %gather3A_1992 : memref<1x16x16x128xf32, #tpu.memory_space<vmem>> -> memref<16x16x128xf32, #tpu.memory_space<vmem>>
      %gather3A_1994 = tpu.vector_load_idx %gather3A_1993[%iota3A, %broadcast_in_dim3A_1987, %and3A_1820] : memref<16x16x128xf32, #tpu.memory_space<vmem>>[vector<16xi32>, vector<16xi32>, vector<16xi32>], vector<16xf32>,
      %mul3A_1995 = arith.constant 16 : i32
      %mul3A_1996 = arith.muli %sub3A_1557, %mul3A_1995 : i32
      %swap3A_1997 = arith.constant 11 : i32
      %swap3A_1998 = arith.index_cast %swap3A_1997 : i32 to index
      %swap3A_1999 = arith.index_cast %mul3A_1996 : i32 to index
      %swap3A_2000 = tpu.vector_load %arg7[%swap3A_1998, %swap3A_1999] {strides = array<i32>} : memref<16x1024xf32, #tpu.memory_space<vmem>>, vector<16xf32>,
      tpu.vector_store %arg7[%swap3A_1998, %swap3A_1999], %gather3A_1994 {strides = array<i32>} : memref<16x1024xf32, #tpu.memory_space<vmem>>, vector<16xf32>,
      %broadcast_in_dim3A_2001 = arith.constant 12 : i32
      %broadcast_in_dim3A_2002 = vector.broadcast %broadcast_in_dim3A_2001 : i32 to vector<16xi32>
      %gather3A_2003 = arith.constant 0 : i32
      %gather3A_2004 = arith.constant 0 : i32
      %gather3A_2005 = arith.constant 0 : i32
      %gather3A_2006 = arith.constant 0 : i32
      %gather3A_2007 = tpu.memref_slice %arg6[%gather3A_2003, %gather3A_2004, %gather3A_2005, %gather3A_2006] : memref<2x16x16x128xf32, #tpu.memory_space<vmem>> -> memref<1x16x16x128xf32, #tpu.memory_space<vmem>>
      %gather3A_2008 = tpu.memref_squeeze %gather3A_2007 : memref<1x16x16x128xf32, #tpu.memory_space<vmem>> -> memref<16x16x128xf32, #tpu.memory_space<vmem>>
      %gather3A_2009 = tpu.vector_load_idx %gather3A_2008[%iota3A, %broadcast_in_dim3A_2002, %and3A_1820] : memref<16x16x128xf32, #tpu.memory_space<vmem>>[vector<16xi32>, vector<16xi32>, vector<16xi32>], vector<16xf32>,
      %mul3A_2010 = arith.constant 16 : i32
      %mul3A_2011 = arith.muli %sub3A_1557, %mul3A_2010 : i32
      %swap3A_2012 = arith.constant 12 : i32
      %swap3A_2013 = arith.index_cast %swap3A_2012 : i32 to index
      %swap3A_2014 = arith.index_cast %mul3A_2011 : i32 to index
      %swap3A_2015 = tpu.vector_load %arg7[%swap3A_2013, %swap3A_2014] {strides = array<i32>} : memref<16x1024xf32, #tpu.memory_space<vmem>>, vector<16xf32>,
      tpu.vector_store %arg7[%swap3A_2013, %swap3A_2014], %gather3A_2009 {strides = array<i32>} : memref<16x1024xf32, #tpu.memory_space<vmem>>, vector<16xf32>,
      %broadcast_in_dim3A_2016 = arith.constant 13 : i32
      %broadcast_in_dim3A_2017 = vector.broadcast %broadcast_in_dim3A_2016 : i32 to vector<16xi32>
      %gather3A_2018 = arith.constant 0 : i32
      %gather3A_2019 = arith.constant 0 : i32
      %gather3A_2020 = arith.constant 0 : i32
      %gather3A_2021 = arith.constant 0 : i32
      %gather3A_2022 = tpu.memref_slice %arg6[%gather3A_2018, %gather3A_2019, %gather3A_2020, %gather3A_2021] : memref<2x16x16x128xf32, #tpu.memory_space<vmem>> -> memref<1x16x16x128xf32, #tpu.memory_space<vmem>>
      %gather3A_2023 = tpu.memref_squeeze %gather3A_2022 : memref<1x16x16x128xf32, #tpu.memory_space<vmem>> -> memref<16x16x128xf32, #tpu.memory_space<vmem>>
      %gather3A_2024 = tpu.vector_load_idx %gather3A_2023[%iota3A, %broadcast_in_dim3A_2017, %and3A_1820] : memref<16x16x128xf32, #tpu.memory_space<vmem>>[vector<16xi32>, vector<16xi32>, vector<16xi32>], vector<16xf32>,
      %mul3A_2025 = arith.constant 16 : i32
      %mul3A_2026 = arith.muli %sub3A_1557, %mul3A_2025 : i32
      %swap3A_2027 = arith.constant 13 : i32
      %swap3A_2028 = arith.index_cast %swap3A_2027 : i32 to index
      %swap3A_2029 = arith.index_cast %mul3A_2026 : i32 to index
      %swap3A_2030 = tpu.vector_load %arg7[%swap3A_2028, %swap3A_2029] {strides = array<i32>} : memref<16x1024xf32, #tpu.memory_space<vmem>>, vector<16xf32>,
      tpu.vector_store %arg7[%swap3A_2028, %swap3A_2029], %gather3A_2024 {strides = array<i32>} : memref<16x1024xf32, #tpu.memory_space<vmem>>, vector<16xf32>,
      %broadcast_in_dim3A_2031 = arith.constant 14 : i32
      %broadcast_in_dim3A_2032 = vector.broadcast %broadcast_in_dim3A_2031 : i32 to vector<16xi32>
      %gather3A_2033 = arith.constant 0 : i32
      %gather3A_2034 = arith.constant 0 : i32
      %gather3A_2035 = arith.constant 0 : i32
      %gather3A_2036 = arith.constant 0 : i32
      %gather3A_2037 = tpu.memref_slice %arg6[%gather3A_2033, %gather3A_2034, %gather3A_2035, %gather3A_2036] : memref<2x16x16x128xf32, #tpu.memory_space<vmem>> -> memref<1x16x16x128xf32, #tpu.memory_space<vmem>>
      %gather3A_2038 = tpu.memref_squeeze %gather3A_2037 : memref<1x16x16x128xf32, #tpu.memory_space<vmem>> -> memref<16x16x128xf32, #tpu.memory_space<vmem>>
      %gather3A_2039 = tpu.vector_load_idx %gather3A_2038[%iota3A, %broadcast_in_dim3A_2032, %and3A_1820] : memref<16x16x128xf32, #tpu.memory_space<vmem>>[vector<16xi32>, vector<16xi32>, vector<16xi32>], vector<16xf32>,
      %mul3A_2040 = arith.constant 16 : i32
      %mul3A_2041 = arith.muli %sub3A_1557, %mul3A_2040 : i32
      %swap3A_2042 = arith.constant 14 : i32
      %swap3A_2043 = arith.index_cast %swap3A_2042 : i32 to index
      %swap3A_2044 = arith.index_cast %mul3A_2041 : i32 to index
      %swap3A_2045 = tpu.vector_load %arg7[%swap3A_2043, %swap3A_2044] {strides = array<i32>} : memref<16x1024xf32, #tpu.memory_space<vmem>>, vector<16xf32>,
      tpu.vector_store %arg7[%swap3A_2043, %swap3A_2044], %gather3A_2039 {strides = array<i32>} : memref<16x1024xf32, #tpu.memory_space<vmem>>, vector<16xf32>,
      %broadcast_in_dim3A_2046 = arith.constant 15 : i32
      %broadcast_in_dim3A_2047 = vector.broadcast %broadcast_in_dim3A_2046 : i32 to vector<16xi32>
      %gather3A_2048 = arith.constant 0 : i32
      %gather3A_2049 = arith.constant 0 : i32
      %gather3A_2050 = arith.constant 0 : i32
      %gather3A_2051 = arith.constant 0 : i32
      %gather3A_2052 = tpu.memref_slice %arg6[%gather3A_2048, %gather3A_2049, %gather3A_2050, %gather3A_2051] : memref<2x16x16x128xf32, #tpu.memory_space<vmem>> -> memref<1x16x16x128xf32, #tpu.memory_space<vmem>>
      %gather3A_2053 = tpu.memref_squeeze %gather3A_2052 : memref<1x16x16x128xf32, #tpu.memory_space<vmem>> -> memref<16x16x128xf32, #tpu.memory_space<vmem>>
      %gather3A_2054 = tpu.vector_load_idx %gather3A_2053[%iota3A, %broadcast_in_dim3A_2047, %and3A_1820] : memref<16x16x128xf32, #tpu.memory_space<vmem>>[vector<16xi32>, vector<16xi32>, vector<16xi32>], vector<16xf32>,
      %mul3A_2055 = arith.constant 16 : i32
      %mul3A_2056 = arith.muli %sub3A_1557, %mul3A_2055 : i32
      %swap3A_2057 = arith.constant 15 : i32
      %swap3A_2058 = arith.index_cast %swap3A_2057 : i32 to index
      %swap3A_2059 = arith.index_cast %mul3A_2056 : i32 to index
      %swap3A_2060 = tpu.vector_load %arg7[%swap3A_2058, %swap3A_2059] {strides = array<i32>} : memref<16x1024xf32, #tpu.memory_space<vmem>>, vector<16xf32>,
      tpu.vector_store %arg7[%swap3A_2058, %swap3A_2059], %gather3A_2054 {strides = array<i32>} : memref<16x1024xf32, #tpu.memory_space<vmem>>, vector<16xf32>,
      %mul3A_2061 = arith.constant 16 : i32
      %mul3A_2062 = arith.muli %add3A_1556, %mul3A_2061 : i32
      %get3A_2063 = arith.index_cast %mul3A_2062 : i32 to index
      %get3A_2064 = tpu.vector_load %arg5[%get3A_2063] {strides = array<i32>} : memref<1024xi32, #tpu.memory_space<vmem>>, vector<16xi32>,
      %slice3A_2065 = vector.extract_strided_slice %get3A_2064 {offsets = [0], sizes = [1], strides = [1]} : vector<16xi32> to vector<1xi32>
      %squeeze3A_2066 = vector.extract %slice3A_2065[0] : i32 from vector<1xi32>
      %shift_right_logical3A_2067 = arith.constant 7 : i32
      %shift_right_logical3A_2068 = arith.shrui %squeeze3A_2066, %shift_right_logical3A_2067 : i32
      %shift_left3A_2069 = arith.constant 7 : i32
      %shift_left3A_2070 = arith.shli %shift_right_logical3A_2068, %shift_left3A_2069 : i32
      %multiple_of3A_2071 = tpu.assume_multiple %shift_left3A_2070, 128 : i32
      %dma_start3A_2072 = arith.constant 0 : i32
      %dma_start3A_2073 = arith.constant 0 : i32
      %dma_start3A_2074 = arith.constant 0 : i32
      %dma_start3A_2075 = arith.constant 0 : i32
      %dma_start3A_2076 = tpu.memref_slice %arg6[%dma_start3A_2072, %dma_start3A_2073, %dma_start3A_2074, %dma_start3A_2075] : memref<2x16x16x128xf32, #tpu.memory_space<vmem>> -> memref<1x1x16x128xf32, #tpu.memory_space<vmem>>
      %dma_start3A_2077 = tpu.memref_squeeze %dma_start3A_2076 : memref<1x1x16x128xf32, #tpu.memory_space<vmem>> -> memref<16x128xf32, #tpu.memory_space<vmem>>
      %dma_start3A_2078 = tpu.memref_slice %arg2[%multiple_of3A, %multiple_of3A_2071] : memref<32x1000000xf32, #tpu.memory_space<hbm>> -> memref<16x128xf32, #tpu.memory_space<hbm>>
      %dma_start3A_2079 = arith.constant 0 : i32
      %dma_start3A_2080 = arith.constant 0 : i32
      %dma_start3A_2081 = tpu.memref_slice %arg6[%dma_start3A_2072, %dma_start3A_2073, %dma_start3A_2079, %dma_start3A_2080] : memref<2x16x16x128xf32, #tpu.memory_space<vmem>> -> memref<1x1x16x128xf32, #tpu.memory_space<vmem>>
      %dma_start3A_2082 = tpu.memref_squeeze %dma_start3A_2081 : memref<1x1x16x128xf32, #tpu.memory_space<vmem>> -> memref<16x128xf32, #tpu.memory_space<vmem>>
      %dma_start3A_2083 = tpu.memref_slice %arg2[%multiple_of3A, %multiple_of3A_2071] : memref<32x1000000xf32, #tpu.memory_space<hbm>> -> memref<16x128xf32, #tpu.memory_space<hbm>>
      tpu.enqueue_dma source(%dma_start3A_2083 : memref<16x128xf32, #tpu.memory_space<hbm>>) target(%dma_start3A_2082 : memref<16x128xf32, #tpu.memory_space<vmem>>) target_semaphore(%arg8 : memref<!tpu.dma_semaphore, #tpu.memory_space<semaphore_mem>>)
      %slice3A_2084 = vector.extract_strided_slice %get3A_2064 {offsets = [1], sizes = [1], strides = [1]} : vector<16xi32> to vector<1xi32>
      %squeeze3A_2085 = vector.extract %slice3A_2084[0] : i32 from vector<1xi32>
      %shift_right_logical3A_2086 = arith.constant 7 : i32
      %shift_right_logical3A_2087 = arith.shrui %squeeze3A_2085, %shift_right_logical3A_2086 : i32
      %shift_left3A_2088 = arith.constant 7 : i32
      %shift_left3A_2089 = arith.shli %shift_right_logical3A_2087, %shift_left3A_2088 : i32
      %multiple_of3A_2090 = tpu.assume_multiple %shift_left3A_2089, 128 : i32
      %dma_start3A_2091 = arith.constant 0 : i32
      %dma_start3A_2092 = arith.constant 1 : i32
      %dma_start3A_2093 = arith.constant 0 : i32
      %dma_start3A_2094 = arith.constant 0 : i32
      %dma_start3A_2095 = tpu.memref_slice %arg6[%dma_start3A_2091, %dma_start3A_2092, %dma_start3A_2093, %dma_start3A_2094] : memref<2x16x16x128xf32, #tpu.memory_space<vmem>> -> memref<1x1x16x128xf32, #tpu.memory_space<vmem>>
      %dma_start3A_2096 = tpu.memref_squeeze %dma_start3A_2095 : memref<1x1x16x128xf32, #tpu.memory_space<vmem>> -> memref<16x128xf32, #tpu.memory_space<vmem>>
      %dma_start3A_2097 = tpu.memref_slice %arg2[%multiple_of3A, %multiple_of3A_2090] : memref<32x1000000xf32, #tpu.memory_space<hbm>> -> memref<16x128xf32, #tpu.memory_space<hbm>>
      %dma_start3A_2098 = arith.constant 0 : i32
      %dma_start3A_2099 = arith.constant 0 : i32
      %dma_start3A_2100 = tpu.memref_slice %arg6[%dma_start3A_2091, %dma_start3A_2092, %dma_start3A_2098, %dma_start3A_2099] : memref<2x16x16x128xf32, #tpu.memory_space<vmem>> -> memref<1x1x16x128xf32, #tpu.memory_space<vmem>>
      %dma_start3A_2101 = tpu.memref_squeeze %dma_start3A_2100 : memref<1x1x16x128xf32, #tpu.memory_space<vmem>> -> memref<16x128xf32, #tpu.memory_space<vmem>>
      %dma_start3A_2102 = tpu.memref_slice %arg2[%multiple_of3A, %multiple_of3A_2090] : memref<32x1000000xf32, #tpu.memory_space<hbm>> -> memref<16x128xf32, #tpu.memory_space<hbm>>
      tpu.enqueue_dma source(%dma_start3A_2102 : memref<16x128xf32, #tpu.memory_space<hbm>>) target(%dma_start3A_2101 : memref<16x128xf32, #tpu.memory_space<vmem>>) target_semaphore(%arg8 : memref<!tpu.dma_semaphore, #tpu.memory_space<semaphore_mem>>)
      %slice3A_2103 = vector.extract_strided_slice %get3A_2064 {offsets = [2], sizes = [1], strides = [1]} : vector<16xi32> to vector<1xi32>
      %squeeze3A_2104 = vector.extract %slice3A_2103[0] : i32 from vector<1xi32>
      %shift_right_logical3A_2105 = arith.constant 7 : i32
      %shift_right_logical3A_2106 = arith.shrui %squeeze3A_2104, %shift_right_logical3A_2105 : i32
      %shift_left3A_2107 = arith.constant 7 : i32
      %shift_left3A_2108 = arith.shli %shift_right_logical3A_2106, %shift_left3A_2107 : i32
      %multiple_of3A_2109 = tpu.assume_multiple %shift_left3A_2108, 128 : i32
      %dma_start3A_2110 = arith.constant 0 : i32
      %dma_start3A_2111 = arith.constant 2 : i32
      %dma_start3A_2112 = arith.constant 0 : i32
      %dma_start3A_2113 = arith.constant 0 : i32
      %dma_start3A_2114 = tpu.memref_slice %arg6[%dma_start3A_2110, %dma_start3A_2111, %dma_start3A_2112, %dma_start3A_2113] : memref<2x16x16x128xf32, #tpu.memory_space<vmem>> -> memref<1x1x16x128xf32, #tpu.memory_space<vmem>>
      %dma_start3A_2115 = tpu.memref_squeeze %dma_start3A_2114 : memref<1x1x16x128xf32, #tpu.memory_space<vmem>> -> memref<16x128xf32, #tpu.memory_space<vmem>>
      %dma_start3A_2116 = tpu.memref_slice %arg2[%multiple_of3A, %multiple_of3A_2109] : memref<32x1000000xf32, #tpu.memory_space<hbm>> -> memref<16x128xf32, #tpu.memory_space<hbm>>
      %dma_start3A_2117 = arith.constant 0 : i32
      %dma_start3A_2118 = arith.constant 0 : i32
      %dma_start3A_2119 = tpu.memref_slice %arg6[%dma_start3A_2110, %dma_start3A_2111, %dma_start3A_2117, %dma_start3A_2118] : memref<2x16x16x128xf32, #tpu.memory_space<vmem>> -> memref<1x1x16x128xf32, #tpu.memory_space<vmem>>
      %dma_start3A_2120 = tpu.memref_squeeze %dma_start3A_2119 : memref<1x1x16x128xf32, #tpu.memory_space<vmem>> -> memref<16x128xf32, #tpu.memory_space<vmem>>
      %dma_start3A_2121 = tpu.memref_slice %arg2[%multiple_of3A, %multiple_of3A_2109] : memref<32x1000000xf32, #tpu.memory_space<hbm>> -> memref<16x128xf32, #tpu.memory_space<hbm>>
      tpu.enqueue_dma source(%dma_start3A_2121 : memref<16x128xf32, #tpu.memory_space<hbm>>) target(%dma_start3A_2120 : memref<16x128xf32, #tpu.memory_space<vmem>>) target_semaphore(%arg8 : memref<!tpu.dma_semaphore, #tpu.memory_space<semaphore_mem>>)
      %slice3A_2122 = vector.extract_strided_slice %get3A_2064 {offsets = [3], sizes = [1], strides = [1]} : vector<16xi32> to vector<1xi32>
      %squeeze3A_2123 = vector.extract %slice3A_2122[0] : i32 from vector<1xi32>
      %shift_right_logical3A_2124 = arith.constant 7 : i32
      %shift_right_logical3A_2125 = arith.shrui %squeeze3A_2123, %shift_right_logical3A_2124 : i32
      %shift_left3A_2126 = arith.constant 7 : i32
      %shift_left3A_2127 = arith.shli %shift_right_logical3A_2125, %shift_left3A_2126 : i32
      %multiple_of3A_2128 = tpu.assume_multiple %shift_left3A_2127, 128 : i32
      %dma_start3A_2129 = arith.constant 0 : i32
      %dma_start3A_2130 = arith.constant 3 : i32
      %dma_start3A_2131 = arith.constant 0 : i32
      %dma_start3A_2132 = arith.constant 0 : i32
      %dma_start3A_2133 = tpu.memref_slice %arg6[%dma_start3A_2129, %dma_start3A_2130, %dma_start3A_2131, %dma_start3A_2132] : memref<2x16x16x128xf32, #tpu.memory_space<vmem>> -> memref<1x1x16x128xf32, #tpu.memory_space<vmem>>
      %dma_start3A_2134 = tpu.memref_squeeze %dma_start3A_2133 : memref<1x1x16x128xf32, #tpu.memory_space<vmem>> -> memref<16x128xf32, #tpu.memory_space<vmem>>
      %dma_start3A_2135 = tpu.memref_slice %arg2[%multiple_of3A, %multiple_of3A_2128] : memref<32x1000000xf32, #tpu.memory_space<hbm>> -> memref<16x128xf32, #tpu.memory_space<hbm>>
      %dma_start3A_2136 = arith.constant 0 : i32
      %dma_start3A_2137 = arith.constant 0 : i32
      %dma_start3A_2138 = tpu.memref_slice %arg6[%dma_start3A_2129, %dma_start3A_2130, %dma_start3A_2136, %dma_start3A_2137] : memref<2x16x16x128xf32, #tpu.memory_space<vmem>> -> memref<1x1x16x128xf32, #tpu.memory_space<vmem>>
      %dma_start3A_2139 = tpu.memref_squeeze %dma_start3A_2138 : memref<1x1x16x128xf32, #tpu.memory_space<vmem>> -> memref<16x128xf32, #tpu.memory_space<vmem>>
      %dma_start3A_2140 = tpu.memref_slice %arg2[%multiple_of3A, %multiple_of3A_2128] : memref<32x1000000xf32, #tpu.memory_space<hbm>> -> memref<16x128xf32, #tpu.memory_space<hbm>>
      tpu.enqueue_dma source(%dma_start3A_2140 : memref<16x128xf32, #tpu.memory_space<hbm>>) target(%dma_start3A_2139 : memref<16x128xf32, #tpu.memory_space<vmem>>) target_semaphore(%arg8 : memref<!tpu.dma_semaphore, #tpu.memory_space<semaphore_mem>>)
      %slice3A_2141 = vector.extract_strided_slice %get3A_2064 {offsets = [4], sizes = [1], strides = [1]} : vector<16xi32> to vector<1xi32>
      %squeeze3A_2142 = vector.extract %slice3A_2141[0] : i32 from vector<1xi32>
      %shift_right_logical3A_2143 = arith.constant 7 : i32
      %shift_right_logical3A_2144 = arith.shrui %squeeze3A_2142, %shift_right_logical3A_2143 : i32
      %shift_left3A_2145 = arith.constant 7 : i32
      %shift_left3A_2146 = arith.shli %shift_right_logical3A_2144, %shift_left3A_2145 : i32
      %multiple_of3A_2147 = tpu.assume_multiple %shift_left3A_2146, 128 : i32
      %dma_start3A_2148 = arith.constant 0 : i32
      %dma_start3A_2149 = arith.constant 4 : i32
      %dma_start3A_2150 = arith.constant 0 : i32
      %dma_start3A_2151 = arith.constant 0 : i32
      %dma_start3A_2152 = tpu.memref_slice %arg6[%dma_start3A_2148, %dma_start3A_2149, %dma_start3A_2150, %dma_start3A_2151] : memref<2x16x16x128xf32, #tpu.memory_space<vmem>> -> memref<1x1x16x128xf32, #tpu.memory_space<vmem>>
      %dma_start3A_2153 = tpu.memref_squeeze %dma_start3A_2152 : memref<1x1x16x128xf32, #tpu.memory_space<vmem>> -> memref<16x128xf32, #tpu.memory_space<vmem>>
      %dma_start3A_2154 = tpu.memref_slice %arg2[%multiple_of3A, %multiple_of3A_2147] : memref<32x1000000xf32, #tpu.memory_space<hbm>> -> memref<16x128xf32, #tpu.memory_space<hbm>>
      %dma_start3A_2155 = arith.constant 0 : i32
      %dma_start3A_2156 = arith.constant 0 : i32
      %dma_start3A_2157 = tpu.memref_slice %arg6[%dma_start3A_2148, %dma_start3A_2149, %dma_start3A_2155, %dma_start3A_2156] : memref<2x16x16x128xf32, #tpu.memory_space<vmem>> -> memref<1x1x16x128xf32, #tpu.memory_space<vmem>>
      %dma_start3A_2158 = tpu.memref_squeeze %dma_start3A_2157 : memref<1x1x16x128xf32, #tpu.memory_space<vmem>> -> memref<16x128xf32, #tpu.memory_space<vmem>>
      %dma_start3A_2159 = tpu.memref_slice %arg2[%multiple_of3A, %multiple_of3A_2147] : memref<32x1000000xf32, #tpu.memory_space<hbm>> -> memref<16x128xf32, #tpu.memory_space<hbm>>
      tpu.enqueue_dma source(%dma_start3A_2159 : memref<16x128xf32, #tpu.memory_space<hbm>>) target(%dma_start3A_2158 : memref<16x128xf32, #tpu.memory_space<vmem>>) target_semaphore(%arg8 : memref<!tpu.dma_semaphore, #tpu.memory_space<semaphore_mem>>)
      %slice3A_2160 = vector.extract_strided_slice %get3A_2064 {offsets = [5], sizes = [1], strides = [1]} : vector<16xi32> to vector<1xi32>
      %squeeze3A_2161 = vector.extract %slice3A_2160[0] : i32 from vector<1xi32>
      %shift_right_logical3A_2162 = arith.constant 7 : i32
      %shift_right_logical3A_2163 = arith.shrui %squeeze3A_2161, %shift_right_logical3A_2162 : i32
      %shift_left3A_2164 = arith.constant 7 : i32
      %shift_left3A_2165 = arith.shli %shift_right_logical3A_2163, %shift_left3A_2164 : i32
      %multiple_of3A_2166 = tpu.assume_multiple %shift_left3A_2165, 128 : i32
      %dma_start3A_2167 = arith.constant 0 : i32
      %dma_start3A_2168 = arith.constant 5 : i32
      %dma_start3A_2169 = arith.constant 0 : i32
      %dma_start3A_2170 = arith.constant 0 : i32
      %dma_start3A_2171 = tpu.memref_slice %arg6[%dma_start3A_2167, %dma_start3A_2168, %dma_start3A_2169, %dma_start3A_2170] : memref<2x16x16x128xf32, #tpu.memory_space<vmem>> -> memref<1x1x16x128xf32, #tpu.memory_space<vmem>>
      %dma_start3A_2172 = tpu.memref_squeeze %dma_start3A_2171 : memref<1x1x16x128xf32, #tpu.memory_space<vmem>> -> memref<16x128xf32, #tpu.memory_space<vmem>>
      %dma_start3A_2173 = tpu.memref_slice %arg2[%multiple_of3A, %multiple_of3A_2166] : memref<32x1000000xf32, #tpu.memory_space<hbm>> -> memref<16x128xf32, #tpu.memory_space<hbm>>
      %dma_start3A_2174 = arith.constant 0 : i32
      %dma_start3A_2175 = arith.constant 0 : i32
      %dma_start3A_2176 = tpu.memref_slice %arg6[%dma_start3A_2167, %dma_start3A_2168, %dma_start3A_2174, %dma_start3A_2175] : memref<2x16x16x128xf32, #tpu.memory_space<vmem>> -> memref<1x1x16x128xf32, #tpu.memory_space<vmem>>
      %dma_start3A_2177 = tpu.memref_squeeze %dma_start3A_2176 : memref<1x1x16x128xf32, #tpu.memory_space<vmem>> -> memref<16x128xf32, #tpu.memory_space<vmem>>
      %dma_start3A_2178 = tpu.memref_slice %arg2[%multiple_of3A, %multiple_of3A_2166] : memref<32x1000000xf32, #tpu.memory_space<hbm>> -> memref<16x128xf32, #tpu.memory_space<hbm>>
      tpu.enqueue_dma source(%dma_start3A_2178 : memref<16x128xf32, #tpu.memory_space<hbm>>) target(%dma_start3A_2177 : memref<16x128xf32, #tpu.memory_space<vmem>>) target_semaphore(%arg8 : memref<!tpu.dma_semaphore, #tpu.memory_space<semaphore_mem>>)
      %slice3A_2179 = vector.extract_strided_slice %get3A_2064 {offsets = [6], sizes = [1], strides = [1]} : vector<16xi32> to vector<1xi32>
      %squeeze3A_2180 = vector.extract %slice3A_2179[0] : i32 from vector<1xi32>
      %shift_right_logical3A_2181 = arith.constant 7 : i32
      %shift_right_logical3A_2182 = arith.shrui %squeeze3A_2180, %shift_right_logical3A_2181 : i32
      %shift_left3A_2183 = arith.constant 7 : i32
      %shift_left3A_2184 = arith.shli %shift_right_logical3A_2182, %shift_left3A_2183 : i32
      %multiple_of3A_2185 = tpu.assume_multiple %shift_left3A_2184, 128 : i32
      %dma_start3A_2186 = arith.constant 0 : i32
      %dma_start3A_2187 = arith.constant 6 : i32
      %dma_start3A_2188 = arith.constant 0 : i32
      %dma_start3A_2189 = arith.constant 0 : i32
      %dma_start3A_2190 = tpu.memref_slice %arg6[%dma_start3A_2186, %dma_start3A_2187, %dma_start3A_2188, %dma_start3A_2189] : memref<2x16x16x128xf32, #tpu.memory_space<vmem>> -> memref<1x1x16x128xf32, #tpu.memory_space<vmem>>
      %dma_start3A_2191 = tpu.memref_squeeze %dma_start3A_2190 : memref<1x1x16x128xf32, #tpu.memory_space<vmem>> -> memref<16x128xf32, #tpu.memory_space<vmem>>
      %dma_start3A_2192 = tpu.memref_slice %arg2[%multiple_of3A, %multiple_of3A_2185] : memref<32x1000000xf32, #tpu.memory_space<hbm>> -> memref<16x128xf32, #tpu.memory_space<hbm>>
      %dma_start3A_2193 = arith.constant 0 : i32
      %dma_start3A_2194 = arith.constant 0 : i32
      %dma_start3A_2195 = tpu.memref_slice %arg6[%dma_start3A_2186, %dma_start3A_2187, %dma_start3A_2193, %dma_start3A_2194] : memref<2x16x16x128xf32, #tpu.memory_space<vmem>> -> memref<1x1x16x128xf32, #tpu.memory_space<vmem>>
      %dma_start3A_2196 = tpu.memref_squeeze %dma_start3A_2195 : memref<1x1x16x128xf32, #tpu.memory_space<vmem>> -> memref<16x128xf32, #tpu.memory_space<vmem>>
      %dma_start3A_2197 = tpu.memref_slice %arg2[%multiple_of3A, %multiple_of3A_2185] : memref<32x1000000xf32, #tpu.memory_space<hbm>> -> memref<16x128xf32, #tpu.memory_space<hbm>>
      tpu.enqueue_dma source(%dma_start3A_2197 : memref<16x128xf32, #tpu.memory_space<hbm>>) target(%dma_start3A_2196 : memref<16x128xf32, #tpu.memory_space<vmem>>) target_semaphore(%arg8 : memref<!tpu.dma_semaphore, #tpu.memory_space<semaphore_mem>>)
      %slice3A_2198 = vector.extract_strided_slice %get3A_2064 {offsets = [7], sizes = [1], strides = [1]} : vector<16xi32> to vector<1xi32>
      %squeeze3A_2199 = vector.extract %slice3A_2198[0] : i32 from vector<1xi32>
      %shift_right_logical3A_2200 = arith.constant 7 : i32
      %shift_right_logical3A_2201 = arith.shrui %squeeze3A_2199, %shift_right_logical3A_2200 : i32
      %shift_left3A_2202 = arith.constant 7 : i32
      %shift_left3A_2203 = arith.shli %shift_right_logical3A_2201, %shift_left3A_2202 : i32
      %multiple_of3A_2204 = tpu.assume_multiple %shift_left3A_2203, 128 : i32
      %dma_start3A_2205 = arith.constant 0 : i32
      %dma_start3A_2206 = arith.constant 7 : i32
      %dma_start3A_2207 = arith.constant 0 : i32
      %dma_start3A_2208 = arith.constant 0 : i32
      %dma_start3A_2209 = tpu.memref_slice %arg6[%dma_start3A_2205, %dma_start3A_2206, %dma_start3A_2207, %dma_start3A_2208] : memref<2x16x16x128xf32, #tpu.memory_space<vmem>> -> memref<1x1x16x128xf32, #tpu.memory_space<vmem>>
      %dma_start3A_2210 = tpu.memref_squeeze %dma_start3A_2209 : memref<1x1x16x128xf32, #tpu.memory_space<vmem>> -> memref<16x128xf32, #tpu.memory_space<vmem>>
      %dma_start3A_2211 = tpu.memref_slice %arg2[%multiple_of3A, %multiple_of3A_2204] : memref<32x1000000xf32, #tpu.memory_space<hbm>> -> memref<16x128xf32, #tpu.memory_space<hbm>>
      %dma_start3A_2212 = arith.constant 0 : i32
      %dma_start3A_2213 = arith.constant 0 : i32
      %dma_start3A_2214 = tpu.memref_slice %arg6[%dma_start3A_2205, %dma_start3A_2206, %dma_start3A_2212, %dma_start3A_2213] : memref<2x16x16x128xf32, #tpu.memory_space<vmem>> -> memref<1x1x16x128xf32, #tpu.memory_space<vmem>>
      %dma_start3A_2215 = tpu.memref_squeeze %dma_start3A_2214 : memref<1x1x16x128xf32, #tpu.memory_space<vmem>> -> memref<16x128xf32, #tpu.memory_space<vmem>>
      %dma_start3A_2216 = tpu.memref_slice %arg2[%multiple_of3A, %multiple_of3A_2204] : memref<32x1000000xf32, #tpu.memory_space<hbm>> -> memref<16x128xf32, #tpu.memory_space<hbm>>
      tpu.enqueue_dma source(%dma_start3A_2216 : memref<16x128xf32, #tpu.memory_space<hbm>>) target(%dma_start3A_2215 : memref<16x128xf32, #tpu.memory_space<vmem>>) target_semaphore(%arg8 : memref<!tpu.dma_semaphore, #tpu.memory_space<semaphore_mem>>)
      %slice3A_2217 = vector.extract_strided_slice %get3A_2064 {offsets = [8], sizes = [1], strides = [1]} : vector<16xi32> to vector<1xi32>
      %squeeze3A_2218 = vector.extract %slice3A_2217[0] : i32 from vector<1xi32>
      %shift_right_logical3A_2219 = arith.constant 7 : i32
      %shift_right_logical3A_2220 = arith.shrui %squeeze3A_2218, %shift_right_logical3A_2219 : i32
      %shift_left3A_2221 = arith.constant 7 : i32
      %shift_left3A_2222 = arith.shli %shift_right_logical3A_2220, %shift_left3A_2221 : i32
      %multiple_of3A_2223 = tpu.assume_multiple %shift_left3A_2222, 128 : i32
      %dma_start3A_2224 = arith.constant 0 : i32
      %dma_start3A_2225 = arith.constant 8 : i32
      %dma_start3A_2226 = arith.constant 0 : i32
      %dma_start3A_2227 = arith.constant 0 : i32
      %dma_start3A_2228 = tpu.memref_slice %arg6[%dma_start3A_2224, %dma_start3A_2225, %dma_start3A_2226, %dma_start3A_2227] : memref<2x16x16x128xf32, #tpu.memory_space<vmem>> -> memref<1x1x16x128xf32, #tpu.memory_space<vmem>>
      %dma_start3A_2229 = tpu.memref_squeeze %dma_start3A_2228 : memref<1x1x16x128xf32, #tpu.memory_space<vmem>> -> memref<16x128xf32, #tpu.memory_space<vmem>>
      %dma_start3A_2230 = tpu.memref_slice %arg2[%multiple_of3A, %multiple_of3A_2223] : memref<32x1000000xf32, #tpu.memory_space<hbm>> -> memref<16x128xf32, #tpu.memory_space<hbm>>
      %dma_start3A_2231 = arith.constant 0 : i32
      %dma_start3A_2232 = arith.constant 0 : i32
      %dma_start3A_2233 = tpu.memref_slice %arg6[%dma_start3A_2224, %dma_start3A_2225, %dma_start3A_2231, %dma_start3A_2232] : memref<2x16x16x128xf32, #tpu.memory_space<vmem>> -> memref<1x1x16x128xf32, #tpu.memory_space<vmem>>
      %dma_start3A_2234 = tpu.memref_squeeze %dma_start3A_2233 : memref<1x1x16x128xf32, #tpu.memory_space<vmem>> -> memref<16x128xf32, #tpu.memory_space<vmem>>
      %dma_start3A_2235 = tpu.memref_slice %arg2[%multiple_of3A, %multiple_of3A_2223] : memref<32x1000000xf32, #tpu.memory_space<hbm>> -> memref<16x128xf32, #tpu.memory_space<hbm>>
      tpu.enqueue_dma source(%dma_start3A_2235 : memref<16x128xf32, #tpu.memory_space<hbm>>) target(%dma_start3A_2234 : memref<16x128xf32, #tpu.memory_space<vmem>>) target_semaphore(%arg8 : memref<!tpu.dma_semaphore, #tpu.memory_space<semaphore_mem>>)
      %slice3A_2236 = vector.extract_strided_slice %get3A_2064 {offsets = [9], sizes = [1], strides = [1]} : vector<16xi32> to vector<1xi32>
      %squeeze3A_2237 = vector.extract %slice3A_2236[0] : i32 from vector<1xi32>
      %shift_right_logical3A_2238 = arith.constant 7 : i32
      %shift_right_logical3A_2239 = arith.shrui %squeeze3A_2237, %shift_right_logical3A_2238 : i32
      %shift_left3A_2240 = arith.constant 7 : i32
      %shift_left3A_2241 = arith.shli %shift_right_logical3A_2239, %shift_left3A_2240 : i32
      %multiple_of3A_2242 = tpu.assume_multiple %shift_left3A_2241, 128 : i32
      %dma_start3A_2243 = arith.constant 0 : i32
      %dma_start3A_2244 = arith.constant 9 : i32
      %dma_start3A_2245 = arith.constant 0 : i32
      %dma_start3A_2246 = arith.constant 0 : i32
      %dma_start3A_2247 = tpu.memref_slice %arg6[%dma_start3A_2243, %dma_start3A_2244, %dma_start3A_2245, %dma_start3A_2246] : memref<2x16x16x128xf32, #tpu.memory_space<vmem>> -> memref<1x1x16x128xf32, #tpu.memory_space<vmem>>
      %dma_start3A_2248 = tpu.memref_squeeze %dma_start3A_2247 : memref<1x1x16x128xf32, #tpu.memory_space<vmem>> -> memref<16x128xf32, #tpu.memory_space<vmem>>
      %dma_start3A_2249 = tpu.memref_slice %arg2[%multiple_of3A, %multiple_of3A_2242] : memref<32x1000000xf32, #tpu.memory_space<hbm>> -> memref<16x128xf32, #tpu.memory_space<hbm>>
      %dma_start3A_2250 = arith.constant 0 : i32
      %dma_start3A_2251 = arith.constant 0 : i32
      %dma_start3A_2252 = tpu.memref_slice %arg6[%dma_start3A_2243, %dma_start3A_2244, %dma_start3A_2250, %dma_start3A_2251] : memref<2x16x16x128xf32, #tpu.memory_space<vmem>> -> memref<1x1x16x128xf32, #tpu.memory_space<vmem>>
      %dma_start3A_2253 = tpu.memref_squeeze %dma_start3A_2252 : memref<1x1x16x128xf32, #tpu.memory_space<vmem>> -> memref<16x128xf32, #tpu.memory_space<vmem>>
      %dma_start3A_2254 = tpu.memref_slice %arg2[%multiple_of3A, %multiple_of3A_2242] : memref<32x1000000xf32, #tpu.memory_space<hbm>> -> memref<16x128xf32, #tpu.memory_space<hbm>>
      tpu.enqueue_dma source(%dma_start3A_2254 : memref<16x128xf32, #tpu.memory_space<hbm>>) target(%dma_start3A_2253 : memref<16x128xf32, #tpu.memory_space<vmem>>) target_semaphore(%arg8 : memref<!tpu.dma_semaphore, #tpu.memory_space<semaphore_mem>>)
      %slice3A_2255 = vector.extract_strided_slice %get3A_2064 {offsets = [10], sizes = [1], strides = [1]} : vector<16xi32> to vector<1xi32>
      %squeeze3A_2256 = vector.extract %slice3A_2255[0] : i32 from vector<1xi32>
      %shift_right_logical3A_2257 = arith.constant 7 : i32
      %shift_right_logical3A_2258 = arith.shrui %squeeze3A_2256, %shift_right_logical3A_2257 : i32
      %shift_left3A_2259 = arith.constant 7 : i32
      %shift_left3A_2260 = arith.shli %shift_right_logical3A_2258, %shift_left3A_2259 : i32
      %multiple_of3A_2261 = tpu.assume_multiple %shift_left3A_2260, 128 : i32
      %dma_start3A_2262 = arith.constant 0 : i32
      %dma_start3A_2263 = arith.constant 10 : i32
      %dma_start3A_2264 = arith.constant 0 : i32
      %dma_start3A_2265 = arith.constant 0 : i32
      %dma_start3A_2266 = tpu.memref_slice %arg6[%dma_start3A_2262, %dma_start3A_2263, %dma_start3A_2264, %dma_start3A_2265] : memref<2x16x16x128xf32, #tpu.memory_space<vmem>> -> memref<1x1x16x128xf32, #tpu.memory_space<vmem>>
      %dma_start3A_2267 = tpu.memref_squeeze %dma_start3A_2266 : memref<1x1x16x128xf32, #tpu.memory_space<vmem>> -> memref<16x128xf32, #tpu.memory_space<vmem>>
      %dma_start3A_2268 = tpu.memref_slice %arg2[%multiple_of3A, %multiple_of3A_2261] : memref<32x1000000xf32, #tpu.memory_space<hbm>> -> memref<16x128xf32, #tpu.memory_space<hbm>>
      %dma_start3A_2269 = arith.constant 0 : i32
      %dma_start3A_2270 = arith.constant 0 : i32
      %dma_start3A_2271 = tpu.memref_slice %arg6[%dma_start3A_2262, %dma_start3A_2263, %dma_start3A_2269, %dma_start3A_2270] : memref<2x16x16x128xf32, #tpu.memory_space<vmem>> -> memref<1x1x16x128xf32, #tpu.memory_space<vmem>>
      %dma_start3A_2272 = tpu.memref_squeeze %dma_start3A_2271 : memref<1x1x16x128xf32, #tpu.memory_space<vmem>> -> memref<16x128xf32, #tpu.memory_space<vmem>>
      %dma_start3A_2273 = tpu.memref_slice %arg2[%multiple_of3A, %multiple_of3A_2261] : memref<32x1000000xf32, #tpu.memory_space<hbm>> -> memref<16x128xf32, #tpu.memory_space<hbm>>
      tpu.enqueue_dma source(%dma_start3A_2273 : memref<16x128xf32, #tpu.memory_space<hbm>>) target(%dma_start3A_2272 : memref<16x128xf32, #tpu.memory_space<vmem>>) target_semaphore(%arg8 : memref<!tpu.dma_semaphore, #tpu.memory_space<semaphore_mem>>)
      %slice3A_2274 = vector.extract_strided_slice %get3A_2064 {offsets = [11], sizes = [1], strides = [1]} : vector<16xi32> to vector<1xi32>
      %squeeze3A_2275 = vector.extract %slice3A_2274[0] : i32 from vector<1xi32>
      %shift_right_logical3A_2276 = arith.constant 7 : i32
      %shift_right_logical3A_2277 = arith.shrui %squeeze3A_2275, %shift_right_logical3A_2276 : i32
      %shift_left3A_2278 = arith.constant 7 : i32
      %shift_left3A_2279 = arith.shli %shift_right_logical3A_2277, %shift_left3A_2278 : i32
      %multiple_of3A_2280 = tpu.assume_multiple %shift_left3A_2279, 128 : i32
      %dma_start3A_2281 = arith.constant 0 : i32
      %dma_start3A_2282 = arith.constant 11 : i32
      %dma_start3A_2283 = arith.constant 0 : i32
      %dma_start3A_2284 = arith.constant 0 : i32
      %dma_start3A_2285 = tpu.memref_slice %arg6[%dma_start3A_2281, %dma_start3A_2282, %dma_start3A_2283, %dma_start3A_2284] : memref<2x16x16x128xf32, #tpu.memory_space<vmem>> -> memref<1x1x16x128xf32, #tpu.memory_space<vmem>>
      %dma_start3A_2286 = tpu.memref_squeeze %dma_start3A_2285 : memref<1x1x16x128xf32, #tpu.memory_space<vmem>> -> memref<16x128xf32, #tpu.memory_space<vmem>>
      %dma_start3A_2287 = tpu.memref_slice %arg2[%multiple_of3A, %multiple_of3A_2280] : memref<32x1000000xf32, #tpu.memory_space<hbm>> -> memref<16x128xf32, #tpu.memory_space<hbm>>
      %dma_start3A_2288 = arith.constant 0 : i32
      %dma_start3A_2289 = arith.constant 0 : i32
      %dma_start3A_2290 = tpu.memref_slice %arg6[%dma_start3A_2281, %dma_start3A_2282, %dma_start3A_2288, %dma_start3A_2289] : memref<2x16x16x128xf32, #tpu.memory_space<vmem>> -> memref<1x1x16x128xf32, #tpu.memory_space<vmem>>
      %dma_start3A_2291 = tpu.memref_squeeze %dma_start3A_2290 : memref<1x1x16x128xf32, #tpu.memory_space<vmem>> -> memref<16x128xf32, #tpu.memory_space<vmem>>
      %dma_start3A_2292 = tpu.memref_slice %arg2[%multiple_of3A, %multiple_of3A_2280] : memref<32x1000000xf32, #tpu.memory_space<hbm>> -> memref<16x128xf32, #tpu.memory_space<hbm>>
      tpu.enqueue_dma source(%dma_start3A_2292 : memref<16x128xf32, #tpu.memory_space<hbm>>) target(%dma_start3A_2291 : memref<16x128xf32, #tpu.memory_space<vmem>>) target_semaphore(%arg8 : memref<!tpu.dma_semaphore, #tpu.memory_space<semaphore_mem>>)
      %slice3A_2293 = vector.extract_strided_slice %get3A_2064 {offsets = [12], sizes = [1], strides = [1]} : vector<16xi32> to vector<1xi32>
      %squeeze3A_2294 = vector.extract %slice3A_2293[0] : i32 from vector<1xi32>
      %shift_right_logical3A_2295 = arith.constant 7 : i32
      %shift_right_logical3A_2296 = arith.shrui %squeeze3A_2294, %shift_right_logical3A_2295 : i32
      %shift_left3A_2297 = arith.constant 7 : i32
      %shift_left3A_2298 = arith.shli %shift_right_logical3A_2296, %shift_left3A_2297 : i32
      %multiple_of3A_2299 = tpu.assume_multiple %shift_left3A_2298, 128 : i32
      %dma_start3A_2300 = arith.constant 0 : i32
      %dma_start3A_2301 = arith.constant 12 : i32
      %dma_start3A_2302 = arith.constant 0 : i32
      %dma_start3A_2303 = arith.constant 0 : i32
      %dma_start3A_2304 = tpu.memref_slice %arg6[%dma_start3A_2300, %dma_start3A_2301, %dma_start3A_2302, %dma_start3A_2303] : memref<2x16x16x128xf32, #tpu.memory_space<vmem>> -> memref<1x1x16x128xf32, #tpu.memory_space<vmem>>
      %dma_start3A_2305 = tpu.memref_squeeze %dma_start3A_2304 : memref<1x1x16x128xf32, #tpu.memory_space<vmem>> -> memref<16x128xf32, #tpu.memory_space<vmem>>
      %dma_start3A_2306 = tpu.memref_slice %arg2[%multiple_of3A, %multiple_of3A_2299] : memref<32x1000000xf32, #tpu.memory_space<hbm>> -> memref<16x128xf32, #tpu.memory_space<hbm>>
      %dma_start3A_2307 = arith.constant 0 : i32
      %dma_start3A_2308 = arith.constant 0 : i32
      %dma_start3A_2309 = tpu.memref_slice %arg6[%dma_start3A_2300, %dma_start3A_2301, %dma_start3A_2307, %dma_start3A_2308] : memref<2x16x16x128xf32, #tpu.memory_space<vmem>> -> memref<1x1x16x128xf32, #tpu.memory_space<vmem>>
      %dma_start3A_2310 = tpu.memref_squeeze %dma_start3A_2309 : memref<1x1x16x128xf32, #tpu.memory_space<vmem>> -> memref<16x128xf32, #tpu.memory_space<vmem>>
      %dma_start3A_2311 = tpu.memref_slice %arg2[%multiple_of3A, %multiple_of3A_2299] : memref<32x1000000xf32, #tpu.memory_space<hbm>> -> memref<16x128xf32, #tpu.memory_space<hbm>>
      tpu.enqueue_dma source(%dma_start3A_2311 : memref<16x128xf32, #tpu.memory_space<hbm>>) target(%dma_start3A_2310 : memref<16x128xf32, #tpu.memory_space<vmem>>) target_semaphore(%arg8 : memref<!tpu.dma_semaphore, #tpu.memory_space<semaphore_mem>>)
      %slice3A_2312 = vector.extract_strided_slice %get3A_2064 {offsets = [13], sizes = [1], strides = [1]} : vector<16xi32> to vector<1xi32>
      %squeeze3A_2313 = vector.extract %slice3A_2312[0] : i32 from vector<1xi32>
      %shift_right_logical3A_2314 = arith.constant 7 : i32
      %shift_right_logical3A_2315 = arith.shrui %squeeze3A_2313, %shift_right_logical3A_2314 : i32
      %shift_left3A_2316 = arith.constant 7 : i32
      %shift_left3A_2317 = arith.shli %shift_right_logical3A_2315, %shift_left3A_2316 : i32
      %multiple_of3A_2318 = tpu.assume_multiple %shift_left3A_2317, 128 : i32
      %dma_start3A_2319 = arith.constant 0 : i32
      %dma_start3A_2320 = arith.constant 13 : i32
      %dma_start3A_2321 = arith.constant 0 : i32
      %dma_start3A_2322 = arith.constant 0 : i32
      %dma_start3A_2323 = tpu.memref_slice %arg6[%dma_start3A_2319, %dma_start3A_2320, %dma_start3A_2321, %dma_start3A_2322] : memref<2x16x16x128xf32, #tpu.memory_space<vmem>> -> memref<1x1x16x128xf32, #tpu.memory_space<vmem>>
      %dma_start3A_2324 = tpu.memref_squeeze %dma_start3A_2323 : memref<1x1x16x128xf32, #tpu.memory_space<vmem>> -> memref<16x128xf32, #tpu.memory_space<vmem>>
      %dma_start3A_2325 = tpu.memref_slice %arg2[%multiple_of3A, %multiple_of3A_2318] : memref<32x1000000xf32, #tpu.memory_space<hbm>> -> memref<16x128xf32, #tpu.memory_space<hbm>>
      %dma_start3A_2326 = arith.constant 0 : i32
      %dma_start3A_2327 = arith.constant 0 : i32
      %dma_start3A_2328 = tpu.memref_slice %arg6[%dma_start3A_2319, %dma_start3A_2320, %dma_start3A_2326, %dma_start3A_2327] : memref<2x16x16x128xf32, #tpu.memory_space<vmem>> -> memref<1x1x16x128xf32, #tpu.memory_space<vmem>>
      %dma_start3A_2329 = tpu.memref_squeeze %dma_start3A_2328 : memref<1x1x16x128xf32, #tpu.memory_space<vmem>> -> memref<16x128xf32, #tpu.memory_space<vmem>>
      %dma_start3A_2330 = tpu.memref_slice %arg2[%multiple_of3A, %multiple_of3A_2318] : memref<32x1000000xf32, #tpu.memory_space<hbm>> -> memref<16x128xf32, #tpu.memory_space<hbm>>
      tpu.enqueue_dma source(%dma_start3A_2330 : memref<16x128xf32, #tpu.memory_space<hbm>>) target(%dma_start3A_2329 : memref<16x128xf32, #tpu.memory_space<vmem>>) target_semaphore(%arg8 : memref<!tpu.dma_semaphore, #tpu.memory_space<semaphore_mem>>)
      %slice3A_2331 = vector.extract_strided_slice %get3A_2064 {offsets = [14], sizes = [1], strides = [1]} : vector<16xi32> to vector<1xi32>
      %squeeze3A_2332 = vector.extract %slice3A_2331[0] : i32 from vector<1xi32>
      %shift_right_logical3A_2333 = arith.constant 7 : i32
      %shift_right_logical3A_2334 = arith.shrui %squeeze3A_2332, %shift_right_logical3A_2333 : i32
      %shift_left3A_2335 = arith.constant 7 : i32
      %shift_left3A_2336 = arith.shli %shift_right_logical3A_2334, %shift_left3A_2335 : i32
      %multiple_of3A_2337 = tpu.assume_multiple %shift_left3A_2336, 128 : i32
      %dma_start3A_2338 = arith.constant 0 : i32
      %dma_start3A_2339 = arith.constant 14 : i32
      %dma_start3A_2340 = arith.constant 0 : i32
      %dma_start3A_2341 = arith.constant 0 : i32
      %dma_start3A_2342 = tpu.memref_slice %arg6[%dma_start3A_2338, %dma_start3A_2339, %dma_start3A_2340, %dma_start3A_2341] : memref<2x16x16x128xf32, #tpu.memory_space<vmem>> -> memref<1x1x16x128xf32, #tpu.memory_space<vmem>>
      %dma_start3A_2343 = tpu.memref_squeeze %dma_start3A_2342 : memref<1x1x16x128xf32, #tpu.memory_space<vmem>> -> memref<16x128xf32, #tpu.memory_space<vmem>>
      %dma_start3A_2344 = tpu.memref_slice %arg2[%multiple_of3A, %multiple_of3A_2337] : memref<32x1000000xf32, #tpu.memory_space<hbm>> -> memref<16x128xf32, #tpu.memory_space<hbm>>
      %dma_start3A_2345 = arith.constant 0 : i32
      %dma_start3A_2346 = arith.constant 0 : i32
      %dma_start3A_2347 = tpu.memref_slice %arg6[%dma_start3A_2338, %dma_start3A_2339, %dma_start3A_2345, %dma_start3A_2346] : memref<2x16x16x128xf32, #tpu.memory_space<vmem>> -> memref<1x1x16x128xf32, #tpu.memory_space<vmem>>
      %dma_start3A_2348 = tpu.memref_squeeze %dma_start3A_2347 : memref<1x1x16x128xf32, #tpu.memory_space<vmem>> -> memref<16x128xf32, #tpu.memory_space<vmem>>
      %dma_start3A_2349 = tpu.memref_slice %arg2[%multiple_of3A, %multiple_of3A_2337] : memref<32x1000000xf32, #tpu.memory_space<hbm>> -> memref<16x128xf32, #tpu.memory_space<hbm>>
      tpu.enqueue_dma source(%dma_start3A_2349 : memref<16x128xf32, #tpu.memory_space<hbm>>) target(%dma_start3A_2348 : memref<16x128xf32, #tpu.memory_space<vmem>>) target_semaphore(%arg8 : memref<!tpu.dma_semaphore, #tpu.memory_space<semaphore_mem>>)
      %slice3A_2350 = vector.extract_strided_slice %get3A_2064 {offsets = [15], sizes = [1], strides = [1]} : vector<16xi32> to vector<1xi32>
      %squeeze3A_2351 = vector.extract %slice3A_2350[0] : i32 from vector<1xi32>
      %shift_right_logical3A_2352 = arith.constant 7 : i32
      %shift_right_logical3A_2353 = arith.shrui %squeeze3A_2351, %shift_right_logical3A_2352 : i32
      %shift_left3A_2354 = arith.constant 7 : i32
      %shift_left3A_2355 = arith.shli %shift_right_logical3A_2353, %shift_left3A_2354 : i32
      %multiple_of3A_2356 = tpu.assume_multiple %shift_left3A_2355, 128 : i32
      %dma_start3A_2357 = arith.constant 0 : i32
      %dma_start3A_2358 = arith.constant 15 : i32
      %dma_start3A_2359 = arith.constant 0 : i32
      %dma_start3A_2360 = arith.constant 0 : i32
      %dma_start3A_2361 = tpu.memref_slice %arg6[%dma_start3A_2357, %dma_start3A_2358, %dma_start3A_2359, %dma_start3A_2360] : memref<2x16x16x128xf32, #tpu.memory_space<vmem>> -> memref<1x1x16x128xf32, #tpu.memory_space<vmem>>
      %dma_start3A_2362 = tpu.memref_squeeze %dma_start3A_2361 : memref<1x1x16x128xf32, #tpu.memory_space<vmem>> -> memref<16x128xf32, #tpu.memory_space<vmem>>
      %dma_start3A_2363 = tpu.memref_slice %arg2[%multiple_of3A, %multiple_of3A_2356] : memref<32x1000000xf32, #tpu.memory_space<hbm>> -> memref<16x128xf32, #tpu.memory_space<hbm>>
      %dma_start3A_2364 = arith.constant 0 : i32
      %dma_start3A_2365 = arith.constant 0 : i32
      %dma_start3A_2366 = tpu.memref_slice %arg6[%dma_start3A_2357, %dma_start3A_2358, %dma_start3A_2364, %dma_start3A_2365] : memref<2x16x16x128xf32, #tpu.memory_space<vmem>> -> memref<1x1x16x128xf32, #tpu.memory_space<vmem>>
      %dma_start3A_2367 = tpu.memref_squeeze %dma_start3A_2366 : memref<1x1x16x128xf32, #tpu.memory_space<vmem>> -> memref<16x128xf32, #tpu.memory_space<vmem>>
      %dma_start3A_2368 = tpu.memref_slice %arg2[%multiple_of3A, %multiple_of3A_2356] : memref<32x1000000xf32, #tpu.memory_space<hbm>> -> memref<16x128xf32, #tpu.memory_space<hbm>>
      tpu.enqueue_dma source(%dma_start3A_2368 : memref<16x128xf32, #tpu.memory_space<hbm>>) target(%dma_start3A_2367 : memref<16x128xf32, #tpu.memory_space<vmem>>) target_semaphore(%arg8 : memref<!tpu.dma_semaphore, #tpu.memory_space<semaphore_mem>>)
      %mul3A_2369 = arith.constant 2 : i32
      %mul3A_2370 = arith.muli %scan3A_1552, %mul3A_2369 : i32
      %add3A_2371 = arith.constant 1 : i32
      %add3A_2372 = arith.addi %mul3A_2370, %add3A_2371 : i32
      %sub3A_2373 = arith.constant 2 : i32
      %sub3A_2374 = arith.subi %add3A_2372, %sub3A_2373 : i32
      %dma_wait3A_2375 = arith.constant 1 : i32
      %dma_wait3A_2376 = arith.constant 0 : i32
      %dma_wait3A_2377 = arith.constant 0 : i32
      %dma_wait3A_2378 = arith.constant 0 : i32
      %dma_wait3A_2379 = tpu.memref_slice %arg6[%dma_wait3A_2375, %dma_wait3A_2376, %dma_wait3A_2377, %dma_wait3A_2378] : memref<2x16x16x128xf32, #tpu.memory_space<vmem>> -> memref<1x1x16x128xf32, #tpu.memory_space<vmem>>
      %dma_wait3A_2380 = tpu.memref_squeeze %dma_wait3A_2379 : memref<1x1x16x128xf32, #tpu.memory_space<vmem>> -> memref<16x128xf32, #tpu.memory_space<vmem>>
      %dma_wait3A_2381 = arith.constant 0 : i32
      %dma_wait3A_2382 = arith.constant 0 : i32
      %dma_wait3A_2383 = tpu.memref_slice %arg2[%dma_wait3A_2381, %dma_wait3A_2382] : memref<32x1000000xf32, #tpu.memory_space<hbm>> -> memref<16x128xf32, #tpu.memory_space<hbm>>
      %dma_wait3A_2384 = arith.constant 0 : i32
      %dma_wait3A_2385 = arith.constant 0 : i32
      %dma_wait3A_2386 = tpu.memref_slice %arg6[%dma_wait3A_2375, %dma_wait3A_2376, %dma_wait3A_2384, %dma_wait3A_2385] : memref<2x16x16x128xf32, #tpu.memory_space<vmem>> -> memref<1x1x16x128xf32, #tpu.memory_space<vmem>>
      %dma_wait3A_2387 = tpu.memref_squeeze %dma_wait3A_2386 : memref<1x1x16x128xf32, #tpu.memory_space<vmem>> -> memref<16x128xf32, #tpu.memory_space<vmem>>
      %dma_wait3A_2388 = arith.constant 0 : i32
      %dma_wait3A_2389 = arith.constant 0 : i32
      %dma_wait3A_2390 = tpu.memref_slice %arg2[%dma_wait3A_2388, %dma_wait3A_2389] : memref<32x1000000xf32, #tpu.memory_space<hbm>> -> memref<16x128xf32, #tpu.memory_space<hbm>>
      tpu.wait_dma2 semaphore(%arg8 : memref<!tpu.dma_semaphore, #tpu.memory_space<semaphore_mem>>) src(%dma_wait3A_2390 : memref<16x128xf32, #tpu.memory_space<hbm>>) dst(%dma_wait3A_2387 : memref<16x128xf32, #tpu.memory_space<vmem>>)
      %dma_wait3A_2391 = arith.constant 1 : i32
      %dma_wait3A_2392 = arith.constant 1 : i32
      %dma_wait3A_2393 = arith.constant 0 : i32
      %dma_wait3A_2394 = arith.constant 0 : i32
      %dma_wait3A_2395 = tpu.memref_slice %arg6[%dma_wait3A_2391, %dma_wait3A_2392, %dma_wait3A_2393, %dma_wait3A_2394] : memref<2x16x16x128xf32, #tpu.memory_space<vmem>> -> memref<1x1x16x128xf32, #tpu.memory_space<vmem>>
      %dma_wait3A_2396 = tpu.memref_squeeze %dma_wait3A_2395 : memref<1x1x16x128xf32, #tpu.memory_space<vmem>> -> memref<16x128xf32, #tpu.memory_space<vmem>>
      %dma_wait3A_2397 = arith.constant 0 : i32
      %dma_wait3A_2398 = arith.constant 0 : i32
      %dma_wait3A_2399 = tpu.memref_slice %arg2[%dma_wait3A_2397, %dma_wait3A_2398] : memref<32x1000000xf32, #tpu.memory_space<hbm>> -> memref<16x128xf32, #tpu.memory_space<hbm>>
      %dma_wait3A_2400 = arith.constant 0 : i32
      %dma_wait3A_2401 = arith.constant 0 : i32
      %dma_wait3A_2402 = tpu.memref_slice %arg6[%dma_wait3A_2391, %dma_wait3A_2392, %dma_wait3A_2400, %dma_wait3A_2401] : memref<2x16x16x128xf32, #tpu.memory_space<vmem>> -> memref<1x1x16x128xf32, #tpu.memory_space<vmem>>
      %dma_wait3A_2403 = tpu.memref_squeeze %dma_wait3A_2402 : memref<1x1x16x128xf32, #tpu.memory_space<vmem>> -> memref<16x128xf32, #tpu.memory_space<vmem>>
      %dma_wait3A_2404 = arith.constant 0 : i32
      %dma_wait3A_2405 = arith.constant 0 : i32
      %dma_wait3A_2406 = tpu.memref_slice %arg2[%dma_wait3A_2404, %dma_wait3A_2405] : memref<32x1000000xf32, #tpu.memory_space<hbm>> -> memref<16x128xf32, #tpu.memory_space<hbm>>
      tpu.wait_dma2 semaphore(%arg8 : memref<!tpu.dma_semaphore, #tpu.memory_space<semaphore_mem>>) src(%dma_wait3A_2406 : memref<16x128xf32, #tpu.memory_space<hbm>>) dst(%dma_wait3A_2403 : memref<16x128xf32, #tpu.memory_space<vmem>>)
      %dma_wait3A_2407 = arith.constant 1 : i32
      %dma_wait3A_2408 = arith.constant 2 : i32
      %dma_wait3A_2409 = arith.constant 0 : i32
      %dma_wait3A_2410 = arith.constant 0 : i32
      %dma_wait3A_2411 = tpu.memref_slice %arg6[%dma_wait3A_2407, %dma_wait3A_2408, %dma_wait3A_2409, %dma_wait3A_2410] : memref<2x16x16x128xf32, #tpu.memory_space<vmem>> -> memref<1x1x16x128xf32, #tpu.memory_space<vmem>>
      %dma_wait3A_2412 = tpu.memref_squeeze %dma_wait3A_2411 : memref<1x1x16x128xf32, #tpu.memory_space<vmem>> -> memref<16x128xf32, #tpu.memory_space<vmem>>
      %dma_wait3A_2413 = arith.constant 0 : i32
      %dma_wait3A_2414 = arith.constant 0 : i32
      %dma_wait3A_2415 = tpu.memref_slice %arg2[%dma_wait3A_2413, %dma_wait3A_2414] : memref<32x1000000xf32, #tpu.memory_space<hbm>> -> memref<16x128xf32, #tpu.memory_space<hbm>>
      %dma_wait3A_2416 = arith.constant 0 : i32
      %dma_wait3A_2417 = arith.constant 0 : i32
      %dma_wait3A_2418 = tpu.memref_slice %arg6[%dma_wait3A_2407, %dma_wait3A_2408, %dma_wait3A_2416, %dma_wait3A_2417] : memref<2x16x16x128xf32, #tpu.memory_space<vmem>> -> memref<1x1x16x128xf32, #tpu.memory_space<vmem>>
      %dma_wait3A_2419 = tpu.memref_squeeze %dma_wait3A_2418 : memref<1x1x16x128xf32, #tpu.memory_space<vmem>> -> memref<16x128xf32, #tpu.memory_space<vmem>>
      %dma_wait3A_2420 = arith.constant 0 : i32
      %dma_wait3A_2421 = arith.constant 0 : i32
      %dma_wait3A_2422 = tpu.memref_slice %arg2[%dma_wait3A_2420, %dma_wait3A_2421] : memref<32x1000000xf32, #tpu.memory_space<hbm>> -> memref<16x128xf32, #tpu.memory_space<hbm>>
      tpu.wait_dma2 semaphore(%arg8 : memref<!tpu.dma_semaphore, #tpu.memory_space<semaphore_mem>>) src(%dma_wait3A_2422 : memref<16x128xf32, #tpu.memory_space<hbm>>) dst(%dma_wait3A_2419 : memref<16x128xf32, #tpu.memory_space<vmem>>)
      %dma_wait3A_2423 = arith.constant 1 : i32
      %dma_wait3A_2424 = arith.constant 3 : i32
      %dma_wait3A_2425 = arith.constant 0 : i32
      %dma_wait3A_2426 = arith.constant 0 : i32
      %dma_wait3A_2427 = tpu.memref_slice %arg6[%dma_wait3A_2423, %dma_wait3A_2424, %dma_wait3A_2425, %dma_wait3A_2426] : memref<2x16x16x128xf32, #tpu.memory_space<vmem>> -> memref<1x1x16x128xf32, #tpu.memory_space<vmem>>
      %dma_wait3A_2428 = tpu.memref_squeeze %dma_wait3A_2427 : memref<1x1x16x128xf32, #tpu.memory_space<vmem>> -> memref<16x128xf32, #tpu.memory_space<vmem>>
      %dma_wait3A_2429 = arith.constant 0 : i32
      %dma_wait3A_2430 = arith.constant 0 : i32
      %dma_wait3A_2431 = tpu.memref_slice %arg2[%dma_wait3A_2429, %dma_wait3A_2430] : memref<32x1000000xf32, #tpu.memory_space<hbm>> -> memref<16x128xf32, #tpu.memory_space<hbm>>
      %dma_wait3A_2432 = arith.constant 0 : i32
      %dma_wait3A_2433 = arith.constant 0 : i32
      %dma_wait3A_2434 = tpu.memref_slice %arg6[%dma_wait3A_2423, %dma_wait3A_2424, %dma_wait3A_2432, %dma_wait3A_2433] : memref<2x16x16x128xf32, #tpu.memory_space<vmem>> -> memref<1x1x16x128xf32, #tpu.memory_space<vmem>>
      %dma_wait3A_2435 = tpu.memref_squeeze %dma_wait3A_2434 : memref<1x1x16x128xf32, #tpu.memory_space<vmem>> -> memref<16x128xf32, #tpu.memory_space<vmem>>
      %dma_wait3A_2436 = arith.constant 0 : i32
      %dma_wait3A_2437 = arith.constant 0 : i32
      %dma_wait3A_2438 = tpu.memref_slice %arg2[%dma_wait3A_2436, %dma_wait3A_2437] : memref<32x1000000xf32, #tpu.memory_space<hbm>> -> memref<16x128xf32, #tpu.memory_space<hbm>>
      tpu.wait_dma2 semaphore(%arg8 : memref<!tpu.dma_semaphore, #tpu.memory_space<semaphore_mem>>) src(%dma_wait3A_2438 : memref<16x128xf32, #tpu.memory_space<hbm>>) dst(%dma_wait3A_2435 : memref<16x128xf32, #tpu.memory_space<vmem>>)
      %dma_wait3A_2439 = arith.constant 1 : i32
      %dma_wait3A_2440 = arith.constant 4 : i32
      %dma_wait3A_2441 = arith.constant 0 : i32
      %dma_wait3A_2442 = arith.constant 0 : i32
      %dma_wait3A_2443 = tpu.memref_slice %arg6[%dma_wait3A_2439, %dma_wait3A_2440, %dma_wait3A_2441, %dma_wait3A_2442] : memref<2x16x16x128xf32, #tpu.memory_space<vmem>> -> memref<1x1x16x128xf32, #tpu.memory_space<vmem>>
      %dma_wait3A_2444 = tpu.memref_squeeze %dma_wait3A_2443 : memref<1x1x16x128xf32, #tpu.memory_space<vmem>> -> memref<16x128xf32, #tpu.memory_space<vmem>>
      %dma_wait3A_2445 = arith.constant 0 : i32
      %dma_wait3A_2446 = arith.constant 0 : i32
      %dma_wait3A_2447 = tpu.memref_slice %arg2[%dma_wait3A_2445, %dma_wait3A_2446] : memref<32x1000000xf32, #tpu.memory_space<hbm>> -> memref<16x128xf32, #tpu.memory_space<hbm>>
      %dma_wait3A_2448 = arith.constant 0 : i32
      %dma_wait3A_2449 = arith.constant 0 : i32
      %dma_wait3A_2450 = tpu.memref_slice %arg6[%dma_wait3A_2439, %dma_wait3A_2440, %dma_wait3A_2448, %dma_wait3A_2449] : memref<2x16x16x128xf32, #tpu.memory_space<vmem>> -> memref<1x1x16x128xf32, #tpu.memory_space<vmem>>
      %dma_wait3A_2451 = tpu.memref_squeeze %dma_wait3A_2450 : memref<1x1x16x128xf32, #tpu.memory_space<vmem>> -> memref<16x128xf32, #tpu.memory_space<vmem>>
      %dma_wait3A_2452 = arith.constant 0 : i32
      %dma_wait3A_2453 = arith.constant 0 : i32
      %dma_wait3A_2454 = tpu.memref_slice %arg2[%dma_wait3A_2452, %dma_wait3A_2453] : memref<32x1000000xf32, #tpu.memory_space<hbm>> -> memref<16x128xf32, #tpu.memory_space<hbm>>
      tpu.wait_dma2 semaphore(%arg8 : memref<!tpu.dma_semaphore, #tpu.memory_space<semaphore_mem>>) src(%dma_wait3A_2454 : memref<16x128xf32, #tpu.memory_space<hbm>>) dst(%dma_wait3A_2451 : memref<16x128xf32, #tpu.memory_space<vmem>>)
      %dma_wait3A_2455 = arith.constant 1 : i32
      %dma_wait3A_2456 = arith.constant 5 : i32
      %dma_wait3A_2457 = arith.constant 0 : i32
      %dma_wait3A_2458 = arith.constant 0 : i32
      %dma_wait3A_2459 = tpu.memref_slice %arg6[%dma_wait3A_2455, %dma_wait3A_2456, %dma_wait3A_2457, %dma_wait3A_2458] : memref<2x16x16x128xf32, #tpu.memory_space<vmem>> -> memref<1x1x16x128xf32, #tpu.memory_space<vmem>>
      %dma_wait3A_2460 = tpu.memref_squeeze %dma_wait3A_2459 : memref<1x1x16x128xf32, #tpu.memory_space<vmem>> -> memref<16x128xf32, #tpu.memory_space<vmem>>
      %dma_wait3A_2461 = arith.constant 0 : i32
      %dma_wait3A_2462 = arith.constant 0 : i32
      %dma_wait3A_2463 = tpu.memref_slice %arg2[%dma_wait3A_2461, %dma_wait3A_2462] : memref<32x1000000xf32, #tpu.memory_space<hbm>> -> memref<16x128xf32, #tpu.memory_space<hbm>>
      %dma_wait3A_2464 = arith.constant 0 : i32
      %dma_wait3A_2465 = arith.constant 0 : i32
      %dma_wait3A_2466 = tpu.memref_slice %arg6[%dma_wait3A_2455, %dma_wait3A_2456, %dma_wait3A_2464, %dma_wait3A_2465] : memref<2x16x16x128xf32, #tpu.memory_space<vmem>> -> memref<1x1x16x128xf32, #tpu.memory_space<vmem>>
      %dma_wait3A_2467 = tpu.memref_squeeze %dma_wait3A_2466 : memref<1x1x16x128xf32, #tpu.memory_space<vmem>> -> memref<16x128xf32, #tpu.memory_space<vmem>>
      %dma_wait3A_2468 = arith.constant 0 : i32
      %dma_wait3A_2469 = arith.constant 0 : i32
      %dma_wait3A_2470 = tpu.memref_slice %arg2[%dma_wait3A_2468, %dma_wait3A_2469] : memref<32x1000000xf32, #tpu.memory_space<hbm>> -> memref<16x128xf32, #tpu.memory_space<hbm>>
      tpu.wait_dma2 semaphore(%arg8 : memref<!tpu.dma_semaphore, #tpu.memory_space<semaphore_mem>>) src(%dma_wait3A_2470 : memref<16x128xf32, #tpu.memory_space<hbm>>) dst(%dma_wait3A_2467 : memref<16x128xf32, #tpu.memory_space<vmem>>)
      %dma_wait3A_2471 = arith.constant 1 : i32
      %dma_wait3A_2472 = arith.constant 6 : i32
      %dma_wait3A_2473 = arith.constant 0 : i32
      %dma_wait3A_2474 = arith.constant 0 : i32
      %dma_wait3A_2475 = tpu.memref_slice %arg6[%dma_wait3A_2471, %dma_wait3A_2472, %dma_wait3A_2473, %dma_wait3A_2474] : memref<2x16x16x128xf32, #tpu.memory_space<vmem>> -> memref<1x1x16x128xf32, #tpu.memory_space<vmem>>
      %dma_wait3A_2476 = tpu.memref_squeeze %dma_wait3A_2475 : memref<1x1x16x128xf32, #tpu.memory_space<vmem>> -> memref<16x128xf32, #tpu.memory_space<vmem>>
      %dma_wait3A_2477 = arith.constant 0 : i32
      %dma_wait3A_2478 = arith.constant 0 : i32
      %dma_wait3A_2479 = tpu.memref_slice %arg2[%dma_wait3A_2477, %dma_wait3A_2478] : memref<32x1000000xf32, #tpu.memory_space<hbm>> -> memref<16x128xf32, #tpu.memory_space<hbm>>
      %dma_wait3A_2480 = arith.constant 0 : i32
      %dma_wait3A_2481 = arith.constant 0 : i32
      %dma_wait3A_2482 = tpu.memref_slice %arg6[%dma_wait3A_2471, %dma_wait3A_2472, %dma_wait3A_2480, %dma_wait3A_2481] : memref<2x16x16x128xf32, #tpu.memory_space<vmem>> -> memref<1x1x16x128xf32, #tpu.memory_space<vmem>>
      %dma_wait3A_2483 = tpu.memref_squeeze %dma_wait3A_2482 : memref<1x1x16x128xf32, #tpu.memory_space<vmem>> -> memref<16x128xf32, #tpu.memory_space<vmem>>
      %dma_wait3A_2484 = arith.constant 0 : i32
      %dma_wait3A_2485 = arith.constant 0 : i32
      %dma_wait3A_2486 = tpu.memref_slice %arg2[%dma_wait3A_2484, %dma_wait3A_2485] : memref<32x1000000xf32, #tpu.memory_space<hbm>> -> memref<16x128xf32, #tpu.memory_space<hbm>>
      tpu.wait_dma2 semaphore(%arg8 : memref<!tpu.dma_semaphore, #tpu.memory_space<semaphore_mem>>) src(%dma_wait3A_2486 : memref<16x128xf32, #tpu.memory_space<hbm>>) dst(%dma_wait3A_2483 : memref<16x128xf32, #tpu.memory_space<vmem>>)
      %dma_wait3A_2487 = arith.constant 1 : i32
      %dma_wait3A_2488 = arith.constant 7 : i32
      %dma_wait3A_2489 = arith.constant 0 : i32
      %dma_wait3A_2490 = arith.constant 0 : i32
      %dma_wait3A_2491 = tpu.memref_slice %arg6[%dma_wait3A_2487, %dma_wait3A_2488, %dma_wait3A_2489, %dma_wait3A_2490] : memref<2x16x16x128xf32, #tpu.memory_space<vmem>> -> memref<1x1x16x128xf32, #tpu.memory_space<vmem>>
      %dma_wait3A_2492 = tpu.memref_squeeze %dma_wait3A_2491 : memref<1x1x16x128xf32, #tpu.memory_space<vmem>> -> memref<16x128xf32, #tpu.memory_space<vmem>>
      %dma_wait3A_2493 = arith.constant 0 : i32
      %dma_wait3A_2494 = arith.constant 0 : i32
      %dma_wait3A_2495 = tpu.memref_slice %arg2[%dma_wait3A_2493, %dma_wait3A_2494] : memref<32x1000000xf32, #tpu.memory_space<hbm>> -> memref<16x128xf32, #tpu.memory_space<hbm>>
      %dma_wait3A_2496 = arith.constant 0 : i32
      %dma_wait3A_2497 = arith.constant 0 : i32
      %dma_wait3A_2498 = tpu.memref_slice %arg6[%dma_wait3A_2487, %dma_wait3A_2488, %dma_wait3A_2496, %dma_wait3A_2497] : memref<2x16x16x128xf32, #tpu.memory_space<vmem>> -> memref<1x1x16x128xf32, #tpu.memory_space<vmem>>
      %dma_wait3A_2499 = tpu.memref_squeeze %dma_wait3A_2498 : memref<1x1x16x128xf32, #tpu.memory_space<vmem>> -> memref<16x128xf32, #tpu.memory_space<vmem>>
      %dma_wait3A_2500 = arith.constant 0 : i32
      %dma_wait3A_2501 = arith.constant 0 : i32
      %dma_wait3A_2502 = tpu.memref_slice %arg2[%dma_wait3A_2500, %dma_wait3A_2501] : memref<32x1000000xf32, #tpu.memory_space<hbm>> -> memref<16x128xf32, #tpu.memory_space<hbm>>
      tpu.wait_dma2 semaphore(%arg8 : memref<!tpu.dma_semaphore, #tpu.memory_space<semaphore_mem>>) src(%dma_wait3A_2502 : memref<16x128xf32, #tpu.memory_space<hbm>>) dst(%dma_wait3A_2499 : memref<16x128xf32, #tpu.memory_space<vmem>>)
      %dma_wait3A_2503 = arith.constant 1 : i32
      %dma_wait3A_2504 = arith.constant 8 : i32
      %dma_wait3A_2505 = arith.constant 0 : i32
      %dma_wait3A_2506 = arith.constant 0 : i32
      %dma_wait3A_2507 = tpu.memref_slice %arg6[%dma_wait3A_2503, %dma_wait3A_2504, %dma_wait3A_2505, %dma_wait3A_2506] : memref<2x16x16x128xf32, #tpu.memory_space<vmem>> -> memref<1x1x16x128xf32, #tpu.memory_space<vmem>>
      %dma_wait3A_2508 = tpu.memref_squeeze %dma_wait3A_2507 : memref<1x1x16x128xf32, #tpu.memory_space<vmem>> -> memref<16x128xf32, #tpu.memory_space<vmem>>
      %dma_wait3A_2509 = arith.constant 0 : i32
      %dma_wait3A_2510 = arith.constant 0 : i32
      %dma_wait3A_2511 = tpu.memref_slice %arg2[%dma_wait3A_2509, %dma_wait3A_2510] : memref<32x1000000xf32, #tpu.memory_space<hbm>> -> memref<16x128xf32, #tpu.memory_space<hbm>>
      %dma_wait3A_2512 = arith.constant 0 : i32
      %dma_wait3A_2513 = arith.constant 0 : i32
      %dma_wait3A_2514 = tpu.memref_slice %arg6[%dma_wait3A_2503, %dma_wait3A_2504, %dma_wait3A_2512, %dma_wait3A_2513] : memref<2x16x16x128xf32, #tpu.memory_space<vmem>> -> memref<1x1x16x128xf32, #tpu.memory_space<vmem>>
      %dma_wait3A_2515 = tpu.memref_squeeze %dma_wait3A_2514 : memref<1x1x16x128xf32, #tpu.memory_space<vmem>> -> memref<16x128xf32, #tpu.memory_space<vmem>>
      %dma_wait3A_2516 = arith.constant 0 : i32
      %dma_wait3A_2517 = arith.constant 0 : i32
      %dma_wait3A_2518 = tpu.memref_slice %arg2[%dma_wait3A_2516, %dma_wait3A_2517] : memref<32x1000000xf32, #tpu.memory_space<hbm>> -> memref<16x128xf32, #tpu.memory_space<hbm>>
      tpu.wait_dma2 semaphore(%arg8 : memref<!tpu.dma_semaphore, #tpu.memory_space<semaphore_mem>>) src(%dma_wait3A_2518 : memref<16x128xf32, #tpu.memory_space<hbm>>) dst(%dma_wait3A_2515 : memref<16x128xf32, #tpu.memory_space<vmem>>)
      %dma_wait3A_2519 = arith.constant 1 : i32
      %dma_wait3A_2520 = arith.constant 9 : i32
      %dma_wait3A_2521 = arith.constant 0 : i32
      %dma_wait3A_2522 = arith.constant 0 : i32
      %dma_wait3A_2523 = tpu.memref_slice %arg6[%dma_wait3A_2519, %dma_wait3A_2520, %dma_wait3A_2521, %dma_wait3A_2522] : memref<2x16x16x128xf32, #tpu.memory_space<vmem>> -> memref<1x1x16x128xf32, #tpu.memory_space<vmem>>
      %dma_wait3A_2524 = tpu.memref_squeeze %dma_wait3A_2523 : memref<1x1x16x128xf32, #tpu.memory_space<vmem>> -> memref<16x128xf32, #tpu.memory_space<vmem>>
      %dma_wait3A_2525 = arith.constant 0 : i32
      %dma_wait3A_2526 = arith.constant 0 : i32
      %dma_wait3A_2527 = tpu.memref_slice %arg2[%dma_wait3A_2525, %dma_wait3A_2526] : memref<32x1000000xf32, #tpu.memory_space<hbm>> -> memref<16x128xf32, #tpu.memory_space<hbm>>
      %dma_wait3A_2528 = arith.constant 0 : i32
      %dma_wait3A_2529 = arith.constant 0 : i32
      %dma_wait3A_2530 = tpu.memref_slice %arg6[%dma_wait3A_2519, %dma_wait3A_2520, %dma_wait3A_2528, %dma_wait3A_2529] : memref<2x16x16x128xf32, #tpu.memory_space<vmem>> -> memref<1x1x16x128xf32, #tpu.memory_space<vmem>>
      %dma_wait3A_2531 = tpu.memref_squeeze %dma_wait3A_2530 : memref<1x1x16x128xf32, #tpu.memory_space<vmem>> -> memref<16x128xf32, #tpu.memory_space<vmem>>
      %dma_wait3A_2532 = arith.constant 0 : i32
      %dma_wait3A_2533 = arith.constant 0 : i32
      %dma_wait3A_2534 = tpu.memref_slice %arg2[%dma_wait3A_2532, %dma_wait3A_2533] : memref<32x1000000xf32, #tpu.memory_space<hbm>> -> memref<16x128xf32, #tpu.memory_space<hbm>>
      tpu.wait_dma2 semaphore(%arg8 : memref<!tpu.dma_semaphore, #tpu.memory_space<semaphore_mem>>) src(%dma_wait3A_2534 : memref<16x128xf32, #tpu.memory_space<hbm>>) dst(%dma_wait3A_2531 : memref<16x128xf32, #tpu.memory_space<vmem>>)
      %dma_wait3A_2535 = arith.constant 1 : i32
      %dma_wait3A_2536 = arith.constant 10 : i32
      %dma_wait3A_2537 = arith.constant 0 : i32
      %dma_wait3A_2538 = arith.constant 0 : i32
      %dma_wait3A_2539 = tpu.memref_slice %arg6[%dma_wait3A_2535, %dma_wait3A_2536, %dma_wait3A_2537, %dma_wait3A_2538] : memref<2x16x16x128xf32, #tpu.memory_space<vmem>> -> memref<1x1x16x128xf32, #tpu.memory_space<vmem>>
      %dma_wait3A_2540 = tpu.memref_squeeze %dma_wait3A_2539 : memref<1x1x16x128xf32, #tpu.memory_space<vmem>> -> memref<16x128xf32, #tpu.memory_space<vmem>>
      %dma_wait3A_2541 = arith.constant 0 : i32
      %dma_wait3A_2542 = arith.constant 0 : i32
      %dma_wait3A_2543 = tpu.memref_slice %arg2[%dma_wait3A_2541, %dma_wait3A_2542] : memref<32x1000000xf32, #tpu.memory_space<hbm>> -> memref<16x128xf32, #tpu.memory_space<hbm>>
      %dma_wait3A_2544 = arith.constant 0 : i32
      %dma_wait3A_2545 = arith.constant 0 : i32
      %dma_wait3A_2546 = tpu.memref_slice %arg6[%dma_wait3A_2535, %dma_wait3A_2536, %dma_wait3A_2544, %dma_wait3A_2545] : memref<2x16x16x128xf32, #tpu.memory_space<vmem>> -> memref<1x1x16x128xf32, #tpu.memory_space<vmem>>
      %dma_wait3A_2547 = tpu.memref_squeeze %dma_wait3A_2546 : memref<1x1x16x128xf32, #tpu.memory_space<vmem>> -> memref<16x128xf32, #tpu.memory_space<vmem>>
      %dma_wait3A_2548 = arith.constant 0 : i32
      %dma_wait3A_2549 = arith.constant 0 : i32
      %dma_wait3A_2550 = tpu.memref_slice %arg2[%dma_wait3A_2548, %dma_wait3A_2549] : memref<32x1000000xf32, #tpu.memory_space<hbm>> -> memref<16x128xf32, #tpu.memory_space<hbm>>
      tpu.wait_dma2 semaphore(%arg8 : memref<!tpu.dma_semaphore, #tpu.memory_space<semaphore_mem>>) src(%dma_wait3A_2550 : memref<16x128xf32, #tpu.memory_space<hbm>>) dst(%dma_wait3A_2547 : memref<16x128xf32, #tpu.memory_space<vmem>>)
      %dma_wait3A_2551 = arith.constant 1 : i32
      %dma_wait3A_2552 = arith.constant 11 : i32
      %dma_wait3A_2553 = arith.constant 0 : i32
      %dma_wait3A_2554 = arith.constant 0 : i32
      %dma_wait3A_2555 = tpu.memref_slice %arg6[%dma_wait3A_2551, %dma_wait3A_2552, %dma_wait3A_2553, %dma_wait3A_2554] : memref<2x16x16x128xf32, #tpu.memory_space<vmem>> -> memref<1x1x16x128xf32, #tpu.memory_space<vmem>>
      %dma_wait3A_2556 = tpu.memref_squeeze %dma_wait3A_2555 : memref<1x1x16x128xf32, #tpu.memory_space<vmem>> -> memref<16x128xf32, #tpu.memory_space<vmem>>
      %dma_wait3A_2557 = arith.constant 0 : i32
      %dma_wait3A_2558 = arith.constant 0 : i32
      %dma_wait3A_2559 = tpu.memref_slice %arg2[%dma_wait3A_2557, %dma_wait3A_2558] : memref<32x1000000xf32, #tpu.memory_space<hbm>> -> memref<16x128xf32, #tpu.memory_space<hbm>>
      %dma_wait3A_2560 = arith.constant 0 : i32
      %dma_wait3A_2561 = arith.constant 0 : i32
      %dma_wait3A_2562 = tpu.memref_slice %arg6[%dma_wait3A_2551, %dma_wait3A_2552, %dma_wait3A_2560, %dma_wait3A_2561] : memref<2x16x16x128xf32, #tpu.memory_space<vmem>> -> memref<1x1x16x128xf32, #tpu.memory_space<vmem>>
      %dma_wait3A_2563 = tpu.memref_squeeze %dma_wait3A_2562 : memref<1x1x16x128xf32, #tpu.memory_space<vmem>> -> memref<16x128xf32, #tpu.memory_space<vmem>>
      %dma_wait3A_2564 = arith.constant 0 : i32
      %dma_wait3A_2565 = arith.constant 0 : i32
      %dma_wait3A_2566 = tpu.memref_slice %arg2[%dma_wait3A_2564, %dma_wait3A_2565] : memref<32x1000000xf32, #tpu.memory_space<hbm>> -> memref<16x128xf32, #tpu.memory_space<hbm>>
      tpu.wait_dma2 semaphore(%arg8 : memref<!tpu.dma_semaphore, #tpu.memory_space<semaphore_mem>>) src(%dma_wait3A_2566 : memref<16x128xf32, #tpu.memory_space<hbm>>) dst(%dma_wait3A_2563 : memref<16x128xf32, #tpu.memory_space<vmem>>)
      %dma_wait3A_2567 = arith.constant 1 : i32
      %dma_wait3A_2568 = arith.constant 12 : i32
      %dma_wait3A_2569 = arith.constant 0 : i32
      %dma_wait3A_2570 = arith.constant 0 : i32
      %dma_wait3A_2571 = tpu.memref_slice %arg6[%dma_wait3A_2567, %dma_wait3A_2568, %dma_wait3A_2569, %dma_wait3A_2570] : memref<2x16x16x128xf32, #tpu.memory_space<vmem>> -> memref<1x1x16x128xf32, #tpu.memory_space<vmem>>
      %dma_wait3A_2572 = tpu.memref_squeeze %dma_wait3A_2571 : memref<1x1x16x128xf32, #tpu.memory_space<vmem>> -> memref<16x128xf32, #tpu.memory_space<vmem>>
      %dma_wait3A_2573 = arith.constant 0 : i32
      %dma_wait3A_2574 = arith.constant 0 : i32
      %dma_wait3A_2575 = tpu.memref_slice %arg2[%dma_wait3A_2573, %dma_wait3A_2574] : memref<32x1000000xf32, #tpu.memory_space<hbm>> -> memref<16x128xf32, #tpu.memory_space<hbm>>
      %dma_wait3A_2576 = arith.constant 0 : i32
      %dma_wait3A_2577 = arith.constant 0 : i32
      %dma_wait3A_2578 = tpu.memref_slice %arg6[%dma_wait3A_2567, %dma_wait3A_2568, %dma_wait3A_2576, %dma_wait3A_2577] : memref<2x16x16x128xf32, #tpu.memory_space<vmem>> -> memref<1x1x16x128xf32, #tpu.memory_space<vmem>>
      %dma_wait3A_2579 = tpu.memref_squeeze %dma_wait3A_2578 : memref<1x1x16x128xf32, #tpu.memory_space<vmem>> -> memref<16x128xf32, #tpu.memory_space<vmem>>
      %dma_wait3A_2580 = arith.constant 0 : i32
      %dma_wait3A_2581 = arith.constant 0 : i32
      %dma_wait3A_2582 = tpu.memref_slice %arg2[%dma_wait3A_2580, %dma_wait3A_2581] : memref<32x1000000xf32, #tpu.memory_space<hbm>> -> memref<16x128xf32, #tpu.memory_space<hbm>>
      tpu.wait_dma2 semaphore(%arg8 : memref<!tpu.dma_semaphore, #tpu.memory_space<semaphore_mem>>) src(%dma_wait3A_2582 : memref<16x128xf32, #tpu.memory_space<hbm>>) dst(%dma_wait3A_2579 : memref<16x128xf32, #tpu.memory_space<vmem>>)
      %dma_wait3A_2583 = arith.constant 1 : i32
      %dma_wait3A_2584 = arith.constant 13 : i32
      %dma_wait3A_2585 = arith.constant 0 : i32
      %dma_wait3A_2586 = arith.constant 0 : i32
      %dma_wait3A_2587 = tpu.memref_slice %arg6[%dma_wait3A_2583, %dma_wait3A_2584, %dma_wait3A_2585, %dma_wait3A_2586] : memref<2x16x16x128xf32, #tpu.memory_space<vmem>> -> memref<1x1x16x128xf32, #tpu.memory_space<vmem>>
      %dma_wait3A_2588 = tpu.memref_squeeze %dma_wait3A_2587 : memref<1x1x16x128xf32, #tpu.memory_space<vmem>> -> memref<16x128xf32, #tpu.memory_space<vmem>>
      %dma_wait3A_2589 = arith.constant 0 : i32
      %dma_wait3A_2590 = arith.constant 0 : i32
      %dma_wait3A_2591 = tpu.memref_slice %arg2[%dma_wait3A_2589, %dma_wait3A_2590] : memref<32x1000000xf32, #tpu.memory_space<hbm>> -> memref<16x128xf32, #tpu.memory_space<hbm>>
      %dma_wait3A_2592 = arith.constant 0 : i32
      %dma_wait3A_2593 = arith.constant 0 : i32
      %dma_wait3A_2594 = tpu.memref_slice %arg6[%dma_wait3A_2583, %dma_wait3A_2584, %dma_wait3A_2592, %dma_wait3A_2593] : memref<2x16x16x128xf32, #tpu.memory_space<vmem>> -> memref<1x1x16x128xf32, #tpu.memory_space<vmem>>
      %dma_wait3A_2595 = tpu.memref_squeeze %dma_wait3A_2594 : memref<1x1x16x128xf32, #tpu.memory_space<vmem>> -> memref<16x128xf32, #tpu.memory_space<vmem>>
      %dma_wait3A_2596 = arith.constant 0 : i32
      %dma_wait3A_2597 = arith.constant 0 : i32
      %dma_wait3A_2598 = tpu.memref_slice %arg2[%dma_wait3A_2596, %dma_wait3A_2597] : memref<32x1000000xf32, #tpu.memory_space<hbm>> -> memref<16x128xf32, #tpu.memory_space<hbm>>
      tpu.wait_dma2 semaphore(%arg8 : memref<!tpu.dma_semaphore, #tpu.memory_space<semaphore_mem>>) src(%dma_wait3A_2598 : memref<16x128xf32, #tpu.memory_space<hbm>>) dst(%dma_wait3A_2595 : memref<16x128xf32, #tpu.memory_space<vmem>>)
      %dma_wait3A_2599 = arith.constant 1 : i32
      %dma_wait3A_2600 = arith.constant 14 : i32
      %dma_wait3A_2601 = arith.constant 0 : i32
      %dma_wait3A_2602 = arith.constant 0 : i32
      %dma_wait3A_2603 = tpu.memref_slice %arg6[%dma_wait3A_2599, %dma_wait3A_2600, %dma_wait3A_2601, %dma_wait3A_2602] : memref<2x16x16x128xf32, #tpu.memory_space<vmem>> -> memref<1x1x16x128xf32, #tpu.memory_space<vmem>>
      %dma_wait3A_2604 = tpu.memref_squeeze %dma_wait3A_2603 : memref<1x1x16x128xf32, #tpu.memory_space<vmem>> -> memref<16x128xf32, #tpu.memory_space<vmem>>
      %dma_wait3A_2605 = arith.constant 0 : i32
      %dma_wait3A_2606 = arith.constant 0 : i32
      %dma_wait3A_2607 = tpu.memref_slice %arg2[%dma_wait3A_2605, %dma_wait3A_2606] : memref<32x1000000xf32, #tpu.memory_space<hbm>> -> memref<16x128xf32, #tpu.memory_space<hbm>>
      %dma_wait3A_2608 = arith.constant 0 : i32
      %dma_wait3A_2609 = arith.constant 0 : i32
      %dma_wait3A_2610 = tpu.memref_slice %arg6[%dma_wait3A_2599, %dma_wait3A_2600, %dma_wait3A_2608, %dma_wait3A_2609] : memref<2x16x16x128xf32, #tpu.memory_space<vmem>> -> memref<1x1x16x128xf32, #tpu.memory_space<vmem>>
      %dma_wait3A_2611 = tpu.memref_squeeze %dma_wait3A_2610 : memref<1x1x16x128xf32, #tpu.memory_space<vmem>> -> memref<16x128xf32, #tpu.memory_space<vmem>>
      %dma_wait3A_2612 = arith.constant 0 : i32
      %dma_wait3A_2613 = arith.constant 0 : i32
      %dma_wait3A_2614 = tpu.memref_slice %arg2[%dma_wait3A_2612, %dma_wait3A_2613] : memref<32x1000000xf32, #tpu.memory_space<hbm>> -> memref<16x128xf32, #tpu.memory_space<hbm>>
      tpu.wait_dma2 semaphore(%arg8 : memref<!tpu.dma_semaphore, #tpu.memory_space<semaphore_mem>>) src(%dma_wait3A_2614 : memref<16x128xf32, #tpu.memory_space<hbm>>) dst(%dma_wait3A_2611 : memref<16x128xf32, #tpu.memory_space<vmem>>)
      %dma_wait3A_2615 = arith.constant 1 : i32
      %dma_wait3A_2616 = arith.constant 15 : i32
      %dma_wait3A_2617 = arith.constant 0 : i32
      %dma_wait3A_2618 = arith.constant 0 : i32
      %dma_wait3A_2619 = tpu.memref_slice %arg6[%dma_wait3A_2615, %dma_wait3A_2616, %dma_wait3A_2617, %dma_wait3A_2618] : memref<2x16x16x128xf32, #tpu.memory_space<vmem>> -> memref<1x1x16x128xf32, #tpu.memory_space<vmem>>
      %dma_wait3A_2620 = tpu.memref_squeeze %dma_wait3A_2619 : memref<1x1x16x128xf32, #tpu.memory_space<vmem>> -> memref<16x128xf32, #tpu.memory_space<vmem>>
      %dma_wait3A_2621 = arith.constant 0 : i32
      %dma_wait3A_2622 = arith.constant 0 : i32
      %dma_wait3A_2623 = tpu.memref_slice %arg2[%dma_wait3A_2621, %dma_wait3A_2622] : memref<32x1000000xf32, #tpu.memory_space<hbm>> -> memref<16x128xf32, #tpu.memory_space<hbm>>
      %dma_wait3A_2624 = arith.constant 0 : i32
      %dma_wait3A_2625 = arith.constant 0 : i32
      %dma_wait3A_2626 = tpu.memref_slice %arg6[%dma_wait3A_2615, %dma_wait3A_2616, %dma_wait3A_2624, %dma_wait3A_2625] : memref<2x16x16x128xf32, #tpu.memory_space<vmem>> -> memref<1x1x16x128xf32, #tpu.memory_space<vmem>>
      %dma_wait3A_2627 = tpu.memref_squeeze %dma_wait3A_2626 : memref<1x1x16x128xf32, #tpu.memory_space<vmem>> -> memref<16x128xf32, #tpu.memory_space<vmem>>
      %dma_wait3A_2628 = arith.constant 0 : i32
      %dma_wait3A_2629 = arith.constant 0 : i32
      %dma_wait3A_2630 = tpu.memref_slice %arg2[%dma_wait3A_2628, %dma_wait3A_2629] : memref<32x1000000xf32, #tpu.memory_space<hbm>> -> memref<16x128xf32, #tpu.memory_space<hbm>>
      tpu.wait_dma2 semaphore(%arg8 : memref<!tpu.dma_semaphore, #tpu.memory_space<semaphore_mem>>) src(%dma_wait3A_2630 : memref<16x128xf32, #tpu.memory_space<hbm>>) dst(%dma_wait3A_2627 : memref<16x128xf32, #tpu.memory_space<vmem>>)
      %mul3A_2631 = arith.constant 16 : i32
      %mul3A_2632 = arith.muli %sub3A_2374, %mul3A_2631 : i32
      %get3A_2633 = arith.index_cast %mul3A_2632 : i32 to index
      %get3A_2634 = tpu.vector_load %arg5[%get3A_2633] {strides = array<i32>} : memref<1024xi32, #tpu.memory_space<vmem>>, vector<16xi32>,
      %and3A_2635 = arith.constant 127 : i32
      %and3A_2636 = vector.broadcast %and3A_2635 : i32 to vector<16xi32>
      %and3A_2637 = arith.andi %get3A_2634, %and3A_2636 : vector<16xi32>
      %broadcast_in_dim3A_2638 = arith.constant 0 : i32
      %broadcast_in_dim3A_2639 = vector.broadcast %broadcast_in_dim3A_2638 : i32 to vector<16xi32>
      %gather3A_2640 = arith.constant 1 : i32
      %gather3A_2641 = arith.constant 0 : i32
      %gather3A_2642 = arith.constant 0 : i32
      %gather3A_2643 = arith.constant 0 : i32
      %gather3A_2644 = tpu.memref_slice %arg6[%gather3A_2640, %gather3A_2641, %gather3A_2642, %gather3A_2643] : memref<2x16x16x128xf32, #tpu.memory_space<vmem>> -> memref<1x16x16x128xf32, #tpu.memory_space<vmem>>
      %gather3A_2645 = tpu.memref_squeeze %gather3A_2644 : memref<1x16x16x128xf32, #tpu.memory_space<vmem>> -> memref<16x16x128xf32, #tpu.memory_space<vmem>>
      %gather3A_2646 = tpu.vector_load_idx %gather3A_2645[%iota3A, %broadcast_in_dim3A_2639, %and3A_2637] : memref<16x16x128xf32, #tpu.memory_space<vmem>>[vector<16xi32>, vector<16xi32>, vector<16xi32>], vector<16xf32>,
      %mul3A_2647 = arith.constant 16 : i32
      %mul3A_2648 = arith.muli %sub3A_2374, %mul3A_2647 : i32
      %swap3A_2649 = arith.constant 0 : i32
      %swap3A_2650 = arith.index_cast %swap3A_2649 : i32 to index
      %swap3A_2651 = arith.index_cast %mul3A_2648 : i32 to index
      %swap3A_2652 = tpu.vector_load %arg7[%swap3A_2650, %swap3A_2651] {strides = array<i32>} : memref<16x1024xf32, #tpu.memory_space<vmem>>, vector<16xf32>,
      tpu.vector_store %arg7[%swap3A_2650, %swap3A_2651], %gather3A_2646 {strides = array<i32>} : memref<16x1024xf32, #tpu.memory_space<vmem>>, vector<16xf32>,
      %broadcast_in_dim3A_2653 = arith.constant 1 : i32
      %broadcast_in_dim3A_2654 = vector.broadcast %broadcast_in_dim3A_2653 : i32 to vector<16xi32>
      %gather3A_2655 = arith.constant 1 : i32
      %gather3A_2656 = arith.constant 0 : i32
      %gather3A_2657 = arith.constant 0 : i32
      %gather3A_2658 = arith.constant 0 : i32
      %gather3A_2659 = tpu.memref_slice %arg6[%gather3A_2655, %gather3A_2656, %gather3A_2657, %gather3A_2658] : memref<2x16x16x128xf32, #tpu.memory_space<vmem>> -> memref<1x16x16x128xf32, #tpu.memory_space<vmem>>
      %gather3A_2660 = tpu.memref_squeeze %gather3A_2659 : memref<1x16x16x128xf32, #tpu.memory_space<vmem>> -> memref<16x16x128xf32, #tpu.memory_space<vmem>>
      %gather3A_2661 = tpu.vector_load_idx %gather3A_2660[%iota3A, %broadcast_in_dim3A_2654, %and3A_2637] : memref<16x16x128xf32, #tpu.memory_space<vmem>>[vector<16xi32>, vector<16xi32>, vector<16xi32>], vector<16xf32>,
      %mul3A_2662 = arith.constant 16 : i32
      %mul3A_2663 = arith.muli %sub3A_2374, %mul3A_2662 : i32
      %swap3A_2664 = arith.constant 1 : i32
      %swap3A_2665 = arith.index_cast %swap3A_2664 : i32 to index
      %swap3A_2666 = arith.index_cast %mul3A_2663 : i32 to index
      %swap3A_2667 = tpu.vector_load %arg7[%swap3A_2665, %swap3A_2666] {strides = array<i32>} : memref<16x1024xf32, #tpu.memory_space<vmem>>, vector<16xf32>,
      tpu.vector_store %arg7[%swap3A_2665, %swap3A_2666], %gather3A_2661 {strides = array<i32>} : memref<16x1024xf32, #tpu.memory_space<vmem>>, vector<16xf32>,
      %broadcast_in_dim3A_2668 = arith.constant 2 : i32
      %broadcast_in_dim3A_2669 = vector.broadcast %broadcast_in_dim3A_2668 : i32 to vector<16xi32>
      %gather3A_2670 = arith.constant 1 : i32
      %gather3A_2671 = arith.constant 0 : i32
      %gather3A_2672 = arith.constant 0 : i32
      %gather3A_2673 = arith.constant 0 : i32
      %gather3A_2674 = tpu.memref_slice %arg6[%gather3A_2670, %gather3A_2671, %gather3A_2672, %gather3A_2673] : memref<2x16x16x128xf32, #tpu.memory_space<vmem>> -> memref<1x16x16x128xf32, #tpu.memory_space<vmem>>
      %gather3A_2675 = tpu.memref_squeeze %gather3A_2674 : memref<1x16x16x128xf32, #tpu.memory_space<vmem>> -> memref<16x16x128xf32, #tpu.memory_space<vmem>>
      %gather3A_2676 = tpu.vector_load_idx %gather3A_2675[%iota3A, %broadcast_in_dim3A_2669, %and3A_2637] : memref<16x16x128xf32, #tpu.memory_space<vmem>>[vector<16xi32>, vector<16xi32>, vector<16xi32>], vector<16xf32>,
      %mul3A_2677 = arith.constant 16 : i32
      %mul3A_2678 = arith.muli %sub3A_2374, %mul3A_2677 : i32
      %swap3A_2679 = arith.constant 2 : i32
      %swap3A_2680 = arith.index_cast %swap3A_2679 : i32 to index
      %swap3A_2681 = arith.index_cast %mul3A_2678 : i32 to index
      %swap3A_2682 = tpu.vector_load %arg7[%swap3A_2680, %swap3A_2681] {strides = array<i32>} : memref<16x1024xf32, #tpu.memory_space<vmem>>, vector<16xf32>,
      tpu.vector_store %arg7[%swap3A_2680, %swap3A_2681], %gather3A_2676 {strides = array<i32>} : memref<16x1024xf32, #tpu.memory_space<vmem>>, vector<16xf32>,
      %broadcast_in_dim3A_2683 = arith.constant 3 : i32
      %broadcast_in_dim3A_2684 = vector.broadcast %broadcast_in_dim3A_2683 : i32 to vector<16xi32>
      %gather3A_2685 = arith.constant 1 : i32
      %gather3A_2686 = arith.constant 0 : i32
      %gather3A_2687 = arith.constant 0 : i32
      %gather3A_2688 = arith.constant 0 : i32
      %gather3A_2689 = tpu.memref_slice %arg6[%gather3A_2685, %gather3A_2686, %gather3A_2687, %gather3A_2688] : memref<2x16x16x128xf32, #tpu.memory_space<vmem>> -> memref<1x16x16x128xf32, #tpu.memory_space<vmem>>
      %gather3A_2690 = tpu.memref_squeeze %gather3A_2689 : memref<1x16x16x128xf32, #tpu.memory_space<vmem>> -> memref<16x16x128xf32, #tpu.memory_space<vmem>>
      %gather3A_2691 = tpu.vector_load_idx %gather3A_2690[%iota3A, %broadcast_in_dim3A_2684, %and3A_2637] : memref<16x16x128xf32, #tpu.memory_space<vmem>>[vector<16xi32>, vector<16xi32>, vector<16xi32>], vector<16xf32>,
      %mul3A_2692 = arith.constant 16 : i32
      %mul3A_2693 = arith.muli %sub3A_2374, %mul3A_2692 : i32
      %swap3A_2694 = arith.constant 3 : i32
      %swap3A_2695 = arith.index_cast %swap3A_2694 : i32 to index
      %swap3A_2696 = arith.index_cast %mul3A_2693 : i32 to index
      %swap3A_2697 = tpu.vector_load %arg7[%swap3A_2695, %swap3A_2696] {strides = array<i32>} : memref<16x1024xf32, #tpu.memory_space<vmem>>, vector<16xf32>,
      tpu.vector_store %arg7[%swap3A_2695, %swap3A_2696], %gather3A_2691 {strides = array<i32>} : memref<16x1024xf32, #tpu.memory_space<vmem>>, vector<16xf32>,
      %broadcast_in_dim3A_2698 = arith.constant 4 : i32
      %broadcast_in_dim3A_2699 = vector.broadcast %broadcast_in_dim3A_2698 : i32 to vector<16xi32>
      %gather3A_2700 = arith.constant 1 : i32
      %gather3A_2701 = arith.constant 0 : i32
      %gather3A_2702 = arith.constant 0 : i32
      %gather3A_2703 = arith.constant 0 : i32
      %gather3A_2704 = tpu.memref_slice %arg6[%gather3A_2700, %gather3A_2701, %gather3A_2702, %gather3A_2703] : memref<2x16x16x128xf32, #tpu.memory_space<vmem>> -> memref<1x16x16x128xf32, #tpu.memory_space<vmem>>
      %gather3A_2705 = tpu.memref_squeeze %gather3A_2704 : memref<1x16x16x128xf32, #tpu.memory_space<vmem>> -> memref<16x16x128xf32, #tpu.memory_space<vmem>>
      %gather3A_2706 = tpu.vector_load_idx %gather3A_2705[%iota3A, %broadcast_in_dim3A_2699, %and3A_2637] : memref<16x16x128xf32, #tpu.memory_space<vmem>>[vector<16xi32>, vector<16xi32>, vector<16xi32>], vector<16xf32>,
      %mul3A_2707 = arith.constant 16 : i32
      %mul3A_2708 = arith.muli %sub3A_2374, %mul3A_2707 : i32
      %swap3A_2709 = arith.constant 4 : i32
      %swap3A_2710 = arith.index_cast %swap3A_2709 : i32 to index
      %swap3A_2711 = arith.index_cast %mul3A_2708 : i32 to index
      %swap3A_2712 = tpu.vector_load %arg7[%swap3A_2710, %swap3A_2711] {strides = array<i32>} : memref<16x1024xf32, #tpu.memory_space<vmem>>, vector<16xf32>,
      tpu.vector_store %arg7[%swap3A_2710, %swap3A_2711], %gather3A_2706 {strides = array<i32>} : memref<16x1024xf32, #tpu.memory_space<vmem>>, vector<16xf32>,
      %broadcast_in_dim3A_2713 = arith.constant 5 : i32
      %broadcast_in_dim3A_2714 = vector.broadcast %broadcast_in_dim3A_2713 : i32 to vector<16xi32>
      %gather3A_2715 = arith.constant 1 : i32
      %gather3A_2716 = arith.constant 0 : i32
      %gather3A_2717 = arith.constant 0 : i32
      %gather3A_2718 = arith.constant 0 : i32
      %gather3A_2719 = tpu.memref_slice %arg6[%gather3A_2715, %gather3A_2716, %gather3A_2717, %gather3A_2718] : memref<2x16x16x128xf32, #tpu.memory_space<vmem>> -> memref<1x16x16x128xf32, #tpu.memory_space<vmem>>
      %gather3A_2720 = tpu.memref_squeeze %gather3A_2719 : memref<1x16x16x128xf32, #tpu.memory_space<vmem>> -> memref<16x16x128xf32, #tpu.memory_space<vmem>>
      %gather3A_2721 = tpu.vector_load_idx %gather3A_2720[%iota3A, %broadcast_in_dim3A_2714, %and3A_2637] : memref<16x16x128xf32, #tpu.memory_space<vmem>>[vector<16xi32>, vector<16xi32>, vector<16xi32>], vector<16xf32>,
      %mul3A_2722 = arith.constant 16 : i32
      %mul3A_2723 = arith.muli %sub3A_2374, %mul3A_2722 : i32
      %swap3A_2724 = arith.constant 5 : i32
      %swap3A_2725 = arith.index_cast %swap3A_2724 : i32 to index
      %swap3A_2726 = arith.index_cast %mul3A_2723 : i32 to index
      %swap3A_2727 = tpu.vector_load %arg7[%swap3A_2725, %swap3A_2726] {strides = array<i32>} : memref<16x1024xf32, #tpu.memory_space<vmem>>, vector<16xf32>,
      tpu.vector_store %arg7[%swap3A_2725, %swap3A_2726], %gather3A_2721 {strides = array<i32>} : memref<16x1024xf32, #tpu.memory_space<vmem>>, vector<16xf32>,
      %broadcast_in_dim3A_2728 = arith.constant 6 : i32
      %broadcast_in_dim3A_2729 = vector.broadcast %broadcast_in_dim3A_2728 : i32 to vector<16xi32>
      %gather3A_2730 = arith.constant 1 : i32
      %gather3A_2731 = arith.constant 0 : i32
      %gather3A_2732 = arith.constant 0 : i32
      %gather3A_2733 = arith.constant 0 : i32
      %gather3A_2734 = tpu.memref_slice %arg6[%gather3A_2730, %gather3A_2731, %gather3A_2732, %gather3A_2733] : memref<2x16x16x128xf32, #tpu.memory_space<vmem>> -> memref<1x16x16x128xf32, #tpu.memory_space<vmem>>
      %gather3A_2735 = tpu.memref_squeeze %gather3A_2734 : memref<1x16x16x128xf32, #tpu.memory_space<vmem>> -> memref<16x16x128xf32, #tpu.memory_space<vmem>>
      %gather3A_2736 = tpu.vector_load_idx %gather3A_2735[%iota3A, %broadcast_in_dim3A_2729, %and3A_2637] : memref<16x16x128xf32, #tpu.memory_space<vmem>>[vector<16xi32>, vector<16xi32>, vector<16xi32>], vector<16xf32>,
      %mul3A_2737 = arith.constant 16 : i32
      %mul3A_2738 = arith.muli %sub3A_2374, %mul3A_2737 : i32
      %swap3A_2739 = arith.constant 6 : i32
      %swap3A_2740 = arith.index_cast %swap3A_2739 : i32 to index
      %swap3A_2741 = arith.index_cast %mul3A_2738 : i32 to index
      %swap3A_2742 = tpu.vector_load %arg7[%swap3A_2740, %swap3A_2741] {strides = array<i32>} : memref<16x1024xf32, #tpu.memory_space<vmem>>, vector<16xf32>,
      tpu.vector_store %arg7[%swap3A_2740, %swap3A_2741], %gather3A_2736 {strides = array<i32>} : memref<16x1024xf32, #tpu.memory_space<vmem>>, vector<16xf32>,
      %broadcast_in_dim3A_2743 = arith.constant 7 : i32
      %broadcast_in_dim3A_2744 = vector.broadcast %broadcast_in_dim3A_2743 : i32 to vector<16xi32>
      %gather3A_2745 = arith.constant 1 : i32
      %gather3A_2746 = arith.constant 0 : i32
      %gather3A_2747 = arith.constant 0 : i32
      %gather3A_2748 = arith.constant 0 : i32
      %gather3A_2749 = tpu.memref_slice %arg6[%gather3A_2745, %gather3A_2746, %gather3A_2747, %gather3A_2748] : memref<2x16x16x128xf32, #tpu.memory_space<vmem>> -> memref<1x16x16x128xf32, #tpu.memory_space<vmem>>
      %gather3A_2750 = tpu.memref_squeeze %gather3A_2749 : memref<1x16x16x128xf32, #tpu.memory_space<vmem>> -> memref<16x16x128xf32, #tpu.memory_space<vmem>>
      %gather3A_2751 = tpu.vector_load_idx %gather3A_2750[%iota3A, %broadcast_in_dim3A_2744, %and3A_2637] : memref<16x16x128xf32, #tpu.memory_space<vmem>>[vector<16xi32>, vector<16xi32>, vector<16xi32>], vector<16xf32>,
      %mul3A_2752 = arith.constant 16 : i32
      %mul3A_2753 = arith.muli %sub3A_2374, %mul3A_2752 : i32
      %swap3A_2754 = arith.constant 7 : i32
      %swap3A_2755 = arith.index_cast %swap3A_2754 : i32 to index
      %swap3A_2756 = arith.index_cast %mul3A_2753 : i32 to index
      %swap3A_2757 = tpu.vector_load %arg7[%swap3A_2755, %swap3A_2756] {strides = array<i32>} : memref<16x1024xf32, #tpu.memory_space<vmem>>, vector<16xf32>,
      tpu.vector_store %arg7[%swap3A_2755, %swap3A_2756], %gather3A_2751 {strides = array<i32>} : memref<16x1024xf32, #tpu.memory_space<vmem>>, vector<16xf32>,
      %broadcast_in_dim3A_2758 = arith.constant 8 : i32
      %broadcast_in_dim3A_2759 = vector.broadcast %broadcast_in_dim3A_2758 : i32 to vector<16xi32>
      %gather3A_2760 = arith.constant 1 : i32
      %gather3A_2761 = arith.constant 0 : i32
      %gather3A_2762 = arith.constant 0 : i32
      %gather3A_2763 = arith.constant 0 : i32
      %gather3A_2764 = tpu.memref_slice %arg6[%gather3A_2760, %gather3A_2761, %gather3A_2762, %gather3A_2763] : memref<2x16x16x128xf32, #tpu.memory_space<vmem>> -> memref<1x16x16x128xf32, #tpu.memory_space<vmem>>
      %gather3A_2765 = tpu.memref_squeeze %gather3A_2764 : memref<1x16x16x128xf32, #tpu.memory_space<vmem>> -> memref<16x16x128xf32, #tpu.memory_space<vmem>>
      %gather3A_2766 = tpu.vector_load_idx %gather3A_2765[%iota3A, %broadcast_in_dim3A_2759, %and3A_2637] : memref<16x16x128xf32, #tpu.memory_space<vmem>>[vector<16xi32>, vector<16xi32>, vector<16xi32>], vector<16xf32>,
      %mul3A_2767 = arith.constant 16 : i32
      %mul3A_2768 = arith.muli %sub3A_2374, %mul3A_2767 : i32
      %swap3A_2769 = arith.constant 8 : i32
      %swap3A_2770 = arith.index_cast %swap3A_2769 : i32 to index
      %swap3A_2771 = arith.index_cast %mul3A_2768 : i32 to index
      %swap3A_2772 = tpu.vector_load %arg7[%swap3A_2770, %swap3A_2771] {strides = array<i32>} : memref<16x1024xf32, #tpu.memory_space<vmem>>, vector<16xf32>,
      tpu.vector_store %arg7[%swap3A_2770, %swap3A_2771], %gather3A_2766 {strides = array<i32>} : memref<16x1024xf32, #tpu.memory_space<vmem>>, vector<16xf32>,
      %broadcast_in_dim3A_2773 = arith.constant 9 : i32
      %broadcast_in_dim3A_2774 = vector.broadcast %broadcast_in_dim3A_2773 : i32 to vector<16xi32>
      %gather3A_2775 = arith.constant 1 : i32
      %gather3A_2776 = arith.constant 0 : i32
      %gather3A_2777 = arith.constant 0 : i32
      %gather3A_2778 = arith.constant 0 : i32
      %gather3A_2779 = tpu.memref_slice %arg6[%gather3A_2775, %gather3A_2776, %gather3A_2777, %gather3A_2778] : memref<2x16x16x128xf32, #tpu.memory_space<vmem>> -> memref<1x16x16x128xf32, #tpu.memory_space<vmem>>
      %gather3A_2780 = tpu.memref_squeeze %gather3A_2779 : memref<1x16x16x128xf32, #tpu.memory_space<vmem>> -> memref<16x16x128xf32, #tpu.memory_space<vmem>>
      %gather3A_2781 = tpu.vector_load_idx %gather3A_2780[%iota3A, %broadcast_in_dim3A_2774, %and3A_2637] : memref<16x16x128xf32, #tpu.memory_space<vmem>>[vector<16xi32>, vector<16xi32>, vector<16xi32>], vector<16xf32>,
      %mul3A_2782 = arith.constant 16 : i32
      %mul3A_2783 = arith.muli %sub3A_2374, %mul3A_2782 : i32
      %swap3A_2784 = arith.constant 9 : i32
      %swap3A_2785 = arith.index_cast %swap3A_2784 : i32 to index
      %swap3A_2786 = arith.index_cast %mul3A_2783 : i32 to index
      %swap3A_2787 = tpu.vector_load %arg7[%swap3A_2785, %swap3A_2786] {strides = array<i32>} : memref<16x1024xf32, #tpu.memory_space<vmem>>, vector<16xf32>,
      tpu.vector_store %arg7[%swap3A_2785, %swap3A_2786], %gather3A_2781 {strides = array<i32>} : memref<16x1024xf32, #tpu.memory_space<vmem>>, vector<16xf32>,
      %broadcast_in_dim3A_2788 = arith.constant 10 : i32
      %broadcast_in_dim3A_2789 = vector.broadcast %broadcast_in_dim3A_2788 : i32 to vector<16xi32>
      %gather3A_2790 = arith.constant 1 : i32
      %gather3A_2791 = arith.constant 0 : i32
      %gather3A_2792 = arith.constant 0 : i32
      %gather3A_2793 = arith.constant 0 : i32
      %gather3A_2794 = tpu.memref_slice %arg6[%gather3A_2790, %gather3A_2791, %gather3A_2792, %gather3A_2793] : memref<2x16x16x128xf32, #tpu.memory_space<vmem>> -> memref<1x16x16x128xf32, #tpu.memory_space<vmem>>
      %gather3A_2795 = tpu.memref_squeeze %gather3A_2794 : memref<1x16x16x128xf32, #tpu.memory_space<vmem>> -> memref<16x16x128xf32, #tpu.memory_space<vmem>>
      %gather3A_2796 = tpu.vector_load_idx %gather3A_2795[%iota3A, %broadcast_in_dim3A_2789, %and3A_2637] : memref<16x16x128xf32, #tpu.memory_space<vmem>>[vector<16xi32>, vector<16xi32>, vector<16xi32>], vector<16xf32>,
      %mul3A_2797 = arith.constant 16 : i32
      %mul3A_2798 = arith.muli %sub3A_2374, %mul3A_2797 : i32
      %swap3A_2799 = arith.constant 10 : i32
      %swap3A_2800 = arith.index_cast %swap3A_2799 : i32 to index
      %swap3A_2801 = arith.index_cast %mul3A_2798 : i32 to index
      %swap3A_2802 = tpu.vector_load %arg7[%swap3A_2800, %swap3A_2801] {strides = array<i32>} : memref<16x1024xf32, #tpu.memory_space<vmem>>, vector<16xf32>,
      tpu.vector_store %arg7[%swap3A_2800, %swap3A_2801], %gather3A_2796 {strides = array<i32>} : memref<16x1024xf32, #tpu.memory_space<vmem>>, vector<16xf32>,
      %broadcast_in_dim3A_2803 = arith.constant 11 : i32
      %broadcast_in_dim3A_2804 = vector.broadcast %broadcast_in_dim3A_2803 : i32 to vector<16xi32>
      %gather3A_2805 = arith.constant 1 : i32
      %gather3A_2806 = arith.constant 0 : i32
      %gather3A_2807 = arith.constant 0 : i32
      %gather3A_2808 = arith.constant 0 : i32
      %gather3A_2809 = tpu.memref_slice %arg6[%gather3A_2805, %gather3A_2806, %gather3A_2807, %gather3A_2808] : memref<2x16x16x128xf32, #tpu.memory_space<vmem>> -> memref<1x16x16x128xf32, #tpu.memory_space<vmem>>
      %gather3A_2810 = tpu.memref_squeeze %gather3A_2809 : memref<1x16x16x128xf32, #tpu.memory_space<vmem>> -> memref<16x16x128xf32, #tpu.memory_space<vmem>>
      %gather3A_2811 = tpu.vector_load_idx %gather3A_2810[%iota3A, %broadcast_in_dim3A_2804, %and3A_2637] : memref<16x16x128xf32, #tpu.memory_space<vmem>>[vector<16xi32>, vector<16xi32>, vector<16xi32>], vector<16xf32>,
      %mul3A_2812 = arith.constant 16 : i32
      %mul3A_2813 = arith.muli %sub3A_2374, %mul3A_2812 : i32
      %swap3A_2814 = arith.constant 11 : i32
      %swap3A_2815 = arith.index_cast %swap3A_2814 : i32 to index
      %swap3A_2816 = arith.index_cast %mul3A_2813 : i32 to index
      %swap3A_2817 = tpu.vector_load %arg7[%swap3A_2815, %swap3A_2816] {strides = array<i32>} : memref<16x1024xf32, #tpu.memory_space<vmem>>, vector<16xf32>,
      tpu.vector_store %arg7[%swap3A_2815, %swap3A_2816], %gather3A_2811 {strides = array<i32>} : memref<16x1024xf32, #tpu.memory_space<vmem>>, vector<16xf32>,
      %broadcast_in_dim3A_2818 = arith.constant 12 : i32
      %broadcast_in_dim3A_2819 = vector.broadcast %broadcast_in_dim3A_2818 : i32 to vector<16xi32>
      %gather3A_2820 = arith.constant 1 : i32
      %gather3A_2821 = arith.constant 0 : i32
      %gather3A_2822 = arith.constant 0 : i32
      %gather3A_2823 = arith.constant 0 : i32
      %gather3A_2824 = tpu.memref_slice %arg6[%gather3A_2820, %gather3A_2821, %gather3A_2822, %gather3A_2823] : memref<2x16x16x128xf32, #tpu.memory_space<vmem>> -> memref<1x16x16x128xf32, #tpu.memory_space<vmem>>
      %gather3A_2825 = tpu.memref_squeeze %gather3A_2824 : memref<1x16x16x128xf32, #tpu.memory_space<vmem>> -> memref<16x16x128xf32, #tpu.memory_space<vmem>>
      %gather3A_2826 = tpu.vector_load_idx %gather3A_2825[%iota3A, %broadcast_in_dim3A_2819, %and3A_2637] : memref<16x16x128xf32, #tpu.memory_space<vmem>>[vector<16xi32>, vector<16xi32>, vector<16xi32>], vector<16xf32>,
      %mul3A_2827 = arith.constant 16 : i32
      %mul3A_2828 = arith.muli %sub3A_2374, %mul3A_2827 : i32
      %swap3A_2829 = arith.constant 12 : i32
      %swap3A_2830 = arith.index_cast %swap3A_2829 : i32 to index
      %swap3A_2831 = arith.index_cast %mul3A_2828 : i32 to index
      %swap3A_2832 = tpu.vector_load %arg7[%swap3A_2830, %swap3A_2831] {strides = array<i32>} : memref<16x1024xf32, #tpu.memory_space<vmem>>, vector<16xf32>,
      tpu.vector_store %arg7[%swap3A_2830, %swap3A_2831], %gather3A_2826 {strides = array<i32>} : memref<16x1024xf32, #tpu.memory_space<vmem>>, vector<16xf32>,
      %broadcast_in_dim3A_2833 = arith.constant 13 : i32
      %broadcast_in_dim3A_2834 = vector.broadcast %broadcast_in_dim3A_2833 : i32 to vector<16xi32>
      %gather3A_2835 = arith.constant 1 : i32
      %gather3A_2836 = arith.constant 0 : i32
      %gather3A_2837 = arith.constant 0 : i32
      %gather3A_2838 = arith.constant 0 : i32
      %gather3A_2839 = tpu.memref_slice %arg6[%gather3A_2835, %gather3A_2836, %gather3A_2837, %gather3A_2838] : memref<2x16x16x128xf32, #tpu.memory_space<vmem>> -> memref<1x16x16x128xf32, #tpu.memory_space<vmem>>
      %gather3A_2840 = tpu.memref_squeeze %gather3A_2839 : memref<1x16x16x128xf32, #tpu.memory_space<vmem>> -> memref<16x16x128xf32, #tpu.memory_space<vmem>>
      %gather3A_2841 = tpu.vector_load_idx %gather3A_2840[%iota3A, %broadcast_in_dim3A_2834, %and3A_2637] : memref<16x16x128xf32, #tpu.memory_space<vmem>>[vector<16xi32>, vector<16xi32>, vector<16xi32>], vector<16xf32>,
      %mul3A_2842 = arith.constant 16 : i32
      %mul3A_2843 = arith.muli %sub3A_2374, %mul3A_2842 : i32
      %swap3A_2844 = arith.constant 13 : i32
      %swap3A_2845 = arith.index_cast %swap3A_2844 : i32 to index
      %swap3A_2846 = arith.index_cast %mul3A_2843 : i32 to index
      %swap3A_2847 = tpu.vector_load %arg7[%swap3A_2845, %swap3A_2846] {strides = array<i32>} : memref<16x1024xf32, #tpu.memory_space<vmem>>, vector<16xf32>,
      tpu.vector_store %arg7[%swap3A_2845, %swap3A_2846], %gather3A_2841 {strides = array<i32>} : memref<16x1024xf32, #tpu.memory_space<vmem>>, vector<16xf32>,
      %broadcast_in_dim3A_2848 = arith.constant 14 : i32
      %broadcast_in_dim3A_2849 = vector.broadcast %broadcast_in_dim3A_2848 : i32 to vector<16xi32>
      %gather3A_2850 = arith.constant 1 : i32
      %gather3A_2851 = arith.constant 0 : i32
      %gather3A_2852 = arith.constant 0 : i32
      %gather3A_2853 = arith.constant 0 : i32
      %gather3A_2854 = tpu.memref_slice %arg6[%gather3A_2850, %gather3A_2851, %gather3A_2852, %gather3A_2853] : memref<2x16x16x128xf32, #tpu.memory_space<vmem>> -> memref<1x16x16x128xf32, #tpu.memory_space<vmem>>
      %gather3A_2855 = tpu.memref_squeeze %gather3A_2854 : memref<1x16x16x128xf32, #tpu.memory_space<vmem>> -> memref<16x16x128xf32, #tpu.memory_space<vmem>>
      %gather3A_2856 = tpu.vector_load_idx %gather3A_2855[%iota3A, %broadcast_in_dim3A_2849, %and3A_2637] : memref<16x16x128xf32, #tpu.memory_space<vmem>>[vector<16xi32>, vector<16xi32>, vector<16xi32>], vector<16xf32>,
      %mul3A_2857 = arith.constant 16 : i32
      %mul3A_2858 = arith.muli %sub3A_2374, %mul3A_2857 : i32
      %swap3A_2859 = arith.constant 14 : i32
      %swap3A_2860 = arith.index_cast %swap3A_2859 : i32 to index
      %swap3A_2861 = arith.index_cast %mul3A_2858 : i32 to index
      %swap3A_2862 = tpu.vector_load %arg7[%swap3A_2860, %swap3A_2861] {strides = array<i32>} : memref<16x1024xf32, #tpu.memory_space<vmem>>, vector<16xf32>,
      tpu.vector_store %arg7[%swap3A_2860, %swap3A_2861], %gather3A_2856 {strides = array<i32>} : memref<16x1024xf32, #tpu.memory_space<vmem>>, vector<16xf32>,
      %broadcast_in_dim3A_2863 = arith.constant 15 : i32
      %broadcast_in_dim3A_2864 = vector.broadcast %broadcast_in_dim3A_2863 : i32 to vector<16xi32>
      %gather3A_2865 = arith.constant 1 : i32
      %gather3A_2866 = arith.constant 0 : i32
      %gather3A_2867 = arith.constant 0 : i32
      %gather3A_2868 = arith.constant 0 : i32
      %gather3A_2869 = tpu.memref_slice %arg6[%gather3A_2865, %gather3A_2866, %gather3A_2867, %gather3A_2868] : memref<2x16x16x128xf32, #tpu.memory_space<vmem>> -> memref<1x16x16x128xf32, #tpu.memory_space<vmem>>
      %gather3A_2870 = tpu.memref_squeeze %gather3A_2869 : memref<1x16x16x128xf32, #tpu.memory_space<vmem>> -> memref<16x16x128xf32, #tpu.memory_space<vmem>>
      %gather3A_2871 = tpu.vector_load_idx %gather3A_2870[%iota3A, %broadcast_in_dim3A_2864, %and3A_2637] : memref<16x16x128xf32, #tpu.memory_space<vmem>>[vector<16xi32>, vector<16xi32>, vector<16xi32>], vector<16xf32>,
      %mul3A_2872 = arith.constant 16 : i32
      %mul3A_2873 = arith.muli %sub3A_2374, %mul3A_2872 : i32
      %swap3A_2874 = arith.constant 15 : i32
      %swap3A_2875 = arith.index_cast %swap3A_2874 : i32 to index
      %swap3A_2876 = arith.index_cast %mul3A_2873 : i32 to index
      %swap3A_2877 = tpu.vector_load %arg7[%swap3A_2875, %swap3A_2876] {strides = array<i32>} : memref<16x1024xf32, #tpu.memory_space<vmem>>, vector<16xf32>,
      tpu.vector_store %arg7[%swap3A_2875, %swap3A_2876], %gather3A_2871 {strides = array<i32>} : memref<16x1024xf32, #tpu.memory_space<vmem>>, vector<16xf32>,
      %mul3A_2878 = arith.constant 16 : i32
      %mul3A_2879 = arith.muli %add3A_2372, %mul3A_2878 : i32
      %get3A_2880 = arith.index_cast %mul3A_2879 : i32 to index
      %get3A_2881 = tpu.vector_load %arg5[%get3A_2880] {strides = array<i32>} : memref<1024xi32, #tpu.memory_space<vmem>>, vector<16xi32>,
      %slice3A_2882 = vector.extract_strided_slice %get3A_2881 {offsets = [0], sizes = [1], strides = [1]} : vector<16xi32> to vector<1xi32>
      %squeeze3A_2883 = vector.extract %slice3A_2882[0] : i32 from vector<1xi32>
      %shift_right_logical3A_2884 = arith.constant 7 : i32
      %shift_right_logical3A_2885 = arith.shrui %squeeze3A_2883, %shift_right_logical3A_2884 : i32
      %shift_left3A_2886 = arith.constant 7 : i32
      %shift_left3A_2887 = arith.shli %shift_right_logical3A_2885, %shift_left3A_2886 : i32
      %multiple_of3A_2888 = tpu.assume_multiple %shift_left3A_2887, 128 : i32
      %dma_start3A_2889 = arith.constant 1 : i32
      %dma_start3A_2890 = arith.constant 0 : i32
      %dma_start3A_2891 = arith.constant 0 : i32
      %dma_start3A_2892 = arith.constant 0 : i32
      %dma_start3A_2893 = tpu.memref_slice %arg6[%dma_start3A_2889, %dma_start3A_2890, %dma_start3A_2891, %dma_start3A_2892] : memref<2x16x16x128xf32, #tpu.memory_space<vmem>> -> memref<1x1x16x128xf32, #tpu.memory_space<vmem>>
      %dma_start3A_2894 = tpu.memref_squeeze %dma_start3A_2893 : memref<1x1x16x128xf32, #tpu.memory_space<vmem>> -> memref<16x128xf32, #tpu.memory_space<vmem>>
      %dma_start3A_2895 = tpu.memref_slice %arg2[%multiple_of3A, %multiple_of3A_2888] : memref<32x1000000xf32, #tpu.memory_space<hbm>> -> memref<16x128xf32, #tpu.memory_space<hbm>>
      %dma_start3A_2896 = arith.constant 0 : i32
      %dma_start3A_2897 = arith.constant 0 : i32
      %dma_start3A_2898 = tpu.memref_slice %arg6[%dma_start3A_2889, %dma_start3A_2890, %dma_start3A_2896, %dma_start3A_2897] : memref<2x16x16x128xf32, #tpu.memory_space<vmem>> -> memref<1x1x16x128xf32, #tpu.memory_space<vmem>>
      %dma_start3A_2899 = tpu.memref_squeeze %dma_start3A_2898 : memref<1x1x16x128xf32, #tpu.memory_space<vmem>> -> memref<16x128xf32, #tpu.memory_space<vmem>>
      %dma_start3A_2900 = tpu.memref_slice %arg2[%multiple_of3A, %multiple_of3A_2888] : memref<32x1000000xf32, #tpu.memory_space<hbm>> -> memref<16x128xf32, #tpu.memory_space<hbm>>
      tpu.enqueue_dma source(%dma_start3A_2900 : memref<16x128xf32, #tpu.memory_space<hbm>>) target(%dma_start3A_2899 : memref<16x128xf32, #tpu.memory_space<vmem>>) target_semaphore(%arg8 : memref<!tpu.dma_semaphore, #tpu.memory_space<semaphore_mem>>)
      %slice3A_2901 = vector.extract_strided_slice %get3A_2881 {offsets = [1], sizes = [1], strides = [1]} : vector<16xi32> to vector<1xi32>
      %squeeze3A_2902 = vector.extract %slice3A_2901[0] : i32 from vector<1xi32>
      %shift_right_logical3A_2903 = arith.constant 7 : i32
      %shift_right_logical3A_2904 = arith.shrui %squeeze3A_2902, %shift_right_logical3A_2903 : i32
      %shift_left3A_2905 = arith.constant 7 : i32
      %shift_left3A_2906 = arith.shli %shift_right_logical3A_2904, %shift_left3A_2905 : i32
      %multiple_of3A_2907 = tpu.assume_multiple %shift_left3A_2906, 128 : i32
      %dma_start3A_2908 = arith.constant 1 : i32
      %dma_start3A_2909 = arith.constant 1 : i32
      %dma_start3A_2910 = arith.constant 0 : i32
      %dma_start3A_2911 = arith.constant 0 : i32
      %dma_start3A_2912 = tpu.memref_slice %arg6[%dma_start3A_2908, %dma_start3A_2909, %dma_start3A_2910, %dma_start3A_2911] : memref<2x16x16x128xf32, #tpu.memory_space<vmem>> -> memref<1x1x16x128xf32, #tpu.memory_space<vmem>>
      %dma_start3A_2913 = tpu.memref_squeeze %dma_start3A_2912 : memref<1x1x16x128xf32, #tpu.memory_space<vmem>> -> memref<16x128xf32, #tpu.memory_space<vmem>>
      %dma_start3A_2914 = tpu.memref_slice %arg2[%multiple_of3A, %multiple_of3A_2907] : memref<32x1000000xf32, #tpu.memory_space<hbm>> -> memref<16x128xf32, #tpu.memory_space<hbm>>
      %dma_start3A_2915 = arith.constant 0 : i32
      %dma_start3A_2916 = arith.constant 0 : i32
      %dma_start3A_2917 = tpu.memref_slice %arg6[%dma_start3A_2908, %dma_start3A_2909, %dma_start3A_2915, %dma_start3A_2916] : memref<2x16x16x128xf32, #tpu.memory_space<vmem>> -> memref<1x1x16x128xf32, #tpu.memory_space<vmem>>
      %dma_start3A_2918 = tpu.memref_squeeze %dma_start3A_2917 : memref<1x1x16x128xf32, #tpu.memory_space<vmem>> -> memref<16x128xf32, #tpu.memory_space<vmem>>
      %dma_start3A_2919 = tpu.memref_slice %arg2[%multiple_of3A, %multiple_of3A_2907] : memref<32x1000000xf32, #tpu.memory_space<hbm>> -> memref<16x128xf32, #tpu.memory_space<hbm>>
      tpu.enqueue_dma source(%dma_start3A_2919 : memref<16x128xf32, #tpu.memory_space<hbm>>) target(%dma_start3A_2918 : memref<16x128xf32, #tpu.memory_space<vmem>>) target_semaphore(%arg8 : memref<!tpu.dma_semaphore, #tpu.memory_space<semaphore_mem>>)
      %slice3A_2920 = vector.extract_strided_slice %get3A_2881 {offsets = [2], sizes = [1], strides = [1]} : vector<16xi32> to vector<1xi32>
      %squeeze3A_2921 = vector.extract %slice3A_2920[0] : i32 from vector<1xi32>
      %shift_right_logical3A_2922 = arith.constant 7 : i32
      %shift_right_logical3A_2923 = arith.shrui %squeeze3A_2921, %shift_right_logical3A_2922 : i32
      %shift_left3A_2924 = arith.constant 7 : i32
      %shift_left3A_2925 = arith.shli %shift_right_logical3A_2923, %shift_left3A_2924 : i32
      %multiple_of3A_2926 = tpu.assume_multiple %shift_left3A_2925, 128 : i32
      %dma_start3A_2927 = arith.constant 1 : i32
      %dma_start3A_2928 = arith.constant 2 : i32
      %dma_start3A_2929 = arith.constant 0 : i32
      %dma_start3A_2930 = arith.constant 0 : i32
      %dma_start3A_2931 = tpu.memref_slice %arg6[%dma_start3A_2927, %dma_start3A_2928, %dma_start3A_2929, %dma_start3A_2930] : memref<2x16x16x128xf32, #tpu.memory_space<vmem>> -> memref<1x1x16x128xf32, #tpu.memory_space<vmem>>
      %dma_start3A_2932 = tpu.memref_squeeze %dma_start3A_2931 : memref<1x1x16x128xf32, #tpu.memory_space<vmem>> -> memref<16x128xf32, #tpu.memory_space<vmem>>
      %dma_start3A_2933 = tpu.memref_slice %arg2[%multiple_of3A, %multiple_of3A_2926] : memref<32x1000000xf32, #tpu.memory_space<hbm>> -> memref<16x128xf32, #tpu.memory_space<hbm>>
      %dma_start3A_2934 = arith.constant 0 : i32
      %dma_start3A_2935 = arith.constant 0 : i32
      %dma_start3A_2936 = tpu.memref_slice %arg6[%dma_start3A_2927, %dma_start3A_2928, %dma_start3A_2934, %dma_start3A_2935] : memref<2x16x16x128xf32, #tpu.memory_space<vmem>> -> memref<1x1x16x128xf32, #tpu.memory_space<vmem>>
      %dma_start3A_2937 = tpu.memref_squeeze %dma_start3A_2936 : memref<1x1x16x128xf32, #tpu.memory_space<vmem>> -> memref<16x128xf32, #tpu.memory_space<vmem>>
      %dma_start3A_2938 = tpu.memref_slice %arg2[%multiple_of3A, %multiple_of3A_2926] : memref<32x1000000xf32, #tpu.memory_space<hbm>> -> memref<16x128xf32, #tpu.memory_space<hbm>>
      tpu.enqueue_dma source(%dma_start3A_2938 : memref<16x128xf32, #tpu.memory_space<hbm>>) target(%dma_start3A_2937 : memref<16x128xf32, #tpu.memory_space<vmem>>) target_semaphore(%arg8 : memref<!tpu.dma_semaphore, #tpu.memory_space<semaphore_mem>>)
      %slice3A_2939 = vector.extract_strided_slice %get3A_2881 {offsets = [3], sizes = [1], strides = [1]} : vector<16xi32> to vector<1xi32>
      %squeeze3A_2940 = vector.extract %slice3A_2939[0] : i32 from vector<1xi32>
      %shift_right_logical3A_2941 = arith.constant 7 : i32
      %shift_right_logical3A_2942 = arith.shrui %squeeze3A_2940, %shift_right_logical3A_2941 : i32
      %shift_left3A_2943 = arith.constant 7 : i32
      %shift_left3A_2944 = arith.shli %shift_right_logical3A_2942, %shift_left3A_2943 : i32
      %multiple_of3A_2945 = tpu.assume_multiple %shift_left3A_2944, 128 : i32
      %dma_start3A_2946 = arith.constant 1 : i32
      %dma_start3A_2947 = arith.constant 3 : i32
      %dma_start3A_2948 = arith.constant 0 : i32
      %dma_start3A_2949 = arith.constant 0 : i32
      %dma_start3A_2950 = tpu.memref_slice %arg6[%dma_start3A_2946, %dma_start3A_2947, %dma_start3A_2948, %dma_start3A_2949] : memref<2x16x16x128xf32, #tpu.memory_space<vmem>> -> memref<1x1x16x128xf32, #tpu.memory_space<vmem>>
      %dma_start3A_2951 = tpu.memref_squeeze %dma_start3A_2950 : memref<1x1x16x128xf32, #tpu.memory_space<vmem>> -> memref<16x128xf32, #tpu.memory_space<vmem>>
      %dma_start3A_2952 = tpu.memref_slice %arg2[%multiple_of3A, %multiple_of3A_2945] : memref<32x1000000xf32, #tpu.memory_space<hbm>> -> memref<16x128xf32, #tpu.memory_space<hbm>>
      %dma_start3A_2953 = arith.constant 0 : i32
      %dma_start3A_2954 = arith.constant 0 : i32
      %dma_start3A_2955 = tpu.memref_slice %arg6[%dma_start3A_2946, %dma_start3A_2947, %dma_start3A_2953, %dma_start3A_2954] : memref<2x16x16x128xf32, #tpu.memory_space<vmem>> -> memref<1x1x16x128xf32, #tpu.memory_space<vmem>>
      %dma_start3A_2956 = tpu.memref_squeeze %dma_start3A_2955 : memref<1x1x16x128xf32, #tpu.memory_space<vmem>> -> memref<16x128xf32, #tpu.memory_space<vmem>>
      %dma_start3A_2957 = tpu.memref_slice %arg2[%multiple_of3A, %multiple_of3A_2945] : memref<32x1000000xf32, #tpu.memory_space<hbm>> -> memref<16x128xf32, #tpu.memory_space<hbm>>
      tpu.enqueue_dma source(%dma_start3A_2957 : memref<16x128xf32, #tpu.memory_space<hbm>>) target(%dma_start3A_2956 : memref<16x128xf32, #tpu.memory_space<vmem>>) target_semaphore(%arg8 : memref<!tpu.dma_semaphore, #tpu.memory_space<semaphore_mem>>)
      %slice3A_2958 = vector.extract_strided_slice %get3A_2881 {offsets = [4], sizes = [1], strides = [1]} : vector<16xi32> to vector<1xi32>
      %squeeze3A_2959 = vector.extract %slice3A_2958[0] : i32 from vector<1xi32>
      %shift_right_logical3A_2960 = arith.constant 7 : i32
      %shift_right_logical3A_2961 = arith.shrui %squeeze3A_2959, %shift_right_logical3A_2960 : i32
      %shift_left3A_2962 = arith.constant 7 : i32
      %shift_left3A_2963 = arith.shli %shift_right_logical3A_2961, %shift_left3A_2962 : i32
      %multiple_of3A_2964 = tpu.assume_multiple %shift_left3A_2963, 128 : i32
      %dma_start3A_2965 = arith.constant 1 : i32
      %dma_start3A_2966 = arith.constant 4 : i32
      %dma_start3A_2967 = arith.constant 0 : i32
      %dma_start3A_2968 = arith.constant 0 : i32
      %dma_start3A_2969 = tpu.memref_slice %arg6[%dma_start3A_2965, %dma_start3A_2966, %dma_start3A_2967, %dma_start3A_2968] : memref<2x16x16x128xf32, #tpu.memory_space<vmem>> -> memref<1x1x16x128xf32, #tpu.memory_space<vmem>>
      %dma_start3A_2970 = tpu.memref_squeeze %dma_start3A_2969 : memref<1x1x16x128xf32, #tpu.memory_space<vmem>> -> memref<16x128xf32, #tpu.memory_space<vmem>>
      %dma_start3A_2971 = tpu.memref_slice %arg2[%multiple_of3A, %multiple_of3A_2964] : memref<32x1000000xf32, #tpu.memory_space<hbm>> -> memref<16x128xf32, #tpu.memory_space<hbm>>
      %dma_start3A_2972 = arith.constant 0 : i32
      %dma_start3A_2973 = arith.constant 0 : i32
      %dma_start3A_2974 = tpu.memref_slice %arg6[%dma_start3A_2965, %dma_start3A_2966, %dma_start3A_2972, %dma_start3A_2973] : memref<2x16x16x128xf32, #tpu.memory_space<vmem>> -> memref<1x1x16x128xf32, #tpu.memory_space<vmem>>
      %dma_start3A_2975 = tpu.memref_squeeze %dma_start3A_2974 : memref<1x1x16x128xf32, #tpu.memory_space<vmem>> -> memref<16x128xf32, #tpu.memory_space<vmem>>
      %dma_start3A_2976 = tpu.memref_slice %arg2[%multiple_of3A, %multiple_of3A_2964] : memref<32x1000000xf32, #tpu.memory_space<hbm>> -> memref<16x128xf32, #tpu.memory_space<hbm>>
      tpu.enqueue_dma source(%dma_start3A_2976 : memref<16x128xf32, #tpu.memory_space<hbm>>) target(%dma_start3A_2975 : memref<16x128xf32, #tpu.memory_space<vmem>>) target_semaphore(%arg8 : memref<!tpu.dma_semaphore, #tpu.memory_space<semaphore_mem>>)
      %slice3A_2977 = vector.extract_strided_slice %get3A_2881 {offsets = [5], sizes = [1], strides = [1]} : vector<16xi32> to vector<1xi32>
      %squeeze3A_2978 = vector.extract %slice3A_2977[0] : i32 from vector<1xi32>
      %shift_right_logical3A_2979 = arith.constant 7 : i32
      %shift_right_logical3A_2980 = arith.shrui %squeeze3A_2978, %shift_right_logical3A_2979 : i32
      %shift_left3A_2981 = arith.constant 7 : i32
      %shift_left3A_2982 = arith.shli %shift_right_logical3A_2980, %shift_left3A_2981 : i32
      %multiple_of3A_2983 = tpu.assume_multiple %shift_left3A_2982, 128 : i32
      %dma_start3A_2984 = arith.constant 1 : i32
      %dma_start3A_2985 = arith.constant 5 : i32
      %dma_start3A_2986 = arith.constant 0 : i32
      %dma_start3A_2987 = arith.constant 0 : i32
      %dma_start3A_2988 = tpu.memref_slice %arg6[%dma_start3A_2984, %dma_start3A_2985, %dma_start3A_2986, %dma_start3A_2987] : memref<2x16x16x128xf32, #tpu.memory_space<vmem>> -> memref<1x1x16x128xf32, #tpu.memory_space<vmem>>
      %dma_start3A_2989 = tpu.memref_squeeze %dma_start3A_2988 : memref<1x1x16x128xf32, #tpu.memory_space<vmem>> -> memref<16x128xf32, #tpu.memory_space<vmem>>
      %dma_start3A_2990 = tpu.memref_slice %arg2[%multiple_of3A, %multiple_of3A_2983] : memref<32x1000000xf32, #tpu.memory_space<hbm>> -> memref<16x128xf32, #tpu.memory_space<hbm>>
      %dma_start3A_2991 = arith.constant 0 : i32
      %dma_start3A_2992 = arith.constant 0 : i32
      %dma_start3A_2993 = tpu.memref_slice %arg6[%dma_start3A_2984, %dma_start3A_2985, %dma_start3A_2991, %dma_start3A_2992] : memref<2x16x16x128xf32, #tpu.memory_space<vmem>> -> memref<1x1x16x128xf32, #tpu.memory_space<vmem>>
      %dma_start3A_2994 = tpu.memref_squeeze %dma_start3A_2993 : memref<1x1x16x128xf32, #tpu.memory_space<vmem>> -> memref<16x128xf32, #tpu.memory_space<vmem>>
      %dma_start3A_2995 = tpu.memref_slice %arg2[%multiple_of3A, %multiple_of3A_2983] : memref<32x1000000xf32, #tpu.memory_space<hbm>> -> memref<16x128xf32, #tpu.memory_space<hbm>>
      tpu.enqueue_dma source(%dma_start3A_2995 : memref<16x128xf32, #tpu.memory_space<hbm>>) target(%dma_start3A_2994 : memref<16x128xf32, #tpu.memory_space<vmem>>) target_semaphore(%arg8 : memref<!tpu.dma_semaphore, #tpu.memory_space<semaphore_mem>>)
      %slice3A_2996 = vector.extract_strided_slice %get3A_2881 {offsets = [6], sizes = [1], strides = [1]} : vector<16xi32> to vector<1xi32>
      %squeeze3A_2997 = vector.extract %slice3A_2996[0] : i32 from vector<1xi32>
      %shift_right_logical3A_2998 = arith.constant 7 : i32
      %shift_right_logical3A_2999 = arith.shrui %squeeze3A_2997, %shift_right_logical3A_2998 : i32
      %shift_left3A_3000 = arith.constant 7 : i32
      %shift_left3A_3001 = arith.shli %shift_right_logical3A_2999, %shift_left3A_3000 : i32
      %multiple_of3A_3002 = tpu.assume_multiple %shift_left3A_3001, 128 : i32
      %dma_start3A_3003 = arith.constant 1 : i32
      %dma_start3A_3004 = arith.constant 6 : i32
      %dma_start3A_3005 = arith.constant 0 : i32
      %dma_start3A_3006 = arith.constant 0 : i32
      %dma_start3A_3007 = tpu.memref_slice %arg6[%dma_start3A_3003, %dma_start3A_3004, %dma_start3A_3005, %dma_start3A_3006] : memref<2x16x16x128xf32, #tpu.memory_space<vmem>> -> memref<1x1x16x128xf32, #tpu.memory_space<vmem>>
      %dma_start3A_3008 = tpu.memref_squeeze %dma_start3A_3007 : memref<1x1x16x128xf32, #tpu.memory_space<vmem>> -> memref<16x128xf32, #tpu.memory_space<vmem>>
      %dma_start3A_3009 = tpu.memref_slice %arg2[%multiple_of3A, %multiple_of3A_3002] : memref<32x1000000xf32, #tpu.memory_space<hbm>> -> memref<16x128xf32, #tpu.memory_space<hbm>>
      %dma_start3A_3010 = arith.constant 0 : i32
      %dma_start3A_3011 = arith.constant 0 : i32
      %dma_start3A_3012 = tpu.memref_slice %arg6[%dma_start3A_3003, %dma_start3A_3004, %dma_start3A_3010, %dma_start3A_3011] : memref<2x16x16x128xf32, #tpu.memory_space<vmem>> -> memref<1x1x16x128xf32, #tpu.memory_space<vmem>>
      %dma_start3A_3013 = tpu.memref_squeeze %dma_start3A_3012 : memref<1x1x16x128xf32, #tpu.memory_space<vmem>> -> memref<16x128xf32, #tpu.memory_space<vmem>>
      %dma_start3A_3014 = tpu.memref_slice %arg2[%multiple_of3A, %multiple_of3A_3002] : memref<32x1000000xf32, #tpu.memory_space<hbm>> -> memref<16x128xf32, #tpu.memory_space<hbm>>
      tpu.enqueue_dma source(%dma_start3A_3014 : memref<16x128xf32, #tpu.memory_space<hbm>>) target(%dma_start3A_3013 : memref<16x128xf32, #tpu.memory_space<vmem>>) target_semaphore(%arg8 : memref<!tpu.dma_semaphore, #tpu.memory_space<semaphore_mem>>)
      %slice3A_3015 = vector.extract_strided_slice %get3A_2881 {offsets = [7], sizes = [1], strides = [1]} : vector<16xi32> to vector<1xi32>
      %squeeze3A_3016 = vector.extract %slice3A_3015[0] : i32 from vector<1xi32>
      %shift_right_logical3A_3017 = arith.constant 7 : i32
      %shift_right_logical3A_3018 = arith.shrui %squeeze3A_3016, %shift_right_logical3A_3017 : i32
      %shift_left3A_3019 = arith.constant 7 : i32
      %shift_left3A_3020 = arith.shli %shift_right_logical3A_3018, %shift_left3A_3019 : i32
      %multiple_of3A_3021 = tpu.assume_multiple %shift_left3A_3020, 128 : i32
      %dma_start3A_3022 = arith.constant 1 : i32
      %dma_start3A_3023 = arith.constant 7 : i32
      %dma_start3A_3024 = arith.constant 0 : i32
      %dma_start3A_3025 = arith.constant 0 : i32
      %dma_start3A_3026 = tpu.memref_slice %arg6[%dma_start3A_3022, %dma_start3A_3023, %dma_start3A_3024, %dma_start3A_3025] : memref<2x16x16x128xf32, #tpu.memory_space<vmem>> -> memref<1x1x16x128xf32, #tpu.memory_space<vmem>>
      %dma_start3A_3027 = tpu.memref_squeeze %dma_start3A_3026 : memref<1x1x16x128xf32, #tpu.memory_space<vmem>> -> memref<16x128xf32, #tpu.memory_space<vmem>>
      %dma_start3A_3028 = tpu.memref_slice %arg2[%multiple_of3A, %multiple_of3A_3021] : memref<32x1000000xf32, #tpu.memory_space<hbm>> -> memref<16x128xf32, #tpu.memory_space<hbm>>
      %dma_start3A_3029 = arith.constant 0 : i32
      %dma_start3A_3030 = arith.constant 0 : i32
      %dma_start3A_3031 = tpu.memref_slice %arg6[%dma_start3A_3022, %dma_start3A_3023, %dma_start3A_3029, %dma_start3A_3030] : memref<2x16x16x128xf32, #tpu.memory_space<vmem>> -> memref<1x1x16x128xf32, #tpu.memory_space<vmem>>
      %dma_start3A_3032 = tpu.memref_squeeze %dma_start3A_3031 : memref<1x1x16x128xf32, #tpu.memory_space<vmem>> -> memref<16x128xf32, #tpu.memory_space<vmem>>
      %dma_start3A_3033 = tpu.memref_slice %arg2[%multiple_of3A, %multiple_of3A_3021] : memref<32x1000000xf32, #tpu.memory_space<hbm>> -> memref<16x128xf32, #tpu.memory_space<hbm>>
      tpu.enqueue_dma source(%dma_start3A_3033 : memref<16x128xf32, #tpu.memory_space<hbm>>) target(%dma_start3A_3032 : memref<16x128xf32, #tpu.memory_space<vmem>>) target_semaphore(%arg8 : memref<!tpu.dma_semaphore, #tpu.memory_space<semaphore_mem>>)
      %slice3A_3034 = vector.extract_strided_slice %get3A_2881 {offsets = [8], sizes = [1], strides = [1]} : vector<16xi32> to vector<1xi32>
      %squeeze3A_3035 = vector.extract %slice3A_3034[0] : i32 from vector<1xi32>
      %shift_right_logical3A_3036 = arith.constant 7 : i32
      %shift_right_logical3A_3037 = arith.shrui %squeeze3A_3035, %shift_right_logical3A_3036 : i32
      %shift_left3A_3038 = arith.constant 7 : i32
      %shift_left3A_3039 = arith.shli %shift_right_logical3A_3037, %shift_left3A_3038 : i32
      %multiple_of3A_3040 = tpu.assume_multiple %shift_left3A_3039, 128 : i32
      %dma_start3A_3041 = arith.constant 1 : i32
      %dma_start3A_3042 = arith.constant 8 : i32
      %dma_start3A_3043 = arith.constant 0 : i32
      %dma_start3A_3044 = arith.constant 0 : i32
      %dma_start3A_3045 = tpu.memref_slice %arg6[%dma_start3A_3041, %dma_start3A_3042, %dma_start3A_3043, %dma_start3A_3044] : memref<2x16x16x128xf32, #tpu.memory_space<vmem>> -> memref<1x1x16x128xf32, #tpu.memory_space<vmem>>
      %dma_start3A_3046 = tpu.memref_squeeze %dma_start3A_3045 : memref<1x1x16x128xf32, #tpu.memory_space<vmem>> -> memref<16x128xf32, #tpu.memory_space<vmem>>
      %dma_start3A_3047 = tpu.memref_slice %arg2[%multiple_of3A, %multiple_of3A_3040] : memref<32x1000000xf32, #tpu.memory_space<hbm>> -> memref<16x128xf32, #tpu.memory_space<hbm>>
      %dma_start3A_3048 = arith.constant 0 : i32
      %dma_start3A_3049 = arith.constant 0 : i32
      %dma_start3A_3050 = tpu.memref_slice %arg6[%dma_start3A_3041, %dma_start3A_3042, %dma_start3A_3048, %dma_start3A_3049] : memref<2x16x16x128xf32, #tpu.memory_space<vmem>> -> memref<1x1x16x128xf32, #tpu.memory_space<vmem>>
      %dma_start3A_3051 = tpu.memref_squeeze %dma_start3A_3050 : memref<1x1x16x128xf32, #tpu.memory_space<vmem>> -> memref<16x128xf32, #tpu.memory_space<vmem>>
      %dma_start3A_3052 = tpu.memref_slice %arg2[%multiple_of3A, %multiple_of3A_3040] : memref<32x1000000xf32, #tpu.memory_space<hbm>> -> memref<16x128xf32, #tpu.memory_space<hbm>>
      tpu.enqueue_dma source(%dma_start3A_3052 : memref<16x128xf32, #tpu.memory_space<hbm>>) target(%dma_start3A_3051 : memref<16x128xf32, #tpu.memory_space<vmem>>) target_semaphore(%arg8 : memref<!tpu.dma_semaphore, #tpu.memory_space<semaphore_mem>>)
      %slice3A_3053 = vector.extract_strided_slice %get3A_2881 {offsets = [9], sizes = [1], strides = [1]} : vector<16xi32> to vector<1xi32>
      %squeeze3A_3054 = vector.extract %slice3A_3053[0] : i32 from vector<1xi32>
      %shift_right_logical3A_3055 = arith.constant 7 : i32
      %shift_right_logical3A_3056 = arith.shrui %squeeze3A_3054, %shift_right_logical3A_3055 : i32
      %shift_left3A_3057 = arith.constant 7 : i32
      %shift_left3A_3058 = arith.shli %shift_right_logical3A_3056, %shift_left3A_3057 : i32
      %multiple_of3A_3059 = tpu.assume_multiple %shift_left3A_3058, 128 : i32
      %dma_start3A_3060 = arith.constant 1 : i32
      %dma_start3A_3061 = arith.constant 9 : i32
      %dma_start3A_3062 = arith.constant 0 : i32
      %dma_start3A_3063 = arith.constant 0 : i32
      %dma_start3A_3064 = tpu.memref_slice %arg6[%dma_start3A_3060, %dma_start3A_3061, %dma_start3A_3062, %dma_start3A_3063] : memref<2x16x16x128xf32, #tpu.memory_space<vmem>> -> memref<1x1x16x128xf32, #tpu.memory_space<vmem>>
      %dma_start3A_3065 = tpu.memref_squeeze %dma_start3A_3064 : memref<1x1x16x128xf32, #tpu.memory_space<vmem>> -> memref<16x128xf32, #tpu.memory_space<vmem>>
      %dma_start3A_3066 = tpu.memref_slice %arg2[%multiple_of3A, %multiple_of3A_3059] : memref<32x1000000xf32, #tpu.memory_space<hbm>> -> memref<16x128xf32, #tpu.memory_space<hbm>>
      %dma_start3A_3067 = arith.constant 0 : i32
      %dma_start3A_3068 = arith.constant 0 : i32
      %dma_start3A_3069 = tpu.memref_slice %arg6[%dma_start3A_3060, %dma_start3A_3061, %dma_start3A_3067, %dma_start3A_3068] : memref<2x16x16x128xf32, #tpu.memory_space<vmem>> -> memref<1x1x16x128xf32, #tpu.memory_space<vmem>>
      %dma_start3A_3070 = tpu.memref_squeeze %dma_start3A_3069 : memref<1x1x16x128xf32, #tpu.memory_space<vmem>> -> memref<16x128xf32, #tpu.memory_space<vmem>>
      %dma_start3A_3071 = tpu.memref_slice %arg2[%multiple_of3A, %multiple_of3A_3059] : memref<32x1000000xf32, #tpu.memory_space<hbm>> -> memref<16x128xf32, #tpu.memory_space<hbm>>
      tpu.enqueue_dma source(%dma_start3A_3071 : memref<16x128xf32, #tpu.memory_space<hbm>>) target(%dma_start3A_3070 : memref<16x128xf32, #tpu.memory_space<vmem>>) target_semaphore(%arg8 : memref<!tpu.dma_semaphore, #tpu.memory_space<semaphore_mem>>)
      %slice3A_3072 = vector.extract_strided_slice %get3A_2881 {offsets = [10], sizes = [1], strides = [1]} : vector<16xi32> to vector<1xi32>
      %squeeze3A_3073 = vector.extract %slice3A_3072[0] : i32 from vector<1xi32>
      %shift_right_logical3A_3074 = arith.constant 7 : i32
      %shift_right_logical3A_3075 = arith.shrui %squeeze3A_3073, %shift_right_logical3A_3074 : i32
      %shift_left3A_3076 = arith.constant 7 : i32
      %shift_left3A_3077 = arith.shli %shift_right_logical3A_3075, %shift_left3A_3076 : i32
      %multiple_of3A_3078 = tpu.assume_multiple %shift_left3A_3077, 128 : i32
      %dma_start3A_3079 = arith.constant 1 : i32
      %dma_start3A_3080 = arith.constant 10 : i32
      %dma_start3A_3081 = arith.constant 0 : i32
      %dma_start3A_3082 = arith.constant 0 : i32
      %dma_start3A_3083 = tpu.memref_slice %arg6[%dma_start3A_3079, %dma_start3A_3080, %dma_start3A_3081, %dma_start3A_3082] : memref<2x16x16x128xf32, #tpu.memory_space<vmem>> -> memref<1x1x16x128xf32, #tpu.memory_space<vmem>>
      %dma_start3A_3084 = tpu.memref_squeeze %dma_start3A_3083 : memref<1x1x16x128xf32, #tpu.memory_space<vmem>> -> memref<16x128xf32, #tpu.memory_space<vmem>>
      %dma_start3A_3085 = tpu.memref_slice %arg2[%multiple_of3A, %multiple_of3A_3078] : memref<32x1000000xf32, #tpu.memory_space<hbm>> -> memref<16x128xf32, #tpu.memory_space<hbm>>
      %dma_start3A_3086 = arith.constant 0 : i32
      %dma_start3A_3087 = arith.constant 0 : i32
      %dma_start3A_3088 = tpu.memref_slice %arg6[%dma_start3A_3079, %dma_start3A_3080, %dma_start3A_3086, %dma_start3A_3087] : memref<2x16x16x128xf32, #tpu.memory_space<vmem>> -> memref<1x1x16x128xf32, #tpu.memory_space<vmem>>
      %dma_start3A_3089 = tpu.memref_squeeze %dma_start3A_3088 : memref<1x1x16x128xf32, #tpu.memory_space<vmem>> -> memref<16x128xf32, #tpu.memory_space<vmem>>
      %dma_start3A_3090 = tpu.memref_slice %arg2[%multiple_of3A, %multiple_of3A_3078] : memref<32x1000000xf32, #tpu.memory_space<hbm>> -> memref<16x128xf32, #tpu.memory_space<hbm>>
      tpu.enqueue_dma source(%dma_start3A_3090 : memref<16x128xf32, #tpu.memory_space<hbm>>) target(%dma_start3A_3089 : memref<16x128xf32, #tpu.memory_space<vmem>>) target_semaphore(%arg8 : memref<!tpu.dma_semaphore, #tpu.memory_space<semaphore_mem>>)
      %slice3A_3091 = vector.extract_strided_slice %get3A_2881 {offsets = [11], sizes = [1], strides = [1]} : vector<16xi32> to vector<1xi32>
      %squeeze3A_3092 = vector.extract %slice3A_3091[0] : i32 from vector<1xi32>
      %shift_right_logical3A_3093 = arith.constant 7 : i32
      %shift_right_logical3A_3094 = arith.shrui %squeeze3A_3092, %shift_right_logical3A_3093 : i32
      %shift_left3A_3095 = arith.constant 7 : i32
      %shift_left3A_3096 = arith.shli %shift_right_logical3A_3094, %shift_left3A_3095 : i32
      %multiple_of3A_3097 = tpu.assume_multiple %shift_left3A_3096, 128 : i32
      %dma_start3A_3098 = arith.constant 1 : i32
      %dma_start3A_3099 = arith.constant 11 : i32
      %dma_start3A_3100 = arith.constant 0 : i32
      %dma_start3A_3101 = arith.constant 0 : i32
      %dma_start3A_3102 = tpu.memref_slice %arg6[%dma_start3A_3098, %dma_start3A_3099, %dma_start3A_3100, %dma_start3A_3101] : memref<2x16x16x128xf32, #tpu.memory_space<vmem>> -> memref<1x1x16x128xf32, #tpu.memory_space<vmem>>
      %dma_start3A_3103 = tpu.memref_squeeze %dma_start3A_3102 : memref<1x1x16x128xf32, #tpu.memory_space<vmem>> -> memref<16x128xf32, #tpu.memory_space<vmem>>
      %dma_start3A_3104 = tpu.memref_slice %arg2[%multiple_of3A, %multiple_of3A_3097] : memref<32x1000000xf32, #tpu.memory_space<hbm>> -> memref<16x128xf32, #tpu.memory_space<hbm>>
      %dma_start3A_3105 = arith.constant 0 : i32
      %dma_start3A_3106 = arith.constant 0 : i32
      %dma_start3A_3107 = tpu.memref_slice %arg6[%dma_start3A_3098, %dma_start3A_3099, %dma_start3A_3105, %dma_start3A_3106] : memref<2x16x16x128xf32, #tpu.memory_space<vmem>> -> memref<1x1x16x128xf32, #tpu.memory_space<vmem>>
      %dma_start3A_3108 = tpu.memref_squeeze %dma_start3A_3107 : memref<1x1x16x128xf32, #tpu.memory_space<vmem>> -> memref<16x128xf32, #tpu.memory_space<vmem>>
      %dma_start3A_3109 = tpu.memref_slice %arg2[%multiple_of3A, %multiple_of3A_3097] : memref<32x1000000xf32, #tpu.memory_space<hbm>> -> memref<16x128xf32, #tpu.memory_space<hbm>>
      tpu.enqueue_dma source(%dma_start3A_3109 : memref<16x128xf32, #tpu.memory_space<hbm>>) target(%dma_start3A_3108 : memref<16x128xf32, #tpu.memory_space<vmem>>) target_semaphore(%arg8 : memref<!tpu.dma_semaphore, #tpu.memory_space<semaphore_mem>>)
      %slice3A_3110 = vector.extract_strided_slice %get3A_2881 {offsets = [12], sizes = [1], strides = [1]} : vector<16xi32> to vector<1xi32>
      %squeeze3A_3111 = vector.extract %slice3A_3110[0] : i32 from vector<1xi32>
      %shift_right_logical3A_3112 = arith.constant 7 : i32
      %shift_right_logical3A_3113 = arith.shrui %squeeze3A_3111, %shift_right_logical3A_3112 : i32
      %shift_left3A_3114 = arith.constant 7 : i32
      %shift_left3A_3115 = arith.shli %shift_right_logical3A_3113, %shift_left3A_3114 : i32
      %multiple_of3A_3116 = tpu.assume_multiple %shift_left3A_3115, 128 : i32
      %dma_start3A_3117 = arith.constant 1 : i32
      %dma_start3A_3118 = arith.constant 12 : i32
      %dma_start3A_3119 = arith.constant 0 : i32
      %dma_start3A_3120 = arith.constant 0 : i32
      %dma_start3A_3121 = tpu.memref_slice %arg6[%dma_start3A_3117, %dma_start3A_3118, %dma_start3A_3119, %dma_start3A_3120] : memref<2x16x16x128xf32, #tpu.memory_space<vmem>> -> memref<1x1x16x128xf32, #tpu.memory_space<vmem>>
      %dma_start3A_3122 = tpu.memref_squeeze %dma_start3A_3121 : memref<1x1x16x128xf32, #tpu.memory_space<vmem>> -> memref<16x128xf32, #tpu.memory_space<vmem>>
      %dma_start3A_3123 = tpu.memref_slice %arg2[%multiple_of3A, %multiple_of3A_3116] : memref<32x1000000xf32, #tpu.memory_space<hbm>> -> memref<16x128xf32, #tpu.memory_space<hbm>>
      %dma_start3A_3124 = arith.constant 0 : i32
      %dma_start3A_3125 = arith.constant 0 : i32
      %dma_start3A_3126 = tpu.memref_slice %arg6[%dma_start3A_3117, %dma_start3A_3118, %dma_start3A_3124, %dma_start3A_3125] : memref<2x16x16x128xf32, #tpu.memory_space<vmem>> -> memref<1x1x16x128xf32, #tpu.memory_space<vmem>>
      %dma_start3A_3127 = tpu.memref_squeeze %dma_start3A_3126 : memref<1x1x16x128xf32, #tpu.memory_space<vmem>> -> memref<16x128xf32, #tpu.memory_space<vmem>>
      %dma_start3A_3128 = tpu.memref_slice %arg2[%multiple_of3A, %multiple_of3A_3116] : memref<32x1000000xf32, #tpu.memory_space<hbm>> -> memref<16x128xf32, #tpu.memory_space<hbm>>
      tpu.enqueue_dma source(%dma_start3A_3128 : memref<16x128xf32, #tpu.memory_space<hbm>>) target(%dma_start3A_3127 : memref<16x128xf32, #tpu.memory_space<vmem>>) target_semaphore(%arg8 : memref<!tpu.dma_semaphore, #tpu.memory_space<semaphore_mem>>)
      %slice3A_3129 = vector.extract_strided_slice %get3A_2881 {offsets = [13], sizes = [1], strides = [1]} : vector<16xi32> to vector<1xi32>
      %squeeze3A_3130 = vector.extract %slice3A_3129[0] : i32 from vector<1xi32>
      %shift_right_logical3A_3131 = arith.constant 7 : i32
      %shift_right_logical3A_3132 = arith.shrui %squeeze3A_3130, %shift_right_logical3A_3131 : i32
      %shift_left3A_3133 = arith.constant 7 : i32
      %shift_left3A_3134 = arith.shli %shift_right_logical3A_3132, %shift_left3A_3133 : i32
      %multiple_of3A_3135 = tpu.assume_multiple %shift_left3A_3134, 128 : i32
      %dma_start3A_3136 = arith.constant 1 : i32
      %dma_start3A_3137 = arith.constant 13 : i32
      %dma_start3A_3138 = arith.constant 0 : i32
      %dma_start3A_3139 = arith.constant 0 : i32
      %dma_start3A_3140 = tpu.memref_slice %arg6[%dma_start3A_3136, %dma_start3A_3137, %dma_start3A_3138, %dma_start3A_3139] : memref<2x16x16x128xf32, #tpu.memory_space<vmem>> -> memref<1x1x16x128xf32, #tpu.memory_space<vmem>>
      %dma_start3A_3141 = tpu.memref_squeeze %dma_start3A_3140 : memref<1x1x16x128xf32, #tpu.memory_space<vmem>> -> memref<16x128xf32, #tpu.memory_space<vmem>>
      %dma_start3A_3142 = tpu.memref_slice %arg2[%multiple_of3A, %multiple_of3A_3135] : memref<32x1000000xf32, #tpu.memory_space<hbm>> -> memref<16x128xf32, #tpu.memory_space<hbm>>
      %dma_start3A_3143 = arith.constant 0 : i32
      %dma_start3A_3144 = arith.constant 0 : i32
      %dma_start3A_3145 = tpu.memref_slice %arg6[%dma_start3A_3136, %dma_start3A_3137, %dma_start3A_3143, %dma_start3A_3144] : memref<2x16x16x128xf32, #tpu.memory_space<vmem>> -> memref<1x1x16x128xf32, #tpu.memory_space<vmem>>
      %dma_start3A_3146 = tpu.memref_squeeze %dma_start3A_3145 : memref<1x1x16x128xf32, #tpu.memory_space<vmem>> -> memref<16x128xf32, #tpu.memory_space<vmem>>
      %dma_start3A_3147 = tpu.memref_slice %arg2[%multiple_of3A, %multiple_of3A_3135] : memref<32x1000000xf32, #tpu.memory_space<hbm>> -> memref<16x128xf32, #tpu.memory_space<hbm>>
      tpu.enqueue_dma source(%dma_start3A_3147 : memref<16x128xf32, #tpu.memory_space<hbm>>) target(%dma_start3A_3146 : memref<16x128xf32, #tpu.memory_space<vmem>>) target_semaphore(%arg8 : memref<!tpu.dma_semaphore, #tpu.memory_space<semaphore_mem>>)
      %slice3A_3148 = vector.extract_strided_slice %get3A_2881 {offsets = [14], sizes = [1], strides = [1]} : vector<16xi32> to vector<1xi32>
      %squeeze3A_3149 = vector.extract %slice3A_3148[0] : i32 from vector<1xi32>
      %shift_right_logical3A_3150 = arith.constant 7 : i32
      %shift_right_logical3A_3151 = arith.shrui %squeeze3A_3149, %shift_right_logical3A_3150 : i32
      %shift_left3A_3152 = arith.constant 7 : i32
      %shift_left3A_3153 = arith.shli %shift_right_logical3A_3151, %shift_left3A_3152 : i32
      %multiple_of3A_3154 = tpu.assume_multiple %shift_left3A_3153, 128 : i32
      %dma_start3A_3155 = arith.constant 1 : i32
      %dma_start3A_3156 = arith.constant 14 : i32
      %dma_start3A_3157 = arith.constant 0 : i32
      %dma_start3A_3158 = arith.constant 0 : i32
      %dma_start3A_3159 = tpu.memref_slice %arg6[%dma_start3A_3155, %dma_start3A_3156, %dma_start3A_3157, %dma_start3A_3158] : memref<2x16x16x128xf32, #tpu.memory_space<vmem>> -> memref<1x1x16x128xf32, #tpu.memory_space<vmem>>
      %dma_start3A_3160 = tpu.memref_squeeze %dma_start3A_3159 : memref<1x1x16x128xf32, #tpu.memory_space<vmem>> -> memref<16x128xf32, #tpu.memory_space<vmem>>
      %dma_start3A_3161 = tpu.memref_slice %arg2[%multiple_of3A, %multiple_of3A_3154] : memref<32x1000000xf32, #tpu.memory_space<hbm>> -> memref<16x128xf32, #tpu.memory_space<hbm>>
      %dma_start3A_3162 = arith.constant 0 : i32
      %dma_start3A_3163 = arith.constant 0 : i32
      %dma_start3A_3164 = tpu.memref_slice %arg6[%dma_start3A_3155, %dma_start3A_3156, %dma_start3A_3162, %dma_start3A_3163] : memref<2x16x16x128xf32, #tpu.memory_space<vmem>> -> memref<1x1x16x128xf32, #tpu.memory_space<vmem>>
      %dma_start3A_3165 = tpu.memref_squeeze %dma_start3A_3164 : memref<1x1x16x128xf32, #tpu.memory_space<vmem>> -> memref<16x128xf32, #tpu.memory_space<vmem>>
      %dma_start3A_3166 = tpu.memref_slice %arg2[%multiple_of3A, %multiple_of3A_3154] : memref<32x1000000xf32, #tpu.memory_space<hbm>> -> memref<16x128xf32, #tpu.memory_space<hbm>>
      tpu.enqueue_dma source(%dma_start3A_3166 : memref<16x128xf32, #tpu.memory_space<hbm>>) target(%dma_start3A_3165 : memref<16x128xf32, #tpu.memory_space<vmem>>) target_semaphore(%arg8 : memref<!tpu.dma_semaphore, #tpu.memory_space<semaphore_mem>>)
      %slice3A_3167 = vector.extract_strided_slice %get3A_2881 {offsets = [15], sizes = [1], strides = [1]} : vector<16xi32> to vector<1xi32>
      %squeeze3A_3168 = vector.extract %slice3A_3167[0] : i32 from vector<1xi32>
      %shift_right_logical3A_3169 = arith.constant 7 : i32
      %shift_right_logical3A_3170 = arith.shrui %squeeze3A_3168, %shift_right_logical3A_3169 : i32
      %shift_left3A_3171 = arith.constant 7 : i32
      %shift_left3A_3172 = arith.shli %shift_right_logical3A_3170, %shift_left3A_3171 : i32
      %multiple_of3A_3173 = tpu.assume_multiple %shift_left3A_3172, 128 : i32
      %dma_start3A_3174 = arith.constant 1 : i32
      %dma_start3A_3175 = arith.constant 15 : i32
      %dma_start3A_3176 = arith.constant 0 : i32
      %dma_start3A_3177 = arith.constant 0 : i32
      %dma_start3A_3178 = tpu.memref_slice %arg6[%dma_start3A_3174, %dma_start3A_3175, %dma_start3A_3176, %dma_start3A_3177] : memref<2x16x16x128xf32, #tpu.memory_space<vmem>> -> memref<1x1x16x128xf32, #tpu.memory_space<vmem>>
      %dma_start3A_3179 = tpu.memref_squeeze %dma_start3A_3178 : memref<1x1x16x128xf32, #tpu.memory_space<vmem>> -> memref<16x128xf32, #tpu.memory_space<vmem>>
      %dma_start3A_3180 = tpu.memref_slice %arg2[%multiple_of3A, %multiple_of3A_3173] : memref<32x1000000xf32, #tpu.memory_space<hbm>> -> memref<16x128xf32, #tpu.memory_space<hbm>>
      %dma_start3A_3181 = arith.constant 0 : i32
      %dma_start3A_3182 = arith.constant 0 : i32
      %dma_start3A_3183 = tpu.memref_slice %arg6[%dma_start3A_3174, %dma_start3A_3175, %dma_start3A_3181, %dma_start3A_3182] : memref<2x16x16x128xf32, #tpu.memory_space<vmem>> -> memref<1x1x16x128xf32, #tpu.memory_space<vmem>>
      %dma_start3A_3184 = tpu.memref_squeeze %dma_start3A_3183 : memref<1x1x16x128xf32, #tpu.memory_space<vmem>> -> memref<16x128xf32, #tpu.memory_space<vmem>>
      %dma_start3A_3185 = tpu.memref_slice %arg2[%multiple_of3A, %multiple_of3A_3173] : memref<32x1000000xf32, #tpu.memory_space<hbm>> -> memref<16x128xf32, #tpu.memory_space<hbm>>
      tpu.enqueue_dma source(%dma_start3A_3185 : memref<16x128xf32, #tpu.memory_space<hbm>>) target(%dma_start3A_3184 : memref<16x128xf32, #tpu.memory_space<vmem>>) target_semaphore(%arg8 : memref<!tpu.dma_semaphore, #tpu.memory_space<semaphore_mem>>)
    }
    %scan3A_617 = arith.constant 31 : i32
    %dma_wait3A = arith.constant 0 : i32
    %dma_wait3A_618 = arith.constant 0 : i32
    %dma_wait3A_619 = arith.constant 0 : i32
    %dma_wait3A_620 = arith.constant 0 : i32
    %dma_wait3A_621 = tpu.memref_slice %arg6[%dma_wait3A, %dma_wait3A_618, %dma_wait3A_619, %dma_wait3A_620] : memref<2x16x16x128xf32, #tpu.memory_space<vmem>> -> memref<1x1x16x128xf32, #tpu.memory_space<vmem>>
    %dma_wait3A_622 = tpu.memref_squeeze %dma_wait3A_621 : memref<1x1x16x128xf32, #tpu.memory_space<vmem>> -> memref<16x128xf32, #tpu.memory_space<vmem>>
    %dma_wait3A_623 = arith.constant 0 : i32
    %dma_wait3A_624 = arith.constant 0 : i32
    %dma_wait3A_625 = tpu.memref_slice %arg2[%dma_wait3A_623, %dma_wait3A_624] : memref<32x1000000xf32, #tpu.memory_space<hbm>> -> memref<16x128xf32, #tpu.memory_space<hbm>>
    %dma_wait3A_626 = arith.constant 0 : i32
    %dma_wait3A_627 = arith.constant 0 : i32
    %dma_wait3A_628 = tpu.memref_slice %arg6[%dma_wait3A, %dma_wait3A_618, %dma_wait3A_626, %dma_wait3A_627] : memref<2x16x16x128xf32, #tpu.memory_space<vmem>> -> memref<1x1x16x128xf32, #tpu.memory_space<vmem>>
    %dma_wait3A_629 = tpu.memref_squeeze %dma_wait3A_628 : memref<1x1x16x128xf32, #tpu.memory_space<vmem>> -> memref<16x128xf32, #tpu.memory_space<vmem>>
    %dma_wait3A_630 = arith.constant 0 : i32
    %dma_wait3A_631 = arith.constant 0 : i32
    %dma_wait3A_632 = tpu.memref_slice %arg2[%dma_wait3A_630, %dma_wait3A_631] : memref<32x1000000xf32, #tpu.memory_space<hbm>> -> memref<16x128xf32, #tpu.memory_space<hbm>>
    tpu.wait_dma2 semaphore(%arg8 : memref<!tpu.dma_semaphore, #tpu.memory_space<semaphore_mem>>) src(%dma_wait3A_632 : memref<16x128xf32, #tpu.memory_space<hbm>>) dst(%dma_wait3A_629 : memref<16x128xf32, #tpu.memory_space<vmem>>)
    %dma_wait3A_633 = arith.constant 0 : i32
    %dma_wait3A_634 = arith.constant 1 : i32
    %dma_wait3A_635 = arith.constant 0 : i32
    %dma_wait3A_636 = arith.constant 0 : i32
    %dma_wait3A_637 = tpu.memref_slice %arg6[%dma_wait3A_633, %dma_wait3A_634, %dma_wait3A_635, %dma_wait3A_636] : memref<2x16x16x128xf32, #tpu.memory_space<vmem>> -> memref<1x1x16x128xf32, #tpu.memory_space<vmem>>
    %dma_wait3A_638 = tpu.memref_squeeze %dma_wait3A_637 : memref<1x1x16x128xf32, #tpu.memory_space<vmem>> -> memref<16x128xf32, #tpu.memory_space<vmem>>
    %dma_wait3A_639 = arith.constant 0 : i32
    %dma_wait3A_640 = arith.constant 0 : i32
    %dma_wait3A_641 = tpu.memref_slice %arg2[%dma_wait3A_639, %dma_wait3A_640] : memref<32x1000000xf32, #tpu.memory_space<hbm>> -> memref<16x128xf32, #tpu.memory_space<hbm>>
    %dma_wait3A_642 = arith.constant 0 : i32
    %dma_wait3A_643 = arith.constant 0 : i32
    %dma_wait3A_644 = tpu.memref_slice %arg6[%dma_wait3A_633, %dma_wait3A_634, %dma_wait3A_642, %dma_wait3A_643] : memref<2x16x16x128xf32, #tpu.memory_space<vmem>> -> memref<1x1x16x128xf32, #tpu.memory_space<vmem>>
    %dma_wait3A_645 = tpu.memref_squeeze %dma_wait3A_644 : memref<1x1x16x128xf32, #tpu.memory_space<vmem>> -> memref<16x128xf32, #tpu.memory_space<vmem>>
    %dma_wait3A_646 = arith.constant 0 : i32
    %dma_wait3A_647 = arith.constant 0 : i32
    %dma_wait3A_648 = tpu.memref_slice %arg2[%dma_wait3A_646, %dma_wait3A_647] : memref<32x1000000xf32, #tpu.memory_space<hbm>> -> memref<16x128xf32, #tpu.memory_space<hbm>>
    tpu.wait_dma2 semaphore(%arg8 : memref<!tpu.dma_semaphore, #tpu.memory_space<semaphore_mem>>) src(%dma_wait3A_648 : memref<16x128xf32, #tpu.memory_space<hbm>>) dst(%dma_wait3A_645 : memref<16x128xf32, #tpu.memory_space<vmem>>)
    %dma_wait3A_649 = arith.constant 0 : i32
    %dma_wait3A_650 = arith.constant 2 : i32
    %dma_wait3A_651 = arith.constant 0 : i32
    %dma_wait3A_652 = arith.constant 0 : i32
    %dma_wait3A_653 = tpu.memref_slice %arg6[%dma_wait3A_649, %dma_wait3A_650, %dma_wait3A_651, %dma_wait3A_652] : memref<2x16x16x128xf32, #tpu.memory_space<vmem>> -> memref<1x1x16x128xf32, #tpu.memory_space<vmem>>
    %dma_wait3A_654 = tpu.memref_squeeze %dma_wait3A_653 : memref<1x1x16x128xf32, #tpu.memory_space<vmem>> -> memref<16x128xf32, #tpu.memory_space<vmem>>
    %dma_wait3A_655 = arith.constant 0 : i32
    %dma_wait3A_656 = arith.constant 0 : i32
    %dma_wait3A_657 = tpu.memref_slice %arg2[%dma_wait3A_655, %dma_wait3A_656] : memref<32x1000000xf32, #tpu.memory_space<hbm>> -> memref<16x128xf32, #tpu.memory_space<hbm>>
    %dma_wait3A_658 = arith.constant 0 : i32
    %dma_wait3A_659 = arith.constant 0 : i32
    %dma_wait3A_660 = tpu.memref_slice %arg6[%dma_wait3A_649, %dma_wait3A_650, %dma_wait3A_658, %dma_wait3A_659] : memref<2x16x16x128xf32, #tpu.memory_space<vmem>> -> memref<1x1x16x128xf32, #tpu.memory_space<vmem>>
    %dma_wait3A_661 = tpu.memref_squeeze %dma_wait3A_660 : memref<1x1x16x128xf32, #tpu.memory_space<vmem>> -> memref<16x128xf32, #tpu.memory_space<vmem>>
    %dma_wait3A_662 = arith.constant 0 : i32
    %dma_wait3A_663 = arith.constant 0 : i32
    %dma_wait3A_664 = tpu.memref_slice %arg2[%dma_wait3A_662, %dma_wait3A_663] : memref<32x1000000xf32, #tpu.memory_space<hbm>> -> memref<16x128xf32, #tpu.memory_space<hbm>>
    tpu.wait_dma2 semaphore(%arg8 : memref<!tpu.dma_semaphore, #tpu.memory_space<semaphore_mem>>) src(%dma_wait3A_664 : memref<16x128xf32, #tpu.memory_space<hbm>>) dst(%dma_wait3A_661 : memref<16x128xf32, #tpu.memory_space<vmem>>)
    %dma_wait3A_665 = arith.constant 0 : i32
    %dma_wait3A_666 = arith.constant 3 : i32
    %dma_wait3A_667 = arith.constant 0 : i32
    %dma_wait3A_668 = arith.constant 0 : i32
    %dma_wait3A_669 = tpu.memref_slice %arg6[%dma_wait3A_665, %dma_wait3A_666, %dma_wait3A_667, %dma_wait3A_668] : memref<2x16x16x128xf32, #tpu.memory_space<vmem>> -> memref<1x1x16x128xf32, #tpu.memory_space<vmem>>
    %dma_wait3A_670 = tpu.memref_squeeze %dma_wait3A_669 : memref<1x1x16x128xf32, #tpu.memory_space<vmem>> -> memref<16x128xf32, #tpu.memory_space<vmem>>
    %dma_wait3A_671 = arith.constant 0 : i32
    %dma_wait3A_672 = arith.constant 0 : i32
    %dma_wait3A_673 = tpu.memref_slice %arg2[%dma_wait3A_671, %dma_wait3A_672] : memref<32x1000000xf32, #tpu.memory_space<hbm>> -> memref<16x128xf32, #tpu.memory_space<hbm>>
    %dma_wait3A_674 = arith.constant 0 : i32
    %dma_wait3A_675 = arith.constant 0 : i32
    %dma_wait3A_676 = tpu.memref_slice %arg6[%dma_wait3A_665, %dma_wait3A_666, %dma_wait3A_674, %dma_wait3A_675] : memref<2x16x16x128xf32, #tpu.memory_space<vmem>> -> memref<1x1x16x128xf32, #tpu.memory_space<vmem>>
    %dma_wait3A_677 = tpu.memref_squeeze %dma_wait3A_676 : memref<1x1x16x128xf32, #tpu.memory_space<vmem>> -> memref<16x128xf32, #tpu.memory_space<vmem>>
    %dma_wait3A_678 = arith.constant 0 : i32
    %dma_wait3A_679 = arith.constant 0 : i32
    %dma_wait3A_680 = tpu.memref_slice %arg2[%dma_wait3A_678, %dma_wait3A_679] : memref<32x1000000xf32, #tpu.memory_space<hbm>> -> memref<16x128xf32, #tpu.memory_space<hbm>>
    tpu.wait_dma2 semaphore(%arg8 : memref<!tpu.dma_semaphore, #tpu.memory_space<semaphore_mem>>) src(%dma_wait3A_680 : memref<16x128xf32, #tpu.memory_space<hbm>>) dst(%dma_wait3A_677 : memref<16x128xf32, #tpu.memory_space<vmem>>)
    %dma_wait3A_681 = arith.constant 0 : i32
    %dma_wait3A_682 = arith.constant 4 : i32
    %dma_wait3A_683 = arith.constant 0 : i32
    %dma_wait3A_684 = arith.constant 0 : i32
    %dma_wait3A_685 = tpu.memref_slice %arg6[%dma_wait3A_681, %dma_wait3A_682, %dma_wait3A_683, %dma_wait3A_684] : memref<2x16x16x128xf32, #tpu.memory_space<vmem>> -> memref<1x1x16x128xf32, #tpu.memory_space<vmem>>
    %dma_wait3A_686 = tpu.memref_squeeze %dma_wait3A_685 : memref<1x1x16x128xf32, #tpu.memory_space<vmem>> -> memref<16x128xf32, #tpu.memory_space<vmem>>
    %dma_wait3A_687 = arith.constant 0 : i32
    %dma_wait3A_688 = arith.constant 0 : i32
    %dma_wait3A_689 = tpu.memref_slice %arg2[%dma_wait3A_687, %dma_wait3A_688] : memref<32x1000000xf32, #tpu.memory_space<hbm>> -> memref<16x128xf32, #tpu.memory_space<hbm>>
    %dma_wait3A_690 = arith.constant 0 : i32
    %dma_wait3A_691 = arith.constant 0 : i32
    %dma_wait3A_692 = tpu.memref_slice %arg6[%dma_wait3A_681, %dma_wait3A_682, %dma_wait3A_690, %dma_wait3A_691] : memref<2x16x16x128xf32, #tpu.memory_space<vmem>> -> memref<1x1x16x128xf32, #tpu.memory_space<vmem>>
    %dma_wait3A_693 = tpu.memref_squeeze %dma_wait3A_692 : memref<1x1x16x128xf32, #tpu.memory_space<vmem>> -> memref<16x128xf32, #tpu.memory_space<vmem>>
    %dma_wait3A_694 = arith.constant 0 : i32
    %dma_wait3A_695 = arith.constant 0 : i32
    %dma_wait3A_696 = tpu.memref_slice %arg2[%dma_wait3A_694, %dma_wait3A_695] : memref<32x1000000xf32, #tpu.memory_space<hbm>> -> memref<16x128xf32, #tpu.memory_space<hbm>>
    tpu.wait_dma2 semaphore(%arg8 : memref<!tpu.dma_semaphore, #tpu.memory_space<semaphore_mem>>) src(%dma_wait3A_696 : memref<16x128xf32, #tpu.memory_space<hbm>>) dst(%dma_wait3A_693 : memref<16x128xf32, #tpu.memory_space<vmem>>)
    %dma_wait3A_697 = arith.constant 0 : i32
    %dma_wait3A_698 = arith.constant 5 : i32
    %dma_wait3A_699 = arith.constant 0 : i32
    %dma_wait3A_700 = arith.constant 0 : i32
    %dma_wait3A_701 = tpu.memref_slice %arg6[%dma_wait3A_697, %dma_wait3A_698, %dma_wait3A_699, %dma_wait3A_700] : memref<2x16x16x128xf32, #tpu.memory_space<vmem>> -> memref<1x1x16x128xf32, #tpu.memory_space<vmem>>
    %dma_wait3A_702 = tpu.memref_squeeze %dma_wait3A_701 : memref<1x1x16x128xf32, #tpu.memory_space<vmem>> -> memref<16x128xf32, #tpu.memory_space<vmem>>
    %dma_wait3A_703 = arith.constant 0 : i32
    %dma_wait3A_704 = arith.constant 0 : i32
    %dma_wait3A_705 = tpu.memref_slice %arg2[%dma_wait3A_703, %dma_wait3A_704] : memref<32x1000000xf32, #tpu.memory_space<hbm>> -> memref<16x128xf32, #tpu.memory_space<hbm>>
    %dma_wait3A_706 = arith.constant 0 : i32
    %dma_wait3A_707 = arith.constant 0 : i32
    %dma_wait3A_708 = tpu.memref_slice %arg6[%dma_wait3A_697, %dma_wait3A_698, %dma_wait3A_706, %dma_wait3A_707] : memref<2x16x16x128xf32, #tpu.memory_space<vmem>> -> memref<1x1x16x128xf32, #tpu.memory_space<vmem>>
    %dma_wait3A_709 = tpu.memref_squeeze %dma_wait3A_708 : memref<1x1x16x128xf32, #tpu.memory_space<vmem>> -> memref<16x128xf32, #tpu.memory_space<vmem>>
    %dma_wait3A_710 = arith.constant 0 : i32
    %dma_wait3A_711 = arith.constant 0 : i32
    %dma_wait3A_712 = tpu.memref_slice %arg2[%dma_wait3A_710, %dma_wait3A_711] : memref<32x1000000xf32, #tpu.memory_space<hbm>> -> memref<16x128xf32, #tpu.memory_space<hbm>>
    tpu.wait_dma2 semaphore(%arg8 : memref<!tpu.dma_semaphore, #tpu.memory_space<semaphore_mem>>) src(%dma_wait3A_712 : memref<16x128xf32, #tpu.memory_space<hbm>>) dst(%dma_wait3A_709 : memref<16x128xf32, #tpu.memory_space<vmem>>)
    %dma_wait3A_713 = arith.constant 0 : i32
    %dma_wait3A_714 = arith.constant 6 : i32
    %dma_wait3A_715 = arith.constant 0 : i32
    %dma_wait3A_716 = arith.constant 0 : i32
    %dma_wait3A_717 = tpu.memref_slice %arg6[%dma_wait3A_713, %dma_wait3A_714, %dma_wait3A_715, %dma_wait3A_716] : memref<2x16x16x128xf32, #tpu.memory_space<vmem>> -> memref<1x1x16x128xf32, #tpu.memory_space<vmem>>
    %dma_wait3A_718 = tpu.memref_squeeze %dma_wait3A_717 : memref<1x1x16x128xf32, #tpu.memory_space<vmem>> -> memref<16x128xf32, #tpu.memory_space<vmem>>
    %dma_wait3A_719 = arith.constant 0 : i32
    %dma_wait3A_720 = arith.constant 0 : i32
    %dma_wait3A_721 = tpu.memref_slice %arg2[%dma_wait3A_719, %dma_wait3A_720] : memref<32x1000000xf32, #tpu.memory_space<hbm>> -> memref<16x128xf32, #tpu.memory_space<hbm>>
    %dma_wait3A_722 = arith.constant 0 : i32
    %dma_wait3A_723 = arith.constant 0 : i32
    %dma_wait3A_724 = tpu.memref_slice %arg6[%dma_wait3A_713, %dma_wait3A_714, %dma_wait3A_722, %dma_wait3A_723] : memref<2x16x16x128xf32, #tpu.memory_space<vmem>> -> memref<1x1x16x128xf32, #tpu.memory_space<vmem>>
    %dma_wait3A_725 = tpu.memref_squeeze %dma_wait3A_724 : memref<1x1x16x128xf32, #tpu.memory_space<vmem>> -> memref<16x128xf32, #tpu.memory_space<vmem>>
    %dma_wait3A_726 = arith.constant 0 : i32
    %dma_wait3A_727 = arith.constant 0 : i32
    %dma_wait3A_728 = tpu.memref_slice %arg2[%dma_wait3A_726, %dma_wait3A_727] : memref<32x1000000xf32, #tpu.memory_space<hbm>> -> memref<16x128xf32, #tpu.memory_space<hbm>>
    tpu.wait_dma2 semaphore(%arg8 : memref<!tpu.dma_semaphore, #tpu.memory_space<semaphore_mem>>) src(%dma_wait3A_728 : memref<16x128xf32, #tpu.memory_space<hbm>>) dst(%dma_wait3A_725 : memref<16x128xf32, #tpu.memory_space<vmem>>)
    %dma_wait3A_729 = arith.constant 0 : i32
    %dma_wait3A_730 = arith.constant 7 : i32
    %dma_wait3A_731 = arith.constant 0 : i32
    %dma_wait3A_732 = arith.constant 0 : i32
    %dma_wait3A_733 = tpu.memref_slice %arg6[%dma_wait3A_729, %dma_wait3A_730, %dma_wait3A_731, %dma_wait3A_732] : memref<2x16x16x128xf32, #tpu.memory_space<vmem>> -> memref<1x1x16x128xf32, #tpu.memory_space<vmem>>
    %dma_wait3A_734 = tpu.memref_squeeze %dma_wait3A_733 : memref<1x1x16x128xf32, #tpu.memory_space<vmem>> -> memref<16x128xf32, #tpu.memory_space<vmem>>
    %dma_wait3A_735 = arith.constant 0 : i32
    %dma_wait3A_736 = arith.constant 0 : i32
    %dma_wait3A_737 = tpu.memref_slice %arg2[%dma_wait3A_735, %dma_wait3A_736] : memref<32x1000000xf32, #tpu.memory_space<hbm>> -> memref<16x128xf32, #tpu.memory_space<hbm>>
    %dma_wait3A_738 = arith.constant 0 : i32
    %dma_wait3A_739 = arith.constant 0 : i32
    %dma_wait3A_740 = tpu.memref_slice %arg6[%dma_wait3A_729, %dma_wait3A_730, %dma_wait3A_738, %dma_wait3A_739] : memref<2x16x16x128xf32, #tpu.memory_space<vmem>> -> memref<1x1x16x128xf32, #tpu.memory_space<vmem>>
    %dma_wait3A_741 = tpu.memref_squeeze %dma_wait3A_740 : memref<1x1x16x128xf32, #tpu.memory_space<vmem>> -> memref<16x128xf32, #tpu.memory_space<vmem>>
    %dma_wait3A_742 = arith.constant 0 : i32
    %dma_wait3A_743 = arith.constant 0 : i32
    %dma_wait3A_744 = tpu.memref_slice %arg2[%dma_wait3A_742, %dma_wait3A_743] : memref<32x1000000xf32, #tpu.memory_space<hbm>> -> memref<16x128xf32, #tpu.memory_space<hbm>>
    tpu.wait_dma2 semaphore(%arg8 : memref<!tpu.dma_semaphore, #tpu.memory_space<semaphore_mem>>) src(%dma_wait3A_744 : memref<16x128xf32, #tpu.memory_space<hbm>>) dst(%dma_wait3A_741 : memref<16x128xf32, #tpu.memory_space<vmem>>)
    %dma_wait3A_745 = arith.constant 0 : i32
    %dma_wait3A_746 = arith.constant 8 : i32
    %dma_wait3A_747 = arith.constant 0 : i32
    %dma_wait3A_748 = arith.constant 0 : i32
    %dma_wait3A_749 = tpu.memref_slice %arg6[%dma_wait3A_745, %dma_wait3A_746, %dma_wait3A_747, %dma_wait3A_748] : memref<2x16x16x128xf32, #tpu.memory_space<vmem>> -> memref<1x1x16x128xf32, #tpu.memory_space<vmem>>
    %dma_wait3A_750 = tpu.memref_squeeze %dma_wait3A_749 : memref<1x1x16x128xf32, #tpu.memory_space<vmem>> -> memref<16x128xf32, #tpu.memory_space<vmem>>
    %dma_wait3A_751 = arith.constant 0 : i32
    %dma_wait3A_752 = arith.constant 0 : i32
    %dma_wait3A_753 = tpu.memref_slice %arg2[%dma_wait3A_751, %dma_wait3A_752] : memref<32x1000000xf32, #tpu.memory_space<hbm>> -> memref<16x128xf32, #tpu.memory_space<hbm>>
    %dma_wait3A_754 = arith.constant 0 : i32
    %dma_wait3A_755 = arith.constant 0 : i32
    %dma_wait3A_756 = tpu.memref_slice %arg6[%dma_wait3A_745, %dma_wait3A_746, %dma_wait3A_754, %dma_wait3A_755] : memref<2x16x16x128xf32, #tpu.memory_space<vmem>> -> memref<1x1x16x128xf32, #tpu.memory_space<vmem>>
    %dma_wait3A_757 = tpu.memref_squeeze %dma_wait3A_756 : memref<1x1x16x128xf32, #tpu.memory_space<vmem>> -> memref<16x128xf32, #tpu.memory_space<vmem>>
    %dma_wait3A_758 = arith.constant 0 : i32
    %dma_wait3A_759 = arith.constant 0 : i32
    %dma_wait3A_760 = tpu.memref_slice %arg2[%dma_wait3A_758, %dma_wait3A_759] : memref<32x1000000xf32, #tpu.memory_space<hbm>> -> memref<16x128xf32, #tpu.memory_space<hbm>>
    tpu.wait_dma2 semaphore(%arg8 : memref<!tpu.dma_semaphore, #tpu.memory_space<semaphore_mem>>) src(%dma_wait3A_760 : memref<16x128xf32, #tpu.memory_space<hbm>>) dst(%dma_wait3A_757 : memref<16x128xf32, #tpu.memory_space<vmem>>)
    %dma_wait3A_761 = arith.constant 0 : i32
    %dma_wait3A_762 = arith.constant 9 : i32
    %dma_wait3A_763 = arith.constant 0 : i32
    %dma_wait3A_764 = arith.constant 0 : i32
    %dma_wait3A_765 = tpu.memref_slice %arg6[%dma_wait3A_761, %dma_wait3A_762, %dma_wait3A_763, %dma_wait3A_764] : memref<2x16x16x128xf32, #tpu.memory_space<vmem>> -> memref<1x1x16x128xf32, #tpu.memory_space<vmem>>
    %dma_wait3A_766 = tpu.memref_squeeze %dma_wait3A_765 : memref<1x1x16x128xf32, #tpu.memory_space<vmem>> -> memref<16x128xf32, #tpu.memory_space<vmem>>
    %dma_wait3A_767 = arith.constant 0 : i32
    %dma_wait3A_768 = arith.constant 0 : i32
    %dma_wait3A_769 = tpu.memref_slice %arg2[%dma_wait3A_767, %dma_wait3A_768] : memref<32x1000000xf32, #tpu.memory_space<hbm>> -> memref<16x128xf32, #tpu.memory_space<hbm>>
    %dma_wait3A_770 = arith.constant 0 : i32
    %dma_wait3A_771 = arith.constant 0 : i32
    %dma_wait3A_772 = tpu.memref_slice %arg6[%dma_wait3A_761, %dma_wait3A_762, %dma_wait3A_770, %dma_wait3A_771] : memref<2x16x16x128xf32, #tpu.memory_space<vmem>> -> memref<1x1x16x128xf32, #tpu.memory_space<vmem>>
    %dma_wait3A_773 = tpu.memref_squeeze %dma_wait3A_772 : memref<1x1x16x128xf32, #tpu.memory_space<vmem>> -> memref<16x128xf32, #tpu.memory_space<vmem>>
    %dma_wait3A_774 = arith.constant 0 : i32
    %dma_wait3A_775 = arith.constant 0 : i32
    %dma_wait3A_776 = tpu.memref_slice %arg2[%dma_wait3A_774, %dma_wait3A_775] : memref<32x1000000xf32, #tpu.memory_space<hbm>> -> memref<16x128xf32, #tpu.memory_space<hbm>>
    tpu.wait_dma2 semaphore(%arg8 : memref<!tpu.dma_semaphore, #tpu.memory_space<semaphore_mem>>) src(%dma_wait3A_776 : memref<16x128xf32, #tpu.memory_space<hbm>>) dst(%dma_wait3A_773 : memref<16x128xf32, #tpu.memory_space<vmem>>)
    %dma_wait3A_777 = arith.constant 0 : i32
    %dma_wait3A_778 = arith.constant 10 : i32
    %dma_wait3A_779 = arith.constant 0 : i32
    %dma_wait3A_780 = arith.constant 0 : i32
    %dma_wait3A_781 = tpu.memref_slice %arg6[%dma_wait3A_777, %dma_wait3A_778, %dma_wait3A_779, %dma_wait3A_780] : memref<2x16x16x128xf32, #tpu.memory_space<vmem>> -> memref<1x1x16x128xf32, #tpu.memory_space<vmem>>
    %dma_wait3A_782 = tpu.memref_squeeze %dma_wait3A_781 : memref<1x1x16x128xf32, #tpu.memory_space<vmem>> -> memref<16x128xf32, #tpu.memory_space<vmem>>
    %dma_wait3A_783 = arith.constant 0 : i32
    %dma_wait3A_784 = arith.constant 0 : i32
    %dma_wait3A_785 = tpu.memref_slice %arg2[%dma_wait3A_783, %dma_wait3A_784] : memref<32x1000000xf32, #tpu.memory_space<hbm>> -> memref<16x128xf32, #tpu.memory_space<hbm>>
    %dma_wait3A_786 = arith.constant 0 : i32
    %dma_wait3A_787 = arith.constant 0 : i32
    %dma_wait3A_788 = tpu.memref_slice %arg6[%dma_wait3A_777, %dma_wait3A_778, %dma_wait3A_786, %dma_wait3A_787] : memref<2x16x16x128xf32, #tpu.memory_space<vmem>> -> memref<1x1x16x128xf32, #tpu.memory_space<vmem>>
    %dma_wait3A_789 = tpu.memref_squeeze %dma_wait3A_788 : memref<1x1x16x128xf32, #tpu.memory_space<vmem>> -> memref<16x128xf32, #tpu.memory_space<vmem>>
    %dma_wait3A_790 = arith.constant 0 : i32
    %dma_wait3A_791 = arith.constant 0 : i32
    %dma_wait3A_792 = tpu.memref_slice %arg2[%dma_wait3A_790, %dma_wait3A_791] : memref<32x1000000xf32, #tpu.memory_space<hbm>> -> memref<16x128xf32, #tpu.memory_space<hbm>>
    tpu.wait_dma2 semaphore(%arg8 : memref<!tpu.dma_semaphore, #tpu.memory_space<semaphore_mem>>) src(%dma_wait3A_792 : memref<16x128xf32, #tpu.memory_space<hbm>>) dst(%dma_wait3A_789 : memref<16x128xf32, #tpu.memory_space<vmem>>)
    %dma_wait3A_793 = arith.constant 0 : i32
    %dma_wait3A_794 = arith.constant 11 : i32
    %dma_wait3A_795 = arith.constant 0 : i32
    %dma_wait3A_796 = arith.constant 0 : i32
    %dma_wait3A_797 = tpu.memref_slice %arg6[%dma_wait3A_793, %dma_wait3A_794, %dma_wait3A_795, %dma_wait3A_796] : memref<2x16x16x128xf32, #tpu.memory_space<vmem>> -> memref<1x1x16x128xf32, #tpu.memory_space<vmem>>
    %dma_wait3A_798 = tpu.memref_squeeze %dma_wait3A_797 : memref<1x1x16x128xf32, #tpu.memory_space<vmem>> -> memref<16x128xf32, #tpu.memory_space<vmem>>
    %dma_wait3A_799 = arith.constant 0 : i32
    %dma_wait3A_800 = arith.constant 0 : i32
    %dma_wait3A_801 = tpu.memref_slice %arg2[%dma_wait3A_799, %dma_wait3A_800] : memref<32x1000000xf32, #tpu.memory_space<hbm>> -> memref<16x128xf32, #tpu.memory_space<hbm>>
    %dma_wait3A_802 = arith.constant 0 : i32
    %dma_wait3A_803 = arith.constant 0 : i32
    %dma_wait3A_804 = tpu.memref_slice %arg6[%dma_wait3A_793, %dma_wait3A_794, %dma_wait3A_802, %dma_wait3A_803] : memref<2x16x16x128xf32, #tpu.memory_space<vmem>> -> memref<1x1x16x128xf32, #tpu.memory_space<vmem>>
    %dma_wait3A_805 = tpu.memref_squeeze %dma_wait3A_804 : memref<1x1x16x128xf32, #tpu.memory_space<vmem>> -> memref<16x128xf32, #tpu.memory_space<vmem>>
    %dma_wait3A_806 = arith.constant 0 : i32
    %dma_wait3A_807 = arith.constant 0 : i32
    %dma_wait3A_808 = tpu.memref_slice %arg2[%dma_wait3A_806, %dma_wait3A_807] : memref<32x1000000xf32, #tpu.memory_space<hbm>> -> memref<16x128xf32, #tpu.memory_space<hbm>>
    tpu.wait_dma2 semaphore(%arg8 : memref<!tpu.dma_semaphore, #tpu.memory_space<semaphore_mem>>) src(%dma_wait3A_808 : memref<16x128xf32, #tpu.memory_space<hbm>>) dst(%dma_wait3A_805 : memref<16x128xf32, #tpu.memory_space<vmem>>)
    %dma_wait3A_809 = arith.constant 0 : i32
    %dma_wait3A_810 = arith.constant 12 : i32
    %dma_wait3A_811 = arith.constant 0 : i32
    %dma_wait3A_812 = arith.constant 0 : i32
    %dma_wait3A_813 = tpu.memref_slice %arg6[%dma_wait3A_809, %dma_wait3A_810, %dma_wait3A_811, %dma_wait3A_812] : memref<2x16x16x128xf32, #tpu.memory_space<vmem>> -> memref<1x1x16x128xf32, #tpu.memory_space<vmem>>
    %dma_wait3A_814 = tpu.memref_squeeze %dma_wait3A_813 : memref<1x1x16x128xf32, #tpu.memory_space<vmem>> -> memref<16x128xf32, #tpu.memory_space<vmem>>
    %dma_wait3A_815 = arith.constant 0 : i32
    %dma_wait3A_816 = arith.constant 0 : i32
    %dma_wait3A_817 = tpu.memref_slice %arg2[%dma_wait3A_815, %dma_wait3A_816] : memref<32x1000000xf32, #tpu.memory_space<hbm>> -> memref<16x128xf32, #tpu.memory_space<hbm>>
    %dma_wait3A_818 = arith.constant 0 : i32
    %dma_wait3A_819 = arith.constant 0 : i32
    %dma_wait3A_820 = tpu.memref_slice %arg6[%dma_wait3A_809, %dma_wait3A_810, %dma_wait3A_818, %dma_wait3A_819] : memref<2x16x16x128xf32, #tpu.memory_space<vmem>> -> memref<1x1x16x128xf32, #tpu.memory_space<vmem>>
    %dma_wait3A_821 = tpu.memref_squeeze %dma_wait3A_820 : memref<1x1x16x128xf32, #tpu.memory_space<vmem>> -> memref<16x128xf32, #tpu.memory_space<vmem>>
    %dma_wait3A_822 = arith.constant 0 : i32
    %dma_wait3A_823 = arith.constant 0 : i32
    %dma_wait3A_824 = tpu.memref_slice %arg2[%dma_wait3A_822, %dma_wait3A_823] : memref<32x1000000xf32, #tpu.memory_space<hbm>> -> memref<16x128xf32, #tpu.memory_space<hbm>>
    tpu.wait_dma2 semaphore(%arg8 : memref<!tpu.dma_semaphore, #tpu.memory_space<semaphore_mem>>) src(%dma_wait3A_824 : memref<16x128xf32, #tpu.memory_space<hbm>>) dst(%dma_wait3A_821 : memref<16x128xf32, #tpu.memory_space<vmem>>)
    %dma_wait3A_825 = arith.constant 0 : i32
    %dma_wait3A_826 = arith.constant 13 : i32
    %dma_wait3A_827 = arith.constant 0 : i32
    %dma_wait3A_828 = arith.constant 0 : i32
    %dma_wait3A_829 = tpu.memref_slice %arg6[%dma_wait3A_825, %dma_wait3A_826, %dma_wait3A_827, %dma_wait3A_828] : memref<2x16x16x128xf32, #tpu.memory_space<vmem>> -> memref<1x1x16x128xf32, #tpu.memory_space<vmem>>
    %dma_wait3A_830 = tpu.memref_squeeze %dma_wait3A_829 : memref<1x1x16x128xf32, #tpu.memory_space<vmem>> -> memref<16x128xf32, #tpu.memory_space<vmem>>
    %dma_wait3A_831 = arith.constant 0 : i32
    %dma_wait3A_832 = arith.constant 0 : i32
    %dma_wait3A_833 = tpu.memref_slice %arg2[%dma_wait3A_831, %dma_wait3A_832] : memref<32x1000000xf32, #tpu.memory_space<hbm>> -> memref<16x128xf32, #tpu.memory_space<hbm>>
    %dma_wait3A_834 = arith.constant 0 : i32
    %dma_wait3A_835 = arith.constant 0 : i32
    %dma_wait3A_836 = tpu.memref_slice %arg6[%dma_wait3A_825, %dma_wait3A_826, %dma_wait3A_834, %dma_wait3A_835] : memref<2x16x16x128xf32, #tpu.memory_space<vmem>> -> memref<1x1x16x128xf32, #tpu.memory_space<vmem>>
    %dma_wait3A_837 = tpu.memref_squeeze %dma_wait3A_836 : memref<1x1x16x128xf32, #tpu.memory_space<vmem>> -> memref<16x128xf32, #tpu.memory_space<vmem>>
    %dma_wait3A_838 = arith.constant 0 : i32
    %dma_wait3A_839 = arith.constant 0 : i32
    %dma_wait3A_840 = tpu.memref_slice %arg2[%dma_wait3A_838, %dma_wait3A_839] : memref<32x1000000xf32, #tpu.memory_space<hbm>> -> memref<16x128xf32, #tpu.memory_space<hbm>>
    tpu.wait_dma2 semaphore(%arg8 : memref<!tpu.dma_semaphore, #tpu.memory_space<semaphore_mem>>) src(%dma_wait3A_840 : memref<16x128xf32, #tpu.memory_space<hbm>>) dst(%dma_wait3A_837 : memref<16x128xf32, #tpu.memory_space<vmem>>)
    %dma_wait3A_841 = arith.constant 0 : i32
    %dma_wait3A_842 = arith.constant 14 : i32
    %dma_wait3A_843 = arith.constant 0 : i32
    %dma_wait3A_844 = arith.constant 0 : i32
    %dma_wait3A_845 = tpu.memref_slice %arg6[%dma_wait3A_841, %dma_wait3A_842, %dma_wait3A_843, %dma_wait3A_844] : memref<2x16x16x128xf32, #tpu.memory_space<vmem>> -> memref<1x1x16x128xf32, #tpu.memory_space<vmem>>
    %dma_wait3A_846 = tpu.memref_squeeze %dma_wait3A_845 : memref<1x1x16x128xf32, #tpu.memory_space<vmem>> -> memref<16x128xf32, #tpu.memory_space<vmem>>
    %dma_wait3A_847 = arith.constant 0 : i32
    %dma_wait3A_848 = arith.constant 0 : i32
    %dma_wait3A_849 = tpu.memref_slice %arg2[%dma_wait3A_847, %dma_wait3A_848] : memref<32x1000000xf32, #tpu.memory_space<hbm>> -> memref<16x128xf32, #tpu.memory_space<hbm>>
    %dma_wait3A_850 = arith.constant 0 : i32
    %dma_wait3A_851 = arith.constant 0 : i32
    %dma_wait3A_852 = tpu.memref_slice %arg6[%dma_wait3A_841, %dma_wait3A_842, %dma_wait3A_850, %dma_wait3A_851] : memref<2x16x16x128xf32, #tpu.memory_space<vmem>> -> memref<1x1x16x128xf32, #tpu.memory_space<vmem>>
    %dma_wait3A_853 = tpu.memref_squeeze %dma_wait3A_852 : memref<1x1x16x128xf32, #tpu.memory_space<vmem>> -> memref<16x128xf32, #tpu.memory_space<vmem>>
    %dma_wait3A_854 = arith.constant 0 : i32
    %dma_wait3A_855 = arith.constant 0 : i32
    %dma_wait3A_856 = tpu.memref_slice %arg2[%dma_wait3A_854, %dma_wait3A_855] : memref<32x1000000xf32, #tpu.memory_space<hbm>> -> memref<16x128xf32, #tpu.memory_space<hbm>>
    tpu.wait_dma2 semaphore(%arg8 : memref<!tpu.dma_semaphore, #tpu.memory_space<semaphore_mem>>) src(%dma_wait3A_856 : memref<16x128xf32, #tpu.memory_space<hbm>>) dst(%dma_wait3A_853 : memref<16x128xf32, #tpu.memory_space<vmem>>)
    %dma_wait3A_857 = arith.constant 0 : i32
    %dma_wait3A_858 = arith.constant 15 : i32
    %dma_wait3A_859 = arith.constant 0 : i32
    %dma_wait3A_860 = arith.constant 0 : i32
    %dma_wait3A_861 = tpu.memref_slice %arg6[%dma_wait3A_857, %dma_wait3A_858, %dma_wait3A_859, %dma_wait3A_860] : memref<2x16x16x128xf32, #tpu.memory_space<vmem>> -> memref<1x1x16x128xf32, #tpu.memory_space<vmem>>
    %dma_wait3A_862 = tpu.memref_squeeze %dma_wait3A_861 : memref<1x1x16x128xf32, #tpu.memory_space<vmem>> -> memref<16x128xf32, #tpu.memory_space<vmem>>
    %dma_wait3A_863 = arith.constant 0 : i32
    %dma_wait3A_864 = arith.constant 0 : i32
    %dma_wait3A_865 = tpu.memref_slice %arg2[%dma_wait3A_863, %dma_wait3A_864] : memref<32x1000000xf32, #tpu.memory_space<hbm>> -> memref<16x128xf32, #tpu.memory_space<hbm>>
    %dma_wait3A_866 = arith.constant 0 : i32
    %dma_wait3A_867 = arith.constant 0 : i32
    %dma_wait3A_868 = tpu.memref_slice %arg6[%dma_wait3A_857, %dma_wait3A_858, %dma_wait3A_866, %dma_wait3A_867] : memref<2x16x16x128xf32, #tpu.memory_space<vmem>> -> memref<1x1x16x128xf32, #tpu.memory_space<vmem>>
    %dma_wait3A_869 = tpu.memref_squeeze %dma_wait3A_868 : memref<1x1x16x128xf32, #tpu.memory_space<vmem>> -> memref<16x128xf32, #tpu.memory_space<vmem>>
    %dma_wait3A_870 = arith.constant 0 : i32
    %dma_wait3A_871 = arith.constant 0 : i32
    %dma_wait3A_872 = tpu.memref_slice %arg2[%dma_wait3A_870, %dma_wait3A_871] : memref<32x1000000xf32, #tpu.memory_space<hbm>> -> memref<16x128xf32, #tpu.memory_space<hbm>>
    tpu.wait_dma2 semaphore(%arg8 : memref<!tpu.dma_semaphore, #tpu.memory_space<semaphore_mem>>) src(%dma_wait3A_872 : memref<16x128xf32, #tpu.memory_space<hbm>>) dst(%dma_wait3A_869 : memref<16x128xf32, #tpu.memory_space<vmem>>)
    %get3A_873 = arith.constant 992 : index
    %get3A_874 = tpu.vector_load %arg5[%get3A_873] {strides = array<i32>} : memref<1024xi32, #tpu.memory_space<vmem>>, vector<16xi32>,
    %and3A = arith.constant 127 : i32
    %and3A_875 = vector.broadcast %and3A : i32 to vector<16xi32>
    %and3A_876 = arith.andi %get3A_874, %and3A_875 : vector<16xi32>
    %broadcast_in_dim3A = arith.constant 0 : i32
    %broadcast_in_dim3A_877 = vector.broadcast %broadcast_in_dim3A : i32 to vector<16xi32>
    %gather3A = arith.constant 0 : i32
    %gather3A_878 = arith.constant 0 : i32
    %gather3A_879 = arith.constant 0 : i32
    %gather3A_880 = arith.constant 0 : i32
    %gather3A_881 = tpu.memref_slice %arg6[%gather3A, %gather3A_878, %gather3A_879, %gather3A_880] : memref<2x16x16x128xf32, #tpu.memory_space<vmem>> -> memref<1x16x16x128xf32, #tpu.memory_space<vmem>>
    %gather3A_882 = tpu.memref_squeeze %gather3A_881 : memref<1x16x16x128xf32, #tpu.memory_space<vmem>> -> memref<16x16x128xf32, #tpu.memory_space<vmem>>
    %gather3A_883 = tpu.vector_load_idx %gather3A_882[%iota3A, %broadcast_in_dim3A_877, %and3A_876] : memref<16x16x128xf32, #tpu.memory_space<vmem>>[vector<16xi32>, vector<16xi32>, vector<16xi32>], vector<16xf32>,
    %swap3A = arith.constant 0 : i32
    %swap3A_884 = arith.index_cast %swap3A : i32 to index
    %swap3A_885 = arith.constant 992 : index
    %swap3A_886 = tpu.vector_load %arg7[%swap3A_884, %swap3A_885] {strides = array<i32>} : memref<16x1024xf32, #tpu.memory_space<vmem>>, vector<16xf32>,
    tpu.vector_store %arg7[%swap3A_884, %swap3A_885], %gather3A_883 {strides = array<i32>} : memref<16x1024xf32, #tpu.memory_space<vmem>>, vector<16xf32>,
    %broadcast_in_dim3A_887 = arith.constant 1 : i32
    %broadcast_in_dim3A_888 = vector.broadcast %broadcast_in_dim3A_887 : i32 to vector<16xi32>
    %gather3A_889 = arith.constant 0 : i32
    %gather3A_890 = arith.constant 0 : i32
    %gather3A_891 = arith.constant 0 : i32
    %gather3A_892 = arith.constant 0 : i32
    %gather3A_893 = tpu.memref_slice %arg6[%gather3A_889, %gather3A_890, %gather3A_891, %gather3A_892] : memref<2x16x16x128xf32, #tpu.memory_space<vmem>> -> memref<1x16x16x128xf32, #tpu.memory_space<vmem>>
    %gather3A_894 = tpu.memref_squeeze %gather3A_893 : memref<1x16x16x128xf32, #tpu.memory_space<vmem>> -> memref<16x16x128xf32, #tpu.memory_space<vmem>>
    %gather3A_895 = tpu.vector_load_idx %gather3A_894[%iota3A, %broadcast_in_dim3A_888, %and3A_876] : memref<16x16x128xf32, #tpu.memory_space<vmem>>[vector<16xi32>, vector<16xi32>, vector<16xi32>], vector<16xf32>,
    %swap3A_896 = arith.constant 1 : i32
    %swap3A_897 = arith.index_cast %swap3A_896 : i32 to index
    %swap3A_898 = arith.constant 992 : index
    %swap3A_899 = tpu.vector_load %arg7[%swap3A_897, %swap3A_898] {strides = array<i32>} : memref<16x1024xf32, #tpu.memory_space<vmem>>, vector<16xf32>,
    tpu.vector_store %arg7[%swap3A_897, %swap3A_898], %gather3A_895 {strides = array<i32>} : memref<16x1024xf32, #tpu.memory_space<vmem>>, vector<16xf32>,
    %broadcast_in_dim3A_900 = arith.constant 2 : i32
    %broadcast_in_dim3A_901 = vector.broadcast %broadcast_in_dim3A_900 : i32 to vector<16xi32>
    %gather3A_902 = arith.constant 0 : i32
    %gather3A_903 = arith.constant 0 : i32
    %gather3A_904 = arith.constant 0 : i32
    %gather3A_905 = arith.constant 0 : i32
    %gather3A_906 = tpu.memref_slice %arg6[%gather3A_902, %gather3A_903, %gather3A_904, %gather3A_905] : memref<2x16x16x128xf32, #tpu.memory_space<vmem>> -> memref<1x16x16x128xf32, #tpu.memory_space<vmem>>
    %gather3A_907 = tpu.memref_squeeze %gather3A_906 : memref<1x16x16x128xf32, #tpu.memory_space<vmem>> -> memref<16x16x128xf32, #tpu.memory_space<vmem>>
    %gather3A_908 = tpu.vector_load_idx %gather3A_907[%iota3A, %broadcast_in_dim3A_901, %and3A_876] : memref<16x16x128xf32, #tpu.memory_space<vmem>>[vector<16xi32>, vector<16xi32>, vector<16xi32>], vector<16xf32>,
    %swap3A_909 = arith.constant 2 : i32
    %swap3A_910 = arith.index_cast %swap3A_909 : i32 to index
    %swap3A_911 = arith.constant 992 : index
    %swap3A_912 = tpu.vector_load %arg7[%swap3A_910, %swap3A_911] {strides = array<i32>} : memref<16x1024xf32, #tpu.memory_space<vmem>>, vector<16xf32>,
    tpu.vector_store %arg7[%swap3A_910, %swap3A_911], %gather3A_908 {strides = array<i32>} : memref<16x1024xf32, #tpu.memory_space<vmem>>, vector<16xf32>,
    %broadcast_in_dim3A_913 = arith.constant 3 : i32
    %broadcast_in_dim3A_914 = vector.broadcast %broadcast_in_dim3A_913 : i32 to vector<16xi32>
    %gather3A_915 = arith.constant 0 : i32
    %gather3A_916 = arith.constant 0 : i32
    %gather3A_917 = arith.constant 0 : i32
    %gather3A_918 = arith.constant 0 : i32
    %gather3A_919 = tpu.memref_slice %arg6[%gather3A_915, %gather3A_916, %gather3A_917, %gather3A_918] : memref<2x16x16x128xf32, #tpu.memory_space<vmem>> -> memref<1x16x16x128xf32, #tpu.memory_space<vmem>>
    %gather3A_920 = tpu.memref_squeeze %gather3A_919 : memref<1x16x16x128xf32, #tpu.memory_space<vmem>> -> memref<16x16x128xf32, #tpu.memory_space<vmem>>
    %gather3A_921 = tpu.vector_load_idx %gather3A_920[%iota3A, %broadcast_in_dim3A_914, %and3A_876] : memref<16x16x128xf32, #tpu.memory_space<vmem>>[vector<16xi32>, vector<16xi32>, vector<16xi32>], vector<16xf32>,
    %swap3A_922 = arith.constant 3 : i32
    %swap3A_923 = arith.index_cast %swap3A_922 : i32 to index
    %swap3A_924 = arith.constant 992 : index
    %swap3A_925 = tpu.vector_load %arg7[%swap3A_923, %swap3A_924] {strides = array<i32>} : memref<16x1024xf32, #tpu.memory_space<vmem>>, vector<16xf32>,
    tpu.vector_store %arg7[%swap3A_923, %swap3A_924], %gather3A_921 {strides = array<i32>} : memref<16x1024xf32, #tpu.memory_space<vmem>>, vector<16xf32>,
    %broadcast_in_dim3A_926 = arith.constant 4 : i32
    %broadcast_in_dim3A_927 = vector.broadcast %broadcast_in_dim3A_926 : i32 to vector<16xi32>
    %gather3A_928 = arith.constant 0 : i32
    %gather3A_929 = arith.constant 0 : i32
    %gather3A_930 = arith.constant 0 : i32
    %gather3A_931 = arith.constant 0 : i32
    %gather3A_932 = tpu.memref_slice %arg6[%gather3A_928, %gather3A_929, %gather3A_930, %gather3A_931] : memref<2x16x16x128xf32, #tpu.memory_space<vmem>> -> memref<1x16x16x128xf32, #tpu.memory_space<vmem>>
    %gather3A_933 = tpu.memref_squeeze %gather3A_932 : memref<1x16x16x128xf32, #tpu.memory_space<vmem>> -> memref<16x16x128xf32, #tpu.memory_space<vmem>>
    %gather3A_934 = tpu.vector_load_idx %gather3A_933[%iota3A, %broadcast_in_dim3A_927, %and3A_876] : memref<16x16x128xf32, #tpu.memory_space<vmem>>[vector<16xi32>, vector<16xi32>, vector<16xi32>], vector<16xf32>,
    %swap3A_935 = arith.constant 4 : i32
    %swap3A_936 = arith.index_cast %swap3A_935 : i32 to index
    %swap3A_937 = arith.constant 992 : index
    %swap3A_938 = tpu.vector_load %arg7[%swap3A_936, %swap3A_937] {strides = array<i32>} : memref<16x1024xf32, #tpu.memory_space<vmem>>, vector<16xf32>,
    tpu.vector_store %arg7[%swap3A_936, %swap3A_937], %gather3A_934 {strides = array<i32>} : memref<16x1024xf32, #tpu.memory_space<vmem>>, vector<16xf32>,
    %broadcast_in_dim3A_939 = arith.constant 5 : i32
    %broadcast_in_dim3A_940 = vector.broadcast %broadcast_in_dim3A_939 : i32 to vector<16xi32>
    %gather3A_941 = arith.constant 0 : i32
    %gather3A_942 = arith.constant 0 : i32
    %gather3A_943 = arith.constant 0 : i32
    %gather3A_944 = arith.constant 0 : i32
    %gather3A_945 = tpu.memref_slice %arg6[%gather3A_941, %gather3A_942, %gather3A_943, %gather3A_944] : memref<2x16x16x128xf32, #tpu.memory_space<vmem>> -> memref<1x16x16x128xf32, #tpu.memory_space<vmem>>
    %gather3A_946 = tpu.memref_squeeze %gather3A_945 : memref<1x16x16x128xf32, #tpu.memory_space<vmem>> -> memref<16x16x128xf32, #tpu.memory_space<vmem>>
    %gather3A_947 = tpu.vector_load_idx %gather3A_946[%iota3A, %broadcast_in_dim3A_940, %and3A_876] : memref<16x16x128xf32, #tpu.memory_space<vmem>>[vector<16xi32>, vector<16xi32>, vector<16xi32>], vector<16xf32>,
    %swap3A_948 = arith.constant 5 : i32
    %swap3A_949 = arith.index_cast %swap3A_948 : i32 to index
    %swap3A_950 = arith.constant 992 : index
    %swap3A_951 = tpu.vector_load %arg7[%swap3A_949, %swap3A_950] {strides = array<i32>} : memref<16x1024xf32, #tpu.memory_space<vmem>>, vector<16xf32>,
    tpu.vector_store %arg7[%swap3A_949, %swap3A_950], %gather3A_947 {strides = array<i32>} : memref<16x1024xf32, #tpu.memory_space<vmem>>, vector<16xf32>,
    %broadcast_in_dim3A_952 = arith.constant 6 : i32
    %broadcast_in_dim3A_953 = vector.broadcast %broadcast_in_dim3A_952 : i32 to vector<16xi32>
    %gather3A_954 = arith.constant 0 : i32
    %gather3A_955 = arith.constant 0 : i32
    %gather3A_956 = arith.constant 0 : i32
    %gather3A_957 = arith.constant 0 : i32
    %gather3A_958 = tpu.memref_slice %arg6[%gather3A_954, %gather3A_955, %gather3A_956, %gather3A_957] : memref<2x16x16x128xf32, #tpu.memory_space<vmem>> -> memref<1x16x16x128xf32, #tpu.memory_space<vmem>>
    %gather3A_959 = tpu.memref_squeeze %gather3A_958 : memref<1x16x16x128xf32, #tpu.memory_space<vmem>> -> memref<16x16x128xf32, #tpu.memory_space<vmem>>
    %gather3A_960 = tpu.vector_load_idx %gather3A_959[%iota3A, %broadcast_in_dim3A_953, %and3A_876] : memref<16x16x128xf32, #tpu.memory_space<vmem>>[vector<16xi32>, vector<16xi32>, vector<16xi32>], vector<16xf32>,
    %swap3A_961 = arith.constant 6 : i32
    %swap3A_962 = arith.index_cast %swap3A_961 : i32 to index
    %swap3A_963 = arith.constant 992 : index
    %swap3A_964 = tpu.vector_load %arg7[%swap3A_962, %swap3A_963] {strides = array<i32>} : memref<16x1024xf32, #tpu.memory_space<vmem>>, vector<16xf32>,
    tpu.vector_store %arg7[%swap3A_962, %swap3A_963], %gather3A_960 {strides = array<i32>} : memref<16x1024xf32, #tpu.memory_space<vmem>>, vector<16xf32>,
    %broadcast_in_dim3A_965 = arith.constant 7 : i32
    %broadcast_in_dim3A_966 = vector.broadcast %broadcast_in_dim3A_965 : i32 to vector<16xi32>
    %gather3A_967 = arith.constant 0 : i32
    %gather3A_968 = arith.constant 0 : i32
    %gather3A_969 = arith.constant 0 : i32
    %gather3A_970 = arith.constant 0 : i32
    %gather3A_971 = tpu.memref_slice %arg6[%gather3A_967, %gather3A_968, %gather3A_969, %gather3A_970] : memref<2x16x16x128xf32, #tpu.memory_space<vmem>> -> memref<1x16x16x128xf32, #tpu.memory_space<vmem>>
    %gather3A_972 = tpu.memref_squeeze %gather3A_971 : memref<1x16x16x128xf32, #tpu.memory_space<vmem>> -> memref<16x16x128xf32, #tpu.memory_space<vmem>>
    %gather3A_973 = tpu.vector_load_idx %gather3A_972[%iota3A, %broadcast_in_dim3A_966, %and3A_876] : memref<16x16x128xf32, #tpu.memory_space<vmem>>[vector<16xi32>, vector<16xi32>, vector<16xi32>], vector<16xf32>,
    %swap3A_974 = arith.constant 7 : i32
    %swap3A_975 = arith.index_cast %swap3A_974 : i32 to index
    %swap3A_976 = arith.constant 992 : index
    %swap3A_977 = tpu.vector_load %arg7[%swap3A_975, %swap3A_976] {strides = array<i32>} : memref<16x1024xf32, #tpu.memory_space<vmem>>, vector<16xf32>,
    tpu.vector_store %arg7[%swap3A_975, %swap3A_976], %gather3A_973 {strides = array<i32>} : memref<16x1024xf32, #tpu.memory_space<vmem>>, vector<16xf32>,
    %broadcast_in_dim3A_978 = arith.constant 8 : i32
    %broadcast_in_dim3A_979 = vector.broadcast %broadcast_in_dim3A_978 : i32 to vector<16xi32>
    %gather3A_980 = arith.constant 0 : i32
    %gather3A_981 = arith.constant 0 : i32
    %gather3A_982 = arith.constant 0 : i32
    %gather3A_983 = arith.constant 0 : i32
    %gather3A_984 = tpu.memref_slice %arg6[%gather3A_980, %gather3A_981, %gather3A_982, %gather3A_983] : memref<2x16x16x128xf32, #tpu.memory_space<vmem>> -> memref<1x16x16x128xf32, #tpu.memory_space<vmem>>
    %gather3A_985 = tpu.memref_squeeze %gather3A_984 : memref<1x16x16x128xf32, #tpu.memory_space<vmem>> -> memref<16x16x128xf32, #tpu.memory_space<vmem>>
    %gather3A_986 = tpu.vector_load_idx %gather3A_985[%iota3A, %broadcast_in_dim3A_979, %and3A_876] : memref<16x16x128xf32, #tpu.memory_space<vmem>>[vector<16xi32>, vector<16xi32>, vector<16xi32>], vector<16xf32>,
    %swap3A_987 = arith.constant 8 : i32
    %swap3A_988 = arith.index_cast %swap3A_987 : i32 to index
    %swap3A_989 = arith.constant 992 : index
    %swap3A_990 = tpu.vector_load %arg7[%swap3A_988, %swap3A_989] {strides = array<i32>} : memref<16x1024xf32, #tpu.memory_space<vmem>>, vector<16xf32>,
    tpu.vector_store %arg7[%swap3A_988, %swap3A_989], %gather3A_986 {strides = array<i32>} : memref<16x1024xf32, #tpu.memory_space<vmem>>, vector<16xf32>,
    %broadcast_in_dim3A_991 = arith.constant 9 : i32
    %broadcast_in_dim3A_992 = vector.broadcast %broadcast_in_dim3A_991 : i32 to vector<16xi32>
    %gather3A_993 = arith.constant 0 : i32
    %gather3A_994 = arith.constant 0 : i32
    %gather3A_995 = arith.constant 0 : i32
    %gather3A_996 = arith.constant 0 : i32
    %gather3A_997 = tpu.memref_slice %arg6[%gather3A_993, %gather3A_994, %gather3A_995, %gather3A_996] : memref<2x16x16x128xf32, #tpu.memory_space<vmem>> -> memref<1x16x16x128xf32, #tpu.memory_space<vmem>>
    %gather3A_998 = tpu.memref_squeeze %gather3A_997 : memref<1x16x16x128xf32, #tpu.memory_space<vmem>> -> memref<16x16x128xf32, #tpu.memory_space<vmem>>
    %gather3A_999 = tpu.vector_load_idx %gather3A_998[%iota3A, %broadcast_in_dim3A_992, %and3A_876] : memref<16x16x128xf32, #tpu.memory_space<vmem>>[vector<16xi32>, vector<16xi32>, vector<16xi32>], vector<16xf32>,
    %swap3A_1000 = arith.constant 9 : i32
    %swap3A_1001 = arith.index_cast %swap3A_1000 : i32 to index
    %swap3A_1002 = arith.constant 992 : index
    %swap3A_1003 = tpu.vector_load %arg7[%swap3A_1001, %swap3A_1002] {strides = array<i32>} : memref<16x1024xf32, #tpu.memory_space<vmem>>, vector<16xf32>,
    tpu.vector_store %arg7[%swap3A_1001, %swap3A_1002], %gather3A_999 {strides = array<i32>} : memref<16x1024xf32, #tpu.memory_space<vmem>>, vector<16xf32>,
    %broadcast_in_dim3A_1004 = arith.constant 10 : i32
    %broadcast_in_dim3A_1005 = vector.broadcast %broadcast_in_dim3A_1004 : i32 to vector<16xi32>
    %gather3A_1006 = arith.constant 0 : i32
    %gather3A_1007 = arith.constant 0 : i32
    %gather3A_1008 = arith.constant 0 : i32
    %gather3A_1009 = arith.constant 0 : i32
    %gather3A_1010 = tpu.memref_slice %arg6[%gather3A_1006, %gather3A_1007, %gather3A_1008, %gather3A_1009] : memref<2x16x16x128xf32, #tpu.memory_space<vmem>> -> memref<1x16x16x128xf32, #tpu.memory_space<vmem>>
    %gather3A_1011 = tpu.memref_squeeze %gather3A_1010 : memref<1x16x16x128xf32, #tpu.memory_space<vmem>> -> memref<16x16x128xf32, #tpu.memory_space<vmem>>
    %gather3A_1012 = tpu.vector_load_idx %gather3A_1011[%iota3A, %broadcast_in_dim3A_1005, %and3A_876] : memref<16x16x128xf32, #tpu.memory_space<vmem>>[vector<16xi32>, vector<16xi32>, vector<16xi32>], vector<16xf32>,
    %swap3A_1013 = arith.constant 10 : i32
    %swap3A_1014 = arith.index_cast %swap3A_1013 : i32 to index
    %swap3A_1015 = arith.constant 992 : index
    %swap3A_1016 = tpu.vector_load %arg7[%swap3A_1014, %swap3A_1015] {strides = array<i32>} : memref<16x1024xf32, #tpu.memory_space<vmem>>, vector<16xf32>,
    tpu.vector_store %arg7[%swap3A_1014, %swap3A_1015], %gather3A_1012 {strides = array<i32>} : memref<16x1024xf32, #tpu.memory_space<vmem>>, vector<16xf32>,
    %broadcast_in_dim3A_1017 = arith.constant 11 : i32
    %broadcast_in_dim3A_1018 = vector.broadcast %broadcast_in_dim3A_1017 : i32 to vector<16xi32>
    %gather3A_1019 = arith.constant 0 : i32
    %gather3A_1020 = arith.constant 0 : i32
    %gather3A_1021 = arith.constant 0 : i32
    %gather3A_1022 = arith.constant 0 : i32
    %gather3A_1023 = tpu.memref_slice %arg6[%gather3A_1019, %gather3A_1020, %gather3A_1021, %gather3A_1022] : memref<2x16x16x128xf32, #tpu.memory_space<vmem>> -> memref<1x16x16x128xf32, #tpu.memory_space<vmem>>
    %gather3A_1024 = tpu.memref_squeeze %gather3A_1023 : memref<1x16x16x128xf32, #tpu.memory_space<vmem>> -> memref<16x16x128xf32, #tpu.memory_space<vmem>>
    %gather3A_1025 = tpu.vector_load_idx %gather3A_1024[%iota3A, %broadcast_in_dim3A_1018, %and3A_876] : memref<16x16x128xf32, #tpu.memory_space<vmem>>[vector<16xi32>, vector<16xi32>, vector<16xi32>], vector<16xf32>,
    %swap3A_1026 = arith.constant 11 : i32
    %swap3A_1027 = arith.index_cast %swap3A_1026 : i32 to index
    %swap3A_1028 = arith.constant 992 : index
    %swap3A_1029 = tpu.vector_load %arg7[%swap3A_1027, %swap3A_1028] {strides = array<i32>} : memref<16x1024xf32, #tpu.memory_space<vmem>>, vector<16xf32>,
    tpu.vector_store %arg7[%swap3A_1027, %swap3A_1028], %gather3A_1025 {strides = array<i32>} : memref<16x1024xf32, #tpu.memory_space<vmem>>, vector<16xf32>,
    %broadcast_in_dim3A_1030 = arith.constant 12 : i32
    %broadcast_in_dim3A_1031 = vector.broadcast %broadcast_in_dim3A_1030 : i32 to vector<16xi32>
    %gather3A_1032 = arith.constant 0 : i32
    %gather3A_1033 = arith.constant 0 : i32
    %gather3A_1034 = arith.constant 0 : i32
    %gather3A_1035 = arith.constant 0 : i32
    %gather3A_1036 = tpu.memref_slice %arg6[%gather3A_1032, %gather3A_1033, %gather3A_1034, %gather3A_1035] : memref<2x16x16x128xf32, #tpu.memory_space<vmem>> -> memref<1x16x16x128xf32, #tpu.memory_space<vmem>>
    %gather3A_1037 = tpu.memref_squeeze %gather3A_1036 : memref<1x16x16x128xf32, #tpu.memory_space<vmem>> -> memref<16x16x128xf32, #tpu.memory_space<vmem>>
    %gather3A_1038 = tpu.vector_load_idx %gather3A_1037[%iota3A, %broadcast_in_dim3A_1031, %and3A_876] : memref<16x16x128xf32, #tpu.memory_space<vmem>>[vector<16xi32>, vector<16xi32>, vector<16xi32>], vector<16xf32>,
    %swap3A_1039 = arith.constant 12 : i32
    %swap3A_1040 = arith.index_cast %swap3A_1039 : i32 to index
    %swap3A_1041 = arith.constant 992 : index
    %swap3A_1042 = tpu.vector_load %arg7[%swap3A_1040, %swap3A_1041] {strides = array<i32>} : memref<16x1024xf32, #tpu.memory_space<vmem>>, vector<16xf32>,
    tpu.vector_store %arg7[%swap3A_1040, %swap3A_1041], %gather3A_1038 {strides = array<i32>} : memref<16x1024xf32, #tpu.memory_space<vmem>>, vector<16xf32>,
    %broadcast_in_dim3A_1043 = arith.constant 13 : i32
    %broadcast_in_dim3A_1044 = vector.broadcast %broadcast_in_dim3A_1043 : i32 to vector<16xi32>
    %gather3A_1045 = arith.constant 0 : i32
    %gather3A_1046 = arith.constant 0 : i32
    %gather3A_1047 = arith.constant 0 : i32
    %gather3A_1048 = arith.constant 0 : i32
    %gather3A_1049 = tpu.memref_slice %arg6[%gather3A_1045, %gather3A_1046, %gather3A_1047, %gather3A_1048] : memref<2x16x16x128xf32, #tpu.memory_space<vmem>> -> memref<1x16x16x128xf32, #tpu.memory_space<vmem>>
    %gather3A_1050 = tpu.memref_squeeze %gather3A_1049 : memref<1x16x16x128xf32, #tpu.memory_space<vmem>> -> memref<16x16x128xf32, #tpu.memory_space<vmem>>
    %gather3A_1051 = tpu.vector_load_idx %gather3A_1050[%iota3A, %broadcast_in_dim3A_1044, %and3A_876] : memref<16x16x128xf32, #tpu.memory_space<vmem>>[vector<16xi32>, vector<16xi32>, vector<16xi32>], vector<16xf32>,
    %swap3A_1052 = arith.constant 13 : i32
    %swap3A_1053 = arith.index_cast %swap3A_1052 : i32 to index
    %swap3A_1054 = arith.constant 992 : index
    %swap3A_1055 = tpu.vector_load %arg7[%swap3A_1053, %swap3A_1054] {strides = array<i32>} : memref<16x1024xf32, #tpu.memory_space<vmem>>, vector<16xf32>,
    tpu.vector_store %arg7[%swap3A_1053, %swap3A_1054], %gather3A_1051 {strides = array<i32>} : memref<16x1024xf32, #tpu.memory_space<vmem>>, vector<16xf32>,
    %broadcast_in_dim3A_1056 = arith.constant 14 : i32
    %broadcast_in_dim3A_1057 = vector.broadcast %broadcast_in_dim3A_1056 : i32 to vector<16xi32>
    %gather3A_1058 = arith.constant 0 : i32
    %gather3A_1059 = arith.constant 0 : i32
    %gather3A_1060 = arith.constant 0 : i32
    %gather3A_1061 = arith.constant 0 : i32
    %gather3A_1062 = tpu.memref_slice %arg6[%gather3A_1058, %gather3A_1059, %gather3A_1060, %gather3A_1061] : memref<2x16x16x128xf32, #tpu.memory_space<vmem>> -> memref<1x16x16x128xf32, #tpu.memory_space<vmem>>
    %gather3A_1063 = tpu.memref_squeeze %gather3A_1062 : memref<1x16x16x128xf32, #tpu.memory_space<vmem>> -> memref<16x16x128xf32, #tpu.memory_space<vmem>>
    %gather3A_1064 = tpu.vector_load_idx %gather3A_1063[%iota3A, %broadcast_in_dim3A_1057, %and3A_876] : memref<16x16x128xf32, #tpu.memory_space<vmem>>[vector<16xi32>, vector<16xi32>, vector<16xi32>], vector<16xf32>,
    %swap3A_1065 = arith.constant 14 : i32
    %swap3A_1066 = arith.index_cast %swap3A_1065 : i32 to index
    %swap3A_1067 = arith.constant 992 : index
    %swap3A_1068 = tpu.vector_load %arg7[%swap3A_1066, %swap3A_1067] {strides = array<i32>} : memref<16x1024xf32, #tpu.memory_space<vmem>>, vector<16xf32>,
    tpu.vector_store %arg7[%swap3A_1066, %swap3A_1067], %gather3A_1064 {strides = array<i32>} : memref<16x1024xf32, #tpu.memory_space<vmem>>, vector<16xf32>,
    %broadcast_in_dim3A_1069 = arith.constant 15 : i32
    %broadcast_in_dim3A_1070 = vector.broadcast %broadcast_in_dim3A_1069 : i32 to vector<16xi32>
    %gather3A_1071 = arith.constant 0 : i32
    %gather3A_1072 = arith.constant 0 : i32
    %gather3A_1073 = arith.constant 0 : i32
    %gather3A_1074 = arith.constant 0 : i32
    %gather3A_1075 = tpu.memref_slice %arg6[%gather3A_1071, %gather3A_1072, %gather3A_1073, %gather3A_1074] : memref<2x16x16x128xf32, #tpu.memory_space<vmem>> -> memref<1x16x16x128xf32, #tpu.memory_space<vmem>>
    %gather3A_1076 = tpu.memref_squeeze %gather3A_1075 : memref<1x16x16x128xf32, #tpu.memory_space<vmem>> -> memref<16x16x128xf32, #tpu.memory_space<vmem>>
    %gather3A_1077 = tpu.vector_load_idx %gather3A_1076[%iota3A, %broadcast_in_dim3A_1070, %and3A_876] : memref<16x16x128xf32, #tpu.memory_space<vmem>>[vector<16xi32>, vector<16xi32>, vector<16xi32>], vector<16xf32>,
    %swap3A_1078 = arith.constant 15 : i32
    %swap3A_1079 = arith.index_cast %swap3A_1078 : i32 to index
    %swap3A_1080 = arith.constant 992 : index
    %swap3A_1081 = tpu.vector_load %arg7[%swap3A_1079, %swap3A_1080] {strides = array<i32>} : memref<16x1024xf32, #tpu.memory_space<vmem>>, vector<16xf32>,
    tpu.vector_store %arg7[%swap3A_1079, %swap3A_1080], %gather3A_1077 {strides = array<i32>} : memref<16x1024xf32, #tpu.memory_space<vmem>>, vector<16xf32>,
    %dma_wait3A_1082 = arith.constant 1 : i32
    %dma_wait3A_1083 = arith.constant 0 : i32
    %dma_wait3A_1084 = arith.constant 0 : i32
    %dma_wait3A_1085 = arith.constant 0 : i32
    %dma_wait3A_1086 = tpu.memref_slice %arg6[%dma_wait3A_1082, %dma_wait3A_1083, %dma_wait3A_1084, %dma_wait3A_1085] : memref<2x16x16x128xf32, #tpu.memory_space<vmem>> -> memref<1x1x16x128xf32, #tpu.memory_space<vmem>>
    %dma_wait3A_1087 = tpu.memref_squeeze %dma_wait3A_1086 : memref<1x1x16x128xf32, #tpu.memory_space<vmem>> -> memref<16x128xf32, #tpu.memory_space<vmem>>
    %dma_wait3A_1088 = arith.constant 0 : i32
    %dma_wait3A_1089 = arith.constant 0 : i32
    %dma_wait3A_1090 = tpu.memref_slice %arg2[%dma_wait3A_1088, %dma_wait3A_1089] : memref<32x1000000xf32, #tpu.memory_space<hbm>> -> memref<16x128xf32, #tpu.memory_space<hbm>>
    %dma_wait3A_1091 = arith.constant 0 : i32
    %dma_wait3A_1092 = arith.constant 0 : i32
    %dma_wait3A_1093 = tpu.memref_slice %arg6[%dma_wait3A_1082, %dma_wait3A_1083, %dma_wait3A_1091, %dma_wait3A_1092] : memref<2x16x16x128xf32, #tpu.memory_space<vmem>> -> memref<1x1x16x128xf32, #tpu.memory_space<vmem>>
    %dma_wait3A_1094 = tpu.memref_squeeze %dma_wait3A_1093 : memref<1x1x16x128xf32, #tpu.memory_space<vmem>> -> memref<16x128xf32, #tpu.memory_space<vmem>>
    %dma_wait3A_1095 = arith.constant 0 : i32
    %dma_wait3A_1096 = arith.constant 0 : i32
    %dma_wait3A_1097 = tpu.memref_slice %arg2[%dma_wait3A_1095, %dma_wait3A_1096] : memref<32x1000000xf32, #tpu.memory_space<hbm>> -> memref<16x128xf32, #tpu.memory_space<hbm>>
    tpu.wait_dma2 semaphore(%arg8 : memref<!tpu.dma_semaphore, #tpu.memory_space<semaphore_mem>>) src(%dma_wait3A_1097 : memref<16x128xf32, #tpu.memory_space<hbm>>) dst(%dma_wait3A_1094 : memref<16x128xf32, #tpu.memory_space<vmem>>)
    %dma_wait3A_1098 = arith.constant 1 : i32
    %dma_wait3A_1099 = arith.constant 1 : i32
    %dma_wait3A_1100 = arith.constant 0 : i32
    %dma_wait3A_1101 = arith.constant 0 : i32
    %dma_wait3A_1102 = tpu.memref_slice %arg6[%dma_wait3A_1098, %dma_wait3A_1099, %dma_wait3A_1100, %dma_wait3A_1101] : memref<2x16x16x128xf32, #tpu.memory_space<vmem>> -> memref<1x1x16x128xf32, #tpu.memory_space<vmem>>
    %dma_wait3A_1103 = tpu.memref_squeeze %dma_wait3A_1102 : memref<1x1x16x128xf32, #tpu.memory_space<vmem>> -> memref<16x128xf32, #tpu.memory_space<vmem>>
    %dma_wait3A_1104 = arith.constant 0 : i32
    %dma_wait3A_1105 = arith.constant 0 : i32
    %dma_wait3A_1106 = tpu.memref_slice %arg2[%dma_wait3A_1104, %dma_wait3A_1105] : memref<32x1000000xf32, #tpu.memory_space<hbm>> -> memref<16x128xf32, #tpu.memory_space<hbm>>
    %dma_wait3A_1107 = arith.constant 0 : i32
    %dma_wait3A_1108 = arith.constant 0 : i32
    %dma_wait3A_1109 = tpu.memref_slice %arg6[%dma_wait3A_1098, %dma_wait3A_1099, %dma_wait3A_1107, %dma_wait3A_1108] : memref<2x16x16x128xf32, #tpu.memory_space<vmem>> -> memref<1x1x16x128xf32, #tpu.memory_space<vmem>>
    %dma_wait3A_1110 = tpu.memref_squeeze %dma_wait3A_1109 : memref<1x1x16x128xf32, #tpu.memory_space<vmem>> -> memref<16x128xf32, #tpu.memory_space<vmem>>
    %dma_wait3A_1111 = arith.constant 0 : i32
    %dma_wait3A_1112 = arith.constant 0 : i32
    %dma_wait3A_1113 = tpu.memref_slice %arg2[%dma_wait3A_1111, %dma_wait3A_1112] : memref<32x1000000xf32, #tpu.memory_space<hbm>> -> memref<16x128xf32, #tpu.memory_space<hbm>>
    tpu.wait_dma2 semaphore(%arg8 : memref<!tpu.dma_semaphore, #tpu.memory_space<semaphore_mem>>) src(%dma_wait3A_1113 : memref<16x128xf32, #tpu.memory_space<hbm>>) dst(%dma_wait3A_1110 : memref<16x128xf32, #tpu.memory_space<vmem>>)
    %dma_wait3A_1114 = arith.constant 1 : i32
    %dma_wait3A_1115 = arith.constant 2 : i32
    %dma_wait3A_1116 = arith.constant 0 : i32
    %dma_wait3A_1117 = arith.constant 0 : i32
    %dma_wait3A_1118 = tpu.memref_slice %arg6[%dma_wait3A_1114, %dma_wait3A_1115, %dma_wait3A_1116, %dma_wait3A_1117] : memref<2x16x16x128xf32, #tpu.memory_space<vmem>> -> memref<1x1x16x128xf32, #tpu.memory_space<vmem>>
    %dma_wait3A_1119 = tpu.memref_squeeze %dma_wait3A_1118 : memref<1x1x16x128xf32, #tpu.memory_space<vmem>> -> memref<16x128xf32, #tpu.memory_space<vmem>>
    %dma_wait3A_1120 = arith.constant 0 : i32
    %dma_wait3A_1121 = arith.constant 0 : i32
    %dma_wait3A_1122 = tpu.memref_slice %arg2[%dma_wait3A_1120, %dma_wait3A_1121] : memref<32x1000000xf32, #tpu.memory_space<hbm>> -> memref<16x128xf32, #tpu.memory_space<hbm>>
    %dma_wait3A_1123 = arith.constant 0 : i32
    %dma_wait3A_1124 = arith.constant 0 : i32
    %dma_wait3A_1125 = tpu.memref_slice %arg6[%dma_wait3A_1114, %dma_wait3A_1115, %dma_wait3A_1123, %dma_wait3A_1124] : memref<2x16x16x128xf32, #tpu.memory_space<vmem>> -> memref<1x1x16x128xf32, #tpu.memory_space<vmem>>
    %dma_wait3A_1126 = tpu.memref_squeeze %dma_wait3A_1125 : memref<1x1x16x128xf32, #tpu.memory_space<vmem>> -> memref<16x128xf32, #tpu.memory_space<vmem>>
    %dma_wait3A_1127 = arith.constant 0 : i32
    %dma_wait3A_1128 = arith.constant 0 : i32
    %dma_wait3A_1129 = tpu.memref_slice %arg2[%dma_wait3A_1127, %dma_wait3A_1128] : memref<32x1000000xf32, #tpu.memory_space<hbm>> -> memref<16x128xf32, #tpu.memory_space<hbm>>
    tpu.wait_dma2 semaphore(%arg8 : memref<!tpu.dma_semaphore, #tpu.memory_space<semaphore_mem>>) src(%dma_wait3A_1129 : memref<16x128xf32, #tpu.memory_space<hbm>>) dst(%dma_wait3A_1126 : memref<16x128xf32, #tpu.memory_space<vmem>>)
    %dma_wait3A_1130 = arith.constant 1 : i32
    %dma_wait3A_1131 = arith.constant 3 : i32
    %dma_wait3A_1132 = arith.constant 0 : i32
    %dma_wait3A_1133 = arith.constant 0 : i32
    %dma_wait3A_1134 = tpu.memref_slice %arg6[%dma_wait3A_1130, %dma_wait3A_1131, %dma_wait3A_1132, %dma_wait3A_1133] : memref<2x16x16x128xf32, #tpu.memory_space<vmem>> -> memref<1x1x16x128xf32, #tpu.memory_space<vmem>>
    %dma_wait3A_1135 = tpu.memref_squeeze %dma_wait3A_1134 : memref<1x1x16x128xf32, #tpu.memory_space<vmem>> -> memref<16x128xf32, #tpu.memory_space<vmem>>
    %dma_wait3A_1136 = arith.constant 0 : i32
    %dma_wait3A_1137 = arith.constant 0 : i32
    %dma_wait3A_1138 = tpu.memref_slice %arg2[%dma_wait3A_1136, %dma_wait3A_1137] : memref<32x1000000xf32, #tpu.memory_space<hbm>> -> memref<16x128xf32, #tpu.memory_space<hbm>>
    %dma_wait3A_1139 = arith.constant 0 : i32
    %dma_wait3A_1140 = arith.constant 0 : i32
    %dma_wait3A_1141 = tpu.memref_slice %arg6[%dma_wait3A_1130, %dma_wait3A_1131, %dma_wait3A_1139, %dma_wait3A_1140] : memref<2x16x16x128xf32, #tpu.memory_space<vmem>> -> memref<1x1x16x128xf32, #tpu.memory_space<vmem>>
    %dma_wait3A_1142 = tpu.memref_squeeze %dma_wait3A_1141 : memref<1x1x16x128xf32, #tpu.memory_space<vmem>> -> memref<16x128xf32, #tpu.memory_space<vmem>>
    %dma_wait3A_1143 = arith.constant 0 : i32
    %dma_wait3A_1144 = arith.constant 0 : i32
    %dma_wait3A_1145 = tpu.memref_slice %arg2[%dma_wait3A_1143, %dma_wait3A_1144] : memref<32x1000000xf32, #tpu.memory_space<hbm>> -> memref<16x128xf32, #tpu.memory_space<hbm>>
    tpu.wait_dma2 semaphore(%arg8 : memref<!tpu.dma_semaphore, #tpu.memory_space<semaphore_mem>>) src(%dma_wait3A_1145 : memref<16x128xf32, #tpu.memory_space<hbm>>) dst(%dma_wait3A_1142 : memref<16x128xf32, #tpu.memory_space<vmem>>)
    %dma_wait3A_1146 = arith.constant 1 : i32
    %dma_wait3A_1147 = arith.constant 4 : i32
    %dma_wait3A_1148 = arith.constant 0 : i32
    %dma_wait3A_1149 = arith.constant 0 : i32
    %dma_wait3A_1150 = tpu.memref_slice %arg6[%dma_wait3A_1146, %dma_wait3A_1147, %dma_wait3A_1148, %dma_wait3A_1149] : memref<2x16x16x128xf32, #tpu.memory_space<vmem>> -> memref<1x1x16x128xf32, #tpu.memory_space<vmem>>
    %dma_wait3A_1151 = tpu.memref_squeeze %dma_wait3A_1150 : memref<1x1x16x128xf32, #tpu.memory_space<vmem>> -> memref<16x128xf32, #tpu.memory_space<vmem>>
    %dma_wait3A_1152 = arith.constant 0 : i32
    %dma_wait3A_1153 = arith.constant 0 : i32
    %dma_wait3A_1154 = tpu.memref_slice %arg2[%dma_wait3A_1152, %dma_wait3A_1153] : memref<32x1000000xf32, #tpu.memory_space<hbm>> -> memref<16x128xf32, #tpu.memory_space<hbm>>
    %dma_wait3A_1155 = arith.constant 0 : i32
    %dma_wait3A_1156 = arith.constant 0 : i32
    %dma_wait3A_1157 = tpu.memref_slice %arg6[%dma_wait3A_1146, %dma_wait3A_1147, %dma_wait3A_1155, %dma_wait3A_1156] : memref<2x16x16x128xf32, #tpu.memory_space<vmem>> -> memref<1x1x16x128xf32, #tpu.memory_space<vmem>>
    %dma_wait3A_1158 = tpu.memref_squeeze %dma_wait3A_1157 : memref<1x1x16x128xf32, #tpu.memory_space<vmem>> -> memref<16x128xf32, #tpu.memory_space<vmem>>
    %dma_wait3A_1159 = arith.constant 0 : i32
    %dma_wait3A_1160 = arith.constant 0 : i32
    %dma_wait3A_1161 = tpu.memref_slice %arg2[%dma_wait3A_1159, %dma_wait3A_1160] : memref<32x1000000xf32, #tpu.memory_space<hbm>> -> memref<16x128xf32, #tpu.memory_space<hbm>>
    tpu.wait_dma2 semaphore(%arg8 : memref<!tpu.dma_semaphore, #tpu.memory_space<semaphore_mem>>) src(%dma_wait3A_1161 : memref<16x128xf32, #tpu.memory_space<hbm>>) dst(%dma_wait3A_1158 : memref<16x128xf32, #tpu.memory_space<vmem>>)
    %dma_wait3A_1162 = arith.constant 1 : i32
    %dma_wait3A_1163 = arith.constant 5 : i32
    %dma_wait3A_1164 = arith.constant 0 : i32
    %dma_wait3A_1165 = arith.constant 0 : i32
    %dma_wait3A_1166 = tpu.memref_slice %arg6[%dma_wait3A_1162, %dma_wait3A_1163, %dma_wait3A_1164, %dma_wait3A_1165] : memref<2x16x16x128xf32, #tpu.memory_space<vmem>> -> memref<1x1x16x128xf32, #tpu.memory_space<vmem>>
    %dma_wait3A_1167 = tpu.memref_squeeze %dma_wait3A_1166 : memref<1x1x16x128xf32, #tpu.memory_space<vmem>> -> memref<16x128xf32, #tpu.memory_space<vmem>>
    %dma_wait3A_1168 = arith.constant 0 : i32
    %dma_wait3A_1169 = arith.constant 0 : i32
    %dma_wait3A_1170 = tpu.memref_slice %arg2[%dma_wait3A_1168, %dma_wait3A_1169] : memref<32x1000000xf32, #tpu.memory_space<hbm>> -> memref<16x128xf32, #tpu.memory_space<hbm>>
    %dma_wait3A_1171 = arith.constant 0 : i32
    %dma_wait3A_1172 = arith.constant 0 : i32
    %dma_wait3A_1173 = tpu.memref_slice %arg6[%dma_wait3A_1162, %dma_wait3A_1163, %dma_wait3A_1171, %dma_wait3A_1172] : memref<2x16x16x128xf32, #tpu.memory_space<vmem>> -> memref<1x1x16x128xf32, #tpu.memory_space<vmem>>
    %dma_wait3A_1174 = tpu.memref_squeeze %dma_wait3A_1173 : memref<1x1x16x128xf32, #tpu.memory_space<vmem>> -> memref<16x128xf32, #tpu.memory_space<vmem>>
    %dma_wait3A_1175 = arith.constant 0 : i32
    %dma_wait3A_1176 = arith.constant 0 : i32
    %dma_wait3A_1177 = tpu.memref_slice %arg2[%dma_wait3A_1175, %dma_wait3A_1176] : memref<32x1000000xf32, #tpu.memory_space<hbm>> -> memref<16x128xf32, #tpu.memory_space<hbm>>
    tpu.wait_dma2 semaphore(%arg8 : memref<!tpu.dma_semaphore, #tpu.memory_space<semaphore_mem>>) src(%dma_wait3A_1177 : memref<16x128xf32, #tpu.memory_space<hbm>>) dst(%dma_wait3A_1174 : memref<16x128xf32, #tpu.memory_space<vmem>>)
    %dma_wait3A_1178 = arith.constant 1 : i32
    %dma_wait3A_1179 = arith.constant 6 : i32
    %dma_wait3A_1180 = arith.constant 0 : i32
    %dma_wait3A_1181 = arith.constant 0 : i32
    %dma_wait3A_1182 = tpu.memref_slice %arg6[%dma_wait3A_1178, %dma_wait3A_1179, %dma_wait3A_1180, %dma_wait3A_1181] : memref<2x16x16x128xf32, #tpu.memory_space<vmem>> -> memref<1x1x16x128xf32, #tpu.memory_space<vmem>>
    %dma_wait3A_1183 = tpu.memref_squeeze %dma_wait3A_1182 : memref<1x1x16x128xf32, #tpu.memory_space<vmem>> -> memref<16x128xf32, #tpu.memory_space<vmem>>
    %dma_wait3A_1184 = arith.constant 0 : i32
    %dma_wait3A_1185 = arith.constant 0 : i32
    %dma_wait3A_1186 = tpu.memref_slice %arg2[%dma_wait3A_1184, %dma_wait3A_1185] : memref<32x1000000xf32, #tpu.memory_space<hbm>> -> memref<16x128xf32, #tpu.memory_space<hbm>>
    %dma_wait3A_1187 = arith.constant 0 : i32
    %dma_wait3A_1188 = arith.constant 0 : i32
    %dma_wait3A_1189 = tpu.memref_slice %arg6[%dma_wait3A_1178, %dma_wait3A_1179, %dma_wait3A_1187, %dma_wait3A_1188] : memref<2x16x16x128xf32, #tpu.memory_space<vmem>> -> memref<1x1x16x128xf32, #tpu.memory_space<vmem>>
    %dma_wait3A_1190 = tpu.memref_squeeze %dma_wait3A_1189 : memref<1x1x16x128xf32, #tpu.memory_space<vmem>> -> memref<16x128xf32, #tpu.memory_space<vmem>>
    %dma_wait3A_1191 = arith.constant 0 : i32
    %dma_wait3A_1192 = arith.constant 0 : i32
    %dma_wait3A_1193 = tpu.memref_slice %arg2[%dma_wait3A_1191, %dma_wait3A_1192] : memref<32x1000000xf32, #tpu.memory_space<hbm>> -> memref<16x128xf32, #tpu.memory_space<hbm>>
    tpu.wait_dma2 semaphore(%arg8 : memref<!tpu.dma_semaphore, #tpu.memory_space<semaphore_mem>>) src(%dma_wait3A_1193 : memref<16x128xf32, #tpu.memory_space<hbm>>) dst(%dma_wait3A_1190 : memref<16x128xf32, #tpu.memory_space<vmem>>)
    %dma_wait3A_1194 = arith.constant 1 : i32
    %dma_wait3A_1195 = arith.constant 7 : i32
    %dma_wait3A_1196 = arith.constant 0 : i32
    %dma_wait3A_1197 = arith.constant 0 : i32
    %dma_wait3A_1198 = tpu.memref_slice %arg6[%dma_wait3A_1194, %dma_wait3A_1195, %dma_wait3A_1196, %dma_wait3A_1197] : memref<2x16x16x128xf32, #tpu.memory_space<vmem>> -> memref<1x1x16x128xf32, #tpu.memory_space<vmem>>
    %dma_wait3A_1199 = tpu.memref_squeeze %dma_wait3A_1198 : memref<1x1x16x128xf32, #tpu.memory_space<vmem>> -> memref<16x128xf32, #tpu.memory_space<vmem>>
    %dma_wait3A_1200 = arith.constant 0 : i32
    %dma_wait3A_1201 = arith.constant 0 : i32
    %dma_wait3A_1202 = tpu.memref_slice %arg2[%dma_wait3A_1200, %dma_wait3A_1201] : memref<32x1000000xf32, #tpu.memory_space<hbm>> -> memref<16x128xf32, #tpu.memory_space<hbm>>
    %dma_wait3A_1203 = arith.constant 0 : i32
    %dma_wait3A_1204 = arith.constant 0 : i32
    %dma_wait3A_1205 = tpu.memref_slice %arg6[%dma_wait3A_1194, %dma_wait3A_1195, %dma_wait3A_1203, %dma_wait3A_1204] : memref<2x16x16x128xf32, #tpu.memory_space<vmem>> -> memref<1x1x16x128xf32, #tpu.memory_space<vmem>>
    %dma_wait3A_1206 = tpu.memref_squeeze %dma_wait3A_1205 : memref<1x1x16x128xf32, #tpu.memory_space<vmem>> -> memref<16x128xf32, #tpu.memory_space<vmem>>
    %dma_wait3A_1207 = arith.constant 0 : i32
    %dma_wait3A_1208 = arith.constant 0 : i32
    %dma_wait3A_1209 = tpu.memref_slice %arg2[%dma_wait3A_1207, %dma_wait3A_1208] : memref<32x1000000xf32, #tpu.memory_space<hbm>> -> memref<16x128xf32, #tpu.memory_space<hbm>>
    tpu.wait_dma2 semaphore(%arg8 : memref<!tpu.dma_semaphore, #tpu.memory_space<semaphore_mem>>) src(%dma_wait3A_1209 : memref<16x128xf32, #tpu.memory_space<hbm>>) dst(%dma_wait3A_1206 : memref<16x128xf32, #tpu.memory_space<vmem>>)
    %dma_wait3A_1210 = arith.constant 1 : i32
    %dma_wait3A_1211 = arith.constant 8 : i32
    %dma_wait3A_1212 = arith.constant 0 : i32
    %dma_wait3A_1213 = arith.constant 0 : i32
    %dma_wait3A_1214 = tpu.memref_slice %arg6[%dma_wait3A_1210, %dma_wait3A_1211, %dma_wait3A_1212, %dma_wait3A_1213] : memref<2x16x16x128xf32, #tpu.memory_space<vmem>> -> memref<1x1x16x128xf32, #tpu.memory_space<vmem>>
    %dma_wait3A_1215 = tpu.memref_squeeze %dma_wait3A_1214 : memref<1x1x16x128xf32, #tpu.memory_space<vmem>> -> memref<16x128xf32, #tpu.memory_space<vmem>>
    %dma_wait3A_1216 = arith.constant 0 : i32
    %dma_wait3A_1217 = arith.constant 0 : i32
    %dma_wait3A_1218 = tpu.memref_slice %arg2[%dma_wait3A_1216, %dma_wait3A_1217] : memref<32x1000000xf32, #tpu.memory_space<hbm>> -> memref<16x128xf32, #tpu.memory_space<hbm>>
    %dma_wait3A_1219 = arith.constant 0 : i32
    %dma_wait3A_1220 = arith.constant 0 : i32
    %dma_wait3A_1221 = tpu.memref_slice %arg6[%dma_wait3A_1210, %dma_wait3A_1211, %dma_wait3A_1219, %dma_wait3A_1220] : memref<2x16x16x128xf32, #tpu.memory_space<vmem>> -> memref<1x1x16x128xf32, #tpu.memory_space<vmem>>
    %dma_wait3A_1222 = tpu.memref_squeeze %dma_wait3A_1221 : memref<1x1x16x128xf32, #tpu.memory_space<vmem>> -> memref<16x128xf32, #tpu.memory_space<vmem>>
    %dma_wait3A_1223 = arith.constant 0 : i32
    %dma_wait3A_1224 = arith.constant 0 : i32
    %dma_wait3A_1225 = tpu.memref_slice %arg2[%dma_wait3A_1223, %dma_wait3A_1224] : memref<32x1000000xf32, #tpu.memory_space<hbm>> -> memref<16x128xf32, #tpu.memory_space<hbm>>
    tpu.wait_dma2 semaphore(%arg8 : memref<!tpu.dma_semaphore, #tpu.memory_space<semaphore_mem>>) src(%dma_wait3A_1225 : memref<16x128xf32, #tpu.memory_space<hbm>>) dst(%dma_wait3A_1222 : memref<16x128xf32, #tpu.memory_space<vmem>>)
    %dma_wait3A_1226 = arith.constant 1 : i32
    %dma_wait3A_1227 = arith.constant 9 : i32
    %dma_wait3A_1228 = arith.constant 0 : i32
    %dma_wait3A_1229 = arith.constant 0 : i32
    %dma_wait3A_1230 = tpu.memref_slice %arg6[%dma_wait3A_1226, %dma_wait3A_1227, %dma_wait3A_1228, %dma_wait3A_1229] : memref<2x16x16x128xf32, #tpu.memory_space<vmem>> -> memref<1x1x16x128xf32, #tpu.memory_space<vmem>>
    %dma_wait3A_1231 = tpu.memref_squeeze %dma_wait3A_1230 : memref<1x1x16x128xf32, #tpu.memory_space<vmem>> -> memref<16x128xf32, #tpu.memory_space<vmem>>
    %dma_wait3A_1232 = arith.constant 0 : i32
    %dma_wait3A_1233 = arith.constant 0 : i32
    %dma_wait3A_1234 = tpu.memref_slice %arg2[%dma_wait3A_1232, %dma_wait3A_1233] : memref<32x1000000xf32, #tpu.memory_space<hbm>> -> memref<16x128xf32, #tpu.memory_space<hbm>>
    %dma_wait3A_1235 = arith.constant 0 : i32
    %dma_wait3A_1236 = arith.constant 0 : i32
    %dma_wait3A_1237 = tpu.memref_slice %arg6[%dma_wait3A_1226, %dma_wait3A_1227, %dma_wait3A_1235, %dma_wait3A_1236] : memref<2x16x16x128xf32, #tpu.memory_space<vmem>> -> memref<1x1x16x128xf32, #tpu.memory_space<vmem>>
    %dma_wait3A_1238 = tpu.memref_squeeze %dma_wait3A_1237 : memref<1x1x16x128xf32, #tpu.memory_space<vmem>> -> memref<16x128xf32, #tpu.memory_space<vmem>>
    %dma_wait3A_1239 = arith.constant 0 : i32
    %dma_wait3A_1240 = arith.constant 0 : i32
    %dma_wait3A_1241 = tpu.memref_slice %arg2[%dma_wait3A_1239, %dma_wait3A_1240] : memref<32x1000000xf32, #tpu.memory_space<hbm>> -> memref<16x128xf32, #tpu.memory_space<hbm>>
    tpu.wait_dma2 semaphore(%arg8 : memref<!tpu.dma_semaphore, #tpu.memory_space<semaphore_mem>>) src(%dma_wait3A_1241 : memref<16x128xf32, #tpu.memory_space<hbm>>) dst(%dma_wait3A_1238 : memref<16x128xf32, #tpu.memory_space<vmem>>)
    %dma_wait3A_1242 = arith.constant 1 : i32
    %dma_wait3A_1243 = arith.constant 10 : i32
    %dma_wait3A_1244 = arith.constant 0 : i32
    %dma_wait3A_1245 = arith.constant 0 : i32
    %dma_wait3A_1246 = tpu.memref_slice %arg6[%dma_wait3A_1242, %dma_wait3A_1243, %dma_wait3A_1244, %dma_wait3A_1245] : memref<2x16x16x128xf32, #tpu.memory_space<vmem>> -> memref<1x1x16x128xf32, #tpu.memory_space<vmem>>
    %dma_wait3A_1247 = tpu.memref_squeeze %dma_wait3A_1246 : memref<1x1x16x128xf32, #tpu.memory_space<vmem>> -> memref<16x128xf32, #tpu.memory_space<vmem>>
    %dma_wait3A_1248 = arith.constant 0 : i32
    %dma_wait3A_1249 = arith.constant 0 : i32
    %dma_wait3A_1250 = tpu.memref_slice %arg2[%dma_wait3A_1248, %dma_wait3A_1249] : memref<32x1000000xf32, #tpu.memory_space<hbm>> -> memref<16x128xf32, #tpu.memory_space<hbm>>
    %dma_wait3A_1251 = arith.constant 0 : i32
    %dma_wait3A_1252 = arith.constant 0 : i32
    %dma_wait3A_1253 = tpu.memref_slice %arg6[%dma_wait3A_1242, %dma_wait3A_1243, %dma_wait3A_1251, %dma_wait3A_1252] : memref<2x16x16x128xf32, #tpu.memory_space<vmem>> -> memref<1x1x16x128xf32, #tpu.memory_space<vmem>>
    %dma_wait3A_1254 = tpu.memref_squeeze %dma_wait3A_1253 : memref<1x1x16x128xf32, #tpu.memory_space<vmem>> -> memref<16x128xf32, #tpu.memory_space<vmem>>
    %dma_wait3A_1255 = arith.constant 0 : i32
    %dma_wait3A_1256 = arith.constant 0 : i32
    %dma_wait3A_1257 = tpu.memref_slice %arg2[%dma_wait3A_1255, %dma_wait3A_1256] : memref<32x1000000xf32, #tpu.memory_space<hbm>> -> memref<16x128xf32, #tpu.memory_space<hbm>>
    tpu.wait_dma2 semaphore(%arg8 : memref<!tpu.dma_semaphore, #tpu.memory_space<semaphore_mem>>) src(%dma_wait3A_1257 : memref<16x128xf32, #tpu.memory_space<hbm>>) dst(%dma_wait3A_1254 : memref<16x128xf32, #tpu.memory_space<vmem>>)
    %dma_wait3A_1258 = arith.constant 1 : i32
    %dma_wait3A_1259 = arith.constant 11 : i32
    %dma_wait3A_1260 = arith.constant 0 : i32
    %dma_wait3A_1261 = arith.constant 0 : i32
    %dma_wait3A_1262 = tpu.memref_slice %arg6[%dma_wait3A_1258, %dma_wait3A_1259, %dma_wait3A_1260, %dma_wait3A_1261] : memref<2x16x16x128xf32, #tpu.memory_space<vmem>> -> memref<1x1x16x128xf32, #tpu.memory_space<vmem>>
    %dma_wait3A_1263 = tpu.memref_squeeze %dma_wait3A_1262 : memref<1x1x16x128xf32, #tpu.memory_space<vmem>> -> memref<16x128xf32, #tpu.memory_space<vmem>>
    %dma_wait3A_1264 = arith.constant 0 : i32
    %dma_wait3A_1265 = arith.constant 0 : i32
    %dma_wait3A_1266 = tpu.memref_slice %arg2[%dma_wait3A_1264, %dma_wait3A_1265] : memref<32x1000000xf32, #tpu.memory_space<hbm>> -> memref<16x128xf32, #tpu.memory_space<hbm>>
    %dma_wait3A_1267 = arith.constant 0 : i32
    %dma_wait3A_1268 = arith.constant 0 : i32
    %dma_wait3A_1269 = tpu.memref_slice %arg6[%dma_wait3A_1258, %dma_wait3A_1259, %dma_wait3A_1267, %dma_wait3A_1268] : memref<2x16x16x128xf32, #tpu.memory_space<vmem>> -> memref<1x1x16x128xf32, #tpu.memory_space<vmem>>
    %dma_wait3A_1270 = tpu.memref_squeeze %dma_wait3A_1269 : memref<1x1x16x128xf32, #tpu.memory_space<vmem>> -> memref<16x128xf32, #tpu.memory_space<vmem>>
    %dma_wait3A_1271 = arith.constant 0 : i32
    %dma_wait3A_1272 = arith.constant 0 : i32
    %dma_wait3A_1273 = tpu.memref_slice %arg2[%dma_wait3A_1271, %dma_wait3A_1272] : memref<32x1000000xf32, #tpu.memory_space<hbm>> -> memref<16x128xf32, #tpu.memory_space<hbm>>
    tpu.wait_dma2 semaphore(%arg8 : memref<!tpu.dma_semaphore, #tpu.memory_space<semaphore_mem>>) src(%dma_wait3A_1273 : memref<16x128xf32, #tpu.memory_space<hbm>>) dst(%dma_wait3A_1270 : memref<16x128xf32, #tpu.memory_space<vmem>>)
    %dma_wait3A_1274 = arith.constant 1 : i32
    %dma_wait3A_1275 = arith.constant 12 : i32
    %dma_wait3A_1276 = arith.constant 0 : i32
    %dma_wait3A_1277 = arith.constant 0 : i32
    %dma_wait3A_1278 = tpu.memref_slice %arg6[%dma_wait3A_1274, %dma_wait3A_1275, %dma_wait3A_1276, %dma_wait3A_1277] : memref<2x16x16x128xf32, #tpu.memory_space<vmem>> -> memref<1x1x16x128xf32, #tpu.memory_space<vmem>>
    %dma_wait3A_1279 = tpu.memref_squeeze %dma_wait3A_1278 : memref<1x1x16x128xf32, #tpu.memory_space<vmem>> -> memref<16x128xf32, #tpu.memory_space<vmem>>
    %dma_wait3A_1280 = arith.constant 0 : i32
    %dma_wait3A_1281 = arith.constant 0 : i32
    %dma_wait3A_1282 = tpu.memref_slice %arg2[%dma_wait3A_1280, %dma_wait3A_1281] : memref<32x1000000xf32, #tpu.memory_space<hbm>> -> memref<16x128xf32, #tpu.memory_space<hbm>>
    %dma_wait3A_1283 = arith.constant 0 : i32
    %dma_wait3A_1284 = arith.constant 0 : i32
    %dma_wait3A_1285 = tpu.memref_slice %arg6[%dma_wait3A_1274, %dma_wait3A_1275, %dma_wait3A_1283, %dma_wait3A_1284] : memref<2x16x16x128xf32, #tpu.memory_space<vmem>> -> memref<1x1x16x128xf32, #tpu.memory_space<vmem>>
    %dma_wait3A_1286 = tpu.memref_squeeze %dma_wait3A_1285 : memref<1x1x16x128xf32, #tpu.memory_space<vmem>> -> memref<16x128xf32, #tpu.memory_space<vmem>>
    %dma_wait3A_1287 = arith.constant 0 : i32
    %dma_wait3A_1288 = arith.constant 0 : i32
    %dma_wait3A_1289 = tpu.memref_slice %arg2[%dma_wait3A_1287, %dma_wait3A_1288] : memref<32x1000000xf32, #tpu.memory_space<hbm>> -> memref<16x128xf32, #tpu.memory_space<hbm>>
    tpu.wait_dma2 semaphore(%arg8 : memref<!tpu.dma_semaphore, #tpu.memory_space<semaphore_mem>>) src(%dma_wait3A_1289 : memref<16x128xf32, #tpu.memory_space<hbm>>) dst(%dma_wait3A_1286 : memref<16x128xf32, #tpu.memory_space<vmem>>)
    %dma_wait3A_1290 = arith.constant 1 : i32
    %dma_wait3A_1291 = arith.constant 13 : i32
    %dma_wait3A_1292 = arith.constant 0 : i32
    %dma_wait3A_1293 = arith.constant 0 : i32
    %dma_wait3A_1294 = tpu.memref_slice %arg6[%dma_wait3A_1290, %dma_wait3A_1291, %dma_wait3A_1292, %dma_wait3A_1293] : memref<2x16x16x128xf32, #tpu.memory_space<vmem>> -> memref<1x1x16x128xf32, #tpu.memory_space<vmem>>
    %dma_wait3A_1295 = tpu.memref_squeeze %dma_wait3A_1294 : memref<1x1x16x128xf32, #tpu.memory_space<vmem>> -> memref<16x128xf32, #tpu.memory_space<vmem>>
    %dma_wait3A_1296 = arith.constant 0 : i32
    %dma_wait3A_1297 = arith.constant 0 : i32
    %dma_wait3A_1298 = tpu.memref_slice %arg2[%dma_wait3A_1296, %dma_wait3A_1297] : memref<32x1000000xf32, #tpu.memory_space<hbm>> -> memref<16x128xf32, #tpu.memory_space<hbm>>
    %dma_wait3A_1299 = arith.constant 0 : i32
    %dma_wait3A_1300 = arith.constant 0 : i32
    %dma_wait3A_1301 = tpu.memref_slice %arg6[%dma_wait3A_1290, %dma_wait3A_1291, %dma_wait3A_1299, %dma_wait3A_1300] : memref<2x16x16x128xf32, #tpu.memory_space<vmem>> -> memref<1x1x16x128xf32, #tpu.memory_space<vmem>>
    %dma_wait3A_1302 = tpu.memref_squeeze %dma_wait3A_1301 : memref<1x1x16x128xf32, #tpu.memory_space<vmem>> -> memref<16x128xf32, #tpu.memory_space<vmem>>
    %dma_wait3A_1303 = arith.constant 0 : i32
    %dma_wait3A_1304 = arith.constant 0 : i32
    %dma_wait3A_1305 = tpu.memref_slice %arg2[%dma_wait3A_1303, %dma_wait3A_1304] : memref<32x1000000xf32, #tpu.memory_space<hbm>> -> memref<16x128xf32, #tpu.memory_space<hbm>>
    tpu.wait_dma2 semaphore(%arg8 : memref<!tpu.dma_semaphore, #tpu.memory_space<semaphore_mem>>) src(%dma_wait3A_1305 : memref<16x128xf32, #tpu.memory_space<hbm>>) dst(%dma_wait3A_1302 : memref<16x128xf32, #tpu.memory_space<vmem>>)
    %dma_wait3A_1306 = arith.constant 1 : i32
    %dma_wait3A_1307 = arith.constant 14 : i32
    %dma_wait3A_1308 = arith.constant 0 : i32
    %dma_wait3A_1309 = arith.constant 0 : i32
    %dma_wait3A_1310 = tpu.memref_slice %arg6[%dma_wait3A_1306, %dma_wait3A_1307, %dma_wait3A_1308, %dma_wait3A_1309] : memref<2x16x16x128xf32, #tpu.memory_space<vmem>> -> memref<1x1x16x128xf32, #tpu.memory_space<vmem>>
    %dma_wait3A_1311 = tpu.memref_squeeze %dma_wait3A_1310 : memref<1x1x16x128xf32, #tpu.memory_space<vmem>> -> memref<16x128xf32, #tpu.memory_space<vmem>>
    %dma_wait3A_1312 = arith.constant 0 : i32
    %dma_wait3A_1313 = arith.constant 0 : i32
    %dma_wait3A_1314 = tpu.memref_slice %arg2[%dma_wait3A_1312, %dma_wait3A_1313] : memref<32x1000000xf32, #tpu.memory_space<hbm>> -> memref<16x128xf32, #tpu.memory_space<hbm>>
    %dma_wait3A_1315 = arith.constant 0 : i32
    %dma_wait3A_1316 = arith.constant 0 : i32
    %dma_wait3A_1317 = tpu.memref_slice %arg6[%dma_wait3A_1306, %dma_wait3A_1307, %dma_wait3A_1315, %dma_wait3A_1316] : memref<2x16x16x128xf32, #tpu.memory_space<vmem>> -> memref<1x1x16x128xf32, #tpu.memory_space<vmem>>
    %dma_wait3A_1318 = tpu.memref_squeeze %dma_wait3A_1317 : memref<1x1x16x128xf32, #tpu.memory_space<vmem>> -> memref<16x128xf32, #tpu.memory_space<vmem>>
    %dma_wait3A_1319 = arith.constant 0 : i32
    %dma_wait3A_1320 = arith.constant 0 : i32
    %dma_wait3A_1321 = tpu.memref_slice %arg2[%dma_wait3A_1319, %dma_wait3A_1320] : memref<32x1000000xf32, #tpu.memory_space<hbm>> -> memref<16x128xf32, #tpu.memory_space<hbm>>
    tpu.wait_dma2 semaphore(%arg8 : memref<!tpu.dma_semaphore, #tpu.memory_space<semaphore_mem>>) src(%dma_wait3A_1321 : memref<16x128xf32, #tpu.memory_space<hbm>>) dst(%dma_wait3A_1318 : memref<16x128xf32, #tpu.memory_space<vmem>>)
    %dma_wait3A_1322 = arith.constant 1 : i32
    %dma_wait3A_1323 = arith.constant 15 : i32
    %dma_wait3A_1324 = arith.constant 0 : i32
    %dma_wait3A_1325 = arith.constant 0 : i32
    %dma_wait3A_1326 = tpu.memref_slice %arg6[%dma_wait3A_1322, %dma_wait3A_1323, %dma_wait3A_1324, %dma_wait3A_1325] : memref<2x16x16x128xf32, #tpu.memory_space<vmem>> -> memref<1x1x16x128xf32, #tpu.memory_space<vmem>>
    %dma_wait3A_1327 = tpu.memref_squeeze %dma_wait3A_1326 : memref<1x1x16x128xf32, #tpu.memory_space<vmem>> -> memref<16x128xf32, #tpu.memory_space<vmem>>
    %dma_wait3A_1328 = arith.constant 0 : i32
    %dma_wait3A_1329 = arith.constant 0 : i32
    %dma_wait3A_1330 = tpu.memref_slice %arg2[%dma_wait3A_1328, %dma_wait3A_1329] : memref<32x1000000xf32, #tpu.memory_space<hbm>> -> memref<16x128xf32, #tpu.memory_space<hbm>>
    %dma_wait3A_1331 = arith.constant 0 : i32
    %dma_wait3A_1332 = arith.constant 0 : i32
    %dma_wait3A_1333 = tpu.memref_slice %arg6[%dma_wait3A_1322, %dma_wait3A_1323, %dma_wait3A_1331, %dma_wait3A_1332] : memref<2x16x16x128xf32, #tpu.memory_space<vmem>> -> memref<1x1x16x128xf32, #tpu.memory_space<vmem>>
    %dma_wait3A_1334 = tpu.memref_squeeze %dma_wait3A_1333 : memref<1x1x16x128xf32, #tpu.memory_space<vmem>> -> memref<16x128xf32, #tpu.memory_space<vmem>>
    %dma_wait3A_1335 = arith.constant 0 : i32
    %dma_wait3A_1336 = arith.constant 0 : i32
    %dma_wait3A_1337 = tpu.memref_slice %arg2[%dma_wait3A_1335, %dma_wait3A_1336] : memref<32x1000000xf32, #tpu.memory_space<hbm>> -> memref<16x128xf32, #tpu.memory_space<hbm>>
    tpu.wait_dma2 semaphore(%arg8 : memref<!tpu.dma_semaphore, #tpu.memory_space<semaphore_mem>>) src(%dma_wait3A_1337 : memref<16x128xf32, #tpu.memory_space<hbm>>) dst(%dma_wait3A_1334 : memref<16x128xf32, #tpu.memory_space<vmem>>)
    %get3A_1338 = arith.constant 1008 : index
    %get3A_1339 = tpu.vector_load %arg5[%get3A_1338] {strides = array<i32>} : memref<1024xi32, #tpu.memory_space<vmem>>, vector<16xi32>,
    %and3A_1340 = arith.constant 127 : i32
    %and3A_1341 = vector.broadcast %and3A_1340 : i32 to vector<16xi32>
    %and3A_1342 = arith.andi %get3A_1339, %and3A_1341 : vector<16xi32>
    %broadcast_in_dim3A_1343 = arith.constant 0 : i32
    %broadcast_in_dim3A_1344 = vector.broadcast %broadcast_in_dim3A_1343 : i32 to vector<16xi32>
    %gather3A_1345 = arith.constant 1 : i32
    %gather3A_1346 = arith.constant 0 : i32
    %gather3A_1347 = arith.constant 0 : i32
    %gather3A_1348 = arith.constant 0 : i32
    %gather3A_1349 = tpu.memref_slice %arg6[%gather3A_1345, %gather3A_1346, %gather3A_1347, %gather3A_1348] : memref<2x16x16x128xf32, #tpu.memory_space<vmem>> -> memref<1x16x16x128xf32, #tpu.memory_space<vmem>>
    %gather3A_1350 = tpu.memref_squeeze %gather3A_1349 : memref<1x16x16x128xf32, #tpu.memory_space<vmem>> -> memref<16x16x128xf32, #tpu.memory_space<vmem>>
    %gather3A_1351 = tpu.vector_load_idx %gather3A_1350[%iota3A, %broadcast_in_dim3A_1344, %and3A_1342] : memref<16x16x128xf32, #tpu.memory_space<vmem>>[vector<16xi32>, vector<16xi32>, vector<16xi32>], vector<16xf32>,
    %swap3A_1352 = arith.constant 0 : i32
    %swap3A_1353 = arith.index_cast %swap3A_1352 : i32 to index
    %swap3A_1354 = arith.constant 1008 : index
    %swap3A_1355 = tpu.vector_load %arg7[%swap3A_1353, %swap3A_1354] {strides = array<i32>} : memref<16x1024xf32, #tpu.memory_space<vmem>>, vector<16xf32>,
    tpu.vector_store %arg7[%swap3A_1353, %swap3A_1354], %gather3A_1351 {strides = array<i32>} : memref<16x1024xf32, #tpu.memory_space<vmem>>, vector<16xf32>,
    %broadcast_in_dim3A_1356 = arith.constant 1 : i32
    %broadcast_in_dim3A_1357 = vector.broadcast %broadcast_in_dim3A_1356 : i32 to vector<16xi32>
    %gather3A_1358 = arith.constant 1 : i32
    %gather3A_1359 = arith.constant 0 : i32
    %gather3A_1360 = arith.constant 0 : i32
    %gather3A_1361 = arith.constant 0 : i32
    %gather3A_1362 = tpu.memref_slice %arg6[%gather3A_1358, %gather3A_1359, %gather3A_1360, %gather3A_1361] : memref<2x16x16x128xf32, #tpu.memory_space<vmem>> -> memref<1x16x16x128xf32, #tpu.memory_space<vmem>>
    %gather3A_1363 = tpu.memref_squeeze %gather3A_1362 : memref<1x16x16x128xf32, #tpu.memory_space<vmem>> -> memref<16x16x128xf32, #tpu.memory_space<vmem>>
    %gather3A_1364 = tpu.vector_load_idx %gather3A_1363[%iota3A, %broadcast_in_dim3A_1357, %and3A_1342] : memref<16x16x128xf32, #tpu.memory_space<vmem>>[vector<16xi32>, vector<16xi32>, vector<16xi32>], vector<16xf32>,
    %swap3A_1365 = arith.constant 1 : i32
    %swap3A_1366 = arith.index_cast %swap3A_1365 : i32 to index
    %swap3A_1367 = arith.constant 1008 : index
    %swap3A_1368 = tpu.vector_load %arg7[%swap3A_1366, %swap3A_1367] {strides = array<i32>} : memref<16x1024xf32, #tpu.memory_space<vmem>>, vector<16xf32>,
    tpu.vector_store %arg7[%swap3A_1366, %swap3A_1367], %gather3A_1364 {strides = array<i32>} : memref<16x1024xf32, #tpu.memory_space<vmem>>, vector<16xf32>,
    %broadcast_in_dim3A_1369 = arith.constant 2 : i32
    %broadcast_in_dim3A_1370 = vector.broadcast %broadcast_in_dim3A_1369 : i32 to vector<16xi32>
    %gather3A_1371 = arith.constant 1 : i32
    %gather3A_1372 = arith.constant 0 : i32
    %gather3A_1373 = arith.constant 0 : i32
    %gather3A_1374 = arith.constant 0 : i32
    %gather3A_1375 = tpu.memref_slice %arg6[%gather3A_1371, %gather3A_1372, %gather3A_1373, %gather3A_1374] : memref<2x16x16x128xf32, #tpu.memory_space<vmem>> -> memref<1x16x16x128xf32, #tpu.memory_space<vmem>>
    %gather3A_1376 = tpu.memref_squeeze %gather3A_1375 : memref<1x16x16x128xf32, #tpu.memory_space<vmem>> -> memref<16x16x128xf32, #tpu.memory_space<vmem>>
    %gather3A_1377 = tpu.vector_load_idx %gather3A_1376[%iota3A, %broadcast_in_dim3A_1370, %and3A_1342] : memref<16x16x128xf32, #tpu.memory_space<vmem>>[vector<16xi32>, vector<16xi32>, vector<16xi32>], vector<16xf32>,
    %swap3A_1378 = arith.constant 2 : i32
    %swap3A_1379 = arith.index_cast %swap3A_1378 : i32 to index
    %swap3A_1380 = arith.constant 1008 : index
    %swap3A_1381 = tpu.vector_load %arg7[%swap3A_1379, %swap3A_1380] {strides = array<i32>} : memref<16x1024xf32, #tpu.memory_space<vmem>>, vector<16xf32>,
    tpu.vector_store %arg7[%swap3A_1379, %swap3A_1380], %gather3A_1377 {strides = array<i32>} : memref<16x1024xf32, #tpu.memory_space<vmem>>, vector<16xf32>,
    %broadcast_in_dim3A_1382 = arith.constant 3 : i32
    %broadcast_in_dim3A_1383 = vector.broadcast %broadcast_in_dim3A_1382 : i32 to vector<16xi32>
    %gather3A_1384 = arith.constant 1 : i32
    %gather3A_1385 = arith.constant 0 : i32
    %gather3A_1386 = arith.constant 0 : i32
    %gather3A_1387 = arith.constant 0 : i32
    %gather3A_1388 = tpu.memref_slice %arg6[%gather3A_1384, %gather3A_1385, %gather3A_1386, %gather3A_1387] : memref<2x16x16x128xf32, #tpu.memory_space<vmem>> -> memref<1x16x16x128xf32, #tpu.memory_space<vmem>>
    %gather3A_1389 = tpu.memref_squeeze %gather3A_1388 : memref<1x16x16x128xf32, #tpu.memory_space<vmem>> -> memref<16x16x128xf32, #tpu.memory_space<vmem>>
    %gather3A_1390 = tpu.vector_load_idx %gather3A_1389[%iota3A, %broadcast_in_dim3A_1383, %and3A_1342] : memref<16x16x128xf32, #tpu.memory_space<vmem>>[vector<16xi32>, vector<16xi32>, vector<16xi32>], vector<16xf32>,
    %swap3A_1391 = arith.constant 3 : i32
    %swap3A_1392 = arith.index_cast %swap3A_1391 : i32 to index
    %swap3A_1393 = arith.constant 1008 : index
    %swap3A_1394 = tpu.vector_load %arg7[%swap3A_1392, %swap3A_1393] {strides = array<i32>} : memref<16x1024xf32, #tpu.memory_space<vmem>>, vector<16xf32>,
    tpu.vector_store %arg7[%swap3A_1392, %swap3A_1393], %gather3A_1390 {strides = array<i32>} : memref<16x1024xf32, #tpu.memory_space<vmem>>, vector<16xf32>,
    %broadcast_in_dim3A_1395 = arith.constant 4 : i32
    %broadcast_in_dim3A_1396 = vector.broadcast %broadcast_in_dim3A_1395 : i32 to vector<16xi32>
    %gather3A_1397 = arith.constant 1 : i32
    %gather3A_1398 = arith.constant 0 : i32
    %gather3A_1399 = arith.constant 0 : i32
    %gather3A_1400 = arith.constant 0 : i32
    %gather3A_1401 = tpu.memref_slice %arg6[%gather3A_1397, %gather3A_1398, %gather3A_1399, %gather3A_1400] : memref<2x16x16x128xf32, #tpu.memory_space<vmem>> -> memref<1x16x16x128xf32, #tpu.memory_space<vmem>>
    %gather3A_1402 = tpu.memref_squeeze %gather3A_1401 : memref<1x16x16x128xf32, #tpu.memory_space<vmem>> -> memref<16x16x128xf32, #tpu.memory_space<vmem>>
    %gather3A_1403 = tpu.vector_load_idx %gather3A_1402[%iota3A, %broadcast_in_dim3A_1396, %and3A_1342] : memref<16x16x128xf32, #tpu.memory_space<vmem>>[vector<16xi32>, vector<16xi32>, vector<16xi32>], vector<16xf32>,
    %swap3A_1404 = arith.constant 4 : i32
    %swap3A_1405 = arith.index_cast %swap3A_1404 : i32 to index
    %swap3A_1406 = arith.constant 1008 : index
    %swap3A_1407 = tpu.vector_load %arg7[%swap3A_1405, %swap3A_1406] {strides = array<i32>} : memref<16x1024xf32, #tpu.memory_space<vmem>>, vector<16xf32>,
    tpu.vector_store %arg7[%swap3A_1405, %swap3A_1406], %gather3A_1403 {strides = array<i32>} : memref<16x1024xf32, #tpu.memory_space<vmem>>, vector<16xf32>,
    %broadcast_in_dim3A_1408 = arith.constant 5 : i32
    %broadcast_in_dim3A_1409 = vector.broadcast %broadcast_in_dim3A_1408 : i32 to vector<16xi32>
    %gather3A_1410 = arith.constant 1 : i32
    %gather3A_1411 = arith.constant 0 : i32
    %gather3A_1412 = arith.constant 0 : i32
    %gather3A_1413 = arith.constant 0 : i32
    %gather3A_1414 = tpu.memref_slice %arg6[%gather3A_1410, %gather3A_1411, %gather3A_1412, %gather3A_1413] : memref<2x16x16x128xf32, #tpu.memory_space<vmem>> -> memref<1x16x16x128xf32, #tpu.memory_space<vmem>>
    %gather3A_1415 = tpu.memref_squeeze %gather3A_1414 : memref<1x16x16x128xf32, #tpu.memory_space<vmem>> -> memref<16x16x128xf32, #tpu.memory_space<vmem>>
    %gather3A_1416 = tpu.vector_load_idx %gather3A_1415[%iota3A, %broadcast_in_dim3A_1409, %and3A_1342] : memref<16x16x128xf32, #tpu.memory_space<vmem>>[vector<16xi32>, vector<16xi32>, vector<16xi32>], vector<16xf32>,
    %swap3A_1417 = arith.constant 5 : i32
    %swap3A_1418 = arith.index_cast %swap3A_1417 : i32 to index
    %swap3A_1419 = arith.constant 1008 : index
    %swap3A_1420 = tpu.vector_load %arg7[%swap3A_1418, %swap3A_1419] {strides = array<i32>} : memref<16x1024xf32, #tpu.memory_space<vmem>>, vector<16xf32>,
    tpu.vector_store %arg7[%swap3A_1418, %swap3A_1419], %gather3A_1416 {strides = array<i32>} : memref<16x1024xf32, #tpu.memory_space<vmem>>, vector<16xf32>,
    %broadcast_in_dim3A_1421 = arith.constant 6 : i32
    %broadcast_in_dim3A_1422 = vector.broadcast %broadcast_in_dim3A_1421 : i32 to vector<16xi32>
    %gather3A_1423 = arith.constant 1 : i32
    %gather3A_1424 = arith.constant 0 : i32
    %gather3A_1425 = arith.constant 0 : i32
    %gather3A_1426 = arith.constant 0 : i32
    %gather3A_1427 = tpu.memref_slice %arg6[%gather3A_1423, %gather3A_1424, %gather3A_1425, %gather3A_1426] : memref<2x16x16x128xf32, #tpu.memory_space<vmem>> -> memref<1x16x16x128xf32, #tpu.memory_space<vmem>>
    %gather3A_1428 = tpu.memref_squeeze %gather3A_1427 : memref<1x16x16x128xf32, #tpu.memory_space<vmem>> -> memref<16x16x128xf32, #tpu.memory_space<vmem>>
    %gather3A_1429 = tpu.vector_load_idx %gather3A_1428[%iota3A, %broadcast_in_dim3A_1422, %and3A_1342] : memref<16x16x128xf32, #tpu.memory_space<vmem>>[vector<16xi32>, vector<16xi32>, vector<16xi32>], vector<16xf32>,
    %swap3A_1430 = arith.constant 6 : i32
    %swap3A_1431 = arith.index_cast %swap3A_1430 : i32 to index
    %swap3A_1432 = arith.constant 1008 : index
    %swap3A_1433 = tpu.vector_load %arg7[%swap3A_1431, %swap3A_1432] {strides = array<i32>} : memref<16x1024xf32, #tpu.memory_space<vmem>>, vector<16xf32>,
    tpu.vector_store %arg7[%swap3A_1431, %swap3A_1432], %gather3A_1429 {strides = array<i32>} : memref<16x1024xf32, #tpu.memory_space<vmem>>, vector<16xf32>,
    %broadcast_in_dim3A_1434 = arith.constant 7 : i32
    %broadcast_in_dim3A_1435 = vector.broadcast %broadcast_in_dim3A_1434 : i32 to vector<16xi32>
    %gather3A_1436 = arith.constant 1 : i32
    %gather3A_1437 = arith.constant 0 : i32
    %gather3A_1438 = arith.constant 0 : i32
    %gather3A_1439 = arith.constant 0 : i32
    %gather3A_1440 = tpu.memref_slice %arg6[%gather3A_1436, %gather3A_1437, %gather3A_1438, %gather3A_1439] : memref<2x16x16x128xf32, #tpu.memory_space<vmem>> -> memref<1x16x16x128xf32, #tpu.memory_space<vmem>>
    %gather3A_1441 = tpu.memref_squeeze %gather3A_1440 : memref<1x16x16x128xf32, #tpu.memory_space<vmem>> -> memref<16x16x128xf32, #tpu.memory_space<vmem>>
    %gather3A_1442 = tpu.vector_load_idx %gather3A_1441[%iota3A, %broadcast_in_dim3A_1435, %and3A_1342] : memref<16x16x128xf32, #tpu.memory_space<vmem>>[vector<16xi32>, vector<16xi32>, vector<16xi32>], vector<16xf32>,
    %swap3A_1443 = arith.constant 7 : i32
    %swap3A_1444 = arith.index_cast %swap3A_1443 : i32 to index
    %swap3A_1445 = arith.constant 1008 : index
    %swap3A_1446 = tpu.vector_load %arg7[%swap3A_1444, %swap3A_1445] {strides = array<i32>} : memref<16x1024xf32, #tpu.memory_space<vmem>>, vector<16xf32>,
    tpu.vector_store %arg7[%swap3A_1444, %swap3A_1445], %gather3A_1442 {strides = array<i32>} : memref<16x1024xf32, #tpu.memory_space<vmem>>, vector<16xf32>,
    %broadcast_in_dim3A_1447 = arith.constant 8 : i32
    %broadcast_in_dim3A_1448 = vector.broadcast %broadcast_in_dim3A_1447 : i32 to vector<16xi32>
    %gather3A_1449 = arith.constant 1 : i32
    %gather3A_1450 = arith.constant 0 : i32
    %gather3A_1451 = arith.constant 0 : i32
    %gather3A_1452 = arith.constant 0 : i32
    %gather3A_1453 = tpu.memref_slice %arg6[%gather3A_1449, %gather3A_1450, %gather3A_1451, %gather3A_1452] : memref<2x16x16x128xf32, #tpu.memory_space<vmem>> -> memref<1x16x16x128xf32, #tpu.memory_space<vmem>>
    %gather3A_1454 = tpu.memref_squeeze %gather3A_1453 : memref<1x16x16x128xf32, #tpu.memory_space<vmem>> -> memref<16x16x128xf32, #tpu.memory_space<vmem>>
    %gather3A_1455 = tpu.vector_load_idx %gather3A_1454[%iota3A, %broadcast_in_dim3A_1448, %and3A_1342] : memref<16x16x128xf32, #tpu.memory_space<vmem>>[vector<16xi32>, vector<16xi32>, vector<16xi32>], vector<16xf32>,
    %swap3A_1456 = arith.constant 8 : i32
    %swap3A_1457 = arith.index_cast %swap3A_1456 : i32 to index
    %swap3A_1458 = arith.constant 1008 : index
    %swap3A_1459 = tpu.vector_load %arg7[%swap3A_1457, %swap3A_1458] {strides = array<i32>} : memref<16x1024xf32, #tpu.memory_space<vmem>>, vector<16xf32>,
    tpu.vector_store %arg7[%swap3A_1457, %swap3A_1458], %gather3A_1455 {strides = array<i32>} : memref<16x1024xf32, #tpu.memory_space<vmem>>, vector<16xf32>,
    %broadcast_in_dim3A_1460 = arith.constant 9 : i32
    %broadcast_in_dim3A_1461 = vector.broadcast %broadcast_in_dim3A_1460 : i32 to vector<16xi32>
    %gather3A_1462 = arith.constant 1 : i32
    %gather3A_1463 = arith.constant 0 : i32
    %gather3A_1464 = arith.constant 0 : i32
    %gather3A_1465 = arith.constant 0 : i32
    %gather3A_1466 = tpu.memref_slice %arg6[%gather3A_1462, %gather3A_1463, %gather3A_1464, %gather3A_1465] : memref<2x16x16x128xf32, #tpu.memory_space<vmem>> -> memref<1x16x16x128xf32, #tpu.memory_space<vmem>>
    %gather3A_1467 = tpu.memref_squeeze %gather3A_1466 : memref<1x16x16x128xf32, #tpu.memory_space<vmem>> -> memref<16x16x128xf32, #tpu.memory_space<vmem>>
    %gather3A_1468 = tpu.vector_load_idx %gather3A_1467[%iota3A, %broadcast_in_dim3A_1461, %and3A_1342] : memref<16x16x128xf32, #tpu.memory_space<vmem>>[vector<16xi32>, vector<16xi32>, vector<16xi32>], vector<16xf32>,
    %swap3A_1469 = arith.constant 9 : i32
    %swap3A_1470 = arith.index_cast %swap3A_1469 : i32 to index
    %swap3A_1471 = arith.constant 1008 : index
    %swap3A_1472 = tpu.vector_load %arg7[%swap3A_1470, %swap3A_1471] {strides = array<i32>} : memref<16x1024xf32, #tpu.memory_space<vmem>>, vector<16xf32>,
    tpu.vector_store %arg7[%swap3A_1470, %swap3A_1471], %gather3A_1468 {strides = array<i32>} : memref<16x1024xf32, #tpu.memory_space<vmem>>, vector<16xf32>,
    %broadcast_in_dim3A_1473 = arith.constant 10 : i32
    %broadcast_in_dim3A_1474 = vector.broadcast %broadcast_in_dim3A_1473 : i32 to vector<16xi32>
    %gather3A_1475 = arith.constant 1 : i32
    %gather3A_1476 = arith.constant 0 : i32
    %gather3A_1477 = arith.constant 0 : i32
    %gather3A_1478 = arith.constant 0 : i32
    %gather3A_1479 = tpu.memref_slice %arg6[%gather3A_1475, %gather3A_1476, %gather3A_1477, %gather3A_1478] : memref<2x16x16x128xf32, #tpu.memory_space<vmem>> -> memref<1x16x16x128xf32, #tpu.memory_space<vmem>>
    %gather3A_1480 = tpu.memref_squeeze %gather3A_1479 : memref<1x16x16x128xf32, #tpu.memory_space<vmem>> -> memref<16x16x128xf32, #tpu.memory_space<vmem>>
    %gather3A_1481 = tpu.vector_load_idx %gather3A_1480[%iota3A, %broadcast_in_dim3A_1474, %and3A_1342] : memref<16x16x128xf32, #tpu.memory_space<vmem>>[vector<16xi32>, vector<16xi32>, vector<16xi32>], vector<16xf32>,
    %swap3A_1482 = arith.constant 10 : i32
    %swap3A_1483 = arith.index_cast %swap3A_1482 : i32 to index
    %swap3A_1484 = arith.constant 1008 : index
    %swap3A_1485 = tpu.vector_load %arg7[%swap3A_1483, %swap3A_1484] {strides = array<i32>} : memref<16x1024xf32, #tpu.memory_space<vmem>>, vector<16xf32>,
    tpu.vector_store %arg7[%swap3A_1483, %swap3A_1484], %gather3A_1481 {strides = array<i32>} : memref<16x1024xf32, #tpu.memory_space<vmem>>, vector<16xf32>,
    %broadcast_in_dim3A_1486 = arith.constant 11 : i32
    %broadcast_in_dim3A_1487 = vector.broadcast %broadcast_in_dim3A_1486 : i32 to vector<16xi32>
    %gather3A_1488 = arith.constant 1 : i32
    %gather3A_1489 = arith.constant 0 : i32
    %gather3A_1490 = arith.constant 0 : i32
    %gather3A_1491 = arith.constant 0 : i32
    %gather3A_1492 = tpu.memref_slice %arg6[%gather3A_1488, %gather3A_1489, %gather3A_1490, %gather3A_1491] : memref<2x16x16x128xf32, #tpu.memory_space<vmem>> -> memref<1x16x16x128xf32, #tpu.memory_space<vmem>>
    %gather3A_1493 = tpu.memref_squeeze %gather3A_1492 : memref<1x16x16x128xf32, #tpu.memory_space<vmem>> -> memref<16x16x128xf32, #tpu.memory_space<vmem>>
    %gather3A_1494 = tpu.vector_load_idx %gather3A_1493[%iota3A, %broadcast_in_dim3A_1487, %and3A_1342] : memref<16x16x128xf32, #tpu.memory_space<vmem>>[vector<16xi32>, vector<16xi32>, vector<16xi32>], vector<16xf32>,
    %swap3A_1495 = arith.constant 11 : i32
    %swap3A_1496 = arith.index_cast %swap3A_1495 : i32 to index
    %swap3A_1497 = arith.constant 1008 : index
    %swap3A_1498 = tpu.vector_load %arg7[%swap3A_1496, %swap3A_1497] {strides = array<i32>} : memref<16x1024xf32, #tpu.memory_space<vmem>>, vector<16xf32>,
    tpu.vector_store %arg7[%swap3A_1496, %swap3A_1497], %gather3A_1494 {strides = array<i32>} : memref<16x1024xf32, #tpu.memory_space<vmem>>, vector<16xf32>,
    %broadcast_in_dim3A_1499 = arith.constant 12 : i32
    %broadcast_in_dim3A_1500 = vector.broadcast %broadcast_in_dim3A_1499 : i32 to vector<16xi32>
    %gather3A_1501 = arith.constant 1 : i32
    %gather3A_1502 = arith.constant 0 : i32
    %gather3A_1503 = arith.constant 0 : i32
    %gather3A_1504 = arith.constant 0 : i32
    %gather3A_1505 = tpu.memref_slice %arg6[%gather3A_1501, %gather3A_1502, %gather3A_1503, %gather3A_1504] : memref<2x16x16x128xf32, #tpu.memory_space<vmem>> -> memref<1x16x16x128xf32, #tpu.memory_space<vmem>>
    %gather3A_1506 = tpu.memref_squeeze %gather3A_1505 : memref<1x16x16x128xf32, #tpu.memory_space<vmem>> -> memref<16x16x128xf32, #tpu.memory_space<vmem>>
    %gather3A_1507 = tpu.vector_load_idx %gather3A_1506[%iota3A, %broadcast_in_dim3A_1500, %and3A_1342] : memref<16x16x128xf32, #tpu.memory_space<vmem>>[vector<16xi32>, vector<16xi32>, vector<16xi32>], vector<16xf32>,
    %swap3A_1508 = arith.constant 12 : i32
    %swap3A_1509 = arith.index_cast %swap3A_1508 : i32 to index
    %swap3A_1510 = arith.constant 1008 : index
    %swap3A_1511 = tpu.vector_load %arg7[%swap3A_1509, %swap3A_1510] {strides = array<i32>} : memref<16x1024xf32, #tpu.memory_space<vmem>>, vector<16xf32>,
    tpu.vector_store %arg7[%swap3A_1509, %swap3A_1510], %gather3A_1507 {strides = array<i32>} : memref<16x1024xf32, #tpu.memory_space<vmem>>, vector<16xf32>,
    %broadcast_in_dim3A_1512 = arith.constant 13 : i32
    %broadcast_in_dim3A_1513 = vector.broadcast %broadcast_in_dim3A_1512 : i32 to vector<16xi32>
    %gather3A_1514 = arith.constant 1 : i32
    %gather3A_1515 = arith.constant 0 : i32
    %gather3A_1516 = arith.constant 0 : i32
    %gather3A_1517 = arith.constant 0 : i32
    %gather3A_1518 = tpu.memref_slice %arg6[%gather3A_1514, %gather3A_1515, %gather3A_1516, %gather3A_1517] : memref<2x16x16x128xf32, #tpu.memory_space<vmem>> -> memref<1x16x16x128xf32, #tpu.memory_space<vmem>>
    %gather3A_1519 = tpu.memref_squeeze %gather3A_1518 : memref<1x16x16x128xf32, #tpu.memory_space<vmem>> -> memref<16x16x128xf32, #tpu.memory_space<vmem>>
    %gather3A_1520 = tpu.vector_load_idx %gather3A_1519[%iota3A, %broadcast_in_dim3A_1513, %and3A_1342] : memref<16x16x128xf32, #tpu.memory_space<vmem>>[vector<16xi32>, vector<16xi32>, vector<16xi32>], vector<16xf32>,
    %swap3A_1521 = arith.constant 13 : i32
    %swap3A_1522 = arith.index_cast %swap3A_1521 : i32 to index
    %swap3A_1523 = arith.constant 1008 : index
    %swap3A_1524 = tpu.vector_load %arg7[%swap3A_1522, %swap3A_1523] {strides = array<i32>} : memref<16x1024xf32, #tpu.memory_space<vmem>>, vector<16xf32>,
    tpu.vector_store %arg7[%swap3A_1522, %swap3A_1523], %gather3A_1520 {strides = array<i32>} : memref<16x1024xf32, #tpu.memory_space<vmem>>, vector<16xf32>,
    %broadcast_in_dim3A_1525 = arith.constant 14 : i32
    %broadcast_in_dim3A_1526 = vector.broadcast %broadcast_in_dim3A_1525 : i32 to vector<16xi32>
    %gather3A_1527 = arith.constant 1 : i32
    %gather3A_1528 = arith.constant 0 : i32
    %gather3A_1529 = arith.constant 0 : i32
    %gather3A_1530 = arith.constant 0 : i32
    %gather3A_1531 = tpu.memref_slice %arg6[%gather3A_1527, %gather3A_1528, %gather3A_1529, %gather3A_1530] : memref<2x16x16x128xf32, #tpu.memory_space<vmem>> -> memref<1x16x16x128xf32, #tpu.memory_space<vmem>>
    %gather3A_1532 = tpu.memref_squeeze %gather3A_1531 : memref<1x16x16x128xf32, #tpu.memory_space<vmem>> -> memref<16x16x128xf32, #tpu.memory_space<vmem>>
    %gather3A_1533 = tpu.vector_load_idx %gather3A_1532[%iota3A, %broadcast_in_dim3A_1526, %and3A_1342] : memref<16x16x128xf32, #tpu.memory_space<vmem>>[vector<16xi32>, vector<16xi32>, vector<16xi32>], vector<16xf32>,
    %swap3A_1534 = arith.constant 14 : i32
    %swap3A_1535 = arith.index_cast %swap3A_1534 : i32 to index
    %swap3A_1536 = arith.constant 1008 : index
    %swap3A_1537 = tpu.vector_load %arg7[%swap3A_1535, %swap3A_1536] {strides = array<i32>} : memref<16x1024xf32, #tpu.memory_space<vmem>>, vector<16xf32>,
    tpu.vector_store %arg7[%swap3A_1535, %swap3A_1536], %gather3A_1533 {strides = array<i32>} : memref<16x1024xf32, #tpu.memory_space<vmem>>, vector<16xf32>,
    %broadcast_in_dim3A_1538 = arith.constant 15 : i32
    %broadcast_in_dim3A_1539 = vector.broadcast %broadcast_in_dim3A_1538 : i32 to vector<16xi32>
    %gather3A_1540 = arith.constant 1 : i32
    %gather3A_1541 = arith.constant 0 : i32
    %gather3A_1542 = arith.constant 0 : i32
    %gather3A_1543 = arith.constant 0 : i32
    %gather3A_1544 = tpu.memref_slice %arg6[%gather3A_1540, %gather3A_1541, %gather3A_1542, %gather3A_1543] : memref<2x16x16x128xf32, #tpu.memory_space<vmem>> -> memref<1x16x16x128xf32, #tpu.memory_space<vmem>>
    %gather3A_1545 = tpu.memref_squeeze %gather3A_1544 : memref<1x16x16x128xf32, #tpu.memory_space<vmem>> -> memref<16x16x128xf32, #tpu.memory_space<vmem>>
    %gather3A_1546 = tpu.vector_load_idx %gather3A_1545[%iota3A, %broadcast_in_dim3A_1539, %and3A_1342] : memref<16x16x128xf32, #tpu.memory_space<vmem>>[vector<16xi32>, vector<16xi32>, vector<16xi32>], vector<16xf32>,
    %swap3A_1547 = arith.constant 15 : i32
    %swap3A_1548 = arith.index_cast %swap3A_1547 : i32 to index
    %swap3A_1549 = arith.constant 1008 : index
    %swap3A_1550 = tpu.vector_load %arg7[%swap3A_1548, %swap3A_1549] {strides = array<i32>} : memref<16x1024xf32, #tpu.memory_space<vmem>>, vector<16xf32>,
    tpu.vector_store %arg7[%swap3A_1548, %swap3A_1549], %gather3A_1546 {strides = array<i32>} : memref<16x1024xf32, #tpu.memory_space<vmem>>, vector<16xf32>,
    %multiple_of3A_1551 = tpu.assume_multiple %mul3A_6, 128 : i32
    "tpu.region"() ({
      %run_scoped3A = tpu.sem_alloc : memref<!tpu.dma_semaphore, #tpu.memory_space<semaphore_mem>>
      %dma_start3A_1552 = tpu.memref_slice %arg4[%multiple_of3A, %multiple_of3A_1551] : memref<32x16384xf32, #tpu.memory_space<hbm>> -> memref<16x1024xf32, #tpu.memory_space<hbm>>
      %dma_start3A_1553 = tpu.memref_slice %arg4[%multiple_of3A, %multiple_of3A_1551] : memref<32x16384xf32, #tpu.memory_space<hbm>> -> memref<16x1024xf32, #tpu.memory_space<hbm>>
      tpu.enqueue_dma source(%arg7 : memref<16x1024xf32, #tpu.memory_space<vmem>>) target(%dma_start3A_1553 : memref<16x1024xf32, #tpu.memory_space<hbm>>) target_semaphore(%run_scoped3A : memref<!tpu.dma_semaphore, #tpu.memory_space<semaphore_mem>>)
      %dma_wait3A_1554 = tpu.memref_slice %arg4[%multiple_of3A, %multiple_of3A_1551] : memref<32x16384xf32, #tpu.memory_space<hbm>> -> memref<16x1024xf32, #tpu.memory_space<hbm>>
      %dma_wait3A_1555 = tpu.memref_slice %arg4[%multiple_of3A, %multiple_of3A_1551] : memref<32x16384xf32, #tpu.memory_space<hbm>> -> memref<16x1024xf32, #tpu.memory_space<hbm>>
      tpu.wait_dma2 semaphore(%run_scoped3A : memref<!tpu.dma_semaphore, #tpu.memory_space<semaphore_mem>>) src(%arg7 : memref<16x1024xf32, #tpu.memory_space<vmem>>) dst(%dma_wait3A_1555 : memref<16x1024xf32, #tpu.memory_space<hbm>>)
      tpu.yield
    }) : () -> ()
    return
  }
}

</mosaic_0001>

<sc_bundles>
// kernel: kernel.3.cloned.1.call-start
scs
__scs_entry_jumppad:
0x0: {  	(pc) =	sbr.rel $0x88, $3  }
0x1: {  	(tag) =	ssettag $0x0;
	lr =	simm.s32 $0x1  }
0x2: {  	[smem:$0x3F9F] =	sst lr;
	_ =	strace $0xD0000000  }
0x3: {  	_ = 	snop  }
0x4: {  	_ = 	snop  }
0x5: {  	_ = 	snop  }
0x6: {  	_ = 	snop  }
0x7: {  	_ = 	snop  }
__scs_overlays_trampoline_lowered:
0x8: {  	[smem:$0x3FAE] =	sst s0  }
0x9: {  	[smem:$0x3FAF] =	sst s1  }
0xa: {  	[smem:$0x3FB0] =	sst s2  }
0xb: {  	[smem:$0x3FB1] =	sst s3  }
0xc: {  	[smem:$0x3FB2] =	sst s4  }
0xd: {  	[smem:$0x3FB3] =	sst s5  }
0xe: {  	[smem:$0x3FB4] =	sst s6  }
0xf: {  	[smem:$0x3FB5] =	sst s7  }
0x10: {  	[smem:$0x3FB6] =	sst s8  }
0x11: {  	[smem:$0x3FB7] =	sst s9;
	s0 =	simm.s32 @!p0 $0x0  }
0x12: {  	s1 =	sld [smem:$0x3F9D];
	s0 =	simm.s32 @p0 $0x1  }
0x13: {  	[smem:$0x3FB8] =	sst s0;
	s0 =	simm.s32 @!p1 $0x0  }
0x14: {  	s2 =	sld [smem:$0x3F9C];
	s0 =	simm.s32 @p1 $0x1  }
0x15: {  	[smem:$0x3FB9] =	sst s0;
	s0 =	simm.s32 @!p2 $0x0  }
0x16: {  	s3 =	sld [smem:$0x3FDB];
	s0 =	simm.s32 @p2 $0x1  }
0x17: {  	s4 =	simm.s32 $0x1BF5;
	[smem:$0x3FBB] =	sst s0  }
0x18: {  	s0 =	sld [smem:$0x3F9E];
	_ =	swait.ge [sflag:s4], $0x0  }
0x19: {  	s7 =	sld [smem:$0x3F9F]  }
0x1a: {  	s8 =	sadd.s32 $0xFFFFE003, lr  }
0x1b: {  	s9 =	sadd.s32 $0xFFFFFEF7, lr;
	s5 =	simm.s32 $0xFFFFFFFF;
	p2 =	slt.u32 s8, $0xFFFFF086  }
0x1c: {  	p1 =	slt.u32 s9, $0xF7A;
	s5 =	simm.s32 @!p2 $0x0  }
0x1d: {  	s5 =	simm.s32 @p1 $0x1;
	p0 =	seq.s32 s7, s2  }
0x1e: {  	s7 =	smul.u32 @!p0 $0xF7A, s2;
	p2 =	seq.s32 @!p0 s5, $0x0  }
0x1f: {  	s9 =	smul.u32 $0xF7A, s1;
	s8 =	simm.s32 @!p0 $0x1BF5;
	p2 =	por !p2, p0  }
0x20: {  	[sflag:s8] =	ssyncset.s32 @!p0 $0xFFFFF086;
	s6 =	sadd.s32 @!p0 s3, s7;
	s7 =	simm.s32 @!p0 $0x108  }
0x21: {  	s3 =	sadd.s32 s3, s9;
	s6 =	sadd.s32 @!p0 $0x88, s6;
	s7 =	simm.s32 @p2 $0x1082  }
0x22: {  	[simem:s7], [sflag:s8] =	dma.local @!p0 [hbm:s6], $0xF7A  }
0x23: {  	s9 =	sor.u32 $0xD0000000, s2;
	s6 =	simm.s32 $0x108;
	_ =	swait.ge @!p0 [sflag:s8], $0x0  }
0x24: {  	s3 =	sadd.s32 $0x88, s3;
	s6 =	simm.s32 @!p1 $0x1082;
	[sflag:s4] =	ssyncset.s32 $0xFFFFF086  }
0x25: {  	[simem:s6], [sflag:s4] =	dma.local [hbm:s3], $0xF7A  }
0x26: {  	[smem:$0x3F9F] =	sst s1;
	(tag) =	ssettag s2;
	_ =	strace s9  }
0x27: {  	s1 =	sld [smem:$0x3FAF]  }
0x28: {  	s2 =	sld [smem:$0x3FB0]  }
0x29: {  	s4 =	sld [smem:$0x3FB2]  }
0x2a: {  	p0 =	seq.s32 s5, $0x0;
	s5 =	sld [smem:$0x3FB3]  }
0x2b: {  	s6 =	sld [smem:$0x3FB4]  }
0x2c: {  	s7 =	sld [smem:$0x3FB5]  }
0x2d: {  	s3 =	simm.s32 $0x108;
	s8 =	sld [smem:$0x3FB6]  }
0x2e: {  	s3 =	simm.s32 @!p0 $0x1082;
	s9 =	sld [smem:$0x3FB7]  }
0x2f: {  	lr =	sadd.s32 s0, s3;
	s0 =	sld [smem:$0x3FAE]  }
0x30: {  	s3 =	sld [smem:$0x3FB1]  }
0x31: {  	[smem:$0x3FBA] =	sst s10  }
0x32: {  	s10 =	sld [smem:$0x3FB8];
	_ =	sdelay $0x3  }
0x33: {  	p0 =	seq.s32 s10, $0x1;
	s10 =	sld [smem:$0x3FBA];
	_ =	sdelay $0x3  }
0x34: {  	[smem:$0x3FBA] =	sst s10  }
0x35: {  	s10 =	sld [smem:$0x3FB9];
	_ =	sdelay $0x3  }
0x36: {  	p1 =	seq.s32 s10, $0x1;
	s10 =	sld [smem:$0x3FBA];
	_ =	sdelay $0x3  }
0x37: {  	[smem:$0x3FBA] =	sst s10  }
0x38: {  	s10 =	sld [smem:$0x3FBB]  }
0x39: {  	_ = 	snop;
	(pc) =	sbr.ind lr, $3  }
0x3a: {  	_ = 	snop  }
0x3b: {  	_ = 	snop  }
0x3c: {  	p2 =	seq.s32 s10, $0x1;
	s10 =	sld [smem:$0x3FBA]  }
0x3d: {  	_ =	shalt  }
0x3e: {  	_ =	shalt  }
0x3f: {  	_ =	shalt  }
0x40: {  	_ =	shalt  }
0x41: {  	_ =	shalt  }
0x42: {  	_ =	shalt  }
0x43: {  	_ =	shalt  }
0x44: {  	_ =	shalt  }
0x45: {  	_ =	shalt  }
0x46: {  	_ =	shalt  }
0x47: {  	_ =	shalt  }
0x48: {  	_ =	shalt  }
0x49: {  	_ =	shalt  }
0x4a: {  	_ =	shalt  }
0x4b: {  	_ =	shalt  }
0x4c: {  	_ =	shalt  }
0x4d: {  	_ =	shalt  }
0x4e: {  	_ =	shalt  }
0x4f: {  	_ =	shalt  }
0x50: {  	_ =	shalt  }
0x51: {  	_ =	shalt  }
0x52: {  	_ =	shalt  }
0x53: {  	_ =	shalt  }
0x54: {  	_ =	shalt  }
0x55: {  	_ =	shalt  }
0x56: {  	_ =	shalt  }
0x57: {  	_ =	shalt  }
0x58: {  	_ =	shalt  }
0x59: {  	_ =	shalt  }
0x5a: {  	_ =	shalt  }
0x5b: {  	_ =	shalt  }
0x5c: {  	_ =	shalt  }
0x5d: {  	_ =	shalt  }
0x5e: {  	_ =	shalt  }
0x5f: {  	_ =	shalt  }
0x60: {  	_ =	shalt  }
0x61: {  	_ =	shalt  }
0x62: {  	_ =	shalt  }
0x63: {  	_ =	shalt  }
0x64: {  	_ =	shalt  }
0x65: {  	_ =	shalt  }
0x66: {  	_ =	shalt  }
0x67: {  	_ =	shalt  }
0x68: {  	_ =	shalt  }
0x69: {  	_ =	shalt  }
0x6a: {  	_ =	shalt  }
0x6b: {  	_ =	shalt  }
0x6c: {  	_ =	shalt  }
0x6d: {  	_ =	shalt  }
0x6e: {  	_ =	shalt  }
0x6f: {  	_ =	shalt  }
0x70: {  	_ =	shalt  }
0x71: {  	_ =	shalt  }
0x72: {  	_ =	shalt  }
0x73: {  	_ =	shalt  }
0x74: {  	_ =	shalt  }
0x75: {  	_ =	shalt  }
0x76: {  	_ =	shalt  }
0x77: {  	_ =	shalt  }
0x78: {  	_ =	shalt  }
0x79: {  	_ =	shalt  }
0x7a: {  	_ =	shalt  }
0x7b: {  	_ =	shalt  }
0x7c: {  	_ =	shalt  }
0x7d: {  	_ =	shalt  }
0x7e: {  	_ =	shalt  }
0x7f: {  	_ =	shalt  }
0x80: {  	_ =	shalt  }
0x81: {  	_ =	shalt  }
0x82: {  	_ =	shalt  }
0x83: {  	_ =	shalt  }
0x84: {  	_ =	shalt  }
0x85: {  	_ =	shalt  }
0x86: {  	_ =	shalt  }
0x87: {  	_ =	shalt  }
.Lfunc_end0:
.L_simem_size_0:
called_computation_lowered:
.L_overlay_start_0:
0x88: {  	s2 =	sld [smem:$0x3FD9]  }
0x89: {  	s3 =	sld [smem:$0x3FFE];
	_ =	sdelay $0x1  }
0x8a: {  	s1 =	srdreg.scid  }
0x8b: {  	s0 =	sand.u32 $0x1, s1  }
0x8c: {  	s18 =	sshll.u32 s0, $0xA;
	s2 =	sadd.s32 s3, s2  }
0x8d: {  	s2 =	sadd.s32 s2, s18  }
0x8e: {  	[smem:$0x3FC6] =	sst s2  }
0x8f: {  	_ = 	snop  }
0x90: {  	s2 =	sld [smem:$0x3FC9]  }
0x91: {  	s19 =	sld [smem:$0x3FC8]  }
0x92: {  	s4 =	sld [smem:$0x3FD0];
	(tm) =	ssettm $0x1  }
0x93: {  	s5 =	sld [smem:$0x3FFB];
	_ =	sdelay $0x3  }
0x94: {  	_ =	strace s5  }
0x95: {  	s5 =	sld [smem:$0x3FFC];
	_ =	sdelay $0x3  }
0x96: {  	_ =	strace s5  }
0x97: {  	s5 =	sld [smem:$0x3FFD];
	_ =	sdelay $0x3  }
0x98: {  	_ =	strace s5  }
0x99: {  	_ =	strace $0x8FFFFFFF  }
0x9a: {  	s20 =	sld [smem:$0x3FDB];
	_ =	sdelay $0x1  }
0x9b: {  	s6 =	simm.s32 $_scs_section_size  }
0x9c: {  	s7 =	simm.s32 $_size__tile_overlayer_lowered;
	s8 =	simm.s32 $_tile_overlayer_lowered  }
0x9d: {  	s23 =	simm.s32 $0x1BFF;
	s22 =	sshll.u32 s8, $0x1;
	s5 =	sadd.s32 s6, s20  }
0x9e: {  	s9 =	simm.s32 $0x0;
	s21 =	sshll.u32 s7, $0x1;
	s7 =	sadd.s32 s22, s5  }
0x9f: {  	[timem:s9], [sflag:s23] =	dma.local [hbm:s7], s21  }
0xa0: {  	_ =	swait.ge [sflag:s23], s21  }
0xa1: {  	s6 =	ssub.s32 $0x0, s21;
	[sflag:s23] =	ssyncset.done $0x0  }
0xa2: {  	[sflag:s23] =	ssyncadd.s32 s6;
	_ =	sdelay $0x1  }
0xa3: {  	s24 =	simm.s32 $0x1B8B  }
0xa4: {  	_ =	swait.ge [sflag:s24], $0x1  }
0xa5: {  	[sflag:s24] =	ssyncset.done $0x0  }
0xa6: {  	s25 =	simm.s32 $0x1B8E;
	[sflag:s24] =	ssyncadd.s32 $0xFFFFFFFF  }
0xa7: {  	s26 =	simm.s32 $execute0_lowered;
	[smem:$0x3FD2] =	sst s25  }
0xa8: {  	s6 =	sshll.u32 s26, $0x1;
	_ =	strace $0x80000046;
	[dreg:$0x1] =	wrdreg $0xFFFFFFFF  }
0xa9: {  	s28 =	simm.s32 $_size_execute0_lowered;
	s5 =	sadd.s32 s5, s6;
	[dreg:$0x0] =	wrdreg $0x0  }
0xaa: {  	s6 =	sshll.u32 s28, $0x1;
	[dreg:$0x2] =	wrdreg s5  }
0xab: {  	[dreg:$0x3] =	wrdreg s6  }
0xac: {  	[dreg:$0x4] =	wrdreg $0xC0  }
0xad: {  	_ =	task [dreg:s9], $0x5FFFF  }
0xae: {  	[dreg:$0x1] =	wrdreg $0xFFFFFFFF  }
0xaf: {  	[dreg:$0x0] =	wrdreg $0x60  }
0xb0: {  	[dreg:$0x2] =	wrdreg s2  }
0xb1: {  	[dreg:$0x3] =	wrdreg s19  }
0xb2: {  	[dreg:$0x4] =	wrdreg s4  }
0xb3: {  	[dreg:$0x5] =	wrdreg $0x9  }
0xb4: {  	_ =	task.clear_ibuf [dreg:s9], $0x6FFFF;
	_ =	strace $0x90000046  }
0xb5: {  	s29 =	simm.s32 $0x9;
	_ =	strace $0x80000048  }
0xb6: {  	_ =	swait.ge [sflag:s29], $0x1  }
0xb7: {  	[sflag:s29] =	ssyncadd.s32 $0xFFFFFFFF  }
0xb8: {  	_ =	strace $0x90000048  }
0xb9: {  	_ =	sfence  }
0xba: {  	s30 =	sld [smem:$0x0];
	_ =	sdelay $0x2  }
0xbb: {  	s31 =	sshll.u32 s1, $0xD;
	s1 =	sshrl.u32 s1, $0x2  }
0xbc: {  	s3 =	sand.u32 $0x4000, s31;
	s1 =	sadd.s32 s1, s30  }
0xbd: {  	s0 =	sor.u32 s3, s0;
	s1 =	sshll.u32 s1, $0x11  }
0xbe: {  	s0 =	sor.u32 s1, s0  }
0xbf: {  	s0 =	sadd.s32 $0x8F2B, s0  }
0xc0: {  	[sflag:s0] =	ssyncadd.remote.s32 $0x1  }
0xc1: {  	_ =	sfence.sel $0xFFFF  }
0xc2: {  	[dreg:$0x0] =	wrdreg $0xFFFFFFFF;
	(pc) =	sbr.abs _section_cstart, $3  }
0xc3: {  	[dreg:$0x1] =	wrdreg $0xFFFFFFFF  }
0xc4: {  	_ =	task.clear_ibuf [dreg:s9], $0x2FFFF;
	_ =	strace $0x9FFFFFFF  }
0xc5: {  	(tm) =	ssettm $0x7FFFFFFF  }
tec
execute0_lowered:
.L_overlay_start_1:
0x0: {  	(tag) =	ssettag $0x1  }
0x1: {  	s1 =	rddreg [dreg:$0x0]  }
0x2: {  	s0 =	rddreg [dreg:$0x1]  }
0x3: {  	s2 =	rddreg [dreg:$0x2]  }
0x4: {  	s3 =	srdreg.scid;
	s4 =	simm.s32 $0x0;
	s6 =	stileid.u32  }
0x5: {  	s18 =	simm.s32 $0x2;
	s9 =	simm.s32 $0x7A1400;
	s10 =	simm.s32 $0x400  }
0x6: {  	s19 =	simm.s32 $0x1400;
	s20 =	simm.s32 $0x1C00;
	s21 =	simm.s32 $0x2400  }
0x7: {  	s22 =	simm.s32 $0x2C00;
	s7 =	simm.s32 $0x6400;
	s8 =	simm.s32 $0x6C00  }
0x8: {  	s11 =	simm.s32 $0x7400;
	s12 =	simm.s32 $0x7C00;
	s13 =	simm.s32 $0x8C00  }
0x9: {  	s14 =	simm.s32 $0x9400;
	s28 =	simm.s32 $0xA400;
	s29 =	simm.s32 $0xAC00  }
0xa: {  	s30 =	simm.s32 $0xB400;
	s31 =	simm.s32 $0xBC00;
	s15 =	simm.s32 $0x1  }
0xb: {  	s17 =	simm.s32 $0x0;
	s3 =	sand.u32 $0x1, s3;
	[smem:$0x7FF] =	sst s4  }
0xc: {  	v0 =	vlaneseq.u32;
	s24 =	sshll.u32 s6, $0xA;
	s6 =	sshll.u32 s6, $0x7;
	s23 =	ssub.s32 $0x2, s3  }
0xd: {  	v0 =	vmul.u32 $0x800, v0;
	_ =	strace $0x80000047;
	s0 =	sadd.s32 s0, s6;
	s25 =	sshll.u32 s3, $0xF  }
0xe: {  	s2 =	sadd.s32 s2, s24;
	s24 =	simm.s32 $0xC00;
	s6 =	simm.s32 $0x5C00  }
0xf: {  	s5 =	sshrl.u32 s23, $0x1;
	[dreg:$0x4] =	wrdreg s0;
	s0 =	sadd.s32 s25, s2;
	v1 =	vor.u32 $0x80, v0;
	v2 =	vor.u32 $0x100, v0;
	v3 =	vor.u32 $0x180, v0  }
0x10: {  	s2 =	simm.s32 $0x4C00;
	s25 =	simm.s32 $0x9C00;
	v4 =	vor.u32 $0x200, v0;
	v5 =	vor.u32 $0x280, v0;
	v6 =	vor.u32 $0x300, v0;
	s4 =	ssub.s32 s23, s5  }
0x11: {  	v7 =	vor.u32 $0x380, v0;
	v8 =	vor.u32 $0x400, v0;
	v9 =	vor.u32 $0x480, v0;
	s5 =	smul.u32 $0xF42800, s3;
	[dreg:$0x5] =	wrdreg s0;
	s23 =	simm.s32 $0x3400  }
0x12: {  	v10 =	vor.u32 $0x500, v0;
	v11 =	vor.u32 $0x580, v0;
	v12 =	vor.u32 $0x600, v0;
	s0 =	simm.s32 $0x3C00;
	s3 =	simm.s32 $0x4400;
	s26 =	smax.u32 s4, $0x1  }
0x13: {  	v13 =	vor.u32 $0x680, v0;
	v14 =	vor.u32 $0x700, v0;
	v15 =	vor.u32 $0x780, v0;
	s4 =	simm.s32 $0x5400;
	[dreg:$0x6] =	wrdreg s26;
	s26 =	simm.s32 $0x8400  }
.LBB2_1:
0x14: {  	[dreg:$0x7] =	wrdreg s17  }
0x15: {  	s16 =	simm.s32 $0x0;
	s17 =	rddreg [dreg:$0x4]  }
0x16: {  	[tilespmem:s16], [sflag:$0x2] =	stream.linear.gather [hbm4b:s17+s16], $0x400, $0x38;
	[tilespmem:$0x14400] =	vst v63  }
0x17: {  	_ =	swait.ge [sflag:s18], $0x400  }
0x18: {  	[sflag:s18] =	ssyncset.done $0x0  }
0x19: {  	[sflag:s18] =	ssyncadd.s32 $0xFFFFFC00  }
0x1a: {  	v16 =	vld [tilespmem:$0x0];
	_ =	sdelay $0x4  }
0x1b: {  	v16 =	vshll.u32 v16, $0x3  }
0x1c: {  	(v2sf) =	vpush v16, $0x0;
	_ =	sdelay $0x3  }
0x1d: {  	(v2sf) =	vpush v16, $0x1;
	_ =	sdelay $0x4  }
0x1e: {  	(v2sf) =	vpush v16, $0x2;
	_ =	sdelay $0x5  }
0x1f: {  	s18 =	spop (v2sf)  }
0x20: {  	(v2sf) =	vpush v16, $0x3;
	s16 =	sand.u32 $0x7FFFFC00, s18  }
0x21: {  	s16 =	sadd.s32 s5, s16  }
0x22: {  	s16 =	sshrl.u32 s16, $0x3  }
0x23: {  	s17 =	spop (v2sf);
	s16 =	sadd.s32 s1, s16  }
0x24: {  	[tilespmem:s10], [sflag:$0x1] =	stream.strided.gather [hbm4b:s16+s10], $0x800, s9, s10, $0x38;
	[tilespmem:$0x14400] =	vst v63  }
0x25: {  	s16 =	sand.u32 $0x7FFFFC00, s17  }
0x26: {  	(v2sf) =	vpush v16, $0x4;
	s16 =	sadd.s32 s5, s16  }
0x27: {  	s16 =	sshrl.u32 s16, $0x3  }
0x28: {  	s18 =	spop (v2sf);
	s16 =	sadd.s32 s1, s16  }
0x29: {  	[tilespmem:s24], [sflag:$0x1] =	stream.strided.gather [hbm4b:s16+s10], $0x800, s9, s10, $0x38;
	[tilespmem:$0x14400] =	vst v63  }
0x2a: {  	s16 =	sand.u32 $0x7FFFFC00, s18  }
0x2b: {  	s16 =	sadd.s32 s5, s16  }
0x2c: {  	(v2sf) =	vpush v16, $0x5;
	s16 =	sshrl.u32 s16, $0x3  }
0x2d: {  	s16 =	sadd.s32 s1, s16  }
0x2e: {  	[tilespmem:s19], [sflag:$0x1] =	stream.strided.gather [hbm4b:s16+s10], $0x800, s9, s10, $0x38;
	[tilespmem:$0x14400] =	vst v63  }
0x2f: {  	s19 =	spop (v2sf)  }
0x30: {  	s16 =	sand.u32 $0x7FFFFC00, s19  }
0x31: {  	s16 =	sadd.s32 s5, s16  }
0x32: {  	(v2sf) =	vpush v16, $0x6;
	s16 =	sshrl.u32 s16, $0x3  }
0x33: {  	s16 =	sadd.s32 s1, s16  }
0x34: {  	[tilespmem:s20], [sflag:$0x1] =	stream.strided.gather [hbm4b:s16+s10], $0x800, s9, s10, $0x38;
	[tilespmem:$0x14400] =	vst v63  }
0x35: {  	s20 =	spop (v2sf)  }
0x36: {  	s16 =	sand.u32 $0x7FFFFC00, s20  }
0x37: {  	s16 =	sadd.s32 s5, s16  }
0x38: {  	(v2sf) =	vpush v16, $0x7;
	s16 =	sshrl.u32 s16, $0x3  }
0x39: {  	s16 =	sadd.s32 s1, s16  }
0x3a: {  	[tilespmem:s21], [sflag:$0x1] =	stream.strided.gather [hbm4b:s16+s10], $0x800, s9, s10, $0x38;
	[tilespmem:$0x14400] =	vst v63  }
0x3b: {  	s21 =	spop (v2sf)  }
0x3c: {  	s16 =	sand.u32 $0x7FFFFC00, s21  }
0x3d: {  	s16 =	sadd.s32 s5, s16  }
0x3e: {  	(v2sf) =	vpush v16, $0x8;
	s16 =	sshrl.u32 s16, $0x3  }
0x3f: {  	s16 =	sadd.s32 s1, s16  }
0x40: {  	[tilespmem:s22], [sflag:$0x1] =	stream.strided.gather [hbm4b:s16+s10], $0x800, s9, s10, $0x38;
	[tilespmem:$0x14400] =	vst v63  }
0x41: {  	s22 =	spop (v2sf)  }
0x42: {  	s16 =	sand.u32 $0x7FFFFC00, s22  }
0x43: {  	s16 =	sadd.s32 s5, s16  }
0x44: {  	(v2sf) =	vpush v16, $0x9;
	s16 =	sshrl.u32 s16, $0x3  }
0x45: {  	s16 =	sadd.s32 s1, s16  }
0x46: {  	[tilespmem:s23], [sflag:$0x1] =	stream.strided.gather [hbm4b:s16+s10], $0x800, s9, s10, $0x38;
	[tilespmem:$0x14400] =	vst v63  }
0x47: {  	s23 =	spop (v2sf)  }
0x48: {  	s16 =	sand.u32 $0x7FFFFC00, s23  }
0x49: {  	s16 =	sadd.s32 s5, s16  }
0x4a: {  	(v2sf) =	vpush v16, $0xA;
	s16 =	sshrl.u32 s16, $0x3  }
0x4b: {  	s16 =	sadd.s32 s1, s16  }
0x4c: {  	[tilespmem:s0], [sflag:$0x1] =	stream.strided.gather [hbm4b:s16+s10], $0x800, s9, s10, $0x38;
	[tilespmem:$0x14400] =	vst v63  }
0x4d: {  	s24 =	spop (v2sf)  }
0x4e: {  	s16 =	sand.u32 $0x7FFFFC00, s24  }
0x4f: {  	s16 =	sadd.s32 s5, s16  }
0x50: {  	(v2sf) =	vpush v16, $0xB;
	s16 =	sshrl.u32 s16, $0x3  }
0x51: {  	s16 =	sadd.s32 s1, s16  }
0x52: {  	[tilespmem:s3], [sflag:$0x1] =	stream.strided.gather [hbm4b:s16+s10], $0x800, s9, s10, $0x38;
	[tilespmem:$0x14400] =	vst v63  }
0x53: {  	s0 =	spop (v2sf)  }
0x54: {  	s16 =	sand.u32 $0x7FFFFC00, s0  }
0x55: {  	s16 =	sadd.s32 s5, s16  }
0x56: {  	(v2sf) =	vpush v16, $0xC;
	s16 =	sshrl.u32 s16, $0x3  }
0x57: {  	s16 =	sadd.s32 s1, s16  }
0x58: {  	[tilespmem:s2], [sflag:$0x1] =	stream.strided.gather [hbm4b:s16+s10], $0x800, s9, s10, $0x38;
	[tilespmem:$0x14400] =	vst v63  }
0x59: {  	s3 =	spop (v2sf)  }
0x5a: {  	s16 =	sand.u32 $0x7FFFFC00, s3  }
0x5b: {  	s16 =	sadd.s32 s5, s16  }
0x5c: {  	(v2sf) =	vpush v16, $0xD;
	s16 =	sshrl.u32 s16, $0x3  }
0x5d: {  	s16 =	sadd.s32 s1, s16  }
0x5e: {  	[tilespmem:s4], [sflag:$0x1] =	stream.strided.gather [hbm4b:s16+s10], $0x800, s9, s10, $0x38;
	[tilespmem:$0x14400] =	vst v63  }
0x5f: {  	s4 =	spop (v2sf)  }
0x60: {  	s16 =	sand.u32 $0x7FFFFC00, s4  }
0x61: {  	s16 =	sadd.s32 s5, s16  }
0x62: {  	(v2sf) =	vpush v16, $0xE;
	s16 =	sshrl.u32 s16, $0x3  }
0x63: {  	s16 =	sadd.s32 s1, s16  }
0x64: {  	[tilespmem:s6], [sflag:$0x1] =	stream.strided.gather [hbm4b:s16+s10], $0x800, s9, s10, $0x38;
	[tilespmem:$0x14400] =	vst v63  }
0x65: {  	s17 =	spop (v2sf)  }
0x66: {  	s16 =	sand.u32 $0x7FFFFC00, s17  }
0x67: {  	s16 =	sadd.s32 s5, s16  }
0x68: {  	(v2sf) =	vpush v16, $0xF;
	s16 =	sshrl.u32 s16, $0x3  }
0x69: {  	s16 =	sadd.s32 s1, s16  }
0x6a: {  	[tilespmem:s7], [sflag:$0x1] =	stream.strided.gather [hbm4b:s16+s10], $0x800, s9, s10, $0x38;
	[tilespmem:$0x14400] =	vst v63  }
0x6b: {  	s18 =	spop (v2sf)  }
0x6c: {  	s16 =	sand.u32 $0x7FFFFC00, s18  }
0x6d: {  	s16 =	sadd.s32 s5, s16  }
0x6e: {  	s16 =	sshrl.u32 s16, $0x3  }
0x6f: {  	s16 =	sadd.s32 s1, s16  }
0x70: {  	[tilespmem:s8], [sflag:$0x1] =	stream.strided.gather [hbm4b:s16+s10], $0x800, s9, s10, $0x38;
	[tilespmem:$0x14400] =	vst v63  }
0x71: {  	s19 =	spop (v2sf)  }
0x72: {  	s16 =	sand.u32 $0x7FFFFC00, s19  }
0x73: {  	s16 =	sadd.s32 s5, s16  }
0x74: {  	s16 =	sshrl.u32 s16, $0x3  }
0x75: {  	s16 =	sadd.s32 s1, s16  }
0x76: {  	[tilespmem:s11], [sflag:$0x1] =	stream.strided.gather [hbm4b:s16+s10], $0x800, s9, s10, $0x38;
	[tilespmem:$0x14400] =	vst v63  }
0x77: {  	s20 =	spop (v2sf)  }
0x78: {  	s16 =	sand.u32 $0x7FFFFC00, s20  }
0x79: {  	s16 =	sadd.s32 s5, s16  }
0x7a: {  	s16 =	sshrl.u32 s16, $0x3  }
0x7b: {  	s16 =	sadd.s32 s1, s16  }
0x7c: {  	[tilespmem:s12], [sflag:$0x1] =	stream.strided.gather [hbm4b:s16+s10], $0x800, s9, s10, $0x38;
	[tilespmem:$0x14400] =	vst v63  }
0x7d: {  	v16 =	vld [tilespmem:$0x10];
	_ =	sdelay $0x4  }
0x7e: {  	v16 =	vshll.u32 v16, $0x3  }
0x7f: {  	(v2sf) =	vpush v16, $0x0;
	_ =	sdelay $0x3  }
0x80: {  	(v2sf) =	vpush v16, $0x1;
	_ =	sdelay $0x3  }
0x81: {  	(v2sf) =	vpush v16, $0x2;
	_ =	sdelay $0x6  }
0x82: {  	s21 =	spop (v2sf);
	(v2sf) =	vpush v16, $0x3;
	_ =	sdelay $0x1  }
0x83: {  	s16 =	sand.u32 $0x7FFFFC00, s21  }
0x84: {  	s16 =	sadd.s32 s5, s16  }
0x85: {  	s22 =	spop (v2sf);
	(v2sf) =	vpush v16, $0x4;
	s16 =	sshrl.u32 s16, $0x3  }
0x86: {  	s16 =	sadd.s32 s1, s16  }
0x87: {  	[tilespmem:s26], [sflag:$0x1] =	stream.strided.gather [hbm4b:s16+s10], $0x800, s9, s10, $0x38;
	[tilespmem:$0x14400] =	vst v63  }
0x88: {  	s16 =	sand.u32 $0x7FFFFC00, s22  }
0x89: {  	s23 =	spop (v2sf);
	(v2sf) =	vpush v16, $0x5;
	s16 =	sadd.s32 s5, s16  }
0x8a: {  	s16 =	sshrl.u32 s16, $0x3  }
0x8b: {  	s16 =	sadd.s32 s1, s16  }
0x8c: {  	[tilespmem:s13], [sflag:$0x1] =	stream.strided.gather [hbm4b:s16+s10], $0x800, s9, s10, $0x38;
	[tilespmem:$0x14400] =	vst v63  }
0x8d: {  	s16 =	sand.u32 $0x7FFFFC00, s23  }
0x8e: {  	s16 =	sadd.s32 s5, s16  }
0x8f: {  	s16 =	sshrl.u32 s16, $0x3  }
0x90: {  	s16 =	sadd.s32 s1, s16;
	s24 =	spop (v2sf);
	(v2sf) =	vpush v16, $0x6  }
0x91: {  	[tilespmem:s14], [sflag:$0x1] =	stream.strided.gather [hbm4b:s16+s10], $0x800, s9, s10, $0x38;
	[tilespmem:$0x14400] =	vst v63  }
0x92: {  	s16 =	sand.u32 $0x7FFFFC00, s24  }
0x93: {  	s16 =	sadd.s32 s5, s16  }
0x94: {  	s0 =	spop (v2sf);
	(v2sf) =	vpush v16, $0x7;
	s16 =	sshrl.u32 s16, $0x3  }
0x95: {  	s16 =	sadd.s32 s1, s16  }
0x96: {  	[tilespmem:s25], [sflag:$0x1] =	stream.strided.gather [hbm4b:s16+s10], $0x800, s9, s10, $0x38;
	[tilespmem:$0x14400] =	vst v63  }
0x97: {  	s16 =	sand.u32 $0x7FFFFC00, s0  }
0x98: {  	s2 =	spop (v2sf);
	(v2sf) =	vpush v16, $0x8;
	s16 =	sadd.s32 s5, s16  }
0x99: {  	s16 =	sshrl.u32 s16, $0x3  }
0x9a: {  	s16 =	sadd.s32 s1, s16  }
0x9b: {  	[tilespmem:s28], [sflag:$0x1] =	stream.strided.gather [hbm4b:s16+s10], $0x800, s9, s10, $0x38;
	[tilespmem:$0x14400] =	vst v63  }
0x9c: {  	s16 =	sand.u32 $0x7FFFFC00, s2  }
0x9d: {  	s16 =	sadd.s32 s5, s16  }
0x9e: {  	s16 =	sshrl.u32 s16, $0x3  }
0x9f: {  	s16 =	sadd.s32 s1, s16;
	s3 =	spop (v2sf);
	(v2sf) =	vpush v16, $0x9  }
0xa0: {  	[tilespmem:s29], [sflag:$0x1] =	stream.strided.gather [hbm4b:s16+s10], $0x800, s9, s10, $0x38;
	[tilespmem:$0x14400] =	vst v63  }
0xa1: {  	s16 =	sand.u32 $0x7FFFFC00, s3  }
0xa2: {  	s16 =	sadd.s32 s5, s16  }
0xa3: {  	s4 =	spop (v2sf);
	(v2sf) =	vpush v16, $0xA;
	s16 =	sshrl.u32 s16, $0x3  }
0xa4: {  	s16 =	sadd.s32 s1, s16  }
0xa5: {  	[tilespmem:s30], [sflag:$0x1] =	stream.strided.gather [hbm4b:s16+s10], $0x800, s9, s10, $0x38;
	[tilespmem:$0x14400] =	vst v63  }
0xa6: {  	s16 =	sand.u32 $0x7FFFFC00, s4  }
0xa7: {  	s6 =	spop (v2sf);
	(v2sf) =	vpush v16, $0xB;
	s16 =	sadd.s32 s5, s16  }
0xa8: {  	s16 =	sshrl.u32 s16, $0x3  }
0xa9: {  	s16 =	sadd.s32 s1, s16  }
0xaa: {  	[tilespmem:s31], [sflag:$0x1] =	stream.strided.gather [hbm4b:s16+s10], $0x800, s9, s10, $0x38;
	[tilespmem:$0x14400] =	vst v63  }
0xab: {  	s16 =	sand.u32 $0x7FFFFC00, s6  }
0xac: {  	s16 =	sadd.s32 s5, s16  }
0xad: {  	s16 =	sshrl.u32 s16, $0x3  }
0xae: {  	s7 =	simm.s32 $0xC400;
	s16 =	sadd.s32 s1, s16;
	s8 =	spop (v2sf);
	(v2sf) =	vpush v16, $0xC  }
0xaf: {  	[tilespmem:s7], [sflag:$0x1] =	stream.strided.gather [hbm4b:s16+s10], $0x800, s9, s10, $0x38;
	[tilespmem:$0x14400] =	vst v63  }
0xb0: {  	s16 =	sand.u32 $0x7FFFFC00, s8  }
0xb1: {  	s16 =	sadd.s32 s5, s16  }
0xb2: {  	s12 =	spop (v2sf);
	(v2sf) =	vpush v16, $0xD;
	s16 =	sshrl.u32 s16, $0x3  }
0xb3: {  	s11 =	simm.s32 $0xCC00;
	s16 =	sadd.s32 s1, s16  }
0xb4: {  	[tilespmem:s11], [sflag:$0x1] =	stream.strided.gather [hbm4b:s16+s10], $0x800, s9, s10, $0x38;
	[tilespmem:$0x14400] =	vst v63  }
0xb5: {  	s16 =	sand.u32 $0x7FFFFC00, s12  }
0xb6: {  	s14 =	spop (v2sf);
	(v2sf) =	vpush v16, $0xE;
	s16 =	sadd.s32 s5, s16  }
0xb7: {  	s16 =	sshrl.u32 s16, $0x3  }
0xb8: {  	s13 =	simm.s32 $0xD400;
	s16 =	sadd.s32 s1, s16  }
0xb9: {  	[tilespmem:s13], [sflag:$0x1] =	stream.strided.gather [hbm4b:s16+s10], $0x800, s9, s10, $0x38;
	[tilespmem:$0x14400] =	vst v63  }
0xba: {  	s16 =	sand.u32 $0x7FFFFC00, s14  }
0xbb: {  	s16 =	sadd.s32 s5, s16  }
0xbc: {  	s16 =	sshrl.u32 s16, $0x3  }
0xbd: {  	s17 =	simm.s32 $0xDC00;
	s16 =	sadd.s32 s1, s16;
	s18 =	spop (v2sf);
	(v2sf) =	vpush v16, $0xF  }
0xbe: {  	[tilespmem:s17], [sflag:$0x1] =	stream.strided.gather [hbm4b:s16+s10], $0x800, s9, s10, $0x38;
	[tilespmem:$0x14400] =	vst v63  }
0xbf: {  	s16 =	sand.u32 $0x7FFFFC00, s18  }
0xc0: {  	s16 =	sadd.s32 s5, s16  }
0xc1: {  	s19 =	spop (v2sf);
	s16 =	sshrl.u32 s16, $0x3  }
0xc2: {  	s20 =	simm.s32 $0xE400;
	s21 =	sand.u32 $0x7FFFFC00, s19;
	s16 =	sadd.s32 s1, s16  }
0xc3: {  	[tilespmem:s20], [sflag:$0x1] =	stream.strided.gather [hbm4b:s16+s10], $0x800, s9, s10, $0x38;
	[tilespmem:$0x14400] =	vst v63  }
0xc4: {  	s23 =	simm.s32 $0xEC00;
	s0 =	simm.s32 $0x9C00;
	s16 =	sadd.s32 s5, s21  }
0xc5: {  	s28 =	simm.s32 $0xF400;
	s22 =	spop (v2sf);
	s16 =	sshrl.u32 s16, $0x3  }
0xc6: {  	s2 =	simm.s32 $0xB400;
	s24 =	sand.u32 $0x7FFFFC00, s22;
	s16 =	sadd.s32 s1, s16  }
0xc7: {  	[tilespmem:s23], [sflag:$0x1] =	stream.strided.gather [hbm4b:s16+s10], $0x800, s9, s10, $0x38;
	[tilespmem:$0x14400] =	vst v63  }
0xc8: {  	s29 =	simm.s32 $0x2400;
	s3 =	simm.s32 $0xAC00;
	s16 =	sadd.s32 s5, s24  }
0xc9: {  	s30 =	simm.s32 $0x2C00;
	s4 =	simm.s32 $0xBC00;
	s16 =	sshrl.u32 s16, $0x3  }
0xca: {  	s6 =	simm.s32 $0xFC00;
	s31 =	simm.s32 $0x3400;
	s16 =	sadd.s32 s1, s16  }
0xcb: {  	[tilespmem:s28], [sflag:$0x1] =	stream.strided.gather [hbm4b:s16+s10], $0x800, s9, s10, $0x38;
	[tilespmem:$0x14400] =	vst v63  }
0xcc: {  	s7 =	simm.s32 $0x6400;
	s8 =	simm.s32 $0x6C00;
	s25 =	spop (v2sf)  }
0xcd: {  	s11 =	simm.s32 $0x7400;
	s12 =	simm.s32 $0x7C00;
	s16 =	sand.u32 $0x7FFFFC00, s25  }
0xce: {  	s13 =	simm.s32 $0x8C00;
	s14 =	simm.s32 $0x9400;
	s16 =	sadd.s32 s5, s16  }
0xcf: {  	s17 =	simm.s32 $0x20;
	s18 =	simm.s32 $0x90;
	s16 =	sshrl.u32 s16, $0x3  }
0xd0: {  	s19 =	simm.s32 $0x0;
	s20 =	simm.s32 $0x0;
	s16 =	sadd.s32 s1, s16  }
0xd1: {  	[tilespmem:s6], [sflag:$0x1] =	stream.strided.gather [hbm4b:s16+s10], $0x800, s9, s10, $0x38;
	[tilespmem:$0x14400] =	vst v63  }
0xd2: {  	s21 =	simm.s32 $0x0;
	s25 =	simm.s32 $0xA400;
	s16 =	simm.s32 $0x10  }
.LBB2_2:
0xd3: {  	_ =	swait.ge [sflag:s15], $0x800  }
0xd4: {  	[sflag:s15] =	ssyncset.done $0x0  }
0xd5: {  	[sflag:s15] =	ssyncadd.s32 $0xFFFFF800  }
0xd6: {  	_ =	swait.ge [sflag:s15], $0x800  }
0xd7: {  	[sflag:s15] =	ssyncset.done $0x0  }
0xd8: {  	[sflag:s15] =	ssyncadd.s32 $0xFFFFF800  }
0xd9: {  	_ =	swait.ge [sflag:s15], $0x800  }
0xda: {  	[sflag:s15] =	ssyncset.done $0x0  }
0xdb: {  	[sflag:s15] =	ssyncadd.s32 $0xFFFFF800  }
0xdc: {  	_ =	swait.ge [sflag:s15], $0x800  }
0xdd: {  	[sflag:s15] =	ssyncset.done $0x0  }
0xde: {  	[sflag:s15] =	ssyncadd.s32 $0xFFFFF800  }
0xdf: {  	_ =	swait.ge [sflag:s15], $0x800  }
0xe0: {  	[sflag:s15] =	ssyncset.done $0x0  }
0xe1: {  	[sflag:s15] =	ssyncadd.s32 $0xFFFFF800  }
0xe2: {  	_ =	swait.ge [sflag:s15], $0x800  }
0xe3: {  	[sflag:s15] =	ssyncset.done $0x0  }
0xe4: {  	[sflag:s15] =	ssyncadd.s32 $0xFFFFF800  }
0xe5: {  	_ =	swait.ge [sflag:s15], $0x800  }
0xe6: {  	[sflag:s15] =	ssyncset.done $0x0  }
0xe7: {  	[sflag:s15] =	ssyncadd.s32 $0xFFFFF800  }
0xe8: {  	_ =	swait.ge [sflag:s15], $0x800  }
0xe9: {  	[sflag:s15] =	ssyncset.done $0x0  }
0xea: {  	[sflag:s15] =	ssyncadd.s32 $0xFFFFF800  }
0xeb: {  	_ =	swait.ge [sflag:s15], $0x800  }
0xec: {  	[sflag:s15] =	ssyncset.done $0x0  }
0xed: {  	[sflag:s15] =	ssyncadd.s32 $0xFFFFF800  }
0xee: {  	_ =	swait.ge [sflag:s15], $0x800  }
0xef: {  	[sflag:s15] =	ssyncset.done $0x0  }
0xf0: {  	[sflag:s15] =	ssyncadd.s32 $0xFFFFF800  }
0xf1: {  	_ =	swait.ge [sflag:s15], $0x800  }
0xf2: {  	[sflag:s15] =	ssyncset.done $0x0  }
0xf3: {  	[sflag:s15] =	ssyncadd.s32 $0xFFFFF800  }
0xf4: {  	_ =	swait.ge [sflag:s15], $0x800  }
0xf5: {  	[sflag:s15] =	ssyncset.done $0x0  }
0xf6: {  	[sflag:s15] =	ssyncadd.s32 $0xFFFFF800  }
0xf7: {  	_ =	swait.ge [sflag:s15], $0x800  }
0xf8: {  	[sflag:s15] =	ssyncset.done $0x0  }
0xf9: {  	[sflag:s15] =	ssyncadd.s32 $0xFFFFF800  }
0xfa: {  	_ =	swait.ge [sflag:s15], $0x800  }
0xfb: {  	[sflag:s15] =	ssyncset.done $0x0  }
0xfc: {  	[sflag:s15] =	ssyncadd.s32 $0xFFFFF800  }
0xfd: {  	_ =	swait.ge [sflag:s15], $0x800  }
0xfe: {  	[sflag:s15] =	ssyncset.done $0x0  }
0xff: {  	[sflag:s15] =	ssyncadd.s32 $0xFFFFF800  }
0x100: {  	_ =	swait.ge [sflag:s15], $0x800  }
0x101: {  	[sflag:s15] =	ssyncset.done $0x0  }
0x102: {  	[sflag:s15] =	ssyncadd.s32 $0xFFFFF800  }
0x103: {  	v16 =	vld [tilespmem:s17+$0xFFFFFFE0];
	_ =	sdelay $0x4  }
0x104: {  	v16 =	vand.u32 $0x7F, v16  }
0x105: {  	v17 =	vor.u32 v0, v16;
	_ =	sdelay $0x4  }
0x106: {  	v17 =	vld.idx.msk [tilespmem:v17+s10+$0x0], $0xffff  }
0x107: {  	v18 =	vor.u32 v1, v16  }
0x108: {  	s22 =	sadd.s32 $0xFFFFFFF0, s16  }
0x109: {  	s23 =	sand.u32 $0xFFFFFC00, s20;
	s22 =	sand.u32 $0x60, s22  }
0x10a: {  	s22 =	sor.u32 s22, s23  }
0x10b: {  	[tilespmem:s22+$0x10400] =	vst v17  }
0x10c: {  	v17 =	vld.idx.msk [tilespmem:v18+s10+$0x0], $0xffff  }
0x10d: {  	v37 =	vor.u32 v2, v16;
	_ =	sdelay $0x2  }
0x10e: {  	s23 =	sadd.s32 $0x10400, s22  }
0x10f: {  	[tilespmem:s23+$0x80] =	vst v17  }
0x110: {  	v17 =	vld.idx.msk [tilespmem:v37+s10+$0x0], $0xffff  }
0x111: {  	v38 =	vor.u32 v3, v16;
	_ =	sdelay $0x3  }
0x112: {  	[tilespmem:s23+$0x100] =	vst v17  }
0x113: {  	v17 =	vld.idx.msk [tilespmem:v38+s10+$0x0], $0xffff  }
0x114: {  	v39 =	vor.u32 v4, v16;
	_ =	sdelay $0x3  }
0x115: {  	[tilespmem:s23+$0x180] =	vst v17  }
0x116: {  	v17 =	vld.idx.msk [tilespmem:v39+s10+$0x0], $0xffff  }
0x117: {  	v40 =	vor.u32 v5, v16;
	_ =	sdelay $0x3  }
0x118: {  	[tilespmem:s23+$0x200] =	vst v17  }
0x119: {  	v17 =	vld.idx.msk [tilespmem:v40+s10+$0x0], $0xffff  }
0x11a: {  	v41 =	vor.u32 v6, v16;
	_ =	sdelay $0x3  }
0x11b: {  	[tilespmem:s23+$0x280] =	vst v17  }
0x11c: {  	v17 =	vld.idx.msk [tilespmem:v41+s10+$0x0], $0xffff  }
0x11d: {  	s24 =	sand.u32 $0x3, s19;
	v42 =	vor.u32 v7, v16  }
0x11e: {  	s23 =	sshll.u32 s24, $0x5  }
0x11f: {  	s23 =	sadd.s32 s23, s20  }
0x120: {  	s24 =	sor.u32 $0x300, s23  }
0x121: {  	[tilespmem:s24+$0x10400] =	vst v17  }
0x122: {  	v17 =	vld.idx.msk [tilespmem:v42+s10+$0x0], $0xffff  }
0x123: {  	v43 =	vor.u32 v8, v16;
	_ =	sdelay $0x2  }
0x124: {  	s23 =	sor.u32 $0x380, s23  }
0x125: {  	[tilespmem:s23+$0x10400] =	vst v17  }
0x126: {  	v17 =	vld.idx.msk [tilespmem:v43+s10+$0x0], $0xffff  }
0x127: {  	v44 =	vor.u32 v9, v16;
	_ =	sdelay $0x3  }
0x128: {  	[tilespmem:s22+$0x12400] =	vst v17  }
0x129: {  	v17 =	vld.idx.msk [tilespmem:v44+s10+$0x0], $0xffff  }
0x12a: {  	v45 =	vor.u32 v10, v16;
	_ =	sdelay $0x3  }
0x12b: {  	[tilespmem:s22+$0x12480] =	vst v17  }
0x12c: {  	v17 =	vld.idx.msk [tilespmem:v45+s10+$0x0], $0xffff  }
0x12d: {  	v46 =	vor.u32 v11, v16;
	_ =	sdelay $0x3  }
0x12e: {  	[tilespmem:s22+$0x12500] =	vst v17  }
0x12f: {  	v17 =	vld.idx.msk [tilespmem:v46+s10+$0x0], $0xffff  }
0x130: {  	v47 =	vor.u32 v12, v16;
	_ =	sdelay $0x3  }
0x131: {  	[tilespmem:s22+$0x12580] =	vst v17  }
0x132: {  	v17 =	vld.idx.msk [tilespmem:v47+s10+$0x0], $0xffff  }
0x133: {  	v48 =	vor.u32 v13, v16;
	_ =	sdelay $0x3  }
0x134: {  	[tilespmem:s22+$0x12600] =	vst v17  }
0x135: {  	v17 =	vld.idx.msk [tilespmem:v48+s10+$0x0], $0xffff  }
0x136: {  	v49 =	vor.u32 v14, v16;
	_ =	sdelay $0x3  }
0x137: {  	[tilespmem:s22+$0x12680] =	vst v17  }
0x138: {  	v17 =	vld.idx.msk [tilespmem:v49+s10+$0x0], $0xffff  }
0x139: {  	v16 =	vor.u32 v15, v16;
	_ =	sdelay $0x3  }
0x13a: {  	[tilespmem:s22+$0x12700] =	vst v17  }
0x13b: {  	v16 =	vld.idx.msk [tilespmem:v16+s10+$0x0], $0xffff;
	_ =	sdelay $0x4  }
0x13c: {  	[tilespmem:s22+$0x12780] =	vst v16  }
0x13d: {  	v16 =	vld [tilespmem:s17+$0x0];
	_ =	sdelay $0x4  }
0x13e: {  	v16 =	vshll.u32 v16, $0x3  }
0x13f: {  	(v2sf) =	vpush v16, $0x0;
	_ =	sdelay $0x3  }
0x140: {  	(v2sf) =	vpush v16, $0x1;
	_ =	sdelay $0x4  }
0x141: {  	(v2sf) =	vpush v16, $0x2;
	_ =	sdelay $0x5  }
0x142: {  	s23 =	spop (v2sf)  }
0x143: {  	(v2sf) =	vpush v16, $0x3;
	s22 =	sand.u32 $0x7FFFFC00, s23  }
0x144: {  	s22 =	sadd.s32 s5, s22  }
0x145: {  	s22 =	sshrl.u32 s22, $0x3  }
0x146: {  	s23 =	spop (v2sf);
	s22 =	sadd.s32 s1, s22  }
0x147: {  	[tilespmem:s10], [sflag:$0x1] =	stream.strided.gather [hbm4b:s22+s10], $0x800, s9, s10, $0x38;
	[tilespmem:$0x14400] =	vst v63  }
0x148: {  	s22 =	sand.u32 $0x7FFFFC00, s23  }
0x149: {  	(v2sf) =	vpush v16, $0x4;
	s22 =	sadd.s32 s5, s22  }
0x14a: {  	s22 =	sshrl.u32 s22, $0x3  }
0x14b: {  	s24 =	simm.s32 $0xC00;
	s23 =	spop (v2sf);
	s22 =	sadd.s32 s1, s22  }
0x14c: {  	[tilespmem:s24], [sflag:$0x1] =	stream.strided.gather [hbm4b:s22+s10], $0x800, s9, s10, $0x38;
	[tilespmem:$0x14400] =	vst v63  }
0x14d: {  	(v2sf) =	vpush v16, $0x5;
	s22 =	sand.u32 $0x7FFFFC00, s23  }
0x14e: {  	s22 =	sadd.s32 s5, s22  }
0x14f: {  	s22 =	sshrl.u32 s22, $0x3  }
0x150: {  	s23 =	simm.s32 $0x1400;
	s22 =	sadd.s32 s1, s22  }
0x151: {  	[tilespmem:s23], [sflag:$0x1] =	stream.strided.gather [hbm4b:s22+s10], $0x800, s9, s10, $0x38;
	[tilespmem:$0x14400] =	vst v63  }
0x152: {  	s23 =	spop (v2sf)  }
0x153: {  	s22 =	sand.u32 $0x7FFFFC00, s23  }
0x154: {  	(v2sf) =	vpush v16, $0x6;
	s22 =	sadd.s32 s5, s22  }
0x155: {  	s22 =	sshrl.u32 s22, $0x3  }
0x156: {  	s23 =	simm.s32 $0x1C00;
	s22 =	sadd.s32 s1, s22  }
0x157: {  	[tilespmem:s23], [sflag:$0x1] =	stream.strided.gather [hbm4b:s22+s10], $0x800, s9, s10, $0x38;
	[tilespmem:$0x14400] =	vst v63  }
0x158: {  	s23 =	spop (v2sf)  }
0x159: {  	s22 =	sand.u32 $0x7FFFFC00, s23  }
0x15a: {  	(v2sf) =	vpush v16, $0x7;
	s22 =	sadd.s32 s5, s22  }
0x15b: {  	s22 =	sshrl.u32 s22, $0x3  }
0x15c: {  	s23 =	spop (v2sf);
	s22 =	sadd.s32 s1, s22  }
0x15d: {  	[tilespmem:s29], [sflag:$0x1] =	stream.strided.gather [hbm4b:s22+s10], $0x800, s9, s10, $0x38;
	[tilespmem:$0x14400] =	vst v63  }
0x15e: {  	s22 =	sand.u32 $0x7FFFFC00, s23  }
0x15f: {  	s22 =	sadd.s32 s5, s22  }
0x160: {  	(v2sf) =	vpush v16, $0x8;
	s22 =	sshrl.u32 s22, $0x3  }
0x161: {  	s22 =	sadd.s32 s1, s22  }
0x162: {  	[tilespmem:s30], [sflag:$0x1] =	stream.strided.gather [hbm4b:s22+s10], $0x800, s9, s10, $0x38;
	[tilespmem:$0x14400] =	vst v63  }
0x163: {  	s23 =	spop (v2sf)  }
0x164: {  	s22 =	sand.u32 $0x7FFFFC00, s23  }
0x165: {  	s22 =	sadd.s32 s5, s22  }
0x166: {  	(v2sf) =	vpush v16, $0x9;
	s22 =	sshrl.u32 s22, $0x3  }
0x167: {  	s22 =	sadd.s32 s1, s22  }
0x168: {  	[tilespmem:s31], [sflag:$0x1] =	stream.strided.gather [hbm4b:s22+s10], $0x800, s9, s10, $0x38;
	[tilespmem:$0x14400] =	vst v63  }
0x169: {  	s23 =	spop (v2sf)  }
0x16a: {  	s22 =	sand.u32 $0x7FFFFC00, s23  }
0x16b: {  	s22 =	sadd.s32 s5, s22  }
0x16c: {  	(v2sf) =	vpush v16, $0xA;
	s22 =	sshrl.u32 s22, $0x3  }
0x16d: {  	s23 =	simm.s32 $0x3C00;
	s22 =	sadd.s32 s1, s22  }
0x16e: {  	[tilespmem:s23], [sflag:$0x1] =	stream.strided.gather [hbm4b:s22+s10], $0x800, s9, s10, $0x38;
	[tilespmem:$0x14400] =	vst v63  }
0x16f: {  	s23 =	spop (v2sf)  }
0x170: {  	s22 =	sand.u32 $0x7FFFFC00, s23  }
0x171: {  	s22 =	sadd.s32 s5, s22  }
0x172: {  	(v2sf) =	vpush v16, $0xB;
	s22 =	sshrl.u32 s22, $0x3  }
0x173: {  	s23 =	simm.s32 $0x4400;
	s22 =	sadd.s32 s1, s22  }
0x174: {  	[tilespmem:s23], [sflag:$0x1] =	stream.strided.gather [hbm4b:s22+s10], $0x800, s9, s10, $0x38;
	[tilespmem:$0x14400] =	vst v63  }
0x175: {  	s23 =	spop (v2sf)  }
0x176: {  	s22 =	sand.u32 $0x7FFFFC00, s23  }
0x177: {  	s22 =	sadd.s32 s5, s22  }
0x178: {  	(v2sf) =	vpush v16, $0xC;
	s22 =	sshrl.u32 s22, $0x3  }
0x179: {  	s23 =	simm.s32 $0x4C00;
	s22 =	sadd.s32 s1, s22  }
0x17a: {  	[tilespmem:s23], [sflag:$0x1] =	stream.strided.gather [hbm4b:s22+s10], $0x800, s9, s10, $0x38;
	[tilespmem:$0x14400] =	vst v63  }
0x17b: {  	s23 =	spop (v2sf)  }
0x17c: {  	s22 =	sand.u32 $0x7FFFFC00, s23  }
0x17d: {  	s22 =	sadd.s32 s5, s22  }
0x17e: {  	(v2sf) =	vpush v16, $0xD;
	s22 =	sshrl.u32 s22, $0x3  }
0x17f: {  	s23 =	simm.s32 $0x5400;
	s22 =	sadd.s32 s1, s22  }
0x180: {  	[tilespmem:s23], [sflag:$0x1] =	stream.strided.gather [hbm4b:s22+s10], $0x800, s9, s10, $0x38;
	[tilespmem:$0x14400] =	vst v63  }
0x181: {  	s23 =	spop (v2sf)  }
0x182: {  	s22 =	sand.u32 $0x7FFFFC00, s23  }
0x183: {  	s22 =	sadd.s32 s5, s22  }
0x184: {  	(v2sf) =	vpush v16, $0xE;
	s22 =	sshrl.u32 s22, $0x3  }
0x185: {  	s23 =	simm.s32 $0x5C00;
	s22 =	sadd.s32 s1, s22  }
0x186: {  	[tilespmem:s23], [sflag:$0x1] =	stream.strided.gather [hbm4b:s22+s10], $0x800, s9, s10, $0x38;
	[tilespmem:$0x14400] =	vst v63  }
0x187: {  	s23 =	spop (v2sf)  }
0x188: {  	s22 =	sand.u32 $0x7FFFFC00, s23  }
0x189: {  	s22 =	sadd.s32 s5, s22  }
0x18a: {  	(v2sf) =	vpush v16, $0xF;
	s22 =	sshrl.u32 s22, $0x3  }
0x18b: {  	s22 =	sadd.s32 s1, s22  }
0x18c: {  	[tilespmem:s7], [sflag:$0x1] =	stream.strided.gather [hbm4b:s22+s10], $0x800, s9, s10, $0x38;
	[tilespmem:$0x14400] =	vst v63  }
0x18d: {  	s23 =	spop (v2sf)  }
0x18e: {  	s22 =	sand.u32 $0x7FFFFC00, s23  }
0x18f: {  	s22 =	sadd.s32 s5, s22  }
0x190: {  	s22 =	sshrl.u32 s22, $0x3  }
0x191: {  	s22 =	sadd.s32 s1, s22  }
0x192: {  	[tilespmem:s8], [sflag:$0x1] =	stream.strided.gather [hbm4b:s22+s10], $0x800, s9, s10, $0x38;
	[tilespmem:$0x14400] =	vst v63  }
0x193: {  	s23 =	spop (v2sf)  }
0x194: {  	s22 =	sand.u32 $0x7FFFFC00, s23  }
0x195: {  	s22 =	sadd.s32 s5, s22  }
0x196: {  	s22 =	sshrl.u32 s22, $0x3  }
0x197: {  	s22 =	sadd.s32 s1, s22  }
0x198: {  	[tilespmem:s11], [sflag:$0x1] =	stream.strided.gather [hbm4b:s22+s10], $0x800, s9, s10, $0x38;
	[tilespmem:$0x14400] =	vst v63  }
0x199: {  	s23 =	spop (v2sf)  }
0x19a: {  	s22 =	sand.u32 $0x7FFFFC00, s23  }
0x19b: {  	s22 =	sadd.s32 s5, s22  }
0x19c: {  	s22 =	sshrl.u32 s22, $0x3  }
0x19d: {  	s22 =	sadd.s32 s1, s22  }
0x19e: {  	[tilespmem:s12], [sflag:$0x1] =	stream.strided.gather [hbm4b:s22+s10], $0x800, s9, s10, $0x38;
	[tilespmem:$0x14400] =	vst v63  }
0x19f: {  	_ =	swait.ge [sflag:s15], $0x800  }
0x1a0: {  	[sflag:s15] =	ssyncset.done $0x0  }
0x1a1: {  	[sflag:s15] =	ssyncadd.s32 $0xFFFFF800  }
0x1a2: {  	_ =	swait.ge [sflag:s15], $0x800  }
0x1a3: {  	[sflag:s15] =	ssyncset.done $0x0  }
0x1a4: {  	[sflag:s15] =	ssyncadd.s32 $0xFFFFF800  }
0x1a5: {  	_ =	swait.ge [sflag:s15], $0x800  }
0x1a6: {  	[sflag:s15] =	ssyncset.done $0x0  }
0x1a7: {  	[sflag:s15] =	ssyncadd.s32 $0xFFFFF800  }
0x1a8: {  	_ =	swait.ge [sflag:s15], $0x800  }
0x1a9: {  	[sflag:s15] =	ssyncset.done $0x0  }
0x1aa: {  	[sflag:s15] =	ssyncadd.s32 $0xFFFFF800  }
0x1ab: {  	_ =	swait.ge [sflag:s15], $0x800  }
0x1ac: {  	[sflag:s15] =	ssyncset.done $0x0  }
0x1ad: {  	[sflag:s15] =	ssyncadd.s32 $0xFFFFF800  }
0x1ae: {  	_ =	swait.ge [sflag:s15], $0x800  }
0x1af: {  	[sflag:s15] =	ssyncset.done $0x0  }
0x1b0: {  	[sflag:s15] =	ssyncadd.s32 $0xFFFFF800  }
0x1b1: {  	_ =	swait.ge [sflag:s15], $0x800  }
0x1b2: {  	[sflag:s15] =	ssyncset.done $0x0  }
0x1b3: {  	[sflag:s15] =	ssyncadd.s32 $0xFFFFF800  }
0x1b4: {  	_ =	swait.ge [sflag:s15], $0x800  }
0x1b5: {  	[sflag:s15] =	ssyncset.done $0x0  }
0x1b6: {  	[sflag:s15] =	ssyncadd.s32 $0xFFFFF800  }
0x1b7: {  	_ =	swait.ge [sflag:s15], $0x800  }
0x1b8: {  	[sflag:s15] =	ssyncset.done $0x0  }
0x1b9: {  	[sflag:s15] =	ssyncadd.s32 $0xFFFFF800  }
0x1ba: {  	_ =	swait.ge [sflag:s15], $0x800  }
0x1bb: {  	[sflag:s15] =	ssyncset.done $0x0  }
0x1bc: {  	[sflag:s15] =	ssyncadd.s32 $0xFFFFF800  }
0x1bd: {  	_ =	swait.ge [sflag:s15], $0x800  }
0x1be: {  	[sflag:s15] =	ssyncset.done $0x0  }
0x1bf: {  	[sflag:s15] =	ssyncadd.s32 $0xFFFFF800  }
0x1c0: {  	_ =	swait.ge [sflag:s15], $0x800  }
0x1c1: {  	[sflag:s15] =	ssyncset.done $0x0  }
0x1c2: {  	[sflag:s15] =	ssyncadd.s32 $0xFFFFF800  }
0x1c3: {  	_ =	swait.ge [sflag:s15], $0x800  }
0x1c4: {  	[sflag:s15] =	ssyncset.done $0x0  }
0x1c5: {  	[sflag:s15] =	ssyncadd.s32 $0xFFFFF800  }
0x1c6: {  	_ =	swait.ge [sflag:s15], $0x800  }
0x1c7: {  	[sflag:s15] =	ssyncset.done $0x0  }
0x1c8: {  	[sflag:s15] =	ssyncadd.s32 $0xFFFFF800  }
0x1c9: {  	_ =	swait.ge [sflag:s15], $0x800  }
0x1ca: {  	[sflag:s15] =	ssyncset.done $0x0  }
0x1cb: {  	[sflag:s15] =	ssyncadd.s32 $0xFFFFF800  }
0x1cc: {  	_ =	swait.ge [sflag:s15], $0x800  }
0x1cd: {  	[sflag:s15] =	ssyncset.done $0x0  }
0x1ce: {  	[sflag:s15] =	ssyncadd.s32 $0xFFFFF800  }
0x1cf: {  	v16 =	vld [tilespmem:s17+$0xFFFFFFF0];
	_ =	sdelay $0x4  }
0x1d0: {  	v16 =	vand.u32 $0x7F, v16  }
0x1d1: {  	v17 =	vor.u32 v0, v16;
	_ =	sdelay $0x4  }
0x1d2: {  	v17 =	vld.idx.msk [tilespmem:v17+s26+$0x0], $0xffff  }
0x1d3: {  	v50 =	vor.u32 v1, v16  }
0x1d4: {  	s22 =	sadd.s32 $0x80, s20  }
0x1d5: {  	s23 =	sand.u32 $0x70, s16;
	s22 =	sand.u32 $0xFFFFFC00, s22  }
0x1d6: {  	s22 =	sor.u32 s23, s22  }
0x1d7: {  	[tilespmem:s22+$0x10400] =	vst v17  }
0x1d8: {  	v17 =	vld.idx.msk [tilespmem:v50+s26+$0x0], $0xffff  }
0x1d9: {  	v51 =	vor.u32 v2, v16;
	_ =	sdelay $0x2  }
0x1da: {  	s23 =	sadd.s32 $0x10400, s22  }
0x1db: {  	[tilespmem:s23+$0x80] =	vst v17  }
0x1dc: {  	v17 =	vld.idx.msk [tilespmem:v51+s26+$0x0], $0xffff  }
0x1dd: {  	v52 =	vor.u32 v3, v16;
	_ =	sdelay $0x3  }
0x1de: {  	[tilespmem:s23+$0x100] =	vst v17  }
0x1df: {  	v17 =	vld.idx.msk [tilespmem:v52+s26+$0x0], $0xffff  }
0x1e0: {  	v53 =	vor.u32 v4, v16;
	_ =	sdelay $0x3  }
0x1e1: {  	[tilespmem:s23+$0x180] =	vst v17  }
0x1e2: {  	v17 =	vld.idx.msk [tilespmem:v53+s26+$0x0], $0xffff  }
0x1e3: {  	v54 =	vor.u32 v5, v16;
	_ =	sdelay $0x3  }
0x1e4: {  	[tilespmem:s23+$0x200] =	vst v17  }
0x1e5: {  	v17 =	vld.idx.msk [tilespmem:v54+s26+$0x0], $0xffff  }
0x1e6: {  	v55 =	vor.u32 v6, v16;
	_ =	sdelay $0x3  }
0x1e7: {  	[tilespmem:s23+$0x280] =	vst v17  }
0x1e8: {  	v17 =	vld.idx.msk [tilespmem:v55+s26+$0x0], $0xffff  }
0x1e9: {  	v56 =	vor.u32 v7, v16;
	_ =	sdelay $0x3  }
0x1ea: {  	[tilespmem:s23+$0x300] =	vst v17  }
0x1eb: {  	v17 =	vld.idx.msk [tilespmem:v56+s26+$0x0], $0xffff  }
0x1ec: {  	v57 =	vor.u32 v8, v16;
	s23 =	sand.u32 $0x7, s21  }
0x1ed: {  	s23 =	sshll.u32 s23, $0x4  }
0x1ee: {  	s23 =	sadd.s32 s23, s18  }
0x1ef: {  	s23 =	sor.u32 $0x300, s23  }
0x1f0: {  	[tilespmem:s23+$0x10400] =	vst v17  }
0x1f1: {  	v17 =	vld.idx.msk [tilespmem:v57+s26+$0x0], $0xffff  }
0x1f2: {  	v58 =	vor.u32 v9, v16;
	_ =	sdelay $0x3  }
0x1f3: {  	[tilespmem:s22+$0x12400] =	vst v17  }
0x1f4: {  	v17 =	vld.idx.msk [tilespmem:v58+s26+$0x0], $0xffff  }
0x1f5: {  	v59 =	vor.u32 v10, v16;
	_ =	sdelay $0x3  }
0x1f6: {  	[tilespmem:s22+$0x12480] =	vst v17  }
0x1f7: {  	v17 =	vld.idx.msk [tilespmem:v59+s26+$0x0], $0xffff  }
0x1f8: {  	v60 =	vor.u32 v11, v16;
	_ =	sdelay $0x3  }
0x1f9: {  	[tilespmem:s22+$0x12500] =	vst v17  }
0x1fa: {  	v17 =	vld.idx.msk [tilespmem:v60+s26+$0x0], $0xffff  }
0x1fb: {  	v61 =	vor.u32 v12, v16;
	_ =	sdelay $0x3  }
0x1fc: {  	[tilespmem:s22+$0x12580] =	vst v17  }
0x1fd: {  	v17 =	vld.idx.msk [tilespmem:v61+s26+$0x0], $0xffff  }
0x1fe: {  	v62 =	vor.u32 v13, v16;
	_ =	sdelay $0x3  }
0x1ff: {  	[tilespmem:s22+$0x12600] =	vst v17  }
0x200: {  	v17 =	vld.idx.msk [tilespmem:v62+s26+$0x0], $0xffff  }
0x201: {  	v63 =	vor.u32 v14, v16;
	_ =	sdelay $0x3  }
0x202: {  	[tilespmem:s22+$0x12680] =	vst v17  }
0x203: {  	v17 =	vld.idx.msk [tilespmem:v63+s26+$0x0], $0xffff  }
0x204: {  	v16 =	vor.u32 v15, v16;
	_ =	sdelay $0x3  }
0x205: {  	[tilespmem:s22+$0x12700] =	vst v17  }
0x206: {  	v16 =	vld.idx.msk [tilespmem:v16+s26+$0x0], $0xffff;
	_ =	sdelay $0x4  }
0x207: {  	[tilespmem:s22+$0x12780] =	vst v16  }
0x208: {  	v16 =	vld [tilespmem:s17+$0x10];
	_ =	sdelay $0x4  }
0x209: {  	v16 =	vshll.u32 v16, $0x3  }
0x20a: {  	(v2sf) =	vpush v16, $0x0;
	_ =	sdelay $0x3  }
0x20b: {  	(v2sf) =	vpush v16, $0x1;
	_ =	sdelay $0x4  }
0x20c: {  	(v2sf) =	vpush v16, $0x2;
	_ =	sdelay $0x5  }
0x20d: {  	s23 =	spop (v2sf)  }
0x20e: {  	(v2sf) =	vpush v16, $0x3;
	s22 =	sand.u32 $0x7FFFFC00, s23  }
0x20f: {  	s22 =	sadd.s32 s5, s22  }
0x210: {  	s22 =	sshrl.u32 s22, $0x3  }
0x211: {  	s23 =	spop (v2sf);
	s22 =	sadd.s32 s1, s22  }
0x212: {  	(v2sf) =	vpush v16, $0x4;
	[tilespmem:s26], [sflag:$0x1] =	stream.strided.gather [hbm4b:s22+s10], $0x800, s9, s10, $0x38;
	[tilespmem:$0x14400] =	vst v63  }
0x213: {  	s22 =	sand.u32 $0x7FFFFC00, s23  }
0x214: {  	s22 =	sadd.s32 s5, s22  }
0x215: {  	s22 =	sshrl.u32 s22, $0x3  }
0x216: {  	s23 =	spop (v2sf);
	s22 =	sadd.s32 s1, s22  }
0x217: {  	(v2sf) =	vpush v16, $0x5;
	[tilespmem:s13], [sflag:$0x1] =	stream.strided.gather [hbm4b:s22+s10], $0x800, s9, s10, $0x38;
	[tilespmem:$0x14400] =	vst v63  }
0x218: {  	s22 =	sand.u32 $0x7FFFFC00, s23  }
0x219: {  	s22 =	sadd.s32 s5, s22  }
0x21a: {  	s22 =	sshrl.u32 s22, $0x3  }
0x21b: {  	s22 =	sadd.s32 s1, s22  }
0x21c: {  	[tilespmem:s14], [sflag:$0x1] =	stream.strided.gather [hbm4b:s22+s10], $0x800, s9, s10, $0x38;
	[tilespmem:$0x14400] =	vst v63  }
0x21d: {  	s23 =	spop (v2sf)  }
0x21e: {  	(v2sf) =	vpush v16, $0x6;
	s22 =	sand.u32 $0x7FFFFC00, s23  }
0x21f: {  	s22 =	sadd.s32 s5, s22  }
0x220: {  	s22 =	sshrl.u32 s22, $0x3  }
0x221: {  	s23 =	spop (v2sf);
	s22 =	sadd.s32 s1, s22  }
0x222: {  	(v2sf) =	vpush v16, $0x7;
	[tilespmem:s0], [sflag:$0x1] =	stream.strided.gather [hbm4b:s22+s10], $0x800, s9, s10, $0x38;
	[tilespmem:$0x14400] =	vst v63  }
0x223: {  	s22 =	sand.u32 $0x7FFFFC00, s23  }
0x224: {  	s22 =	sadd.s32 s5, s22  }
0x225: {  	s22 =	sshrl.u32 s22, $0x3  }
0x226: {  	s23 =	spop (v2sf);
	s22 =	sadd.s32 s1, s22  }
0x227: {  	(v2sf) =	vpush v16, $0x8;
	[tilespmem:s25], [sflag:$0x1] =	stream.strided.gather [hbm4b:s22+s10], $0x800, s9, s10, $0x38;
	[tilespmem:$0x14400] =	vst v63  }
0x228: {  	s22 =	sand.u32 $0x7FFFFC00, s23  }
0x229: {  	s22 =	sadd.s32 s5, s22  }
0x22a: {  	s22 =	sshrl.u32 s22, $0x3  }
0x22b: {  	s22 =	sadd.s32 s1, s22  }
0x22c: {  	[tilespmem:s3], [sflag:$0x1] =	stream.strided.gather [hbm4b:s22+s10], $0x800, s9, s10, $0x38;
	[tilespmem:$0x14400] =	vst v63  }
0x22d: {  	s23 =	spop (v2sf)  }
0x22e: {  	(v2sf) =	vpush v16, $0x9;
	s22 =	sand.u32 $0x7FFFFC00, s23  }
0x22f: {  	s22 =	sadd.s32 s5, s22  }
0x230: {  	s22 =	sshrl.u32 s22, $0x3  }
0x231: {  	s23 =	spop (v2sf);
	s22 =	sadd.s32 s1, s22  }
0x232: {  	[tilespmem:s2], [sflag:$0x1] =	stream.strided.gather [hbm4b:s22+s10], $0x800, s9, s10, $0x38;
	[tilespmem:$0x14400] =	vst v63  }
0x233: {  	s22 =	sand.u32 $0x7FFFFC00, s23  }
0x234: {  	(v2sf) =	vpush v16, $0xA;
	s22 =	sadd.s32 s5, s22  }
0x235: {  	s22 =	sshrl.u32 s22, $0x3  }
0x236: {  	s23 =	spop (v2sf);
	s22 =	sadd.s32 s1, s22  }
0x237: {  	[tilespmem:s4], [sflag:$0x1] =	stream.strided.gather [hbm4b:s22+s10], $0x800, s9, s10, $0x38;
	[tilespmem:$0x14400] =	vst v63  }
0x238: {  	s22 =	sand.u32 $0x7FFFFC00, s23  }
0x239: {  	s22 =	sadd.s32 s5, s22  }
0x23a: {  	(v2sf) =	vpush v16, $0xB;
	s22 =	sshrl.u32 s22, $0x3  }
0x23b: {  	s23 =	simm.s32 $0xC400;
	s22 =	sadd.s32 s1, s22  }
0x23c: {  	[tilespmem:s23], [sflag:$0x1] =	stream.strided.gather [hbm4b:s22+s10], $0x800, s9, s10, $0x38;
	[tilespmem:$0x14400] =	vst v63  }
0x23d: {  	s23 =	spop (v2sf)  }
0x23e: {  	s22 =	sand.u32 $0x7FFFFC00, s23  }
0x23f: {  	s22 =	sadd.s32 s5, s22  }
0x240: {  	(v2sf) =	vpush v16, $0xC;
	s22 =	sshrl.u32 s22, $0x3  }
0x241: {  	s23 =	simm.s32 $0xCC00;
	s22 =	sadd.s32 s1, s22  }
0x242: {  	[tilespmem:s23], [sflag:$0x1] =	stream.strided.gather [hbm4b:s22+s10], $0x800, s9, s10, $0x38;
	[tilespmem:$0x14400] =	vst v63  }
0x243: {  	s23 =	spop (v2sf)  }
0x244: {  	s22 =	sand.u32 $0x7FFFFC00, s23  }
0x245: {  	s22 =	sadd.s32 s5, s22  }
0x246: {  	(v2sf) =	vpush v16, $0xD;
	s22 =	sshrl.u32 s22, $0x3  }
0x247: {  	s23 =	simm.s32 $0xD400;
	s22 =	sadd.s32 s1, s22  }
0x248: {  	[tilespmem:s23], [sflag:$0x1] =	stream.strided.gather [hbm4b:s22+s10], $0x800, s9, s10, $0x38;
	[tilespmem:$0x14400] =	vst v63  }
0x249: {  	s23 =	spop (v2sf)  }
0x24a: {  	s22 =	sand.u32 $0x7FFFFC00, s23  }
0x24b: {  	s22 =	sadd.s32 s5, s22  }
0x24c: {  	(v2sf) =	vpush v16, $0xE;
	s22 =	sshrl.u32 s22, $0x3  }
0x24d: {  	s23 =	simm.s32 $0xDC00;
	s22 =	sadd.s32 s1, s22  }
0x24e: {  	[tilespmem:s23], [sflag:$0x1] =	stream.strided.gather [hbm4b:s22+s10], $0x800, s9, s10, $0x38;
	[tilespmem:$0x14400] =	vst v63  }
0x24f: {  	s23 =	spop (v2sf)  }
0x250: {  	s22 =	sand.u32 $0x7FFFFC00, s23  }
0x251: {  	s22 =	sadd.s32 s5, s22  }
0x252: {  	(v2sf) =	vpush v16, $0xF;
	s22 =	sshrl.u32 s22, $0x3  }
0x253: {  	s23 =	simm.s32 $0xE400;
	s22 =	sadd.s32 s1, s22  }
0x254: {  	[tilespmem:s23], [sflag:$0x1] =	stream.strided.gather [hbm4b:s22+s10], $0x800, s9, s10, $0x38;
	[tilespmem:$0x14400] =	vst v63  }
0x255: {  	s23 =	spop (v2sf)  }
0x256: {  	s22 =	sand.u32 $0x7FFFFC00, s23  }
0x257: {  	s22 =	sadd.s32 s5, s22  }
0x258: {  	s22 =	sshrl.u32 s22, $0x3  }
0x259: {  	s23 =	simm.s32 $0xEC00;
	s22 =	sadd.s32 s1, s22  }
0x25a: {  	[tilespmem:s23], [sflag:$0x1] =	stream.strided.gather [hbm4b:s22+s10], $0x800, s9, s10, $0x38;
	[tilespmem:$0x14400] =	vst v63  }
0x25b: {  	s23 =	spop (v2sf)  }
0x25c: {  	s22 =	sand.u32 $0x7FFFFC00, s23  }
0x25d: {  	s22 =	sadd.s32 s5, s22  }
0x25e: {  	s22 =	sshrl.u32 s22, $0x3  }
0x25f: {  	s22 =	sadd.s32 s1, s22  }
0x260: {  	[tilespmem:s28], [sflag:$0x1] =	stream.strided.gather [hbm4b:s22+s10], $0x800, s9, s10, $0x38;
	[tilespmem:$0x14400] =	vst v63  }
0x261: {  	p0 =	sne.s32 s16, $0x3D0;
	s23 =	spop (v2sf)  }
.Ltmp0:
0x262: {  	s22 =	sand.u32 $0x7FFFFC00, s23;
	(pc) =	sbr.rel @p0 .LBB2_2-.Ltmp0, $4  }
0x263: {  	s19 =	sadd.s32 $0x1, s19;
	s16 =	sadd.s32 $0x20, s16;
	s22 =	sadd.s32 s5, s22  }
0x264: {  	s20 =	sadd.s32 $0x100, s20;
	s21 =	sadd.s32 $0x2, s21;
	s22 =	sshrl.u32 s22, $0x3  }
0x265: {  	s18 =	sadd.s32 $0x100, s18;
	s17 =	sadd.s32 $0x20, s17;
	s22 =	sadd.s32 s1, s22  }
0x266: {  	[tilespmem:s6], [sflag:$0x1] =	stream.strided.gather [hbm4b:s22+s10], $0x800, s9, s10, $0x38;
	[tilespmem:$0x14400] =	vst v63  }
0x267: {  	_ =	swait.ge [sflag:s15], $0x800  }
0x268: {  	[sflag:s15] =	ssyncset.done $0x0  }
0x269: {  	[sflag:s15] =	ssyncadd.s32 $0xFFFFF800  }
0x26a: {  	_ =	swait.ge [sflag:s15], $0x800  }
0x26b: {  	[sflag:s15] =	ssyncset.done $0x0  }
0x26c: {  	[sflag:s15] =	ssyncadd.s32 $0xFFFFF800  }
0x26d: {  	_ =	swait.ge [sflag:s15], $0x800  }
0x26e: {  	[sflag:s15] =	ssyncset.done $0x0  }
0x26f: {  	[sflag:s15] =	ssyncadd.s32 $0xFFFFF800  }
0x270: {  	_ =	swait.ge [sflag:s15], $0x800  }
0x271: {  	[sflag:s15] =	ssyncset.done $0x0  }
0x272: {  	[sflag:s15] =	ssyncadd.s32 $0xFFFFF800  }
0x273: {  	_ =	swait.ge [sflag:s15], $0x800  }
0x274: {  	[sflag:s15] =	ssyncset.done $0x0  }
0x275: {  	[sflag:s15] =	ssyncadd.s32 $0xFFFFF800  }
0x276: {  	_ =	swait.ge [sflag:s15], $0x800  }
0x277: {  	[sflag:s15] =	ssyncset.done $0x0  }
0x278: {  	[sflag:s15] =	ssyncadd.s32 $0xFFFFF800  }
0x279: {  	_ =	swait.ge [sflag:s15], $0x800  }
0x27a: {  	[sflag:s15] =	ssyncset.done $0x0  }
0x27b: {  	[sflag:s15] =	ssyncadd.s32 $0xFFFFF800  }
0x27c: {  	_ =	swait.ge [sflag:s15], $0x800  }
0x27d: {  	[sflag:s15] =	ssyncset.done $0x0  }
0x27e: {  	[sflag:s15] =	ssyncadd.s32 $0xFFFFF800  }
0x27f: {  	_ =	swait.ge [sflag:s15], $0x800  }
0x280: {  	[sflag:s15] =	ssyncset.done $0x0  }
0x281: {  	[sflag:s15] =	ssyncadd.s32 $0xFFFFF800  }
0x282: {  	_ =	swait.ge [sflag:s15], $0x800  }
0x283: {  	[sflag:s15] =	ssyncset.done $0x0  }
0x284: {  	[sflag:s15] =	ssyncadd.s32 $0xFFFFF800  }
0x285: {  	_ =	swait.ge [sflag:s15], $0x800  }
0x286: {  	[sflag:s15] =	ssyncset.done $0x0  }
0x287: {  	[sflag:s15] =	ssyncadd.s32 $0xFFFFF800  }
0x288: {  	_ =	swait.ge [sflag:s15], $0x800  }
0x289: {  	[sflag:s15] =	ssyncset.done $0x0  }
0x28a: {  	[sflag:s15] =	ssyncadd.s32 $0xFFFFF800  }
0x28b: {  	_ =	swait.ge [sflag:s15], $0x800  }
0x28c: {  	[sflag:s15] =	ssyncset.done $0x0  }
0x28d: {  	[sflag:s15] =	ssyncadd.s32 $0xFFFFF800  }
0x28e: {  	_ =	swait.ge [sflag:s15], $0x800  }
0x28f: {  	[sflag:s15] =	ssyncset.done $0x0  }
0x290: {  	[sflag:s15] =	ssyncadd.s32 $0xFFFFF800  }
0x291: {  	_ =	swait.ge [sflag:s15], $0x800  }
0x292: {  	[sflag:s15] =	ssyncset.done $0x0  }
0x293: {  	[sflag:s15] =	ssyncadd.s32 $0xFFFFF800  }
0x294: {  	_ =	swait.ge [sflag:s15], $0x800  }
0x295: {  	[sflag:s15] =	ssyncset.done $0x0  }
0x296: {  	[sflag:s15] =	ssyncadd.s32 $0xFFFFF800  }
0x297: {  	v16 =	vld [tilespmem:$0x3E0];
	_ =	sdelay $0x4  }
0x298: {  	v16 =	vand.u32 $0x7F, v16  }
0x299: {  	v17 =	vor.u32 v0, v16;
	_ =	sdelay $0x4  }
0x29a: {  	v17 =	vld.idx.msk [tilespmem:v17+s10+$0x0], $0xffff  }
0x29b: {  	v18 =	vor.u32 v1, v16;
	_ =	sdelay $0x3  }
0x29c: {  	[tilespmem:$0x12060] =	vst v17  }
0x29d: {  	v17 =	vld.idx.msk [tilespmem:v18+s10+$0x0], $0xffff  }
0x29e: {  	v37 =	vor.u32 v2, v16;
	_ =	sdelay $0x3  }
0x29f: {  	[tilespmem:$0x120E0] =	vst v17  }
0x2a0: {  	v17 =	vld.idx.msk [tilespmem:v37+s10+$0x0], $0xffff  }
0x2a1: {  	v38 =	vor.u32 v3, v16;
	_ =	sdelay $0x3  }
0x2a2: {  	[tilespmem:$0x12160] =	vst v17  }
0x2a3: {  	v17 =	vld.idx.msk [tilespmem:v38+s10+$0x0], $0xffff  }
0x2a4: {  	v39 =	vor.u32 v4, v16;
	_ =	sdelay $0x3  }
0x2a5: {  	[tilespmem:$0x121E0] =	vst v17  }
0x2a6: {  	v17 =	vld.idx.msk [tilespmem:v39+s10+$0x0], $0xffff  }
0x2a7: {  	v40 =	vor.u32 v5, v16;
	_ =	sdelay $0x3  }
0x2a8: {  	[tilespmem:$0x12260] =	vst v17  }
0x2a9: {  	v17 =	vld.idx.msk [tilespmem:v40+s10+$0x0], $0xffff  }
0x2aa: {  	v41 =	vor.u32 v6, v16;
	_ =	sdelay $0x3  }
0x2ab: {  	[tilespmem:$0x122E0] =	vst v17  }
0x2ac: {  	v17 =	vld.idx.msk [tilespmem:v41+s10+$0x0], $0xffff  }
0x2ad: {  	v42 =	vor.u32 v7, v16;
	_ =	sdelay $0x3  }
0x2ae: {  	[tilespmem:$0x12360] =	vst v17  }
0x2af: {  	v17 =	vld.idx.msk [tilespmem:v42+s10+$0x0], $0xffff  }
0x2b0: {  	v43 =	vor.u32 v8, v16;
	_ =	sdelay $0x3  }
0x2b1: {  	[tilespmem:$0x123E0] =	vst v17  }
0x2b2: {  	v17 =	vld.idx.msk [tilespmem:v43+s10+$0x0], $0xffff  }
0x2b3: {  	v44 =	vor.u32 v9, v16;
	_ =	sdelay $0x3  }
0x2b4: {  	[tilespmem:$0x14060] =	vst v17  }
0x2b5: {  	v17 =	vld.idx.msk [tilespmem:v44+s10+$0x0], $0xffff  }
0x2b6: {  	v45 =	vor.u32 v10, v16;
	_ =	sdelay $0x3  }
0x2b7: {  	[tilespmem:$0x140E0] =	vst v17  }
0x2b8: {  	v17 =	vld.idx.msk [tilespmem:v45+s10+$0x0], $0xffff  }
0x2b9: {  	v46 =	vor.u32 v11, v16;
	_ =	sdelay $0x3  }
0x2ba: {  	[tilespmem:$0x14160] =	vst v17  }
0x2bb: {  	v17 =	vld.idx.msk [tilespmem:v46+s10+$0x0], $0xffff  }
0x2bc: {  	v47 =	vor.u32 v12, v16;
	_ =	sdelay $0x3  }
0x2bd: {  	[tilespmem:$0x141E0] =	vst v17  }
0x2be: {  	v17 =	vld.idx.msk [tilespmem:v47+s10+$0x0], $0xffff  }
0x2bf: {  	v48 =	vor.u32 v13, v16;
	_ =	sdelay $0x3  }
0x2c0: {  	[tilespmem:$0x14260] =	vst v17  }
0x2c1: {  	v17 =	vld.idx.msk [tilespmem:v48+s10+$0x0], $0xffff  }
0x2c2: {  	v49 =	vor.u32 v14, v16;
	_ =	sdelay $0x3  }
0x2c3: {  	[tilespmem:$0x142E0] =	vst v17  }
0x2c4: {  	v17 =	vld.idx.msk [tilespmem:v49+s10+$0x0], $0xffff  }
0x2c5: {  	v16 =	vor.u32 v15, v16;
	_ =	sdelay $0x3  }
0x2c6: {  	[tilespmem:$0x14360] =	vst v17  }
0x2c7: {  	v16 =	vld.idx.msk [tilespmem:v16+s10+$0x0], $0xffff;
	_ =	sdelay $0x4  }
0x2c8: {  	[tilespmem:$0x143E0] =	vst v16  }
0x2c9: {  	_ =	swait.ge [sflag:s15], $0x800  }
0x2ca: {  	[sflag:s15] =	ssyncset.done $0x0  }
0x2cb: {  	[sflag:s15] =	ssyncadd.s32 $0xFFFFF800  }
0x2cc: {  	_ =	swait.ge [sflag:s15], $0x800  }
0x2cd: {  	[sflag:s15] =	ssyncset.done $0x0  }
0x2ce: {  	[sflag:s15] =	ssyncadd.s32 $0xFFFFF800  }
0x2cf: {  	_ =	swait.ge [sflag:s15], $0x800  }
0x2d0: {  	[sflag:s15] =	ssyncset.done $0x0  }
0x2d1: {  	[sflag:s15] =	ssyncadd.s32 $0xFFFFF800  }
0x2d2: {  	_ =	swait.ge [sflag:s15], $0x800  }
0x2d3: {  	[sflag:s15] =	ssyncset.done $0x0  }
0x2d4: {  	[sflag:s15] =	ssyncadd.s32 $0xFFFFF800  }
0x2d5: {  	_ =	swait.ge [sflag:s15], $0x800  }
0x2d6: {  	[sflag:s15] =	ssyncset.done $0x0  }
0x2d7: {  	[sflag:s15] =	ssyncadd.s32 $0xFFFFF800  }
0x2d8: {  	_ =	swait.ge [sflag:s15], $0x800  }
0x2d9: {  	[sflag:s15] =	ssyncset.done $0x0  }
0x2da: {  	[sflag:s15] =	ssyncadd.s32 $0xFFFFF800  }
0x2db: {  	_ =	swait.ge [sflag:s15], $0x800  }
0x2dc: {  	[sflag:s15] =	ssyncset.done $0x0  }
0x2dd: {  	[sflag:s15] =	ssyncadd.s32 $0xFFFFF800  }
0x2de: {  	_ =	swait.ge [sflag:s15], $0x800  }
0x2df: {  	[sflag:s15] =	ssyncset.done $0x0  }
0x2e0: {  	[sflag:s15] =	ssyncadd.s32 $0xFFFFF800  }
0x2e1: {  	_ =	swait.ge [sflag:s15], $0x800  }
0x2e2: {  	[sflag:s15] =	ssyncset.done $0x0  }
0x2e3: {  	[sflag:s15] =	ssyncadd.s32 $0xFFFFF800  }
0x2e4: {  	_ =	swait.ge [sflag:s15], $0x800  }
0x2e5: {  	[sflag:s15] =	ssyncset.done $0x0  }
0x2e6: {  	[sflag:s15] =	ssyncadd.s32 $0xFFFFF800  }
0x2e7: {  	_ =	swait.ge [sflag:s15], $0x800  }
0x2e8: {  	[sflag:s15] =	ssyncset.done $0x0  }
0x2e9: {  	[sflag:s15] =	ssyncadd.s32 $0xFFFFF800  }
0x2ea: {  	_ =	swait.ge [sflag:s15], $0x800  }
0x2eb: {  	[sflag:s15] =	ssyncset.done $0x0  }
0x2ec: {  	[sflag:s15] =	ssyncadd.s32 $0xFFFFF800  }
0x2ed: {  	_ =	swait.ge [sflag:s15], $0x800  }
0x2ee: {  	[sflag:s15] =	ssyncset.done $0x0  }
0x2ef: {  	[sflag:s15] =	ssyncadd.s32 $0xFFFFF800  }
0x2f0: {  	_ =	swait.ge [sflag:s15], $0x800  }
0x2f1: {  	[sflag:s15] =	ssyncset.done $0x0  }
0x2f2: {  	[sflag:s15] =	ssyncadd.s32 $0xFFFFF800  }
0x2f3: {  	_ =	swait.ge [sflag:s15], $0x800  }
0x2f4: {  	[sflag:s15] =	ssyncset.done $0x0  }
0x2f5: {  	[sflag:s15] =	ssyncadd.s32 $0xFFFFF800  }
0x2f6: {  	_ =	swait.ge [sflag:s15], $0x800  }
0x2f7: {  	[sflag:s15] =	ssyncset.done $0x0  }
0x2f8: {  	[sflag:s15] =	ssyncadd.s32 $0xFFFFF800  }
0x2f9: {  	v16 =	vld [tilespmem:$0x3F0];
	_ =	sdelay $0x4  }
0x2fa: {  	v16 =	vand.u32 $0x7F, v16  }
0x2fb: {  	v17 =	vor.u32 v0, v16;
	_ =	sdelay $0x4  }
0x2fc: {  	v17 =	vld.idx.msk [tilespmem:v17+s26+$0x0], $0xffff  }
0x2fd: {  	v50 =	vor.u32 v1, v16;
	_ =	sdelay $0x3  }
0x2fe: {  	[tilespmem:$0x12070] =	vst v17  }
0x2ff: {  	v17 =	vld.idx.msk [tilespmem:v50+s26+$0x0], $0xffff  }
0x300: {  	v51 =	vor.u32 v2, v16;
	_ =	sdelay $0x3  }
0x301: {  	[tilespmem:$0x120F0] =	vst v17  }
0x302: {  	v17 =	vld.idx.msk [tilespmem:v51+s26+$0x0], $0xffff  }
0x303: {  	v52 =	vor.u32 v3, v16;
	_ =	sdelay $0x3  }
0x304: {  	[tilespmem:$0x12170] =	vst v17  }
0x305: {  	v17 =	vld.idx.msk [tilespmem:v52+s26+$0x0], $0xffff  }
0x306: {  	v53 =	vor.u32 v4, v16;
	_ =	sdelay $0x3  }
0x307: {  	[tilespmem:$0x121F0] =	vst v17  }
0x308: {  	v17 =	vld.idx.msk [tilespmem:v53+s26+$0x0], $0xffff  }
0x309: {  	v54 =	vor.u32 v5, v16;
	_ =	sdelay $0x3  }
0x30a: {  	[tilespmem:$0x12270] =	vst v17  }
0x30b: {  	v17 =	vld.idx.msk [tilespmem:v54+s26+$0x0], $0xffff  }
0x30c: {  	v55 =	vor.u32 v6, v16;
	_ =	sdelay $0x3  }
0x30d: {  	[tilespmem:$0x122F0] =	vst v17  }
0x30e: {  	v17 =	vld.idx.msk [tilespmem:v55+s26+$0x0], $0xffff  }
0x30f: {  	v56 =	vor.u32 v7, v16;
	_ =	sdelay $0x3  }
0x310: {  	[tilespmem:$0x12370] =	vst v17  }
0x311: {  	v17 =	vld.idx.msk [tilespmem:v56+s26+$0x0], $0xffff  }
0x312: {  	v57 =	vor.u32 v8, v16;
	_ =	sdelay $0x3  }
0x313: {  	[tilespmem:$0x123F0] =	vst v17  }
0x314: {  	v17 =	vld.idx.msk [tilespmem:v57+s26+$0x0], $0xffff  }
0x315: {  	v58 =	vor.u32 v9, v16;
	_ =	sdelay $0x3  }
0x316: {  	[tilespmem:$0x14070] =	vst v17  }
0x317: {  	v17 =	vld.idx.msk [tilespmem:v58+s26+$0x0], $0xffff  }
0x318: {  	v59 =	vor.u32 v10, v16;
	_ =	sdelay $0x3  }
0x319: {  	[tilespmem:$0x140F0] =	vst v17  }
0x31a: {  	v17 =	vld.idx.msk [tilespmem:v59+s26+$0x0], $0xffff  }
0x31b: {  	v60 =	vor.u32 v11, v16;
	_ =	sdelay $0x3  }
0x31c: {  	[tilespmem:$0x14170] =	vst v17  }
0x31d: {  	v17 =	vld.idx.msk [tilespmem:v60+s26+$0x0], $0xffff  }
0x31e: {  	v61 =	vor.u32 v12, v16;
	_ =	sdelay $0x3  }
0x31f: {  	[tilespmem:$0x141F0] =	vst v17  }
0x320: {  	v17 =	vld.idx.msk [tilespmem:v61+s26+$0x0], $0xffff  }
0x321: {  	v62 =	vor.u32 v13, v16;
	_ =	sdelay $0x3  }
0x322: {  	[tilespmem:$0x14270] =	vst v17  }
0x323: {  	v17 =	vld.idx.msk [tilespmem:v62+s26+$0x0], $0xffff  }
0x324: {  	v63 =	vor.u32 v14, v16;
	_ =	sdelay $0x3  }
0x325: {  	[tilespmem:$0x142F0] =	vst v17  }
0x326: {  	v17 =	vld.idx.msk [tilespmem:v63+s26+$0x0], $0xffff  }
0x327: {  	v16 =	vor.u32 v15, v16;
	_ =	sdelay $0x3  }
0x328: {  	[tilespmem:$0x14370] =	vst v17  }
0x329: {  	v16 =	vld.idx.msk [tilespmem:v16+s26+$0x0], $0xffff;
	_ =	sdelay $0x2  }
0x32a: {  	s0 =	simm.s32 $0x2000  }
0x32b: {  	s2 =	simm.s32 $0x20000;
	s3 =	simm.s32 $0x10400;
	s18 =	simm.s32 $0x2  }
0x32c: {  	s19 =	simm.s32 $0x1400;
	s20 =	simm.s32 $0x1C00;
	s16 =	rddreg [dreg:$0x5];
	[tilespmem:$0x143F0] =	vst v16  }
0x32d: {  	[hbm4b:s16+s0] =	stream.strided.scatter [tilespmem:s3], [sflag:$0x2], $0x4000, s2, s0, $0x38;
	[tilespmem:$0x14400] =	vst v63  }
0x32e: {  	s21 =	simm.s32 $0x2400;
	s22 =	simm.s32 $0x2C00;
	_ =	swait.ge [sflag:s18], $0x4000  }
0x32f: {  	s23 =	simm.s32 $0x3400;
	s4 =	simm.s32 $0x5400;
	s17 =	rddreg [dreg:$0x7]  }
0x330: {  	s6 =	simm.s32 $0x5C00;
	s25 =	rddreg [dreg:$0x6];
	s17 =	sadd.s32 $0x1, s17  }
0x331: {  	s7 =	simm.s32 $0x6400;
	s8 =	simm.s32 $0x6C00;
	p0 =	sne.s32 s17, s25  }
.Ltmp1:
0x332: {  	s11 =	simm.s32 $0x7400;
	s12 =	simm.s32 $0x7C00;
	(pc) =	sbr.rel @p0 .LBB2_1-.Ltmp1, $4  }
0x333: {  	s13 =	simm.s32 $0x8C00;
	s14 =	simm.s32 $0x9400;
	s28 =	simm.s32 $0xA400  }
0x334: {  	s29 =	simm.s32 $0xAC00;
	s30 =	simm.s32 $0xB400;
	s31 =	simm.s32 $0xBC00  }
0x335: {  	s0 =	simm.s32 $0x3C00;
	s3 =	simm.s32 $0x4400;
	[sflag:s18] =	ssyncset.done $0x0  }
0x336: {  	s2 =	simm.s32 $0x4C00;
	[sflag:s18] =	ssyncadd.s32 $0xFFFFC000;
	s25 =	simm.s32 $0x9C00  }
0x337: {  	_ =	sfence.sel $0x180000  }
0x338: {  	[bflag:$0x0] =	sbarrier.arrive $0xFFFF  }
0x339: {  	_ =	strace $0x90000047  }
0x33a: {  	s0 =	stileid.u32;
	[bflag:$0x2] =	sbarrier.arrive $0xFFFF  }
0x33b: {  	p0 =	sne.s32 s0, $0x0;
	s0 =	rddreg [dreg:$0x3]  }
0x33c: {  	s0 =	sadd.s32 @!p0 $0x100000, s0  }
0x33d: {  	[sflag:s0] =	ssyncadd.tile.s32 @!p0 $0x1;
	_ =	shalt  }
.Lfunc_end2:
_tile_overlayer_lowered:
.L_overlay_start_2:
0x33e: {  	(tag) =	ssettag $0x2  }
0x33f: {  	s0 =	rddreg [dreg:$0x0];
	s2 =	stileid.u32  }
0x340: {  	s1 =	rddreg [dreg:$0x1];
	p0 =	sne.s32 s2, $0x0  }
0x341: {  	s3 =	rddreg [dreg:$0x2];
	[bflag:$0x3] =	sbarrier.arrive $0xFFFF;
	s2 =	simm.s32 @!p0 $0x1C02  }
0x342: {  	[timem:s3], [sflag:s2] =	dma.local @!p0 [hbm:s0], s1  }
0x343: {  	s0 =	simm.s32 @!p0 $0x2  }
0x344: {  	_ =	swait.ge @!p0 [sflag:s0], s1  }
0x345: {  	s1 =	ssub.s32 @!p0 $0x0, s1;
	[sflag:s0] =	ssyncset.done @!p0 $0x0  }
0x346: {  	[sflag:s0] =	ssyncadd.s32 @!p0 s1  }
0x347: {  	[bflag:$0x3] =	sbarrier.arrive $0xFFFF  }
0x348: {  	_ =	shalt  }

</sc_bundles>
